<compile_context>
chip_gen: v7x
topology: tpu7x:2x2x1
jax: 0.10.2.dev20260603
libtpu: 0.0.44.dev20260713+nightly
codegen_flags: <defaults>
</compile_context>

<pallas_src>
import functools

import jax
import jax.numpy as jnp
from jax import lax
from jax.experimental import pallas as pl
from jax.experimental.pallas import tpu as pltpu
from jax.experimental.pallas import tpu_sc as plsc

N_NODES = 10000
D = 128

NC = 2
NS = 16
NW = NC * NS

BLK = 128
BLOCKS_PER_WORKER = 80
EDGES_PER_WORKER = BLK * BLOCKS_PER_WORKER
E_PAD = EDGES_PER_WORKER * NW
N_PAD = 10240
ROWS_PER_SUBCORE = N_PAD // NS

_MESH = plsc.VectorSubcoreMesh(core_axis_name="c", subcore_axis_name="s",
                               num_cores=NC, num_subcores=NS)


K0 = 160
K1 = 0
CHUNK = 32


def _sc_aggregate(h, src_p, dst_p, zeros_rows):

    @pl.kernel(out_type=jax.ShapeDtypeStruct((NC, N_PAD, D), jnp.float32),
               mesh=_MESH,
               scratch_types=(pltpu.VMEM((CHUNK, BLK), jnp.int32),
                              pltpu.VMEM((CHUNK, BLK), jnp.int32),
                              pltpu.VMEM((BLK, D), jnp.float32),
                              pltpu.VMEM((BLK, D), jnp.float32),
                              pltpu.SemaphoreType.DMA,
                              pltpu.SemaphoreType.DMA,
                              pltpu.VMEM_SHARED((N_PAD, D), jnp.float32)))
    def k(h_hbm, src_hbm, dst_hbm, z_hbm, out_hbm, src_i, dst_i,
          rows_a, rows_b, sem_a, sem_b, agg_sh):
        cid = lax.axis_index("c")
        sid = lax.axis_index("s")
        row0 = sid * ROWS_PER_SUBCORE
        pltpu.sync_copy(z_hbm, agg_sh.at[pl.ds(row0, ROWS_PER_SUBCORE)])
        plsc.subcore_barrier()

        def start(b, rows, sem):
            pltpu.async_copy(h_hbm.at[src_i.at[b]], rows, sem)

        def finish(b, rows, sem):
            pltpu.make_async_copy(h_hbm.at[src_i.at[b]], rows, sem).wait()
            pltpu.sync_copy(rows, agg_sh.at[dst_i.at[b]], add=True)

        def run_chunk(blk0):
            pltpu.sync_copy(src_hbm.at[pl.ds(blk0, CHUNK)], src_i)
            pltpu.sync_copy(dst_hbm.at[pl.ds(blk0, CHUNK)], dst_i)
            start(0, rows_a, sem_a)

            @pl.loop(0, CHUNK // 2 - 1)
            def _(i):
                b0 = 2 * i
                start(b0 + 1, rows_b, sem_b)
                finish(b0, rows_a, sem_a)
                start(b0 + 2, rows_a, sem_a)
                finish(b0 + 1, rows_b, sem_b)

            start(CHUNK - 1, rows_b, sem_b)
            finish(CHUNK - 2, rows_a, sem_a)
            finish(CHUNK - 1, rows_b, sem_b)

        @pl.when(cid == 0)
        def _():
            for i in range(K0 // CHUNK):
                run_chunk(sid * K0 + i * CHUNK)

        @pl.when(cid == 1)
        def _():
            for i in range(K1 // CHUNK):
                run_chunk(NS * K0 + sid * K1 + i * CHUNK)

        plsc.subcore_barrier()
        pltpu.sync_copy(agg_sh.at[pl.ds(row0, ROWS_PER_SUBCORE)],
                        out_hbm.at[cid, pl.ds(row0, ROWS_PER_SUBCORE)])

    return k(h, src_p, dst_p, zeros_rows)


def _sc_degree(dst_p, ones_rows, zeros_rows):

    @pl.kernel(out_type=jax.ShapeDtypeStruct((NC, N_PAD, D), jnp.float32),
               mesh=_MESH,
               scratch_types=(pltpu.VMEM((BLOCKS_PER_WORKER, BLK), jnp.int32),
                              pltpu.VMEM((BLK, D), jnp.float32),
                              pltpu.VMEM_SHARED((N_PAD, D), jnp.float32)))
    def k(dst_hbm, ones_hbm, z_hbm, out_hbm, dst_i, ones_v, deg_sh):
        cid = lax.axis_index("c")
        sid = lax.axis_index("s")
        wid = sid * NC + cid
        row0 = sid * ROWS_PER_SUBCORE
        pltpu.sync_copy(z_hbm, deg_sh.at[pl.ds(row0, ROWS_PER_SUBCORE)])
        pltpu.sync_copy(ones_hbm, ones_v)
        blk0 = wid * BLOCKS_PER_WORKER
        pltpu.sync_copy(dst_hbm.at[pl.ds(blk0, BLOCKS_PER_WORKER)], dst_i)
        plsc.subcore_barrier()

        @pl.loop(0, BLOCKS_PER_WORKER)
        def _(b):
            pltpu.sync_copy(ones_v, deg_sh.at[dst_i.at[b]], add=True)

        plsc.subcore_barrier()
        pltpu.sync_copy(deg_sh.at[pl.ds(row0, ROWS_PER_SUBCORE)],
                        out_hbm.at[cid, pl.ds(row0, ROWS_PER_SUBCORE)])

    return k(dst_p, ones_rows, zeros_rows)


ROW_BLK = 1000


def _tc_layer_body(apply_relu, x_ref, a_ref, d_ref, ws_ref, wn_ref, b_ref, o_ref):
    inv = 1.0 / jnp.maximum(d_ref[:, 0] + d_ref[:, 1], 1.0)
    h_neigh = (a_ref[0] + a_ref[1]) * inv[:, None]
    dn = (((1,), (1,)), ((), ()))
    out = (lax.dot_general(x_ref[...], ws_ref[...], dn,
                           preferred_element_type=jnp.float32)
           + lax.dot_general(h_neigh, wn_ref[...], dn,
                             preferred_element_type=jnp.float32)
           + b_ref[...])
    if apply_relu:
        out = jnp.maximum(out, 0.0)
    o_ref[...] = out


def _tc_layer(x, agg_parts, deg, w_self, w_neigh, b, apply_relu):
    n = x.shape[0]
    grid = (n // ROW_BLK,)
    return pl.pallas_call(
        functools.partial(_tc_layer_body, apply_relu),
        grid=grid,
        in_specs=[
            pl.BlockSpec((ROW_BLK, D), lambda i: (i, 0)),
            pl.BlockSpec((NC, ROW_BLK, D), lambda i: (0, i, 0)),
            pl.BlockSpec((ROW_BLK, NC), lambda i: (i, 0)),
            pl.BlockSpec((D, D), lambda i: (0, 0)),
            pl.BlockSpec((D, D), lambda i: (0, 0)),
            pl.BlockSpec((1, D), lambda i: (0, 0)),
        ],
        out_specs=pl.BlockSpec((ROW_BLK, D), lambda i: (i, 0)),
        out_shape=jax.ShapeDtypeStruct((n, D), jnp.float32),
    )(x, agg_parts, deg, w_self, w_neigh, b)


def kernel(inputs, edge_index, W1_self, W1_neigh, b1, W2_self, W2_neigh, b2):
    x = inputs.astype(jnp.float32)
    src = edge_index[0].astype(jnp.int32)
    dst = edge_index[1].astype(jnp.int32)

    n_dummy = E_PAD - src.shape[0]
    src_p = jnp.concatenate([src, jnp.zeros((n_dummy,), jnp.int32)]).reshape(
        NW * BLOCKS_PER_WORKER, BLK)
    dst_p = jnp.concatenate(
        [dst, N_NODES + jnp.arange(n_dummy, dtype=jnp.int32) % (N_PAD - N_NODES)]
    ).reshape(NW * BLOCKS_PER_WORKER, BLK)

    zeros_rows = jnp.zeros((ROWS_PER_SUBCORE, D), jnp.float32)
    ones_rows = jnp.ones((BLK, D), jnp.float32)
    b1r = b1.reshape(1, D)
    b2r = b2.reshape(1, D)

    deg_parts = _sc_degree(dst_p, ones_rows, zeros_rows)
    deg = deg_parts[:, :, 0].T

    agg1 = _sc_aggregate(x, src_p, dst_p, zeros_rows)
    h = _tc_layer(x, agg1, deg, W1_self, W1_neigh, b1r, apply_relu=True)
    agg2 = _sc_aggregate(h, src_p, dst_p, zeros_rows)
    out = _tc_layer(h, agg2, deg, W2_self, W2_neigh, b2r, apply_relu=False)
    return out

# --- scband reference (transcript-rebuilt; emitter-appended) ---
"""Pipeline reference for scband-sage-22041772163420 (READ-ONLY COPY).

The authoritative reference and input builder live on the scoring server;
editing this copy changes nothing except your own understanding.
"""

import jax, jax.numpy as jnp
import numpy as np

N_NODES = 10000
N_EDGES = 320000
D_IN = 128
D_HID = 128
D_OUT = 128


def setup_inputs(seed: int = 0) -> dict:
    key = jax.random.key(seed)
    ks = jax.random.split(key, 8)
    x = jax.random.normal(ks[0], (N_NODES, D_IN), dtype=jnp.float32)
    edge_index = jax.random.randint(ks[1], (2, N_EDGES), 0, N_NODES, dtype=jnp.int64)
    s1 = 1.0 / np.sqrt(D_IN)
    s2 = 1.0 / np.sqrt(D_HID)
    W1_self = jax.random.uniform(ks[2], (D_HID, D_IN), minval=-s1, maxval=s1, dtype=jnp.float32)
    W1_neigh = jax.random.uniform(ks[3], (D_HID, D_IN), minval=-s1, maxval=s1, dtype=jnp.float32)
    b1 = jnp.zeros((D_HID,), dtype=jnp.float32)
    W2_self = jax.random.uniform(ks[4], (D_OUT, D_HID), minval=-s2, maxval=s2, dtype=jnp.float32)
    W2_neigh = jax.random.uniform(ks[5], (D_OUT, D_HID), minval=-s2, maxval=s2, dtype=jnp.float32)
    b2 = jnp.zeros((D_OUT,), dtype=jnp.float32)
    return {"inputs": x, "edge_index": edge_index,
            "W1_self": W1_self, "W1_neigh": W1_neigh, "b1": b1,
            "W2_self": W2_self, "W2_neigh": W2_neigh, "b2": b2}


def _sage_conv_mean(h, src, dst, W_self, W_neigh, b, n_nodes):
    # DGL SAGEConv with aggregator_type='mean':
    # h_neigh = mean over incoming edges of h[src]; rst = fc_self(h) + fc_neigh(h_neigh) + bias
    msgs = jnp.take(h, src, axis=0)                                   # gather [E, d]
    agg = jax.ops.segment_sum(msgs, dst, num_segments=n_nodes)        # scatter-add [N, d]
    deg = jax.ops.segment_sum(jnp.ones((src.shape[0],), dtype=h.dtype), dst, num_segments=n_nodes)
    h_neigh = agg / jnp.maximum(deg, 1.0)[:, None]                    # zero-degree nodes -> 0
    return h @ W_self.T + h_neigh @ W_neigh.T + b


def reference(inputs, edge_index, W1_self, W1_neigh, b1, W2_self, W2_neigh, b2):
    src = edge_index[0]
    dst = edge_index[1]
    h = _sage_conv_mean(inputs, src, dst, W1_self, W1_neigh, b1, N_NODES)
    h = jax.nn.relu(h)
    h = _sage_conv_mean(h, src, dst, W2_self, W2_neigh, b2, N_NODES)
    return h

if __name__ == "__main__":
    import jax
    _d = setup_inputs()
    print(jax.jit(kernel)(*tuple(_d.values())))

</pallas_src>

<mosaic_0001>
#map = affine_map<(d0, d1) -> (0, 0)>
#map1 = affine_map<(d0, d1) -> (0, 0, 0)>
module attributes {stable_mosaic.version = 14 : i64} {
  func.func @k(%arg0: i32, %arg1: i32, %arg2: memref<10000x128xf32, #tpu.memory_space<hbm>>, %arg3: memref<2560x128xi32, #tpu.memory_space<hbm>>, %arg4: memref<2560x128xi32, #tpu.memory_space<hbm>>, %arg5: memref<640x128xf32, #tpu.memory_space<hbm>>, %arg6: memref<2x10240x128xf32, #tpu.memory_space<hbm>>, %arg7: memref<32x128xi32, #tpu.memory_space<vmem>>, %arg8: memref<32x128xi32, #tpu.memory_space<vmem>>, %arg9: memref<128x128xf32, #tpu.memory_space<vmem>>, %arg10: memref<128x128xf32, #tpu.memory_space<vmem>>, %arg11: memref<!tpu.dma_semaphore, #tpu.memory_space<semaphore_mem>>, %arg12: memref<!tpu.dma_semaphore, #tpu.memory_space<semaphore_mem>>, %arg13: memref<10240x128xf32, #tpu.memory_space<vmem_shared>>) attributes {dimension_semantics = [#tpu.dimension_semantics<core_parallel>, #tpu.dimension_semantics<subcore_parallel>], iteration_bounds = array<i64: 2, 16>, scalar_prefetch = 0 : i64, scratch_operands = 7 : i64, tpu.core_type = #tpu.core_type<sc_vector_subcore>, window_params = [{transform_indices = #map}, {transform_indices = #map}, {transform_indices = #map}, {transform_indices = #map}, {transform_indices = #map1}]} {
    %mul3A = arith.constant 640 : i32
    %mul3A_0 = arith.muli %arg1, %mul3A : i32
    "tpu.region"() ({
      %run_scoped3A = tpu.sem_alloc : memref<!tpu.dma_semaphore, #tpu.memory_space<semaphore_mem>>
      %dma_start3A = arith.constant 0 : i32
      %dma_start3A_9 = tpu.memref_slice %arg13[%mul3A_0, %dma_start3A] : memref<10240x128xf32, #tpu.memory_space<vmem_shared>> -> memref<640x128xf32, #tpu.memory_space<vmem_shared>>
      tpu.enqueue_dma source(%arg5 : memref<640x128xf32, #tpu.memory_space<hbm>>) target(%dma_start3A_9 : memref<640x128xf32, #tpu.memory_space<vmem_shared>>) target_semaphore(%run_scoped3A : memref<!tpu.dma_semaphore, #tpu.memory_space<semaphore_mem>>)
      %dma_wait3A = arith.constant 0 : i32
      %dma_wait3A_10 = tpu.memref_slice %arg13[%mul3A_0, %dma_wait3A] : memref<10240x128xf32, #tpu.memory_space<vmem_shared>> -> memref<640x128xf32, #tpu.memory_space<vmem_shared>>
      tpu.wait_dma2 semaphore(%run_scoped3A : memref<!tpu.dma_semaphore, #tpu.memory_space<semaphore_mem>>) src(%arg5 : memref<640x128xf32, #tpu.memory_space<hbm>>) dst(%dma_wait3A_10 : memref<640x128xf32, #tpu.memory_space<vmem_shared>>)
      tpu.yield
    }) : () -> ()
    %barrier3A = arith.constant 0 : index
    tpu.barrier barrier_id(%barrier3A)
    %eq3A = arith.constant 0 : i32
    %eq3A_1 = arith.cmpi eq, %arg0, %eq3A : i32
    %convert_element_type3A = arith.extui %eq3A_1 : i1 to i32
    %cond3A = arith.constant 0 : i32
    %cond3A_2 = arith.cmpi ne, %convert_element_type3A, %cond3A : i32
    scf.if %cond3A_2 {
      %mul3A_9 = arith.constant 160 : i32
      %mul3A_10 = arith.muli %arg1, %mul3A_9 : i32
      %add3A = arith.constant 0 : i32
      %add3A_11 = arith.addi %mul3A_10, %add3A : i32
      "tpu.region"() ({
        %run_scoped3A_199 = tpu.sem_alloc : memref<!tpu.dma_semaphore, #tpu.memory_space<semaphore_mem>>
        %dma_start3A_200 = arith.constant 0 : i32
        %dma_start3A_201 = tpu.memref_slice %arg3[%add3A_11, %dma_start3A_200] : memref<2560x128xi32, #tpu.memory_space<hbm>> -> memref<32x128xi32, #tpu.memory_space<hbm>>
        %dma_start3A_202 = arith.constant 0 : i32
        %dma_start3A_203 = tpu.memref_slice %arg3[%add3A_11, %dma_start3A_202] : memref<2560x128xi32, #tpu.memory_space<hbm>> -> memref<32x128xi32, #tpu.memory_space<hbm>>
        tpu.enqueue_dma source(%dma_start3A_203 : memref<32x128xi32, #tpu.memory_space<hbm>>) target(%arg7 : memref<32x128xi32, #tpu.memory_space<vmem>>) target_semaphore(%run_scoped3A_199 : memref<!tpu.dma_semaphore, #tpu.memory_space<semaphore_mem>>)
        %dma_wait3A_204 = arith.constant 0 : i32
        %dma_wait3A_205 = tpu.memref_slice %arg3[%add3A_11, %dma_wait3A_204] : memref<2560x128xi32, #tpu.memory_space<hbm>> -> memref<32x128xi32, #tpu.memory_space<hbm>>
        %dma_wait3A_206 = arith.constant 0 : i32
        %dma_wait3A_207 = tpu.memref_slice %arg3[%add3A_11, %dma_wait3A_206] : memref<2560x128xi32, #tpu.memory_space<hbm>> -> memref<32x128xi32, #tpu.memory_space<hbm>>
        tpu.wait_dma2 semaphore(%run_scoped3A_199 : memref<!tpu.dma_semaphore, #tpu.memory_space<semaphore_mem>>) src(%dma_wait3A_207 : memref<32x128xi32, #tpu.memory_space<hbm>>) dst(%arg7 : memref<32x128xi32, #tpu.memory_space<vmem>>)
        tpu.yield
      }) : () -> ()
      "tpu.region"() ({
        %run_scoped3A_199 = tpu.sem_alloc : memref<!tpu.dma_semaphore, #tpu.memory_space<semaphore_mem>>
        %dma_start3A_200 = arith.constant 0 : i32
        %dma_start3A_201 = tpu.memref_slice %arg4[%add3A_11, %dma_start3A_200] : memref<2560x128xi32, #tpu.memory_space<hbm>> -> memref<32x128xi32, #tpu.memory_space<hbm>>
        %dma_start3A_202 = arith.constant 0 : i32
        %dma_start3A_203 = tpu.memref_slice %arg4[%add3A_11, %dma_start3A_202] : memref<2560x128xi32, #tpu.memory_space<hbm>> -> memref<32x128xi32, #tpu.memory_space<hbm>>
        tpu.enqueue_dma source(%dma_start3A_203 : memref<32x128xi32, #tpu.memory_space<hbm>>) target(%arg8 : memref<32x128xi32, #tpu.memory_space<vmem>>) target_semaphore(%run_scoped3A_199 : memref<!tpu.dma_semaphore, #tpu.memory_space<semaphore_mem>>)
        %dma_wait3A_204 = arith.constant 0 : i32
        %dma_wait3A_205 = tpu.memref_slice %arg4[%add3A_11, %dma_wait3A_204] : memref<2560x128xi32, #tpu.memory_space<hbm>> -> memref<32x128xi32, #tpu.memory_space<hbm>>
        %dma_wait3A_206 = arith.constant 0 : i32
        %dma_wait3A_207 = tpu.memref_slice %arg4[%add3A_11, %dma_wait3A_206] : memref<2560x128xi32, #tpu.memory_space<hbm>> -> memref<32x128xi32, #tpu.memory_space<hbm>>
        tpu.wait_dma2 semaphore(%run_scoped3A_199 : memref<!tpu.dma_semaphore, #tpu.memory_space<semaphore_mem>>) src(%dma_wait3A_207 : memref<32x128xi32, #tpu.memory_space<hbm>>) dst(%arg8 : memref<32x128xi32, #tpu.memory_space<vmem>>)
        tpu.yield
      }) : () -> ()
      %dma_start3A = arith.constant 0 : i32
      %dma_start3A_12 = arith.constant 0 : i32
      %dma_start3A_13 = tpu.memref_slice %arg7[%dma_start3A, %dma_start3A_12] : memref<32x128xi32, #tpu.memory_space<vmem>> -> memref<1x128xi32, #tpu.memory_space<vmem>>
      %dma_start3A_14 = tpu.memref_squeeze %dma_start3A_13 : memref<1x128xi32, #tpu.memory_space<vmem>> -> memref<128xi32, #tpu.memory_space<vmem>>
      %dma_start3A_15 = arith.constant 0 : i32
      %dma_start3A_16 = arith.constant 0 : i32
      %dma_start3A_17 = tpu.memref_slice %arg2[%dma_start3A_15, %dma_start3A_16] : memref<10000x128xf32, #tpu.memory_space<hbm>> -> memref<10000x128xf32, #tpu.memory_space<hbm>>
      tpu.enqueue_indirect_dma source(%dma_start3A_17 : memref<10000x128xf32, #tpu.memory_space<hbm>>) target(%arg9 : memref<128x128xf32, #tpu.memory_space<vmem>>) offsets(%dma_start3A_14 : memref<128xi32, #tpu.memory_space<vmem>>) semaphore(%arg11 : memref<!tpu.dma_semaphore, #tpu.memory_space<semaphore_mem>>)
      %scan3A = arith.constant 0 : i32
      %scan3A_18 = arith.constant 15 : i32
      %scan3A_19 = arith.addi %scan3A, %scan3A_18 : i32
      %scan3A_20 = arith.constant 1 : i32
      scf.for %scan3A_199 = %scan3A to %scan3A_19 step %scan3A_20  : i32 {
        %mul3A_200 = arith.constant 1 : i32
        %mul3A_201 = arith.muli %scan3A_199, %mul3A_200 : i32
        %add3A_202 = arith.constant 0 : i32
        %add3A_203 = arith.addi %add3A_202, %mul3A_201 : i32
        %mul3A_204 = arith.constant 2 : i32
        %mul3A_205 = arith.muli %mul3A_204, %add3A_203 : i32
        %add3A_206 = arith.constant 1 : i32
        %add3A_207 = arith.addi %mul3A_205, %add3A_206 : i32
        %dma_start3A_208 = arith.constant 0 : i32
        %dma_start3A_209 = tpu.memref_slice %arg7[%add3A_207, %dma_start3A_208] : memref<32x128xi32, #tpu.memory_space<vmem>> -> memref<1x128xi32, #tpu.memory_space<vmem>>
        %dma_start3A_210 = tpu.memref_squeeze %dma_start3A_209 : memref<1x128xi32, #tpu.memory_space<vmem>> -> memref<128xi32, #tpu.memory_space<vmem>>
        %dma_start3A_211 = arith.constant 0 : i32
        %dma_start3A_212 = arith.constant 0 : i32
        %dma_start3A_213 = tpu.memref_slice %arg2[%dma_start3A_211, %dma_start3A_212] : memref<10000x128xf32, #tpu.memory_space<hbm>> -> memref<10000x128xf32, #tpu.memory_space<hbm>>
        tpu.enqueue_indirect_dma source(%dma_start3A_213 : memref<10000x128xf32, #tpu.memory_space<hbm>>) target(%arg10 : memref<128x128xf32, #tpu.memory_space<vmem>>) offsets(%dma_start3A_210 : memref<128xi32, #tpu.memory_space<vmem>>) semaphore(%arg12 : memref<!tpu.dma_semaphore, #tpu.memory_space<semaphore_mem>>)
        %dma_wait3A_214 = arith.constant 0 : i32
        %dma_wait3A_215 = tpu.memref_slice %arg7[%mul3A_205, %dma_wait3A_214] : memref<32x128xi32, #tpu.memory_space<vmem>> -> memref<1x128xi32, #tpu.memory_space<vmem>>
        %dma_wait3A_216 = tpu.memref_squeeze %dma_wait3A_215 : memref<1x128xi32, #tpu.memory_space<vmem>> -> memref<128xi32, #tpu.memory_space<vmem>>
        %dma_wait3A_217 = arith.constant 0 : i32
        %dma_wait3A_218 = arith.constant 0 : i32
        %dma_wait3A_219 = tpu.memref_slice %arg2[%dma_wait3A_217, %dma_wait3A_218] : memref<10000x128xf32, #tpu.memory_space<hbm>> -> memref<10000x128xf32, #tpu.memory_space<hbm>>
        tpu.wait_indirect_dma semaphore(%arg11 : memref<!tpu.dma_semaphore, #tpu.memory_space<semaphore_mem>>) src(%dma_wait3A_219 : memref<10000x128xf32, #tpu.memory_space<hbm>>) dst(%arg9 : memref<128x128xf32, #tpu.memory_space<vmem>>)
        "tpu.region"() ({
          %run_scoped3A_236 = tpu.sem_alloc : memref<!tpu.dma_semaphore, #tpu.memory_space<semaphore_mem>>
          %dma_start3A_237 = arith.constant 0 : i32
          %dma_start3A_238 = tpu.memref_slice %arg8[%mul3A_205, %dma_start3A_237] : memref<32x128xi32, #tpu.memory_space<vmem>> -> memref<1x128xi32, #tpu.memory_space<vmem>>
          %dma_start3A_239 = tpu.memref_squeeze %dma_start3A_238 : memref<1x128xi32, #tpu.memory_space<vmem>> -> memref<128xi32, #tpu.memory_space<vmem>>
          %dma_start3A_240 = arith.constant 0 : i32
          %dma_start3A_241 = arith.constant 0 : i32
          %dma_start3A_242 = tpu.memref_slice %arg13[%dma_start3A_240, %dma_start3A_241] : memref<10240x128xf32, #tpu.memory_space<vmem_shared>> -> memref<10240x128xf32, #tpu.memory_space<vmem_shared>>
          tpu.enqueue_indirect_dma source(%arg9 : memref<128x128xf32, #tpu.memory_space<vmem>>) target(%dma_start3A_242 : memref<10240x128xf32, #tpu.memory_space<vmem_shared>>) offsets(%dma_start3A_239 : memref<128xi32, #tpu.memory_space<vmem>>) semaphore(%run_scoped3A_236 : memref<!tpu.dma_semaphore, #tpu.memory_space<semaphore_mem>>) {add = true}
          %dma_wait3A_243 = arith.constant 0 : i32
          %dma_wait3A_244 = tpu.memref_slice %arg8[%mul3A_205, %dma_wait3A_243] : memref<32x128xi32, #tpu.memory_space<vmem>> -> memref<1x128xi32, #tpu.memory_space<vmem>>
          %dma_wait3A_245 = tpu.memref_squeeze %dma_wait3A_244 : memref<1x128xi32, #tpu.memory_space<vmem>> -> memref<128xi32, #tpu.memory_space<vmem>>
          %dma_wait3A_246 = arith.constant 0 : i32
          %dma_wait3A_247 = arith.constant 0 : i32
          %dma_wait3A_248 = tpu.memref_slice %arg13[%dma_wait3A_246, %dma_wait3A_247] : memref<10240x128xf32, #tpu.memory_space<vmem_shared>> -> memref<10240x128xf32, #tpu.memory_space<vmem_shared>>
          tpu.wait_indirect_dma semaphore(%run_scoped3A_236 : memref<!tpu.dma_semaphore, #tpu.memory_space<semaphore_mem>>) src(%arg9 : memref<128x128xf32, #tpu.memory_space<vmem>>) dst(%dma_wait3A_248 : memref<10240x128xf32, #tpu.memory_space<vmem_shared>>)
          tpu.yield
        }) : () -> ()
        %add3A_220 = arith.constant 2 : i32
        %add3A_221 = arith.addi %mul3A_205, %add3A_220 : i32
        %dma_start3A_222 = arith.constant 0 : i32
        %dma_start3A_223 = tpu.memref_slice %arg7[%add3A_221, %dma_start3A_222] : memref<32x128xi32, #tpu.memory_space<vmem>> -> memref<1x128xi32, #tpu.memory_space<vmem>>
        %dma_start3A_224 = tpu.memref_squeeze %dma_start3A_223 : memref<1x128xi32, #tpu.memory_space<vmem>> -> memref<128xi32, #tpu.memory_space<vmem>>
        %dma_start3A_225 = arith.constant 0 : i32
        %dma_start3A_226 = arith.constant 0 : i32
        %dma_start3A_227 = tpu.memref_slice %arg2[%dma_start3A_225, %dma_start3A_226] : memref<10000x128xf32, #tpu.memory_space<hbm>> -> memref<10000x128xf32, #tpu.memory_space<hbm>>
        tpu.enqueue_indirect_dma source(%dma_start3A_227 : memref<10000x128xf32, #tpu.memory_space<hbm>>) target(%arg9 : memref<128x128xf32, #tpu.memory_space<vmem>>) offsets(%dma_start3A_224 : memref<128xi32, #tpu.memory_space<vmem>>) semaphore(%arg11 : memref<!tpu.dma_semaphore, #tpu.memory_space<semaphore_mem>>)
        %add3A_228 = arith.constant 1 : i32
        %add3A_229 = arith.addi %mul3A_205, %add3A_228 : i32
        %dma_wait3A_230 = arith.constant 0 : i32
        %dma_wait3A_231 = tpu.memref_slice %arg7[%add3A_229, %dma_wait3A_230] : memref<32x128xi32, #tpu.memory_space<vmem>> -> memref<1x128xi32, #tpu.memory_space<vmem>>
        %dma_wait3A_232 = tpu.memref_squeeze %dma_wait3A_231 : memref<1x128xi32, #tpu.memory_space<vmem>> -> memref<128xi32, #tpu.memory_space<vmem>>
        %dma_wait3A_233 = arith.constant 0 : i32
        %dma_wait3A_234 = arith.constant 0 : i32
        %dma_wait3A_235 = tpu.memref_slice %arg2[%dma_wait3A_233, %dma_wait3A_234] : memref<10000x128xf32, #tpu.memory_space<hbm>> -> memref<10000x128xf32, #tpu.memory_space<hbm>>
        tpu.wait_indirect_dma semaphore(%arg12 : memref<!tpu.dma_semaphore, #tpu.memory_space<semaphore_mem>>) src(%dma_wait3A_235 : memref<10000x128xf32, #tpu.memory_space<hbm>>) dst(%arg10 : memref<128x128xf32, #tpu.memory_space<vmem>>)
        "tpu.region"() ({
          %run_scoped3A_236 = tpu.sem_alloc : memref<!tpu.dma_semaphore, #tpu.memory_space<semaphore_mem>>
          %dma_start3A_237 = arith.constant 0 : i32
          %dma_start3A_238 = tpu.memref_slice %arg8[%add3A_229, %dma_start3A_237] : memref<32x128xi32, #tpu.memory_space<vmem>> -> memref<1x128xi32, #tpu.memory_space<vmem>>
          %dma_start3A_239 = tpu.memref_squeeze %dma_start3A_238 : memref<1x128xi32, #tpu.memory_space<vmem>> -> memref<128xi32, #tpu.memory_space<vmem>>
          %dma_start3A_240 = arith.constant 0 : i32
          %dma_start3A_241 = arith.constant 0 : i32
          %dma_start3A_242 = tpu.memref_slice %arg13[%dma_start3A_240, %dma_start3A_241] : memref<10240x128xf32, #tpu.memory_space<vmem_shared>> -> memref<10240x128xf32, #tpu.memory_space<vmem_shared>>
          tpu.enqueue_indirect_dma source(%arg10 : memref<128x128xf32, #tpu.memory_space<vmem>>) target(%dma_start3A_242 : memref<10240x128xf32, #tpu.memory_space<vmem_shared>>) offsets(%dma_start3A_239 : memref<128xi32, #tpu.memory_space<vmem>>) semaphore(%run_scoped3A_236 : memref<!tpu.dma_semaphore, #tpu.memory_space<semaphore_mem>>) {add = true}
          %dma_wait3A_243 = arith.constant 0 : i32
          %dma_wait3A_244 = tpu.memref_slice %arg8[%add3A_229, %dma_wait3A_243] : memref<32x128xi32, #tpu.memory_space<vmem>> -> memref<1x128xi32, #tpu.memory_space<vmem>>
          %dma_wait3A_245 = tpu.memref_squeeze %dma_wait3A_244 : memref<1x128xi32, #tpu.memory_space<vmem>> -> memref<128xi32, #tpu.memory_space<vmem>>
          %dma_wait3A_246 = arith.constant 0 : i32
          %dma_wait3A_247 = arith.constant 0 : i32
          %dma_wait3A_248 = tpu.memref_slice %arg13[%dma_wait3A_246, %dma_wait3A_247] : memref<10240x128xf32, #tpu.memory_space<vmem_shared>> -> memref<10240x128xf32, #tpu.memory_space<vmem_shared>>
          tpu.wait_indirect_dma semaphore(%run_scoped3A_236 : memref<!tpu.dma_semaphore, #tpu.memory_space<semaphore_mem>>) src(%arg10 : memref<128x128xf32, #tpu.memory_space<vmem>>) dst(%dma_wait3A_248 : memref<10240x128xf32, #tpu.memory_space<vmem_shared>>)
          tpu.yield
        }) : () -> ()
      }
      %scan3A_21 = arith.constant 15 : i32
      %dma_start3A_22 = arith.constant 31 : i32
      %dma_start3A_23 = arith.constant 0 : i32
      %dma_start3A_24 = tpu.memref_slice %arg7[%dma_start3A_22, %dma_start3A_23] : memref<32x128xi32, #tpu.memory_space<vmem>> -> memref<1x128xi32, #tpu.memory_space<vmem>>
      %dma_start3A_25 = tpu.memref_squeeze %dma_start3A_24 : memref<1x128xi32, #tpu.memory_space<vmem>> -> memref<128xi32, #tpu.memory_space<vmem>>
      %dma_start3A_26 = arith.constant 0 : i32
      %dma_start3A_27 = arith.constant 0 : i32
      %dma_start3A_28 = tpu.memref_slice %arg2[%dma_start3A_26, %dma_start3A_27] : memref<10000x128xf32, #tpu.memory_space<hbm>> -> memref<10000x128xf32, #tpu.memory_space<hbm>>
      tpu.enqueue_indirect_dma source(%dma_start3A_28 : memref<10000x128xf32, #tpu.memory_space<hbm>>) target(%arg10 : memref<128x128xf32, #tpu.memory_space<vmem>>) offsets(%dma_start3A_25 : memref<128xi32, #tpu.memory_space<vmem>>) semaphore(%arg12 : memref<!tpu.dma_semaphore, #tpu.memory_space<semaphore_mem>>)
      %dma_wait3A = arith.constant 30 : i32
      %dma_wait3A_29 = arith.constant 0 : i32
      %dma_wait3A_30 = tpu.memref_slice %arg7[%dma_wait3A, %dma_wait3A_29] : memref<32x128xi32, #tpu.memory_space<vmem>> -> memref<1x128xi32, #tpu.memory_space<vmem>>
      %dma_wait3A_31 = tpu.memref_squeeze %dma_wait3A_30 : memref<1x128xi32, #tpu.memory_space<vmem>> -> memref<128xi32, #tpu.memory_space<vmem>>
      %dma_wait3A_32 = arith.constant 0 : i32
      %dma_wait3A_33 = arith.constant 0 : i32
      %dma_wait3A_34 = tpu.memref_slice %arg2[%dma_wait3A_32, %dma_wait3A_33] : memref<10000x128xf32, #tpu.memory_space<hbm>> -> memref<10000x128xf32, #tpu.memory_space<hbm>>
      tpu.wait_indirect_dma semaphore(%arg11 : memref<!tpu.dma_semaphore, #tpu.memory_space<semaphore_mem>>) src(%dma_wait3A_34 : memref<10000x128xf32, #tpu.memory_space<hbm>>) dst(%arg9 : memref<128x128xf32, #tpu.memory_space<vmem>>)
      %run_scoped3A = arith.constant 30 : i32
      "tpu.region"() ({
        %run_scoped3A_199 = tpu.sem_alloc : memref<!tpu.dma_semaphore, #tpu.memory_space<semaphore_mem>>
        %dma_start3A_200 = arith.constant 0 : i32
        %dma_start3A_201 = tpu.memref_slice %arg8[%run_scoped3A, %dma_start3A_200] : memref<32x128xi32, #tpu.memory_space<vmem>> -> memref<1x128xi32, #tpu.memory_space<vmem>>
        %dma_start3A_202 = tpu.memref_squeeze %dma_start3A_201 : memref<1x128xi32, #tpu.memory_space<vmem>> -> memref<128xi32, #tpu.memory_space<vmem>>
        %dma_start3A_203 = arith.constant 0 : i32
        %dma_start3A_204 = arith.constant 0 : i32
        %dma_start3A_205 = tpu.memref_slice %arg13[%dma_start3A_203, %dma_start3A_204] : memref<10240x128xf32, #tpu.memory_space<vmem_shared>> -> memref<10240x128xf32, #tpu.memory_space<vmem_shared>>
        tpu.enqueue_indirect_dma source(%arg9 : memref<128x128xf32, #tpu.memory_space<vmem>>) target(%dma_start3A_205 : memref<10240x128xf32, #tpu.memory_space<vmem_shared>>) offsets(%dma_start3A_202 : memref<128xi32, #tpu.memory_space<vmem>>) semaphore(%run_scoped3A_199 : memref<!tpu.dma_semaphore, #tpu.memory_space<semaphore_mem>>) {add = true}
        %dma_wait3A_206 = arith.constant 0 : i32
        %dma_wait3A_207 = tpu.memref_slice %arg8[%run_scoped3A, %dma_wait3A_206] : memref<32x128xi32, #tpu.memory_space<vmem>> -> memref<1x128xi32, #tpu.memory_space<vmem>>
        %dma_wait3A_208 = tpu.memref_squeeze %dma_wait3A_207 : memref<1x128xi32, #tpu.memory_space<vmem>> -> memref<128xi32, #tpu.memory_space<vmem>>
        %dma_wait3A_209 = arith.constant 0 : i32
        %dma_wait3A_210 = arith.constant 0 : i32
        %dma_wait3A_211 = tpu.memref_slice %arg13[%dma_wait3A_209, %dma_wait3A_210] : memref<10240x128xf32, #tpu.memory_space<vmem_shared>> -> memref<10240x128xf32, #tpu.memory_space<vmem_shared>>
        tpu.wait_indirect_dma semaphore(%run_scoped3A_199 : memref<!tpu.dma_semaphore, #tpu.memory_space<semaphore_mem>>) src(%arg9 : memref<128x128xf32, #tpu.memory_space<vmem>>) dst(%dma_wait3A_211 : memref<10240x128xf32, #tpu.memory_space<vmem_shared>>)
        tpu.yield
      }) : () -> ()
      %dma_wait3A_35 = arith.constant 31 : i32
      %dma_wait3A_36 = arith.constant 0 : i32
      %dma_wait3A_37 = tpu.memref_slice %arg7[%dma_wait3A_35, %dma_wait3A_36] : memref<32x128xi32, #tpu.memory_space<vmem>> -> memref<1x128xi32, #tpu.memory_space<vmem>>
      %dma_wait3A_38 = tpu.memref_squeeze %dma_wait3A_37 : memref<1x128xi32, #tpu.memory_space<vmem>> -> memref<128xi32, #tpu.memory_space<vmem>>
      %dma_wait3A_39 = arith.constant 0 : i32
      %dma_wait3A_40 = arith.constant 0 : i32
      %dma_wait3A_41 = tpu.memref_slice %arg2[%dma_wait3A_39, %dma_wait3A_40] : memref<10000x128xf32, #tpu.memory_space<hbm>> -> memref<10000x128xf32, #tpu.memory_space<hbm>>
      tpu.wait_indirect_dma semaphore(%arg12 : memref<!tpu.dma_semaphore, #tpu.memory_space<semaphore_mem>>) src(%dma_wait3A_41 : memref<10000x128xf32, #tpu.memory_space<hbm>>) dst(%arg10 : memref<128x128xf32, #tpu.memory_space<vmem>>)
      %run_scoped3A_42 = arith.constant 31 : i32
      "tpu.region"() ({
        %run_scoped3A_199 = tpu.sem_alloc : memref<!tpu.dma_semaphore, #tpu.memory_space<semaphore_mem>>
        %dma_start3A_200 = arith.constant 0 : i32
        %dma_start3A_201 = tpu.memref_slice %arg8[%run_scoped3A_42, %dma_start3A_200] : memref<32x128xi32, #tpu.memory_space<vmem>> -> memref<1x128xi32, #tpu.memory_space<vmem>>
        %dma_start3A_202 = tpu.memref_squeeze %dma_start3A_201 : memref<1x128xi32, #tpu.memory_space<vmem>> -> memref<128xi32, #tpu.memory_space<vmem>>
        %dma_start3A_203 = arith.constant 0 : i32
        %dma_start3A_204 = arith.constant 0 : i32
        %dma_start3A_205 = tpu.memref_slice %arg13[%dma_start3A_203, %dma_start3A_204] : memref<10240x128xf32, #tpu.memory_space<vmem_shared>> -> memref<10240x128xf32, #tpu.memory_space<vmem_shared>>
        tpu.enqueue_indirect_dma source(%arg10 : memref<128x128xf32, #tpu.memory_space<vmem>>) target(%dma_start3A_205 : memref<10240x128xf32, #tpu.memory_space<vmem_shared>>) offsets(%dma_start3A_202 : memref<128xi32, #tpu.memory_space<vmem>>) semaphore(%run_scoped3A_199 : memref<!tpu.dma_semaphore, #tpu.memory_space<semaphore_mem>>) {add = true}
        %dma_wait3A_206 = arith.constant 0 : i32
        %dma_wait3A_207 = tpu.memref_slice %arg8[%run_scoped3A_42, %dma_wait3A_206] : memref<32x128xi32, #tpu.memory_space<vmem>> -> memref<1x128xi32, #tpu.memory_space<vmem>>
        %dma_wait3A_208 = tpu.memref_squeeze %dma_wait3A_207 : memref<1x128xi32, #tpu.memory_space<vmem>> -> memref<128xi32, #tpu.memory_space<vmem>>
        %dma_wait3A_209 = arith.constant 0 : i32
        %dma_wait3A_210 = arith.constant 0 : i32
        %dma_wait3A_211 = tpu.memref_slice %arg13[%dma_wait3A_209, %dma_wait3A_210] : memref<10240x128xf32, #tpu.memory_space<vmem_shared>> -> memref<10240x128xf32, #tpu.memory_space<vmem_shared>>
        tpu.wait_indirect_dma semaphore(%run_scoped3A_199 : memref<!tpu.dma_semaphore, #tpu.memory_space<semaphore_mem>>) src(%arg10 : memref<128x128xf32, #tpu.memory_space<vmem>>) dst(%dma_wait3A_211 : memref<10240x128xf32, #tpu.memory_space<vmem_shared>>)
        tpu.yield
      }) : () -> ()
      %mul3A_43 = arith.constant 160 : i32
      %mul3A_44 = arith.muli %arg1, %mul3A_43 : i32
      %add3A_45 = arith.constant 32 : i32
      %add3A_46 = arith.addi %mul3A_44, %add3A_45 : i32
      "tpu.region"() ({
        %run_scoped3A_199 = tpu.sem_alloc : memref<!tpu.dma_semaphore, #tpu.memory_space<semaphore_mem>>
        %dma_start3A_200 = arith.constant 0 : i32
        %dma_start3A_201 = tpu.memref_slice %arg3[%add3A_46, %dma_start3A_200] : memref<2560x128xi32, #tpu.memory_space<hbm>> -> memref<32x128xi32, #tpu.memory_space<hbm>>
        %dma_start3A_202 = arith.constant 0 : i32
        %dma_start3A_203 = tpu.memref_slice %arg3[%add3A_46, %dma_start3A_202] : memref<2560x128xi32, #tpu.memory_space<hbm>> -> memref<32x128xi32, #tpu.memory_space<hbm>>
        tpu.enqueue_dma source(%dma_start3A_203 : memref<32x128xi32, #tpu.memory_space<hbm>>) target(%arg7 : memref<32x128xi32, #tpu.memory_space<vmem>>) target_semaphore(%run_scoped3A_199 : memref<!tpu.dma_semaphore, #tpu.memory_space<semaphore_mem>>)
        %dma_wait3A_204 = arith.constant 0 : i32
        %dma_wait3A_205 = tpu.memref_slice %arg3[%add3A_46, %dma_wait3A_204] : memref<2560x128xi32, #tpu.memory_space<hbm>> -> memref<32x128xi32, #tpu.memory_space<hbm>>
        %dma_wait3A_206 = arith.constant 0 : i32
        %dma_wait3A_207 = tpu.memref_slice %arg3[%add3A_46, %dma_wait3A_206] : memref<2560x128xi32, #tpu.memory_space<hbm>> -> memref<32x128xi32, #tpu.memory_space<hbm>>
        tpu.wait_dma2 semaphore(%run_scoped3A_199 : memref<!tpu.dma_semaphore, #tpu.memory_space<semaphore_mem>>) src(%dma_wait3A_207 : memref<32x128xi32, #tpu.memory_space<hbm>>) dst(%arg7 : memref<32x128xi32, #tpu.memory_space<vmem>>)
        tpu.yield
      }) : () -> ()
      "tpu.region"() ({
        %run_scoped3A_199 = tpu.sem_alloc : memref<!tpu.dma_semaphore, #tpu.memory_space<semaphore_mem>>
        %dma_start3A_200 = arith.constant 0 : i32
        %dma_start3A_201 = tpu.memref_slice %arg4[%add3A_46, %dma_start3A_200] : memref<2560x128xi32, #tpu.memory_space<hbm>> -> memref<32x128xi32, #tpu.memory_space<hbm>>
        %dma_start3A_202 = arith.constant 0 : i32
        %dma_start3A_203 = tpu.memref_slice %arg4[%add3A_46, %dma_start3A_202] : memref<2560x128xi32, #tpu.memory_space<hbm>> -> memref<32x128xi32, #tpu.memory_space<hbm>>
        tpu.enqueue_dma source(%dma_start3A_203 : memref<32x128xi32, #tpu.memory_space<hbm>>) target(%arg8 : memref<32x128xi32, #tpu.memory_space<vmem>>) target_semaphore(%run_scoped3A_199 : memref<!tpu.dma_semaphore, #tpu.memory_space<semaphore_mem>>)
        %dma_wait3A_204 = arith.constant 0 : i32
        %dma_wait3A_205 = tpu.memref_slice %arg4[%add3A_46, %dma_wait3A_204] : memref<2560x128xi32, #tpu.memory_space<hbm>> -> memref<32x128xi32, #tpu.memory_space<hbm>>
        %dma_wait3A_206 = arith.constant 0 : i32
        %dma_wait3A_207 = tpu.memref_slice %arg4[%add3A_46, %dma_wait3A_206] : memref<2560x128xi32, #tpu.memory_space<hbm>> -> memref<32x128xi32, #tpu.memory_space<hbm>>
        tpu.wait_dma2 semaphore(%run_scoped3A_199 : memref<!tpu.dma_semaphore, #tpu.memory_space<semaphore_mem>>) src(%dma_wait3A_207 : memref<32x128xi32, #tpu.memory_space<hbm>>) dst(%arg8 : memref<32x128xi32, #tpu.memory_space<vmem>>)
        tpu.yield
      }) : () -> ()
      %dma_start3A_47 = arith.constant 0 : i32
      %dma_start3A_48 = arith.constant 0 : i32
      %dma_start3A_49 = tpu.memref_slice %arg7[%dma_start3A_47, %dma_start3A_48] : memref<32x128xi32, #tpu.memory_space<vmem>> -> memref<1x128xi32, #tpu.memory_space<vmem>>
      %dma_start3A_50 = tpu.memref_squeeze %dma_start3A_49 : memref<1x128xi32, #tpu.memory_space<vmem>> -> memref<128xi32, #tpu.memory_space<vmem>>
      %dma_start3A_51 = arith.constant 0 : i32
      %dma_start3A_52 = arith.constant 0 : i32
      %dma_start3A_53 = tpu.memref_slice %arg2[%dma_start3A_51, %dma_start3A_52] : memref<10000x128xf32, #tpu.memory_space<hbm>> -> memref<10000x128xf32, #tpu.memory_space<hbm>>
      tpu.enqueue_indirect_dma source(%dma_start3A_53 : memref<10000x128xf32, #tpu.memory_space<hbm>>) target(%arg9 : memref<128x128xf32, #tpu.memory_space<vmem>>) offsets(%dma_start3A_50 : memref<128xi32, #tpu.memory_space<vmem>>) semaphore(%arg11 : memref<!tpu.dma_semaphore, #tpu.memory_space<semaphore_mem>>)
      %scan3A_54 = arith.constant 0 : i32
      %scan3A_55 = arith.constant 15 : i32
      %scan3A_56 = arith.addi %scan3A_54, %scan3A_55 : i32
      %scan3A_57 = arith.constant 1 : i32
      scf.for %scan3A_199 = %scan3A_54 to %scan3A_56 step %scan3A_57  : i32 {
        %mul3A_200 = arith.constant 1 : i32
        %mul3A_201 = arith.muli %scan3A_199, %mul3A_200 : i32
        %add3A_202 = arith.constant 0 : i32
        %add3A_203 = arith.addi %add3A_202, %mul3A_201 : i32
        %mul3A_204 = arith.constant 2 : i32
        %mul3A_205 = arith.muli %mul3A_204, %add3A_203 : i32
        %add3A_206 = arith.constant 1 : i32
        %add3A_207 = arith.addi %mul3A_205, %add3A_206 : i32
        %dma_start3A_208 = arith.constant 0 : i32
        %dma_start3A_209 = tpu.memref_slice %arg7[%add3A_207, %dma_start3A_208] : memref<32x128xi32, #tpu.memory_space<vmem>> -> memref<1x128xi32, #tpu.memory_space<vmem>>
        %dma_start3A_210 = tpu.memref_squeeze %dma_start3A_209 : memref<1x128xi32, #tpu.memory_space<vmem>> -> memref<128xi32, #tpu.memory_space<vmem>>
        %dma_start3A_211 = arith.constant 0 : i32
        %dma_start3A_212 = arith.constant 0 : i32
        %dma_start3A_213 = tpu.memref_slice %arg2[%dma_start3A_211, %dma_start3A_212] : memref<10000x128xf32, #tpu.memory_space<hbm>> -> memref<10000x128xf32, #tpu.memory_space<hbm>>
        tpu.enqueue_indirect_dma source(%dma_start3A_213 : memref<10000x128xf32, #tpu.memory_space<hbm>>) target(%arg10 : memref<128x128xf32, #tpu.memory_space<vmem>>) offsets(%dma_start3A_210 : memref<128xi32, #tpu.memory_space<vmem>>) semaphore(%arg12 : memref<!tpu.dma_semaphore, #tpu.memory_space<semaphore_mem>>)
        %dma_wait3A_214 = arith.constant 0 : i32
        %dma_wait3A_215 = tpu.memref_slice %arg7[%mul3A_205, %dma_wait3A_214] : memref<32x128xi32, #tpu.memory_space<vmem>> -> memref<1x128xi32, #tpu.memory_space<vmem>>
        %dma_wait3A_216 = tpu.memref_squeeze %dma_wait3A_215 : memref<1x128xi32, #tpu.memory_space<vmem>> -> memref<128xi32, #tpu.memory_space<vmem>>
        %dma_wait3A_217 = arith.constant 0 : i32
        %dma_wait3A_218 = arith.constant 0 : i32
        %dma_wait3A_219 = tpu.memref_slice %arg2[%dma_wait3A_217, %dma_wait3A_218] : memref<10000x128xf32, #tpu.memory_space<hbm>> -> memref<10000x128xf32, #tpu.memory_space<hbm>>
        tpu.wait_indirect_dma semaphore(%arg11 : memref<!tpu.dma_semaphore, #tpu.memory_space<semaphore_mem>>) src(%dma_wait3A_219 : memref<10000x128xf32, #tpu.memory_space<hbm>>) dst(%arg9 : memref<128x128xf32, #tpu.memory_space<vmem>>)
        "tpu.region"() ({
          %run_scoped3A_236 = tpu.sem_alloc : memref<!tpu.dma_semaphore, #tpu.memory_space<semaphore_mem>>
          %dma_start3A_237 = arith.constant 0 : i32
          %dma_start3A_238 = tpu.memref_slice %arg8[%mul3A_205, %dma_start3A_237] : memref<32x128xi32, #tpu.memory_space<vmem>> -> memref<1x128xi32, #tpu.memory_space<vmem>>
          %dma_start3A_239 = tpu.memref_squeeze %dma_start3A_238 : memref<1x128xi32, #tpu.memory_space<vmem>> -> memref<128xi32, #tpu.memory_space<vmem>>
          %dma_start3A_240 = arith.constant 0 : i32
          %dma_start3A_241 = arith.constant 0 : i32
          %dma_start3A_242 = tpu.memref_slice %arg13[%dma_start3A_240, %dma_start3A_241] : memref<10240x128xf32, #tpu.memory_space<vmem_shared>> -> memref<10240x128xf32, #tpu.memory_space<vmem_shared>>
          tpu.enqueue_indirect_dma source(%arg9 : memref<128x128xf32, #tpu.memory_space<vmem>>) target(%dma_start3A_242 : memref<10240x128xf32, #tpu.memory_space<vmem_shared>>) offsets(%dma_start3A_239 : memref<128xi32, #tpu.memory_space<vmem>>) semaphore(%run_scoped3A_236 : memref<!tpu.dma_semaphore, #tpu.memory_space<semaphore_mem>>) {add = true}
          %dma_wait3A_243 = arith.constant 0 : i32
          %dma_wait3A_244 = tpu.memref_slice %arg8[%mul3A_205, %dma_wait3A_243] : memref<32x128xi32, #tpu.memory_space<vmem>> -> memref<1x128xi32, #tpu.memory_space<vmem>>
          %dma_wait3A_245 = tpu.memref_squeeze %dma_wait3A_244 : memref<1x128xi32, #tpu.memory_space<vmem>> -> memref<128xi32, #tpu.memory_space<vmem>>
          %dma_wait3A_246 = arith.constant 0 : i32
          %dma_wait3A_247 = arith.constant 0 : i32
          %dma_wait3A_248 = tpu.memref_slice %arg13[%dma_wait3A_246, %dma_wait3A_247] : memref<10240x128xf32, #tpu.memory_space<vmem_shared>> -> memref<10240x128xf32, #tpu.memory_space<vmem_shared>>
          tpu.wait_indirect_dma semaphore(%run_scoped3A_236 : memref<!tpu.dma_semaphore, #tpu.memory_space<semaphore_mem>>) src(%arg9 : memref<128x128xf32, #tpu.memory_space<vmem>>) dst(%dma_wait3A_248 : memref<10240x128xf32, #tpu.memory_space<vmem_shared>>)
          tpu.yield
        }) : () -> ()
        %add3A_220 = arith.constant 2 : i32
        %add3A_221 = arith.addi %mul3A_205, %add3A_220 : i32
        %dma_start3A_222 = arith.constant 0 : i32
        %dma_start3A_223 = tpu.memref_slice %arg7[%add3A_221, %dma_start3A_222] : memref<32x128xi32, #tpu.memory_space<vmem>> -> memref<1x128xi32, #tpu.memory_space<vmem>>
        %dma_start3A_224 = tpu.memref_squeeze %dma_start3A_223 : memref<1x128xi32, #tpu.memory_space<vmem>> -> memref<128xi32, #tpu.memory_space<vmem>>
        %dma_start3A_225 = arith.constant 0 : i32
        %dma_start3A_226 = arith.constant 0 : i32
        %dma_start3A_227 = tpu.memref_slice %arg2[%dma_start3A_225, %dma_start3A_226] : memref<10000x128xf32, #tpu.memory_space<hbm>> -> memref<10000x128xf32, #tpu.memory_space<hbm>>
        tpu.enqueue_indirect_dma source(%dma_start3A_227 : memref<10000x128xf32, #tpu.memory_space<hbm>>) target(%arg9 : memref<128x128xf32, #tpu.memory_space<vmem>>) offsets(%dma_start3A_224 : memref<128xi32, #tpu.memory_space<vmem>>) semaphore(%arg11 : memref<!tpu.dma_semaphore, #tpu.memory_space<semaphore_mem>>)
        %add3A_228 = arith.constant 1 : i32
        %add3A_229 = arith.addi %mul3A_205, %add3A_228 : i32
        %dma_wait3A_230 = arith.constant 0 : i32
        %dma_wait3A_231 = tpu.memref_slice %arg7[%add3A_229, %dma_wait3A_230] : memref<32x128xi32, #tpu.memory_space<vmem>> -> memref<1x128xi32, #tpu.memory_space<vmem>>
        %dma_wait3A_232 = tpu.memref_squeeze %dma_wait3A_231 : memref<1x128xi32, #tpu.memory_space<vmem>> -> memref<128xi32, #tpu.memory_space<vmem>>
        %dma_wait3A_233 = arith.constant 0 : i32
        %dma_wait3A_234 = arith.constant 0 : i32
        %dma_wait3A_235 = tpu.memref_slice %arg2[%dma_wait3A_233, %dma_wait3A_234] : memref<10000x128xf32, #tpu.memory_space<hbm>> -> memref<10000x128xf32, #tpu.memory_space<hbm>>
        tpu.wait_indirect_dma semaphore(%arg12 : memref<!tpu.dma_semaphore, #tpu.memory_space<semaphore_mem>>) src(%dma_wait3A_235 : memref<10000x128xf32, #tpu.memory_space<hbm>>) dst(%arg10 : memref<128x128xf32, #tpu.memory_space<vmem>>)
        "tpu.region"() ({
          %run_scoped3A_236 = tpu.sem_alloc : memref<!tpu.dma_semaphore, #tpu.memory_space<semaphore_mem>>
          %dma_start3A_237 = arith.constant 0 : i32
          %dma_start3A_238 = tpu.memref_slice %arg8[%add3A_229, %dma_start3A_237] : memref<32x128xi32, #tpu.memory_space<vmem>> -> memref<1x128xi32, #tpu.memory_space<vmem>>
          %dma_start3A_239 = tpu.memref_squeeze %dma_start3A_238 : memref<1x128xi32, #tpu.memory_space<vmem>> -> memref<128xi32, #tpu.memory_space<vmem>>
          %dma_start3A_240 = arith.constant 0 : i32
          %dma_start3A_241 = arith.constant 0 : i32
          %dma_start3A_242 = tpu.memref_slice %arg13[%dma_start3A_240, %dma_start3A_241] : memref<10240x128xf32, #tpu.memory_space<vmem_shared>> -> memref<10240x128xf32, #tpu.memory_space<vmem_shared>>
          tpu.enqueue_indirect_dma source(%arg10 : memref<128x128xf32, #tpu.memory_space<vmem>>) target(%dma_start3A_242 : memref<10240x128xf32, #tpu.memory_space<vmem_shared>>) offsets(%dma_start3A_239 : memref<128xi32, #tpu.memory_space<vmem>>) semaphore(%run_scoped3A_236 : memref<!tpu.dma_semaphore, #tpu.memory_space<semaphore_mem>>) {add = true}
          %dma_wait3A_243 = arith.constant 0 : i32
          %dma_wait3A_244 = tpu.memref_slice %arg8[%add3A_229, %dma_wait3A_243] : memref<32x128xi32, #tpu.memory_space<vmem>> -> memref<1x128xi32, #tpu.memory_space<vmem>>
          %dma_wait3A_245 = tpu.memref_squeeze %dma_wait3A_244 : memref<1x128xi32, #tpu.memory_space<vmem>> -> memref<128xi32, #tpu.memory_space<vmem>>
          %dma_wait3A_246 = arith.constant 0 : i32
          %dma_wait3A_247 = arith.constant 0 : i32
          %dma_wait3A_248 = tpu.memref_slice %arg13[%dma_wait3A_246, %dma_wait3A_247] : memref<10240x128xf32, #tpu.memory_space<vmem_shared>> -> memref<10240x128xf32, #tpu.memory_space<vmem_shared>>
          tpu.wait_indirect_dma semaphore(%run_scoped3A_236 : memref<!tpu.dma_semaphore, #tpu.memory_space<semaphore_mem>>) src(%arg10 : memref<128x128xf32, #tpu.memory_space<vmem>>) dst(%dma_wait3A_248 : memref<10240x128xf32, #tpu.memory_space<vmem_shared>>)
          tpu.yield
        }) : () -> ()
      }
      %scan3A_58 = arith.constant 15 : i32
      %dma_start3A_59 = arith.constant 31 : i32
      %dma_start3A_60 = arith.constant 0 : i32
      %dma_start3A_61 = tpu.memref_slice %arg7[%dma_start3A_59, %dma_start3A_60] : memref<32x128xi32, #tpu.memory_space<vmem>> -> memref<1x128xi32, #tpu.memory_space<vmem>>
      %dma_start3A_62 = tpu.memref_squeeze %dma_start3A_61 : memref<1x128xi32, #tpu.memory_space<vmem>> -> memref<128xi32, #tpu.memory_space<vmem>>
      %dma_start3A_63 = arith.constant 0 : i32
      %dma_start3A_64 = arith.constant 0 : i32
      %dma_start3A_65 = tpu.memref_slice %arg2[%dma_start3A_63, %dma_start3A_64] : memref<10000x128xf32, #tpu.memory_space<hbm>> -> memref<10000x128xf32, #tpu.memory_space<hbm>>
      tpu.enqueue_indirect_dma source(%dma_start3A_65 : memref<10000x128xf32, #tpu.memory_space<hbm>>) target(%arg10 : memref<128x128xf32, #tpu.memory_space<vmem>>) offsets(%dma_start3A_62 : memref<128xi32, #tpu.memory_space<vmem>>) semaphore(%arg12 : memref<!tpu.dma_semaphore, #tpu.memory_space<semaphore_mem>>)
      %dma_wait3A_66 = arith.constant 30 : i32
      %dma_wait3A_67 = arith.constant 0 : i32
      %dma_wait3A_68 = tpu.memref_slice %arg7[%dma_wait3A_66, %dma_wait3A_67] : memref<32x128xi32, #tpu.memory_space<vmem>> -> memref<1x128xi32, #tpu.memory_space<vmem>>
      %dma_wait3A_69 = tpu.memref_squeeze %dma_wait3A_68 : memref<1x128xi32, #tpu.memory_space<vmem>> -> memref<128xi32, #tpu.memory_space<vmem>>
      %dma_wait3A_70 = arith.constant 0 : i32
      %dma_wait3A_71 = arith.constant 0 : i32
      %dma_wait3A_72 = tpu.memref_slice %arg2[%dma_wait3A_70, %dma_wait3A_71] : memref<10000x128xf32, #tpu.memory_space<hbm>> -> memref<10000x128xf32, #tpu.memory_space<hbm>>
      tpu.wait_indirect_dma semaphore(%arg11 : memref<!tpu.dma_semaphore, #tpu.memory_space<semaphore_mem>>) src(%dma_wait3A_72 : memref<10000x128xf32, #tpu.memory_space<hbm>>) dst(%arg9 : memref<128x128xf32, #tpu.memory_space<vmem>>)
      %run_scoped3A_73 = arith.constant 30 : i32
      "tpu.region"() ({
        %run_scoped3A_199 = tpu.sem_alloc : memref<!tpu.dma_semaphore, #tpu.memory_space<semaphore_mem>>
        %dma_start3A_200 = arith.constant 0 : i32
        %dma_start3A_201 = tpu.memref_slice %arg8[%run_scoped3A_73, %dma_start3A_200] : memref<32x128xi32, #tpu.memory_space<vmem>> -> memref<1x128xi32, #tpu.memory_space<vmem>>
        %dma_start3A_202 = tpu.memref_squeeze %dma_start3A_201 : memref<1x128xi32, #tpu.memory_space<vmem>> -> memref<128xi32, #tpu.memory_space<vmem>>
        %dma_start3A_203 = arith.constant 0 : i32
        %dma_start3A_204 = arith.constant 0 : i32
        %dma_start3A_205 = tpu.memref_slice %arg13[%dma_start3A_203, %dma_start3A_204] : memref<10240x128xf32, #tpu.memory_space<vmem_shared>> -> memref<10240x128xf32, #tpu.memory_space<vmem_shared>>
        tpu.enqueue_indirect_dma source(%arg9 : memref<128x128xf32, #tpu.memory_space<vmem>>) target(%dma_start3A_205 : memref<10240x128xf32, #tpu.memory_space<vmem_shared>>) offsets(%dma_start3A_202 : memref<128xi32, #tpu.memory_space<vmem>>) semaphore(%run_scoped3A_199 : memref<!tpu.dma_semaphore, #tpu.memory_space<semaphore_mem>>) {add = true}
        %dma_wait3A_206 = arith.constant 0 : i32
        %dma_wait3A_207 = tpu.memref_slice %arg8[%run_scoped3A_73, %dma_wait3A_206] : memref<32x128xi32, #tpu.memory_space<vmem>> -> memref<1x128xi32, #tpu.memory_space<vmem>>
        %dma_wait3A_208 = tpu.memref_squeeze %dma_wait3A_207 : memref<1x128xi32, #tpu.memory_space<vmem>> -> memref<128xi32, #tpu.memory_space<vmem>>
        %dma_wait3A_209 = arith.constant 0 : i32
        %dma_wait3A_210 = arith.constant 0 : i32
        %dma_wait3A_211 = tpu.memref_slice %arg13[%dma_wait3A_209, %dma_wait3A_210] : memref<10240x128xf32, #tpu.memory_space<vmem_shared>> -> memref<10240x128xf32, #tpu.memory_space<vmem_shared>>
        tpu.wait_indirect_dma semaphore(%run_scoped3A_199 : memref<!tpu.dma_semaphore, #tpu.memory_space<semaphore_mem>>) src(%arg9 : memref<128x128xf32, #tpu.memory_space<vmem>>) dst(%dma_wait3A_211 : memref<10240x128xf32, #tpu.memory_space<vmem_shared>>)
        tpu.yield
      }) : () -> ()
      %dma_wait3A_74 = arith.constant 31 : i32
      %dma_wait3A_75 = arith.constant 0 : i32
      %dma_wait3A_76 = tpu.memref_slice %arg7[%dma_wait3A_74, %dma_wait3A_75] : memref<32x128xi32, #tpu.memory_space<vmem>> -> memref<1x128xi32, #tpu.memory_space<vmem>>
      %dma_wait3A_77 = tpu.memref_squeeze %dma_wait3A_76 : memref<1x128xi32, #tpu.memory_space<vmem>> -> memref<128xi32, #tpu.memory_space<vmem>>
      %dma_wait3A_78 = arith.constant 0 : i32
      %dma_wait3A_79 = arith.constant 0 : i32
      %dma_wait3A_80 = tpu.memref_slice %arg2[%dma_wait3A_78, %dma_wait3A_79] : memref<10000x128xf32, #tpu.memory_space<hbm>> -> memref<10000x128xf32, #tpu.memory_space<hbm>>
      tpu.wait_indirect_dma semaphore(%arg12 : memref<!tpu.dma_semaphore, #tpu.memory_space<semaphore_mem>>) src(%dma_wait3A_80 : memref<10000x128xf32, #tpu.memory_space<hbm>>) dst(%arg10 : memref<128x128xf32, #tpu.memory_space<vmem>>)
      %run_scoped3A_81 = arith.constant 31 : i32
      "tpu.region"() ({
        %run_scoped3A_199 = tpu.sem_alloc : memref<!tpu.dma_semaphore, #tpu.memory_space<semaphore_mem>>
        %dma_start3A_200 = arith.constant 0 : i32
        %dma_start3A_201 = tpu.memref_slice %arg8[%run_scoped3A_81, %dma_start3A_200] : memref<32x128xi32, #tpu.memory_space<vmem>> -> memref<1x128xi32, #tpu.memory_space<vmem>>
        %dma_start3A_202 = tpu.memref_squeeze %dma_start3A_201 : memref<1x128xi32, #tpu.memory_space<vmem>> -> memref<128xi32, #tpu.memory_space<vmem>>
        %dma_start3A_203 = arith.constant 0 : i32
        %dma_start3A_204 = arith.constant 0 : i32
        %dma_start3A_205 = tpu.memref_slice %arg13[%dma_start3A_203, %dma_start3A_204] : memref<10240x128xf32, #tpu.memory_space<vmem_shared>> -> memref<10240x128xf32, #tpu.memory_space<vmem_shared>>
        tpu.enqueue_indirect_dma source(%arg10 : memref<128x128xf32, #tpu.memory_space<vmem>>) target(%dma_start3A_205 : memref<10240x128xf32, #tpu.memory_space<vmem_shared>>) offsets(%dma_start3A_202 : memref<128xi32, #tpu.memory_space<vmem>>) semaphore(%run_scoped3A_199 : memref<!tpu.dma_semaphore, #tpu.memory_space<semaphore_mem>>) {add = true}
        %dma_wait3A_206 = arith.constant 0 : i32
        %dma_wait3A_207 = tpu.memref_slice %arg8[%run_scoped3A_81, %dma_wait3A_206] : memref<32x128xi32, #tpu.memory_space<vmem>> -> memref<1x128xi32, #tpu.memory_space<vmem>>
        %dma_wait3A_208 = tpu.memref_squeeze %dma_wait3A_207 : memref<1x128xi32, #tpu.memory_space<vmem>> -> memref<128xi32, #tpu.memory_space<vmem>>
        %dma_wait3A_209 = arith.constant 0 : i32
        %dma_wait3A_210 = arith.constant 0 : i32
        %dma_wait3A_211 = tpu.memref_slice %arg13[%dma_wait3A_209, %dma_wait3A_210] : memref<10240x128xf32, #tpu.memory_space<vmem_shared>> -> memref<10240x128xf32, #tpu.memory_space<vmem_shared>>
        tpu.wait_indirect_dma semaphore(%run_scoped3A_199 : memref<!tpu.dma_semaphore, #tpu.memory_space<semaphore_mem>>) src(%arg10 : memref<128x128xf32, #tpu.memory_space<vmem>>) dst(%dma_wait3A_211 : memref<10240x128xf32, #tpu.memory_space<vmem_shared>>)
        tpu.yield
      }) : () -> ()
      %mul3A_82 = arith.constant 160 : i32
      %mul3A_83 = arith.muli %arg1, %mul3A_82 : i32
      %add3A_84 = arith.constant 64 : i32
      %add3A_85 = arith.addi %mul3A_83, %add3A_84 : i32
      "tpu.region"() ({
        %run_scoped3A_199 = tpu.sem_alloc : memref<!tpu.dma_semaphore, #tpu.memory_space<semaphore_mem>>
        %dma_start3A_200 = arith.constant 0 : i32
        %dma_start3A_201 = tpu.memref_slice %arg3[%add3A_85, %dma_start3A_200] : memref<2560x128xi32, #tpu.memory_space<hbm>> -> memref<32x128xi32, #tpu.memory_space<hbm>>
        %dma_start3A_202 = arith.constant 0 : i32
        %dma_start3A_203 = tpu.memref_slice %arg3[%add3A_85, %dma_start3A_202] : memref<2560x128xi32, #tpu.memory_space<hbm>> -> memref<32x128xi32, #tpu.memory_space<hbm>>
        tpu.enqueue_dma source(%dma_start3A_203 : memref<32x128xi32, #tpu.memory_space<hbm>>) target(%arg7 : memref<32x128xi32, #tpu.memory_space<vmem>>) target_semaphore(%run_scoped3A_199 : memref<!tpu.dma_semaphore, #tpu.memory_space<semaphore_mem>>)
        %dma_wait3A_204 = arith.constant 0 : i32
        %dma_wait3A_205 = tpu.memref_slice %arg3[%add3A_85, %dma_wait3A_204] : memref<2560x128xi32, #tpu.memory_space<hbm>> -> memref<32x128xi32, #tpu.memory_space<hbm>>
        %dma_wait3A_206 = arith.constant 0 : i32
        %dma_wait3A_207 = tpu.memref_slice %arg3[%add3A_85, %dma_wait3A_206] : memref<2560x128xi32, #tpu.memory_space<hbm>> -> memref<32x128xi32, #tpu.memory_space<hbm>>
        tpu.wait_dma2 semaphore(%run_scoped3A_199 : memref<!tpu.dma_semaphore, #tpu.memory_space<semaphore_mem>>) src(%dma_wait3A_207 : memref<32x128xi32, #tpu.memory_space<hbm>>) dst(%arg7 : memref<32x128xi32, #tpu.memory_space<vmem>>)
        tpu.yield
      }) : () -> ()
      "tpu.region"() ({
        %run_scoped3A_199 = tpu.sem_alloc : memref<!tpu.dma_semaphore, #tpu.memory_space<semaphore_mem>>
        %dma_start3A_200 = arith.constant 0 : i32
        %dma_start3A_201 = tpu.memref_slice %arg4[%add3A_85, %dma_start3A_200] : memref<2560x128xi32, #tpu.memory_space<hbm>> -> memref<32x128xi32, #tpu.memory_space<hbm>>
        %dma_start3A_202 = arith.constant 0 : i32
        %dma_start3A_203 = tpu.memref_slice %arg4[%add3A_85, %dma_start3A_202] : memref<2560x128xi32, #tpu.memory_space<hbm>> -> memref<32x128xi32, #tpu.memory_space<hbm>>
        tpu.enqueue_dma source(%dma_start3A_203 : memref<32x128xi32, #tpu.memory_space<hbm>>) target(%arg8 : memref<32x128xi32, #tpu.memory_space<vmem>>) target_semaphore(%run_scoped3A_199 : memref<!tpu.dma_semaphore, #tpu.memory_space<semaphore_mem>>)
        %dma_wait3A_204 = arith.constant 0 : i32
        %dma_wait3A_205 = tpu.memref_slice %arg4[%add3A_85, %dma_wait3A_204] : memref<2560x128xi32, #tpu.memory_space<hbm>> -> memref<32x128xi32, #tpu.memory_space<hbm>>
        %dma_wait3A_206 = arith.constant 0 : i32
        %dma_wait3A_207 = tpu.memref_slice %arg4[%add3A_85, %dma_wait3A_206] : memref<2560x128xi32, #tpu.memory_space<hbm>> -> memref<32x128xi32, #tpu.memory_space<hbm>>
        tpu.wait_dma2 semaphore(%run_scoped3A_199 : memref<!tpu.dma_semaphore, #tpu.memory_space<semaphore_mem>>) src(%dma_wait3A_207 : memref<32x128xi32, #tpu.memory_space<hbm>>) dst(%arg8 : memref<32x128xi32, #tpu.memory_space<vmem>>)
        tpu.yield
      }) : () -> ()
      %dma_start3A_86 = arith.constant 0 : i32
      %dma_start3A_87 = arith.constant 0 : i32
      %dma_start3A_88 = tpu.memref_slice %arg7[%dma_start3A_86, %dma_start3A_87] : memref<32x128xi32, #tpu.memory_space<vmem>> -> memref<1x128xi32, #tpu.memory_space<vmem>>
      %dma_start3A_89 = tpu.memref_squeeze %dma_start3A_88 : memref<1x128xi32, #tpu.memory_space<vmem>> -> memref<128xi32, #tpu.memory_space<vmem>>
      %dma_start3A_90 = arith.constant 0 : i32
      %dma_start3A_91 = arith.constant 0 : i32
      %dma_start3A_92 = tpu.memref_slice %arg2[%dma_start3A_90, %dma_start3A_91] : memref<10000x128xf32, #tpu.memory_space<hbm>> -> memref<10000x128xf32, #tpu.memory_space<hbm>>
      tpu.enqueue_indirect_dma source(%dma_start3A_92 : memref<10000x128xf32, #tpu.memory_space<hbm>>) target(%arg9 : memref<128x128xf32, #tpu.memory_space<vmem>>) offsets(%dma_start3A_89 : memref<128xi32, #tpu.memory_space<vmem>>) semaphore(%arg11 : memref<!tpu.dma_semaphore, #tpu.memory_space<semaphore_mem>>)
      %scan3A_93 = arith.constant 0 : i32
      %scan3A_94 = arith.constant 15 : i32
      %scan3A_95 = arith.addi %scan3A_93, %scan3A_94 : i32
      %scan3A_96 = arith.constant 1 : i32
      scf.for %scan3A_199 = %scan3A_93 to %scan3A_95 step %scan3A_96  : i32 {
        %mul3A_200 = arith.constant 1 : i32
        %mul3A_201 = arith.muli %scan3A_199, %mul3A_200 : i32
        %add3A_202 = arith.constant 0 : i32
        %add3A_203 = arith.addi %add3A_202, %mul3A_201 : i32
        %mul3A_204 = arith.constant 2 : i32
        %mul3A_205 = arith.muli %mul3A_204, %add3A_203 : i32
        %add3A_206 = arith.constant 1 : i32
        %add3A_207 = arith.addi %mul3A_205, %add3A_206 : i32
        %dma_start3A_208 = arith.constant 0 : i32
        %dma_start3A_209 = tpu.memref_slice %arg7[%add3A_207, %dma_start3A_208] : memref<32x128xi32, #tpu.memory_space<vmem>> -> memref<1x128xi32, #tpu.memory_space<vmem>>
        %dma_start3A_210 = tpu.memref_squeeze %dma_start3A_209 : memref<1x128xi32, #tpu.memory_space<vmem>> -> memref<128xi32, #tpu.memory_space<vmem>>
        %dma_start3A_211 = arith.constant 0 : i32
        %dma_start3A_212 = arith.constant 0 : i32
        %dma_start3A_213 = tpu.memref_slice %arg2[%dma_start3A_211, %dma_start3A_212] : memref<10000x128xf32, #tpu.memory_space<hbm>> -> memref<10000x128xf32, #tpu.memory_space<hbm>>
        tpu.enqueue_indirect_dma source(%dma_start3A_213 : memref<10000x128xf32, #tpu.memory_space<hbm>>) target(%arg10 : memref<128x128xf32, #tpu.memory_space<vmem>>) offsets(%dma_start3A_210 : memref<128xi32, #tpu.memory_space<vmem>>) semaphore(%arg12 : memref<!tpu.dma_semaphore, #tpu.memory_space<semaphore_mem>>)
        %dma_wait3A_214 = arith.constant 0 : i32
        %dma_wait3A_215 = tpu.memref_slice %arg7[%mul3A_205, %dma_wait3A_214] : memref<32x128xi32, #tpu.memory_space<vmem>> -> memref<1x128xi32, #tpu.memory_space<vmem>>
        %dma_wait3A_216 = tpu.memref_squeeze %dma_wait3A_215 : memref<1x128xi32, #tpu.memory_space<vmem>> -> memref<128xi32, #tpu.memory_space<vmem>>
        %dma_wait3A_217 = arith.constant 0 : i32
        %dma_wait3A_218 = arith.constant 0 : i32
        %dma_wait3A_219 = tpu.memref_slice %arg2[%dma_wait3A_217, %dma_wait3A_218] : memref<10000x128xf32, #tpu.memory_space<hbm>> -> memref<10000x128xf32, #tpu.memory_space<hbm>>
        tpu.wait_indirect_dma semaphore(%arg11 : memref<!tpu.dma_semaphore, #tpu.memory_space<semaphore_mem>>) src(%dma_wait3A_219 : memref<10000x128xf32, #tpu.memory_space<hbm>>) dst(%arg9 : memref<128x128xf32, #tpu.memory_space<vmem>>)
        "tpu.region"() ({
          %run_scoped3A_236 = tpu.sem_alloc : memref<!tpu.dma_semaphore, #tpu.memory_space<semaphore_mem>>
          %dma_start3A_237 = arith.constant 0 : i32
          %dma_start3A_238 = tpu.memref_slice %arg8[%mul3A_205, %dma_start3A_237] : memref<32x128xi32, #tpu.memory_space<vmem>> -> memref<1x128xi32, #tpu.memory_space<vmem>>
          %dma_start3A_239 = tpu.memref_squeeze %dma_start3A_238 : memref<1x128xi32, #tpu.memory_space<vmem>> -> memref<128xi32, #tpu.memory_space<vmem>>
          %dma_start3A_240 = arith.constant 0 : i32
          %dma_start3A_241 = arith.constant 0 : i32
          %dma_start3A_242 = tpu.memref_slice %arg13[%dma_start3A_240, %dma_start3A_241] : memref<10240x128xf32, #tpu.memory_space<vmem_shared>> -> memref<10240x128xf32, #tpu.memory_space<vmem_shared>>
          tpu.enqueue_indirect_dma source(%arg9 : memref<128x128xf32, #tpu.memory_space<vmem>>) target(%dma_start3A_242 : memref<10240x128xf32, #tpu.memory_space<vmem_shared>>) offsets(%dma_start3A_239 : memref<128xi32, #tpu.memory_space<vmem>>) semaphore(%run_scoped3A_236 : memref<!tpu.dma_semaphore, #tpu.memory_space<semaphore_mem>>) {add = true}
          %dma_wait3A_243 = arith.constant 0 : i32
          %dma_wait3A_244 = tpu.memref_slice %arg8[%mul3A_205, %dma_wait3A_243] : memref<32x128xi32, #tpu.memory_space<vmem>> -> memref<1x128xi32, #tpu.memory_space<vmem>>
          %dma_wait3A_245 = tpu.memref_squeeze %dma_wait3A_244 : memref<1x128xi32, #tpu.memory_space<vmem>> -> memref<128xi32, #tpu.memory_space<vmem>>
          %dma_wait3A_246 = arith.constant 0 : i32
          %dma_wait3A_247 = arith.constant 0 : i32
          %dma_wait3A_248 = tpu.memref_slice %arg13[%dma_wait3A_246, %dma_wait3A_247] : memref<10240x128xf32, #tpu.memory_space<vmem_shared>> -> memref<10240x128xf32, #tpu.memory_space<vmem_shared>>
          tpu.wait_indirect_dma semaphore(%run_scoped3A_236 : memref<!tpu.dma_semaphore, #tpu.memory_space<semaphore_mem>>) src(%arg9 : memref<128x128xf32, #tpu.memory_space<vmem>>) dst(%dma_wait3A_248 : memref<10240x128xf32, #tpu.memory_space<vmem_shared>>)
          tpu.yield
        }) : () -> ()
        %add3A_220 = arith.constant 2 : i32
        %add3A_221 = arith.addi %mul3A_205, %add3A_220 : i32
        %dma_start3A_222 = arith.constant 0 : i32
        %dma_start3A_223 = tpu.memref_slice %arg7[%add3A_221, %dma_start3A_222] : memref<32x128xi32, #tpu.memory_space<vmem>> -> memref<1x128xi32, #tpu.memory_space<vmem>>
        %dma_start3A_224 = tpu.memref_squeeze %dma_start3A_223 : memref<1x128xi32, #tpu.memory_space<vmem>> -> memref<128xi32, #tpu.memory_space<vmem>>
        %dma_start3A_225 = arith.constant 0 : i32
        %dma_start3A_226 = arith.constant 0 : i32
        %dma_start3A_227 = tpu.memref_slice %arg2[%dma_start3A_225, %dma_start3A_226] : memref<10000x128xf32, #tpu.memory_space<hbm>> -> memref<10000x128xf32, #tpu.memory_space<hbm>>
        tpu.enqueue_indirect_dma source(%dma_start3A_227 : memref<10000x128xf32, #tpu.memory_space<hbm>>) target(%arg9 : memref<128x128xf32, #tpu.memory_space<vmem>>) offsets(%dma_start3A_224 : memref<128xi32, #tpu.memory_space<vmem>>) semaphore(%arg11 : memref<!tpu.dma_semaphore, #tpu.memory_space<semaphore_mem>>)
        %add3A_228 = arith.constant 1 : i32
        %add3A_229 = arith.addi %mul3A_205, %add3A_228 : i32
        %dma_wait3A_230 = arith.constant 0 : i32
        %dma_wait3A_231 = tpu.memref_slice %arg7[%add3A_229, %dma_wait3A_230] : memref<32x128xi32, #tpu.memory_space<vmem>> -> memref<1x128xi32, #tpu.memory_space<vmem>>
        %dma_wait3A_232 = tpu.memref_squeeze %dma_wait3A_231 : memref<1x128xi32, #tpu.memory_space<vmem>> -> memref<128xi32, #tpu.memory_space<vmem>>
        %dma_wait3A_233 = arith.constant 0 : i32
        %dma_wait3A_234 = arith.constant 0 : i32
        %dma_wait3A_235 = tpu.memref_slice %arg2[%dma_wait3A_233, %dma_wait3A_234] : memref<10000x128xf32, #tpu.memory_space<hbm>> -> memref<10000x128xf32, #tpu.memory_space<hbm>>
        tpu.wait_indirect_dma semaphore(%arg12 : memref<!tpu.dma_semaphore, #tpu.memory_space<semaphore_mem>>) src(%dma_wait3A_235 : memref<10000x128xf32, #tpu.memory_space<hbm>>) dst(%arg10 : memref<128x128xf32, #tpu.memory_space<vmem>>)
        "tpu.region"() ({
          %run_scoped3A_236 = tpu.sem_alloc : memref<!tpu.dma_semaphore, #tpu.memory_space<semaphore_mem>>
          %dma_start3A_237 = arith.constant 0 : i32
          %dma_start3A_238 = tpu.memref_slice %arg8[%add3A_229, %dma_start3A_237] : memref<32x128xi32, #tpu.memory_space<vmem>> -> memref<1x128xi32, #tpu.memory_space<vmem>>
          %dma_start3A_239 = tpu.memref_squeeze %dma_start3A_238 : memref<1x128xi32, #tpu.memory_space<vmem>> -> memref<128xi32, #tpu.memory_space<vmem>>
          %dma_start3A_240 = arith.constant 0 : i32
          %dma_start3A_241 = arith.constant 0 : i32
          %dma_start3A_242 = tpu.memref_slice %arg13[%dma_start3A_240, %dma_start3A_241] : memref<10240x128xf32, #tpu.memory_space<vmem_shared>> -> memref<10240x128xf32, #tpu.memory_space<vmem_shared>>
          tpu.enqueue_indirect_dma source(%arg10 : memref<128x128xf32, #tpu.memory_space<vmem>>) target(%dma_start3A_242 : memref<10240x128xf32, #tpu.memory_space<vmem_shared>>) offsets(%dma_start3A_239 : memref<128xi32, #tpu.memory_space<vmem>>) semaphore(%run_scoped3A_236 : memref<!tpu.dma_semaphore, #tpu.memory_space<semaphore_mem>>) {add = true}
          %dma_wait3A_243 = arith.constant 0 : i32
          %dma_wait3A_244 = tpu.memref_slice %arg8[%add3A_229, %dma_wait3A_243] : memref<32x128xi32, #tpu.memory_space<vmem>> -> memref<1x128xi32, #tpu.memory_space<vmem>>
          %dma_wait3A_245 = tpu.memref_squeeze %dma_wait3A_244 : memref<1x128xi32, #tpu.memory_space<vmem>> -> memref<128xi32, #tpu.memory_space<vmem>>
          %dma_wait3A_246 = arith.constant 0 : i32
          %dma_wait3A_247 = arith.constant 0 : i32
          %dma_wait3A_248 = tpu.memref_slice %arg13[%dma_wait3A_246, %dma_wait3A_247] : memref<10240x128xf32, #tpu.memory_space<vmem_shared>> -> memref<10240x128xf32, #tpu.memory_space<vmem_shared>>
          tpu.wait_indirect_dma semaphore(%run_scoped3A_236 : memref<!tpu.dma_semaphore, #tpu.memory_space<semaphore_mem>>) src(%arg10 : memref<128x128xf32, #tpu.memory_space<vmem>>) dst(%dma_wait3A_248 : memref<10240x128xf32, #tpu.memory_space<vmem_shared>>)
          tpu.yield
        }) : () -> ()
      }
      %scan3A_97 = arith.constant 15 : i32
      %dma_start3A_98 = arith.constant 31 : i32
      %dma_start3A_99 = arith.constant 0 : i32
      %dma_start3A_100 = tpu.memref_slice %arg7[%dma_start3A_98, %dma_start3A_99] : memref<32x128xi32, #tpu.memory_space<vmem>> -> memref<1x128xi32, #tpu.memory_space<vmem>>
      %dma_start3A_101 = tpu.memref_squeeze %dma_start3A_100 : memref<1x128xi32, #tpu.memory_space<vmem>> -> memref<128xi32, #tpu.memory_space<vmem>>
      %dma_start3A_102 = arith.constant 0 : i32
      %dma_start3A_103 = arith.constant 0 : i32
      %dma_start3A_104 = tpu.memref_slice %arg2[%dma_start3A_102, %dma_start3A_103] : memref<10000x128xf32, #tpu.memory_space<hbm>> -> memref<10000x128xf32, #tpu.memory_space<hbm>>
      tpu.enqueue_indirect_dma source(%dma_start3A_104 : memref<10000x128xf32, #tpu.memory_space<hbm>>) target(%arg10 : memref<128x128xf32, #tpu.memory_space<vmem>>) offsets(%dma_start3A_101 : memref<128xi32, #tpu.memory_space<vmem>>) semaphore(%arg12 : memref<!tpu.dma_semaphore, #tpu.memory_space<semaphore_mem>>)
      %dma_wait3A_105 = arith.constant 30 : i32
      %dma_wait3A_106 = arith.constant 0 : i32
      %dma_wait3A_107 = tpu.memref_slice %arg7[%dma_wait3A_105, %dma_wait3A_106] : memref<32x128xi32, #tpu.memory_space<vmem>> -> memref<1x128xi32, #tpu.memory_space<vmem>>
      %dma_wait3A_108 = tpu.memref_squeeze %dma_wait3A_107 : memref<1x128xi32, #tpu.memory_space<vmem>> -> memref<128xi32, #tpu.memory_space<vmem>>
      %dma_wait3A_109 = arith.constant 0 : i32
      %dma_wait3A_110 = arith.constant 0 : i32
      %dma_wait3A_111 = tpu.memref_slice %arg2[%dma_wait3A_109, %dma_wait3A_110] : memref<10000x128xf32, #tpu.memory_space<hbm>> -> memref<10000x128xf32, #tpu.memory_space<hbm>>
      tpu.wait_indirect_dma semaphore(%arg11 : memref<!tpu.dma_semaphore, #tpu.memory_space<semaphore_mem>>) src(%dma_wait3A_111 : memref<10000x128xf32, #tpu.memory_space<hbm>>) dst(%arg9 : memref<128x128xf32, #tpu.memory_space<vmem>>)
      %run_scoped3A_112 = arith.constant 30 : i32
      "tpu.region"() ({
        %run_scoped3A_199 = tpu.sem_alloc : memref<!tpu.dma_semaphore, #tpu.memory_space<semaphore_mem>>
        %dma_start3A_200 = arith.constant 0 : i32
        %dma_start3A_201 = tpu.memref_slice %arg8[%run_scoped3A_112, %dma_start3A_200] : memref<32x128xi32, #tpu.memory_space<vmem>> -> memref<1x128xi32, #tpu.memory_space<vmem>>
        %dma_start3A_202 = tpu.memref_squeeze %dma_start3A_201 : memref<1x128xi32, #tpu.memory_space<vmem>> -> memref<128xi32, #tpu.memory_space<vmem>>
        %dma_start3A_203 = arith.constant 0 : i32
        %dma_start3A_204 = arith.constant 0 : i32
        %dma_start3A_205 = tpu.memref_slice %arg13[%dma_start3A_203, %dma_start3A_204] : memref<10240x128xf32, #tpu.memory_space<vmem_shared>> -> memref<10240x128xf32, #tpu.memory_space<vmem_shared>>
        tpu.enqueue_indirect_dma source(%arg9 : memref<128x128xf32, #tpu.memory_space<vmem>>) target(%dma_start3A_205 : memref<10240x128xf32, #tpu.memory_space<vmem_shared>>) offsets(%dma_start3A_202 : memref<128xi32, #tpu.memory_space<vmem>>) semaphore(%run_scoped3A_199 : memref<!tpu.dma_semaphore, #tpu.memory_space<semaphore_mem>>) {add = true}
        %dma_wait3A_206 = arith.constant 0 : i32
        %dma_wait3A_207 = tpu.memref_slice %arg8[%run_scoped3A_112, %dma_wait3A_206] : memref<32x128xi32, #tpu.memory_space<vmem>> -> memref<1x128xi32, #tpu.memory_space<vmem>>
        %dma_wait3A_208 = tpu.memref_squeeze %dma_wait3A_207 : memref<1x128xi32, #tpu.memory_space<vmem>> -> memref<128xi32, #tpu.memory_space<vmem>>
        %dma_wait3A_209 = arith.constant 0 : i32
        %dma_wait3A_210 = arith.constant 0 : i32
        %dma_wait3A_211 = tpu.memref_slice %arg13[%dma_wait3A_209, %dma_wait3A_210] : memref<10240x128xf32, #tpu.memory_space<vmem_shared>> -> memref<10240x128xf32, #tpu.memory_space<vmem_shared>>
        tpu.wait_indirect_dma semaphore(%run_scoped3A_199 : memref<!tpu.dma_semaphore, #tpu.memory_space<semaphore_mem>>) src(%arg9 : memref<128x128xf32, #tpu.memory_space<vmem>>) dst(%dma_wait3A_211 : memref<10240x128xf32, #tpu.memory_space<vmem_shared>>)
        tpu.yield
      }) : () -> ()
      %dma_wait3A_113 = arith.constant 31 : i32
      %dma_wait3A_114 = arith.constant 0 : i32
      %dma_wait3A_115 = tpu.memref_slice %arg7[%dma_wait3A_113, %dma_wait3A_114] : memref<32x128xi32, #tpu.memory_space<vmem>> -> memref<1x128xi32, #tpu.memory_space<vmem>>
      %dma_wait3A_116 = tpu.memref_squeeze %dma_wait3A_115 : memref<1x128xi32, #tpu.memory_space<vmem>> -> memref<128xi32, #tpu.memory_space<vmem>>
      %dma_wait3A_117 = arith.constant 0 : i32
      %dma_wait3A_118 = arith.constant 0 : i32
      %dma_wait3A_119 = tpu.memref_slice %arg2[%dma_wait3A_117, %dma_wait3A_118] : memref<10000x128xf32, #tpu.memory_space<hbm>> -> memref<10000x128xf32, #tpu.memory_space<hbm>>
      tpu.wait_indirect_dma semaphore(%arg12 : memref<!tpu.dma_semaphore, #tpu.memory_space<semaphore_mem>>) src(%dma_wait3A_119 : memref<10000x128xf32, #tpu.memory_space<hbm>>) dst(%arg10 : memref<128x128xf32, #tpu.memory_space<vmem>>)
      %run_scoped3A_120 = arith.constant 31 : i32
      "tpu.region"() ({
        %run_scoped3A_199 = tpu.sem_alloc : memref<!tpu.dma_semaphore, #tpu.memory_space<semaphore_mem>>
        %dma_start3A_200 = arith.constant 0 : i32
        %dma_start3A_201 = tpu.memref_slice %arg8[%run_scoped3A_120, %dma_start3A_200] : memref<32x128xi32, #tpu.memory_space<vmem>> -> memref<1x128xi32, #tpu.memory_space<vmem>>
        %dma_start3A_202 = tpu.memref_squeeze %dma_start3A_201 : memref<1x128xi32, #tpu.memory_space<vmem>> -> memref<128xi32, #tpu.memory_space<vmem>>
        %dma_start3A_203 = arith.constant 0 : i32
        %dma_start3A_204 = arith.constant 0 : i32
        %dma_start3A_205 = tpu.memref_slice %arg13[%dma_start3A_203, %dma_start3A_204] : memref<10240x128xf32, #tpu.memory_space<vmem_shared>> -> memref<10240x128xf32, #tpu.memory_space<vmem_shared>>
        tpu.enqueue_indirect_dma source(%arg10 : memref<128x128xf32, #tpu.memory_space<vmem>>) target(%dma_start3A_205 : memref<10240x128xf32, #tpu.memory_space<vmem_shared>>) offsets(%dma_start3A_202 : memref<128xi32, #tpu.memory_space<vmem>>) semaphore(%run_scoped3A_199 : memref<!tpu.dma_semaphore, #tpu.memory_space<semaphore_mem>>) {add = true}
        %dma_wait3A_206 = arith.constant 0 : i32
        %dma_wait3A_207 = tpu.memref_slice %arg8[%run_scoped3A_120, %dma_wait3A_206] : memref<32x128xi32, #tpu.memory_space<vmem>> -> memref<1x128xi32, #tpu.memory_space<vmem>>
        %dma_wait3A_208 = tpu.memref_squeeze %dma_wait3A_207 : memref<1x128xi32, #tpu.memory_space<vmem>> -> memref<128xi32, #tpu.memory_space<vmem>>
        %dma_wait3A_209 = arith.constant 0 : i32
        %dma_wait3A_210 = arith.constant 0 : i32
        %dma_wait3A_211 = tpu.memref_slice %arg13[%dma_wait3A_209, %dma_wait3A_210] : memref<10240x128xf32, #tpu.memory_space<vmem_shared>> -> memref<10240x128xf32, #tpu.memory_space<vmem_shared>>
        tpu.wait_indirect_dma semaphore(%run_scoped3A_199 : memref<!tpu.dma_semaphore, #tpu.memory_space<semaphore_mem>>) src(%arg10 : memref<128x128xf32, #tpu.memory_space<vmem>>) dst(%dma_wait3A_211 : memref<10240x128xf32, #tpu.memory_space<vmem_shared>>)
        tpu.yield
      }) : () -> ()
      %mul3A_121 = arith.constant 160 : i32
      %mul3A_122 = arith.muli %arg1, %mul3A_121 : i32
      %add3A_123 = arith.constant 96 : i32
      %add3A_124 = arith.addi %mul3A_122, %add3A_123 : i32
      "tpu.region"() ({
        %run_scoped3A_199 = tpu.sem_alloc : memref<!tpu.dma_semaphore, #tpu.memory_space<semaphore_mem>>
        %dma_start3A_200 = arith.constant 0 : i32
        %dma_start3A_201 = tpu.memref_slice %arg3[%add3A_124, %dma_start3A_200] : memref<2560x128xi32, #tpu.memory_space<hbm>> -> memref<32x128xi32, #tpu.memory_space<hbm>>
        %dma_start3A_202 = arith.constant 0 : i32
        %dma_start3A_203 = tpu.memref_slice %arg3[%add3A_124, %dma_start3A_202] : memref<2560x128xi32, #tpu.memory_space<hbm>> -> memref<32x128xi32, #tpu.memory_space<hbm>>
        tpu.enqueue_dma source(%dma_start3A_203 : memref<32x128xi32, #tpu.memory_space<hbm>>) target(%arg7 : memref<32x128xi32, #tpu.memory_space<vmem>>) target_semaphore(%run_scoped3A_199 : memref<!tpu.dma_semaphore, #tpu.memory_space<semaphore_mem>>)
        %dma_wait3A_204 = arith.constant 0 : i32
        %dma_wait3A_205 = tpu.memref_slice %arg3[%add3A_124, %dma_wait3A_204] : memref<2560x128xi32, #tpu.memory_space<hbm>> -> memref<32x128xi32, #tpu.memory_space<hbm>>
        %dma_wait3A_206 = arith.constant 0 : i32
        %dma_wait3A_207 = tpu.memref_slice %arg3[%add3A_124, %dma_wait3A_206] : memref<2560x128xi32, #tpu.memory_space<hbm>> -> memref<32x128xi32, #tpu.memory_space<hbm>>
        tpu.wait_dma2 semaphore(%run_scoped3A_199 : memref<!tpu.dma_semaphore, #tpu.memory_space<semaphore_mem>>) src(%dma_wait3A_207 : memref<32x128xi32, #tpu.memory_space<hbm>>) dst(%arg7 : memref<32x128xi32, #tpu.memory_space<vmem>>)
        tpu.yield
      }) : () -> ()
      "tpu.region"() ({
        %run_scoped3A_199 = tpu.sem_alloc : memref<!tpu.dma_semaphore, #tpu.memory_space<semaphore_mem>>
        %dma_start3A_200 = arith.constant 0 : i32
        %dma_start3A_201 = tpu.memref_slice %arg4[%add3A_124, %dma_start3A_200] : memref<2560x128xi32, #tpu.memory_space<hbm>> -> memref<32x128xi32, #tpu.memory_space<hbm>>
        %dma_start3A_202 = arith.constant 0 : i32
        %dma_start3A_203 = tpu.memref_slice %arg4[%add3A_124, %dma_start3A_202] : memref<2560x128xi32, #tpu.memory_space<hbm>> -> memref<32x128xi32, #tpu.memory_space<hbm>>
        tpu.enqueue_dma source(%dma_start3A_203 : memref<32x128xi32, #tpu.memory_space<hbm>>) target(%arg8 : memref<32x128xi32, #tpu.memory_space<vmem>>) target_semaphore(%run_scoped3A_199 : memref<!tpu.dma_semaphore, #tpu.memory_space<semaphore_mem>>)
        %dma_wait3A_204 = arith.constant 0 : i32
        %dma_wait3A_205 = tpu.memref_slice %arg4[%add3A_124, %dma_wait3A_204] : memref<2560x128xi32, #tpu.memory_space<hbm>> -> memref<32x128xi32, #tpu.memory_space<hbm>>
        %dma_wait3A_206 = arith.constant 0 : i32
        %dma_wait3A_207 = tpu.memref_slice %arg4[%add3A_124, %dma_wait3A_206] : memref<2560x128xi32, #tpu.memory_space<hbm>> -> memref<32x128xi32, #tpu.memory_space<hbm>>
        tpu.wait_dma2 semaphore(%run_scoped3A_199 : memref<!tpu.dma_semaphore, #tpu.memory_space<semaphore_mem>>) src(%dma_wait3A_207 : memref<32x128xi32, #tpu.memory_space<hbm>>) dst(%arg8 : memref<32x128xi32, #tpu.memory_space<vmem>>)
        tpu.yield
      }) : () -> ()
      %dma_start3A_125 = arith.constant 0 : i32
      %dma_start3A_126 = arith.constant 0 : i32
      %dma_start3A_127 = tpu.memref_slice %arg7[%dma_start3A_125, %dma_start3A_126] : memref<32x128xi32, #tpu.memory_space<vmem>> -> memref<1x128xi32, #tpu.memory_space<vmem>>
      %dma_start3A_128 = tpu.memref_squeeze %dma_start3A_127 : memref<1x128xi32, #tpu.memory_space<vmem>> -> memref<128xi32, #tpu.memory_space<vmem>>
      %dma_start3A_129 = arith.constant 0 : i32
      %dma_start3A_130 = arith.constant 0 : i32
      %dma_start3A_131 = tpu.memref_slice %arg2[%dma_start3A_129, %dma_start3A_130] : memref<10000x128xf32, #tpu.memory_space<hbm>> -> memref<10000x128xf32, #tpu.memory_space<hbm>>
      tpu.enqueue_indirect_dma source(%dma_start3A_131 : memref<10000x128xf32, #tpu.memory_space<hbm>>) target(%arg9 : memref<128x128xf32, #tpu.memory_space<vmem>>) offsets(%dma_start3A_128 : memref<128xi32, #tpu.memory_space<vmem>>) semaphore(%arg11 : memref<!tpu.dma_semaphore, #tpu.memory_space<semaphore_mem>>)
      %scan3A_132 = arith.constant 0 : i32
      %scan3A_133 = arith.constant 15 : i32
      %scan3A_134 = arith.addi %scan3A_132, %scan3A_133 : i32
      %scan3A_135 = arith.constant 1 : i32
      scf.for %scan3A_199 = %scan3A_132 to %scan3A_134 step %scan3A_135  : i32 {
        %mul3A_200 = arith.constant 1 : i32
        %mul3A_201 = arith.muli %scan3A_199, %mul3A_200 : i32
        %add3A_202 = arith.constant 0 : i32
        %add3A_203 = arith.addi %add3A_202, %mul3A_201 : i32
        %mul3A_204 = arith.constant 2 : i32
        %mul3A_205 = arith.muli %mul3A_204, %add3A_203 : i32
        %add3A_206 = arith.constant 1 : i32
        %add3A_207 = arith.addi %mul3A_205, %add3A_206 : i32
        %dma_start3A_208 = arith.constant 0 : i32
        %dma_start3A_209 = tpu.memref_slice %arg7[%add3A_207, %dma_start3A_208] : memref<32x128xi32, #tpu.memory_space<vmem>> -> memref<1x128xi32, #tpu.memory_space<vmem>>
        %dma_start3A_210 = tpu.memref_squeeze %dma_start3A_209 : memref<1x128xi32, #tpu.memory_space<vmem>> -> memref<128xi32, #tpu.memory_space<vmem>>
        %dma_start3A_211 = arith.constant 0 : i32
        %dma_start3A_212 = arith.constant 0 : i32
        %dma_start3A_213 = tpu.memref_slice %arg2[%dma_start3A_211, %dma_start3A_212] : memref<10000x128xf32, #tpu.memory_space<hbm>> -> memref<10000x128xf32, #tpu.memory_space<hbm>>
        tpu.enqueue_indirect_dma source(%dma_start3A_213 : memref<10000x128xf32, #tpu.memory_space<hbm>>) target(%arg10 : memref<128x128xf32, #tpu.memory_space<vmem>>) offsets(%dma_start3A_210 : memref<128xi32, #tpu.memory_space<vmem>>) semaphore(%arg12 : memref<!tpu.dma_semaphore, #tpu.memory_space<semaphore_mem>>)
        %dma_wait3A_214 = arith.constant 0 : i32
        %dma_wait3A_215 = tpu.memref_slice %arg7[%mul3A_205, %dma_wait3A_214] : memref<32x128xi32, #tpu.memory_space<vmem>> -> memref<1x128xi32, #tpu.memory_space<vmem>>
        %dma_wait3A_216 = tpu.memref_squeeze %dma_wait3A_215 : memref<1x128xi32, #tpu.memory_space<vmem>> -> memref<128xi32, #tpu.memory_space<vmem>>
        %dma_wait3A_217 = arith.constant 0 : i32
        %dma_wait3A_218 = arith.constant 0 : i32
        %dma_wait3A_219 = tpu.memref_slice %arg2[%dma_wait3A_217, %dma_wait3A_218] : memref<10000x128xf32, #tpu.memory_space<hbm>> -> memref<10000x128xf32, #tpu.memory_space<hbm>>
        tpu.wait_indirect_dma semaphore(%arg11 : memref<!tpu.dma_semaphore, #tpu.memory_space<semaphore_mem>>) src(%dma_wait3A_219 : memref<10000x128xf32, #tpu.memory_space<hbm>>) dst(%arg9 : memref<128x128xf32, #tpu.memory_space<vmem>>)
        "tpu.region"() ({
          %run_scoped3A_236 = tpu.sem_alloc : memref<!tpu.dma_semaphore, #tpu.memory_space<semaphore_mem>>
          %dma_start3A_237 = arith.constant 0 : i32
          %dma_start3A_238 = tpu.memref_slice %arg8[%mul3A_205, %dma_start3A_237] : memref<32x128xi32, #tpu.memory_space<vmem>> -> memref<1x128xi32, #tpu.memory_space<vmem>>
          %dma_start3A_239 = tpu.memref_squeeze %dma_start3A_238 : memref<1x128xi32, #tpu.memory_space<vmem>> -> memref<128xi32, #tpu.memory_space<vmem>>
          %dma_start3A_240 = arith.constant 0 : i32
          %dma_start3A_241 = arith.constant 0 : i32
          %dma_start3A_242 = tpu.memref_slice %arg13[%dma_start3A_240, %dma_start3A_241] : memref<10240x128xf32, #tpu.memory_space<vmem_shared>> -> memref<10240x128xf32, #tpu.memory_space<vmem_shared>>
          tpu.enqueue_indirect_dma source(%arg9 : memref<128x128xf32, #tpu.memory_space<vmem>>) target(%dma_start3A_242 : memref<10240x128xf32, #tpu.memory_space<vmem_shared>>) offsets(%dma_start3A_239 : memref<128xi32, #tpu.memory_space<vmem>>) semaphore(%run_scoped3A_236 : memref<!tpu.dma_semaphore, #tpu.memory_space<semaphore_mem>>) {add = true}
          %dma_wait3A_243 = arith.constant 0 : i32
          %dma_wait3A_244 = tpu.memref_slice %arg8[%mul3A_205, %dma_wait3A_243] : memref<32x128xi32, #tpu.memory_space<vmem>> -> memref<1x128xi32, #tpu.memory_space<vmem>>
          %dma_wait3A_245 = tpu.memref_squeeze %dma_wait3A_244 : memref<1x128xi32, #tpu.memory_space<vmem>> -> memref<128xi32, #tpu.memory_space<vmem>>
          %dma_wait3A_246 = arith.constant 0 : i32
          %dma_wait3A_247 = arith.constant 0 : i32
          %dma_wait3A_248 = tpu.memref_slice %arg13[%dma_wait3A_246, %dma_wait3A_247] : memref<10240x128xf32, #tpu.memory_space<vmem_shared>> -> memref<10240x128xf32, #tpu.memory_space<vmem_shared>>
          tpu.wait_indirect_dma semaphore(%run_scoped3A_236 : memref<!tpu.dma_semaphore, #tpu.memory_space<semaphore_mem>>) src(%arg9 : memref<128x128xf32, #tpu.memory_space<vmem>>) dst(%dma_wait3A_248 : memref<10240x128xf32, #tpu.memory_space<vmem_shared>>)
          tpu.yield
        }) : () -> ()
        %add3A_220 = arith.constant 2 : i32
        %add3A_221 = arith.addi %mul3A_205, %add3A_220 : i32
        %dma_start3A_222 = arith.constant 0 : i32
        %dma_start3A_223 = tpu.memref_slice %arg7[%add3A_221, %dma_start3A_222] : memref<32x128xi32, #tpu.memory_space<vmem>> -> memref<1x128xi32, #tpu.memory_space<vmem>>
        %dma_start3A_224 = tpu.memref_squeeze %dma_start3A_223 : memref<1x128xi32, #tpu.memory_space<vmem>> -> memref<128xi32, #tpu.memory_space<vmem>>
        %dma_start3A_225 = arith.constant 0 : i32
        %dma_start3A_226 = arith.constant 0 : i32
        %dma_start3A_227 = tpu.memref_slice %arg2[%dma_start3A_225, %dma_start3A_226] : memref<10000x128xf32, #tpu.memory_space<hbm>> -> memref<10000x128xf32, #tpu.memory_space<hbm>>
        tpu.enqueue_indirect_dma source(%dma_start3A_227 : memref<10000x128xf32, #tpu.memory_space<hbm>>) target(%arg9 : memref<128x128xf32, #tpu.memory_space<vmem>>) offsets(%dma_start3A_224 : memref<128xi32, #tpu.memory_space<vmem>>) semaphore(%arg11 : memref<!tpu.dma_semaphore, #tpu.memory_space<semaphore_mem>>)
        %add3A_228 = arith.constant 1 : i32
        %add3A_229 = arith.addi %mul3A_205, %add3A_228 : i32
        %dma_wait3A_230 = arith.constant 0 : i32
        %dma_wait3A_231 = tpu.memref_slice %arg7[%add3A_229, %dma_wait3A_230] : memref<32x128xi32, #tpu.memory_space<vmem>> -> memref<1x128xi32, #tpu.memory_space<vmem>>
        %dma_wait3A_232 = tpu.memref_squeeze %dma_wait3A_231 : memref<1x128xi32, #tpu.memory_space<vmem>> -> memref<128xi32, #tpu.memory_space<vmem>>
        %dma_wait3A_233 = arith.constant 0 : i32
        %dma_wait3A_234 = arith.constant 0 : i32
        %dma_wait3A_235 = tpu.memref_slice %arg2[%dma_wait3A_233, %dma_wait3A_234] : memref<10000x128xf32, #tpu.memory_space<hbm>> -> memref<10000x128xf32, #tpu.memory_space<hbm>>
        tpu.wait_indirect_dma semaphore(%arg12 : memref<!tpu.dma_semaphore, #tpu.memory_space<semaphore_mem>>) src(%dma_wait3A_235 : memref<10000x128xf32, #tpu.memory_space<hbm>>) dst(%arg10 : memref<128x128xf32, #tpu.memory_space<vmem>>)
        "tpu.region"() ({
          %run_scoped3A_236 = tpu.sem_alloc : memref<!tpu.dma_semaphore, #tpu.memory_space<semaphore_mem>>
          %dma_start3A_237 = arith.constant 0 : i32
          %dma_start3A_238 = tpu.memref_slice %arg8[%add3A_229, %dma_start3A_237] : memref<32x128xi32, #tpu.memory_space<vmem>> -> memref<1x128xi32, #tpu.memory_space<vmem>>
          %dma_start3A_239 = tpu.memref_squeeze %dma_start3A_238 : memref<1x128xi32, #tpu.memory_space<vmem>> -> memref<128xi32, #tpu.memory_space<vmem>>
          %dma_start3A_240 = arith.constant 0 : i32
          %dma_start3A_241 = arith.constant 0 : i32
          %dma_start3A_242 = tpu.memref_slice %arg13[%dma_start3A_240, %dma_start3A_241] : memref<10240x128xf32, #tpu.memory_space<vmem_shared>> -> memref<10240x128xf32, #tpu.memory_space<vmem_shared>>
          tpu.enqueue_indirect_dma source(%arg10 : memref<128x128xf32, #tpu.memory_space<vmem>>) target(%dma_start3A_242 : memref<10240x128xf32, #tpu.memory_space<vmem_shared>>) offsets(%dma_start3A_239 : memref<128xi32, #tpu.memory_space<vmem>>) semaphore(%run_scoped3A_236 : memref<!tpu.dma_semaphore, #tpu.memory_space<semaphore_mem>>) {add = true}
          %dma_wait3A_243 = arith.constant 0 : i32
          %dma_wait3A_244 = tpu.memref_slice %arg8[%add3A_229, %dma_wait3A_243] : memref<32x128xi32, #tpu.memory_space<vmem>> -> memref<1x128xi32, #tpu.memory_space<vmem>>
          %dma_wait3A_245 = tpu.memref_squeeze %dma_wait3A_244 : memref<1x128xi32, #tpu.memory_space<vmem>> -> memref<128xi32, #tpu.memory_space<vmem>>
          %dma_wait3A_246 = arith.constant 0 : i32
          %dma_wait3A_247 = arith.constant 0 : i32
          %dma_wait3A_248 = tpu.memref_slice %arg13[%dma_wait3A_246, %dma_wait3A_247] : memref<10240x128xf32, #tpu.memory_space<vmem_shared>> -> memref<10240x128xf32, #tpu.memory_space<vmem_shared>>
          tpu.wait_indirect_dma semaphore(%run_scoped3A_236 : memref<!tpu.dma_semaphore, #tpu.memory_space<semaphore_mem>>) src(%arg10 : memref<128x128xf32, #tpu.memory_space<vmem>>) dst(%dma_wait3A_248 : memref<10240x128xf32, #tpu.memory_space<vmem_shared>>)
          tpu.yield
        }) : () -> ()
      }
      %scan3A_136 = arith.constant 15 : i32
      %dma_start3A_137 = arith.constant 31 : i32
      %dma_start3A_138 = arith.constant 0 : i32
      %dma_start3A_139 = tpu.memref_slice %arg7[%dma_start3A_137, %dma_start3A_138] : memref<32x128xi32, #tpu.memory_space<vmem>> -> memref<1x128xi32, #tpu.memory_space<vmem>>
      %dma_start3A_140 = tpu.memref_squeeze %dma_start3A_139 : memref<1x128xi32, #tpu.memory_space<vmem>> -> memref<128xi32, #tpu.memory_space<vmem>>
      %dma_start3A_141 = arith.constant 0 : i32
      %dma_start3A_142 = arith.constant 0 : i32
      %dma_start3A_143 = tpu.memref_slice %arg2[%dma_start3A_141, %dma_start3A_142] : memref<10000x128xf32, #tpu.memory_space<hbm>> -> memref<10000x128xf32, #tpu.memory_space<hbm>>
      tpu.enqueue_indirect_dma source(%dma_start3A_143 : memref<10000x128xf32, #tpu.memory_space<hbm>>) target(%arg10 : memref<128x128xf32, #tpu.memory_space<vmem>>) offsets(%dma_start3A_140 : memref<128xi32, #tpu.memory_space<vmem>>) semaphore(%arg12 : memref<!tpu.dma_semaphore, #tpu.memory_space<semaphore_mem>>)
      %dma_wait3A_144 = arith.constant 30 : i32
      %dma_wait3A_145 = arith.constant 0 : i32
      %dma_wait3A_146 = tpu.memref_slice %arg7[%dma_wait3A_144, %dma_wait3A_145] : memref<32x128xi32, #tpu.memory_space<vmem>> -> memref<1x128xi32, #tpu.memory_space<vmem>>
      %dma_wait3A_147 = tpu.memref_squeeze %dma_wait3A_146 : memref<1x128xi32, #tpu.memory_space<vmem>> -> memref<128xi32, #tpu.memory_space<vmem>>
      %dma_wait3A_148 = arith.constant 0 : i32
      %dma_wait3A_149 = arith.constant 0 : i32
      %dma_wait3A_150 = tpu.memref_slice %arg2[%dma_wait3A_148, %dma_wait3A_149] : memref<10000x128xf32, #tpu.memory_space<hbm>> -> memref<10000x128xf32, #tpu.memory_space<hbm>>
      tpu.wait_indirect_dma semaphore(%arg11 : memref<!tpu.dma_semaphore, #tpu.memory_space<semaphore_mem>>) src(%dma_wait3A_150 : memref<10000x128xf32, #tpu.memory_space<hbm>>) dst(%arg9 : memref<128x128xf32, #tpu.memory_space<vmem>>)
      %run_scoped3A_151 = arith.constant 30 : i32
      "tpu.region"() ({
        %run_scoped3A_199 = tpu.sem_alloc : memref<!tpu.dma_semaphore, #tpu.memory_space<semaphore_mem>>
        %dma_start3A_200 = arith.constant 0 : i32
        %dma_start3A_201 = tpu.memref_slice %arg8[%run_scoped3A_151, %dma_start3A_200] : memref<32x128xi32, #tpu.memory_space<vmem>> -> memref<1x128xi32, #tpu.memory_space<vmem>>
        %dma_start3A_202 = tpu.memref_squeeze %dma_start3A_201 : memref<1x128xi32, #tpu.memory_space<vmem>> -> memref<128xi32, #tpu.memory_space<vmem>>
        %dma_start3A_203 = arith.constant 0 : i32
        %dma_start3A_204 = arith.constant 0 : i32
        %dma_start3A_205 = tpu.memref_slice %arg13[%dma_start3A_203, %dma_start3A_204] : memref<10240x128xf32, #tpu.memory_space<vmem_shared>> -> memref<10240x128xf32, #tpu.memory_space<vmem_shared>>
        tpu.enqueue_indirect_dma source(%arg9 : memref<128x128xf32, #tpu.memory_space<vmem>>) target(%dma_start3A_205 : memref<10240x128xf32, #tpu.memory_space<vmem_shared>>) offsets(%dma_start3A_202 : memref<128xi32, #tpu.memory_space<vmem>>) semaphore(%run_scoped3A_199 : memref<!tpu.dma_semaphore, #tpu.memory_space<semaphore_mem>>) {add = true}
        %dma_wait3A_206 = arith.constant 0 : i32
        %dma_wait3A_207 = tpu.memref_slice %arg8[%run_scoped3A_151, %dma_wait3A_206] : memref<32x128xi32, #tpu.memory_space<vmem>> -> memref<1x128xi32, #tpu.memory_space<vmem>>
        %dma_wait3A_208 = tpu.memref_squeeze %dma_wait3A_207 : memref<1x128xi32, #tpu.memory_space<vmem>> -> memref<128xi32, #tpu.memory_space<vmem>>
        %dma_wait3A_209 = arith.constant 0 : i32
        %dma_wait3A_210 = arith.constant 0 : i32
        %dma_wait3A_211 = tpu.memref_slice %arg13[%dma_wait3A_209, %dma_wait3A_210] : memref<10240x128xf32, #tpu.memory_space<vmem_shared>> -> memref<10240x128xf32, #tpu.memory_space<vmem_shared>>
        tpu.wait_indirect_dma semaphore(%run_scoped3A_199 : memref<!tpu.dma_semaphore, #tpu.memory_space<semaphore_mem>>) src(%arg9 : memref<128x128xf32, #tpu.memory_space<vmem>>) dst(%dma_wait3A_211 : memref<10240x128xf32, #tpu.memory_space<vmem_shared>>)
        tpu.yield
      }) : () -> ()
      %dma_wait3A_152 = arith.constant 31 : i32
      %dma_wait3A_153 = arith.constant 0 : i32
      %dma_wait3A_154 = tpu.memref_slice %arg7[%dma_wait3A_152, %dma_wait3A_153] : memref<32x128xi32, #tpu.memory_space<vmem>> -> memref<1x128xi32, #tpu.memory_space<vmem>>
      %dma_wait3A_155 = tpu.memref_squeeze %dma_wait3A_154 : memref<1x128xi32, #tpu.memory_space<vmem>> -> memref<128xi32, #tpu.memory_space<vmem>>
      %dma_wait3A_156 = arith.constant 0 : i32
      %dma_wait3A_157 = arith.constant 0 : i32
      %dma_wait3A_158 = tpu.memref_slice %arg2[%dma_wait3A_156, %dma_wait3A_157] : memref<10000x128xf32, #tpu.memory_space<hbm>> -> memref<10000x128xf32, #tpu.memory_space<hbm>>
      tpu.wait_indirect_dma semaphore(%arg12 : memref<!tpu.dma_semaphore, #tpu.memory_space<semaphore_mem>>) src(%dma_wait3A_158 : memref<10000x128xf32, #tpu.memory_space<hbm>>) dst(%arg10 : memref<128x128xf32, #tpu.memory_space<vmem>>)
      %run_scoped3A_159 = arith.constant 31 : i32
      "tpu.region"() ({
        %run_scoped3A_199 = tpu.sem_alloc : memref<!tpu.dma_semaphore, #tpu.memory_space<semaphore_mem>>
        %dma_start3A_200 = arith.constant 0 : i32
        %dma_start3A_201 = tpu.memref_slice %arg8[%run_scoped3A_159, %dma_start3A_200] : memref<32x128xi32, #tpu.memory_space<vmem>> -> memref<1x128xi32, #tpu.memory_space<vmem>>
        %dma_start3A_202 = tpu.memref_squeeze %dma_start3A_201 : memref<1x128xi32, #tpu.memory_space<vmem>> -> memref<128xi32, #tpu.memory_space<vmem>>
        %dma_start3A_203 = arith.constant 0 : i32
        %dma_start3A_204 = arith.constant 0 : i32
        %dma_start3A_205 = tpu.memref_slice %arg13[%dma_start3A_203, %dma_start3A_204] : memref<10240x128xf32, #tpu.memory_space<vmem_shared>> -> memref<10240x128xf32, #tpu.memory_space<vmem_shared>>
        tpu.enqueue_indirect_dma source(%arg10 : memref<128x128xf32, #tpu.memory_space<vmem>>) target(%dma_start3A_205 : memref<10240x128xf32, #tpu.memory_space<vmem_shared>>) offsets(%dma_start3A_202 : memref<128xi32, #tpu.memory_space<vmem>>) semaphore(%run_scoped3A_199 : memref<!tpu.dma_semaphore, #tpu.memory_space<semaphore_mem>>) {add = true}
        %dma_wait3A_206 = arith.constant 0 : i32
        %dma_wait3A_207 = tpu.memref_slice %arg8[%run_scoped3A_159, %dma_wait3A_206] : memref<32x128xi32, #tpu.memory_space<vmem>> -> memref<1x128xi32, #tpu.memory_space<vmem>>
        %dma_wait3A_208 = tpu.memref_squeeze %dma_wait3A_207 : memref<1x128xi32, #tpu.memory_space<vmem>> -> memref<128xi32, #tpu.memory_space<vmem>>
        %dma_wait3A_209 = arith.constant 0 : i32
        %dma_wait3A_210 = arith.constant 0 : i32
        %dma_wait3A_211 = tpu.memref_slice %arg13[%dma_wait3A_209, %dma_wait3A_210] : memref<10240x128xf32, #tpu.memory_space<vmem_shared>> -> memref<10240x128xf32, #tpu.memory_space<vmem_shared>>
        tpu.wait_indirect_dma semaphore(%run_scoped3A_199 : memref<!tpu.dma_semaphore, #tpu.memory_space<semaphore_mem>>) src(%arg10 : memref<128x128xf32, #tpu.memory_space<vmem>>) dst(%dma_wait3A_211 : memref<10240x128xf32, #tpu.memory_space<vmem_shared>>)
        tpu.yield
      }) : () -> ()
      %mul3A_160 = arith.constant 160 : i32
      %mul3A_161 = arith.muli %arg1, %mul3A_160 : i32
      %add3A_162 = arith.constant 128 : i32
      %add3A_163 = arith.addi %mul3A_161, %add3A_162 : i32
      "tpu.region"() ({
        %run_scoped3A_199 = tpu.sem_alloc : memref<!tpu.dma_semaphore, #tpu.memory_space<semaphore_mem>>
        %dma_start3A_200 = arith.constant 0 : i32
        %dma_start3A_201 = tpu.memref_slice %arg3[%add3A_163, %dma_start3A_200] : memref<2560x128xi32, #tpu.memory_space<hbm>> -> memref<32x128xi32, #tpu.memory_space<hbm>>
        %dma_start3A_202 = arith.constant 0 : i32
        %dma_start3A_203 = tpu.memref_slice %arg3[%add3A_163, %dma_start3A_202] : memref<2560x128xi32, #tpu.memory_space<hbm>> -> memref<32x128xi32, #tpu.memory_space<hbm>>
        tpu.enqueue_dma source(%dma_start3A_203 : memref<32x128xi32, #tpu.memory_space<hbm>>) target(%arg7 : memref<32x128xi32, #tpu.memory_space<vmem>>) target_semaphore(%run_scoped3A_199 : memref<!tpu.dma_semaphore, #tpu.memory_space<semaphore_mem>>)
        %dma_wait3A_204 = arith.constant 0 : i32
        %dma_wait3A_205 = tpu.memref_slice %arg3[%add3A_163, %dma_wait3A_204] : memref<2560x128xi32, #tpu.memory_space<hbm>> -> memref<32x128xi32, #tpu.memory_space<hbm>>
        %dma_wait3A_206 = arith.constant 0 : i32
        %dma_wait3A_207 = tpu.memref_slice %arg3[%add3A_163, %dma_wait3A_206] : memref<2560x128xi32, #tpu.memory_space<hbm>> -> memref<32x128xi32, #tpu.memory_space<hbm>>
        tpu.wait_dma2 semaphore(%run_scoped3A_199 : memref<!tpu.dma_semaphore, #tpu.memory_space<semaphore_mem>>) src(%dma_wait3A_207 : memref<32x128xi32, #tpu.memory_space<hbm>>) dst(%arg7 : memref<32x128xi32, #tpu.memory_space<vmem>>)
        tpu.yield
      }) : () -> ()
      "tpu.region"() ({
        %run_scoped3A_199 = tpu.sem_alloc : memref<!tpu.dma_semaphore, #tpu.memory_space<semaphore_mem>>
        %dma_start3A_200 = arith.constant 0 : i32
        %dma_start3A_201 = tpu.memref_slice %arg4[%add3A_163, %dma_start3A_200] : memref<2560x128xi32, #tpu.memory_space<hbm>> -> memref<32x128xi32, #tpu.memory_space<hbm>>
        %dma_start3A_202 = arith.constant 0 : i32
        %dma_start3A_203 = tpu.memref_slice %arg4[%add3A_163, %dma_start3A_202] : memref<2560x128xi32, #tpu.memory_space<hbm>> -> memref<32x128xi32, #tpu.memory_space<hbm>>
        tpu.enqueue_dma source(%dma_start3A_203 : memref<32x128xi32, #tpu.memory_space<hbm>>) target(%arg8 : memref<32x128xi32, #tpu.memory_space<vmem>>) target_semaphore(%run_scoped3A_199 : memref<!tpu.dma_semaphore, #tpu.memory_space<semaphore_mem>>)
        %dma_wait3A_204 = arith.constant 0 : i32
        %dma_wait3A_205 = tpu.memref_slice %arg4[%add3A_163, %dma_wait3A_204] : memref<2560x128xi32, #tpu.memory_space<hbm>> -> memref<32x128xi32, #tpu.memory_space<hbm>>
        %dma_wait3A_206 = arith.constant 0 : i32
        %dma_wait3A_207 = tpu.memref_slice %arg4[%add3A_163, %dma_wait3A_206] : memref<2560x128xi32, #tpu.memory_space<hbm>> -> memref<32x128xi32, #tpu.memory_space<hbm>>
        tpu.wait_dma2 semaphore(%run_scoped3A_199 : memref<!tpu.dma_semaphore, #tpu.memory_space<semaphore_mem>>) src(%dma_wait3A_207 : memref<32x128xi32, #tpu.memory_space<hbm>>) dst(%arg8 : memref<32x128xi32, #tpu.memory_space<vmem>>)
        tpu.yield
      }) : () -> ()
      %dma_start3A_164 = arith.constant 0 : i32
      %dma_start3A_165 = arith.constant 0 : i32
      %dma_start3A_166 = tpu.memref_slice %arg7[%dma_start3A_164, %dma_start3A_165] : memref<32x128xi32, #tpu.memory_space<vmem>> -> memref<1x128xi32, #tpu.memory_space<vmem>>
      %dma_start3A_167 = tpu.memref_squeeze %dma_start3A_166 : memref<1x128xi32, #tpu.memory_space<vmem>> -> memref<128xi32, #tpu.memory_space<vmem>>
      %dma_start3A_168 = arith.constant 0 : i32
      %dma_start3A_169 = arith.constant 0 : i32
      %dma_start3A_170 = tpu.memref_slice %arg2[%dma_start3A_168, %dma_start3A_169] : memref<10000x128xf32, #tpu.memory_space<hbm>> -> memref<10000x128xf32, #tpu.memory_space<hbm>>
      tpu.enqueue_indirect_dma source(%dma_start3A_170 : memref<10000x128xf32, #tpu.memory_space<hbm>>) target(%arg9 : memref<128x128xf32, #tpu.memory_space<vmem>>) offsets(%dma_start3A_167 : memref<128xi32, #tpu.memory_space<vmem>>) semaphore(%arg11 : memref<!tpu.dma_semaphore, #tpu.memory_space<semaphore_mem>>)
      %scan3A_171 = arith.constant 0 : i32
      %scan3A_172 = arith.constant 15 : i32
      %scan3A_173 = arith.addi %scan3A_171, %scan3A_172 : i32
      %scan3A_174 = arith.constant 1 : i32
      scf.for %scan3A_199 = %scan3A_171 to %scan3A_173 step %scan3A_174  : i32 {
        %mul3A_200 = arith.constant 1 : i32
        %mul3A_201 = arith.muli %scan3A_199, %mul3A_200 : i32
        %add3A_202 = arith.constant 0 : i32
        %add3A_203 = arith.addi %add3A_202, %mul3A_201 : i32
        %mul3A_204 = arith.constant 2 : i32
        %mul3A_205 = arith.muli %mul3A_204, %add3A_203 : i32
        %add3A_206 = arith.constant 1 : i32
        %add3A_207 = arith.addi %mul3A_205, %add3A_206 : i32
        %dma_start3A_208 = arith.constant 0 : i32
        %dma_start3A_209 = tpu.memref_slice %arg7[%add3A_207, %dma_start3A_208] : memref<32x128xi32, #tpu.memory_space<vmem>> -> memref<1x128xi32, #tpu.memory_space<vmem>>
        %dma_start3A_210 = tpu.memref_squeeze %dma_start3A_209 : memref<1x128xi32, #tpu.memory_space<vmem>> -> memref<128xi32, #tpu.memory_space<vmem>>
        %dma_start3A_211 = arith.constant 0 : i32
        %dma_start3A_212 = arith.constant 0 : i32
        %dma_start3A_213 = tpu.memref_slice %arg2[%dma_start3A_211, %dma_start3A_212] : memref<10000x128xf32, #tpu.memory_space<hbm>> -> memref<10000x128xf32, #tpu.memory_space<hbm>>
        tpu.enqueue_indirect_dma source(%dma_start3A_213 : memref<10000x128xf32, #tpu.memory_space<hbm>>) target(%arg10 : memref<128x128xf32, #tpu.memory_space<vmem>>) offsets(%dma_start3A_210 : memref<128xi32, #tpu.memory_space<vmem>>) semaphore(%arg12 : memref<!tpu.dma_semaphore, #tpu.memory_space<semaphore_mem>>)
        %dma_wait3A_214 = arith.constant 0 : i32
        %dma_wait3A_215 = tpu.memref_slice %arg7[%mul3A_205, %dma_wait3A_214] : memref<32x128xi32, #tpu.memory_space<vmem>> -> memref<1x128xi32, #tpu.memory_space<vmem>>
        %dma_wait3A_216 = tpu.memref_squeeze %dma_wait3A_215 : memref<1x128xi32, #tpu.memory_space<vmem>> -> memref<128xi32, #tpu.memory_space<vmem>>
        %dma_wait3A_217 = arith.constant 0 : i32
        %dma_wait3A_218 = arith.constant 0 : i32
        %dma_wait3A_219 = tpu.memref_slice %arg2[%dma_wait3A_217, %dma_wait3A_218] : memref<10000x128xf32, #tpu.memory_space<hbm>> -> memref<10000x128xf32, #tpu.memory_space<hbm>>
        tpu.wait_indirect_dma semaphore(%arg11 : memref<!tpu.dma_semaphore, #tpu.memory_space<semaphore_mem>>) src(%dma_wait3A_219 : memref<10000x128xf32, #tpu.memory_space<hbm>>) dst(%arg9 : memref<128x128xf32, #tpu.memory_space<vmem>>)
        "tpu.region"() ({
          %run_scoped3A_236 = tpu.sem_alloc : memref<!tpu.dma_semaphore, #tpu.memory_space<semaphore_mem>>
          %dma_start3A_237 = arith.constant 0 : i32
          %dma_start3A_238 = tpu.memref_slice %arg8[%mul3A_205, %dma_start3A_237] : memref<32x128xi32, #tpu.memory_space<vmem>> -> memref<1x128xi32, #tpu.memory_space<vmem>>
          %dma_start3A_239 = tpu.memref_squeeze %dma_start3A_238 : memref<1x128xi32, #tpu.memory_space<vmem>> -> memref<128xi32, #tpu.memory_space<vmem>>
          %dma_start3A_240 = arith.constant 0 : i32
          %dma_start3A_241 = arith.constant 0 : i32
          %dma_start3A_242 = tpu.memref_slice %arg13[%dma_start3A_240, %dma_start3A_241] : memref<10240x128xf32, #tpu.memory_space<vmem_shared>> -> memref<10240x128xf32, #tpu.memory_space<vmem_shared>>
          tpu.enqueue_indirect_dma source(%arg9 : memref<128x128xf32, #tpu.memory_space<vmem>>) target(%dma_start3A_242 : memref<10240x128xf32, #tpu.memory_space<vmem_shared>>) offsets(%dma_start3A_239 : memref<128xi32, #tpu.memory_space<vmem>>) semaphore(%run_scoped3A_236 : memref<!tpu.dma_semaphore, #tpu.memory_space<semaphore_mem>>) {add = true}
          %dma_wait3A_243 = arith.constant 0 : i32
          %dma_wait3A_244 = tpu.memref_slice %arg8[%mul3A_205, %dma_wait3A_243] : memref<32x128xi32, #tpu.memory_space<vmem>> -> memref<1x128xi32, #tpu.memory_space<vmem>>
          %dma_wait3A_245 = tpu.memref_squeeze %dma_wait3A_244 : memref<1x128xi32, #tpu.memory_space<vmem>> -> memref<128xi32, #tpu.memory_space<vmem>>
          %dma_wait3A_246 = arith.constant 0 : i32
          %dma_wait3A_247 = arith.constant 0 : i32
          %dma_wait3A_248 = tpu.memref_slice %arg13[%dma_wait3A_246, %dma_wait3A_247] : memref<10240x128xf32, #tpu.memory_space<vmem_shared>> -> memref<10240x128xf32, #tpu.memory_space<vmem_shared>>
          tpu.wait_indirect_dma semaphore(%run_scoped3A_236 : memref<!tpu.dma_semaphore, #tpu.memory_space<semaphore_mem>>) src(%arg9 : memref<128x128xf32, #tpu.memory_space<vmem>>) dst(%dma_wait3A_248 : memref<10240x128xf32, #tpu.memory_space<vmem_shared>>)
          tpu.yield
        }) : () -> ()
        %add3A_220 = arith.constant 2 : i32
        %add3A_221 = arith.addi %mul3A_205, %add3A_220 : i32
        %dma_start3A_222 = arith.constant 0 : i32
        %dma_start3A_223 = tpu.memref_slice %arg7[%add3A_221, %dma_start3A_222] : memref<32x128xi32, #tpu.memory_space<vmem>> -> memref<1x128xi32, #tpu.memory_space<vmem>>
        %dma_start3A_224 = tpu.memref_squeeze %dma_start3A_223 : memref<1x128xi32, #tpu.memory_space<vmem>> -> memref<128xi32, #tpu.memory_space<vmem>>
        %dma_start3A_225 = arith.constant 0 : i32
        %dma_start3A_226 = arith.constant 0 : i32
        %dma_start3A_227 = tpu.memref_slice %arg2[%dma_start3A_225, %dma_start3A_226] : memref<10000x128xf32, #tpu.memory_space<hbm>> -> memref<10000x128xf32, #tpu.memory_space<hbm>>
        tpu.enqueue_indirect_dma source(%dma_start3A_227 : memref<10000x128xf32, #tpu.memory_space<hbm>>) target(%arg9 : memref<128x128xf32, #tpu.memory_space<vmem>>) offsets(%dma_start3A_224 : memref<128xi32, #tpu.memory_space<vmem>>) semaphore(%arg11 : memref<!tpu.dma_semaphore, #tpu.memory_space<semaphore_mem>>)
        %add3A_228 = arith.constant 1 : i32
        %add3A_229 = arith.addi %mul3A_205, %add3A_228 : i32
        %dma_wait3A_230 = arith.constant 0 : i32
        %dma_wait3A_231 = tpu.memref_slice %arg7[%add3A_229, %dma_wait3A_230] : memref<32x128xi32, #tpu.memory_space<vmem>> -> memref<1x128xi32, #tpu.memory_space<vmem>>
        %dma_wait3A_232 = tpu.memref_squeeze %dma_wait3A_231 : memref<1x128xi32, #tpu.memory_space<vmem>> -> memref<128xi32, #tpu.memory_space<vmem>>
        %dma_wait3A_233 = arith.constant 0 : i32
        %dma_wait3A_234 = arith.constant 0 : i32
        %dma_wait3A_235 = tpu.memref_slice %arg2[%dma_wait3A_233, %dma_wait3A_234] : memref<10000x128xf32, #tpu.memory_space<hbm>> -> memref<10000x128xf32, #tpu.memory_space<hbm>>
        tpu.wait_indirect_dma semaphore(%arg12 : memref<!tpu.dma_semaphore, #tpu.memory_space<semaphore_mem>>) src(%dma_wait3A_235 : memref<10000x128xf32, #tpu.memory_space<hbm>>) dst(%arg10 : memref<128x128xf32, #tpu.memory_space<vmem>>)
        "tpu.region"() ({
          %run_scoped3A_236 = tpu.sem_alloc : memref<!tpu.dma_semaphore, #tpu.memory_space<semaphore_mem>>
          %dma_start3A_237 = arith.constant 0 : i32
          %dma_start3A_238 = tpu.memref_slice %arg8[%add3A_229, %dma_start3A_237] : memref<32x128xi32, #tpu.memory_space<vmem>> -> memref<1x128xi32, #tpu.memory_space<vmem>>
          %dma_start3A_239 = tpu.memref_squeeze %dma_start3A_238 : memref<1x128xi32, #tpu.memory_space<vmem>> -> memref<128xi32, #tpu.memory_space<vmem>>
          %dma_start3A_240 = arith.constant 0 : i32
          %dma_start3A_241 = arith.constant 0 : i32
          %dma_start3A_242 = tpu.memref_slice %arg13[%dma_start3A_240, %dma_start3A_241] : memref<10240x128xf32, #tpu.memory_space<vmem_shared>> -> memref<10240x128xf32, #tpu.memory_space<vmem_shared>>
          tpu.enqueue_indirect_dma source(%arg10 : memref<128x128xf32, #tpu.memory_space<vmem>>) target(%dma_start3A_242 : memref<10240x128xf32, #tpu.memory_space<vmem_shared>>) offsets(%dma_start3A_239 : memref<128xi32, #tpu.memory_space<vmem>>) semaphore(%run_scoped3A_236 : memref<!tpu.dma_semaphore, #tpu.memory_space<semaphore_mem>>) {add = true}
          %dma_wait3A_243 = arith.constant 0 : i32
          %dma_wait3A_244 = tpu.memref_slice %arg8[%add3A_229, %dma_wait3A_243] : memref<32x128xi32, #tpu.memory_space<vmem>> -> memref<1x128xi32, #tpu.memory_space<vmem>>
          %dma_wait3A_245 = tpu.memref_squeeze %dma_wait3A_244 : memref<1x128xi32, #tpu.memory_space<vmem>> -> memref<128xi32, #tpu.memory_space<vmem>>
          %dma_wait3A_246 = arith.constant 0 : i32
          %dma_wait3A_247 = arith.constant 0 : i32
          %dma_wait3A_248 = tpu.memref_slice %arg13[%dma_wait3A_246, %dma_wait3A_247] : memref<10240x128xf32, #tpu.memory_space<vmem_shared>> -> memref<10240x128xf32, #tpu.memory_space<vmem_shared>>
          tpu.wait_indirect_dma semaphore(%run_scoped3A_236 : memref<!tpu.dma_semaphore, #tpu.memory_space<semaphore_mem>>) src(%arg10 : memref<128x128xf32, #tpu.memory_space<vmem>>) dst(%dma_wait3A_248 : memref<10240x128xf32, #tpu.memory_space<vmem_shared>>)
          tpu.yield
        }) : () -> ()
      }
      %scan3A_175 = arith.constant 15 : i32
      %dma_start3A_176 = arith.constant 31 : i32
      %dma_start3A_177 = arith.constant 0 : i32
      %dma_start3A_178 = tpu.memref_slice %arg7[%dma_start3A_176, %dma_start3A_177] : memref<32x128xi32, #tpu.memory_space<vmem>> -> memref<1x128xi32, #tpu.memory_space<vmem>>
      %dma_start3A_179 = tpu.memref_squeeze %dma_start3A_178 : memref<1x128xi32, #tpu.memory_space<vmem>> -> memref<128xi32, #tpu.memory_space<vmem>>
      %dma_start3A_180 = arith.constant 0 : i32
      %dma_start3A_181 = arith.constant 0 : i32
      %dma_start3A_182 = tpu.memref_slice %arg2[%dma_start3A_180, %dma_start3A_181] : memref<10000x128xf32, #tpu.memory_space<hbm>> -> memref<10000x128xf32, #tpu.memory_space<hbm>>
      tpu.enqueue_indirect_dma source(%dma_start3A_182 : memref<10000x128xf32, #tpu.memory_space<hbm>>) target(%arg10 : memref<128x128xf32, #tpu.memory_space<vmem>>) offsets(%dma_start3A_179 : memref<128xi32, #tpu.memory_space<vmem>>) semaphore(%arg12 : memref<!tpu.dma_semaphore, #tpu.memory_space<semaphore_mem>>)
      %dma_wait3A_183 = arith.constant 30 : i32
      %dma_wait3A_184 = arith.constant 0 : i32
      %dma_wait3A_185 = tpu.memref_slice %arg7[%dma_wait3A_183, %dma_wait3A_184] : memref<32x128xi32, #tpu.memory_space<vmem>> -> memref<1x128xi32, #tpu.memory_space<vmem>>
      %dma_wait3A_186 = tpu.memref_squeeze %dma_wait3A_185 : memref<1x128xi32, #tpu.memory_space<vmem>> -> memref<128xi32, #tpu.memory_space<vmem>>
      %dma_wait3A_187 = arith.constant 0 : i32
      %dma_wait3A_188 = arith.constant 0 : i32
      %dma_wait3A_189 = tpu.memref_slice %arg2[%dma_wait3A_187, %dma_wait3A_188] : memref<10000x128xf32, #tpu.memory_space<hbm>> -> memref<10000x128xf32, #tpu.memory_space<hbm>>
      tpu.wait_indirect_dma semaphore(%arg11 : memref<!tpu.dma_semaphore, #tpu.memory_space<semaphore_mem>>) src(%dma_wait3A_189 : memref<10000x128xf32, #tpu.memory_space<hbm>>) dst(%arg9 : memref<128x128xf32, #tpu.memory_space<vmem>>)
      %run_scoped3A_190 = arith.constant 30 : i32
      "tpu.region"() ({
        %run_scoped3A_199 = tpu.sem_alloc : memref<!tpu.dma_semaphore, #tpu.memory_space<semaphore_mem>>
        %dma_start3A_200 = arith.constant 0 : i32
        %dma_start3A_201 = tpu.memref_slice %arg8[%run_scoped3A_190, %dma_start3A_200] : memref<32x128xi32, #tpu.memory_space<vmem>> -> memref<1x128xi32, #tpu.memory_space<vmem>>
        %dma_start3A_202 = tpu.memref_squeeze %dma_start3A_201 : memref<1x128xi32, #tpu.memory_space<vmem>> -> memref<128xi32, #tpu.memory_space<vmem>>
        %dma_start3A_203 = arith.constant 0 : i32
        %dma_start3A_204 = arith.constant 0 : i32
        %dma_start3A_205 = tpu.memref_slice %arg13[%dma_start3A_203, %dma_start3A_204] : memref<10240x128xf32, #tpu.memory_space<vmem_shared>> -> memref<10240x128xf32, #tpu.memory_space<vmem_shared>>
        tpu.enqueue_indirect_dma source(%arg9 : memref<128x128xf32, #tpu.memory_space<vmem>>) target(%dma_start3A_205 : memref<10240x128xf32, #tpu.memory_space<vmem_shared>>) offsets(%dma_start3A_202 : memref<128xi32, #tpu.memory_space<vmem>>) semaphore(%run_scoped3A_199 : memref<!tpu.dma_semaphore, #tpu.memory_space<semaphore_mem>>) {add = true}
        %dma_wait3A_206 = arith.constant 0 : i32
        %dma_wait3A_207 = tpu.memref_slice %arg8[%run_scoped3A_190, %dma_wait3A_206] : memref<32x128xi32, #tpu.memory_space<vmem>> -> memref<1x128xi32, #tpu.memory_space<vmem>>
        %dma_wait3A_208 = tpu.memref_squeeze %dma_wait3A_207 : memref<1x128xi32, #tpu.memory_space<vmem>> -> memref<128xi32, #tpu.memory_space<vmem>>
        %dma_wait3A_209 = arith.constant 0 : i32
        %dma_wait3A_210 = arith.constant 0 : i32
        %dma_wait3A_211 = tpu.memref_slice %arg13[%dma_wait3A_209, %dma_wait3A_210] : memref<10240x128xf32, #tpu.memory_space<vmem_shared>> -> memref<10240x128xf32, #tpu.memory_space<vmem_shared>>
        tpu.wait_indirect_dma semaphore(%run_scoped3A_199 : memref<!tpu.dma_semaphore, #tpu.memory_space<semaphore_mem>>) src(%arg9 : memref<128x128xf32, #tpu.memory_space<vmem>>) dst(%dma_wait3A_211 : memref<10240x128xf32, #tpu.memory_space<vmem_shared>>)
        tpu.yield
      }) : () -> ()
      %dma_wait3A_191 = arith.constant 31 : i32
      %dma_wait3A_192 = arith.constant 0 : i32
      %dma_wait3A_193 = tpu.memref_slice %arg7[%dma_wait3A_191, %dma_wait3A_192] : memref<32x128xi32, #tpu.memory_space<vmem>> -> memref<1x128xi32, #tpu.memory_space<vmem>>
      %dma_wait3A_194 = tpu.memref_squeeze %dma_wait3A_193 : memref<1x128xi32, #tpu.memory_space<vmem>> -> memref<128xi32, #tpu.memory_space<vmem>>
      %dma_wait3A_195 = arith.constant 0 : i32
      %dma_wait3A_196 = arith.constant 0 : i32
      %dma_wait3A_197 = tpu.memref_slice %arg2[%dma_wait3A_195, %dma_wait3A_196] : memref<10000x128xf32, #tpu.memory_space<hbm>> -> memref<10000x128xf32, #tpu.memory_space<hbm>>
      tpu.wait_indirect_dma semaphore(%arg12 : memref<!tpu.dma_semaphore, #tpu.memory_space<semaphore_mem>>) src(%dma_wait3A_197 : memref<10000x128xf32, #tpu.memory_space<hbm>>) dst(%arg10 : memref<128x128xf32, #tpu.memory_space<vmem>>)
      %run_scoped3A_198 = arith.constant 31 : i32
      "tpu.region"() ({
        %run_scoped3A_199 = tpu.sem_alloc : memref<!tpu.dma_semaphore, #tpu.memory_space<semaphore_mem>>
        %dma_start3A_200 = arith.constant 0 : i32
        %dma_start3A_201 = tpu.memref_slice %arg8[%run_scoped3A_198, %dma_start3A_200] : memref<32x128xi32, #tpu.memory_space<vmem>> -> memref<1x128xi32, #tpu.memory_space<vmem>>
        %dma_start3A_202 = tpu.memref_squeeze %dma_start3A_201 : memref<1x128xi32, #tpu.memory_space<vmem>> -> memref<128xi32, #tpu.memory_space<vmem>>
        %dma_start3A_203 = arith.constant 0 : i32
        %dma_start3A_204 = arith.constant 0 : i32
        %dma_start3A_205 = tpu.memref_slice %arg13[%dma_start3A_203, %dma_start3A_204] : memref<10240x128xf32, #tpu.memory_space<vmem_shared>> -> memref<10240x128xf32, #tpu.memory_space<vmem_shared>>
        tpu.enqueue_indirect_dma source(%arg10 : memref<128x128xf32, #tpu.memory_space<vmem>>) target(%dma_start3A_205 : memref<10240x128xf32, #tpu.memory_space<vmem_shared>>) offsets(%dma_start3A_202 : memref<128xi32, #tpu.memory_space<vmem>>) semaphore(%run_scoped3A_199 : memref<!tpu.dma_semaphore, #tpu.memory_space<semaphore_mem>>) {add = true}
        %dma_wait3A_206 = arith.constant 0 : i32
        %dma_wait3A_207 = tpu.memref_slice %arg8[%run_scoped3A_198, %dma_wait3A_206] : memref<32x128xi32, #tpu.memory_space<vmem>> -> memref<1x128xi32, #tpu.memory_space<vmem>>
        %dma_wait3A_208 = tpu.memref_squeeze %dma_wait3A_207 : memref<1x128xi32, #tpu.memory_space<vmem>> -> memref<128xi32, #tpu.memory_space<vmem>>
        %dma_wait3A_209 = arith.constant 0 : i32
        %dma_wait3A_210 = arith.constant 0 : i32
        %dma_wait3A_211 = tpu.memref_slice %arg13[%dma_wait3A_209, %dma_wait3A_210] : memref<10240x128xf32, #tpu.memory_space<vmem_shared>> -> memref<10240x128xf32, #tpu.memory_space<vmem_shared>>
        tpu.wait_indirect_dma semaphore(%run_scoped3A_199 : memref<!tpu.dma_semaphore, #tpu.memory_space<semaphore_mem>>) src(%arg10 : memref<128x128xf32, #tpu.memory_space<vmem>>) dst(%dma_wait3A_211 : memref<10240x128xf32, #tpu.memory_space<vmem_shared>>)
        tpu.yield
      }) : () -> ()
    } else {
    }
    %eq3A_3 = arith.constant 1 : i32
    %eq3A_4 = arith.cmpi eq, %arg0, %eq3A_3 : i32
    %convert_element_type3A_5 = arith.extui %eq3A_4 : i1 to i32
    %cond3A_6 = arith.constant 0 : i32
    %cond3A_7 = arith.cmpi ne, %convert_element_type3A_5, %cond3A_6 : i32
    scf.if %cond3A_7 {
    } else {
    }
    %barrier3A_8 = arith.constant 0 : index
    tpu.barrier barrier_id(%barrier3A_8)
    "tpu.region"() ({
      %run_scoped3A = tpu.sem_alloc : memref<!tpu.dma_semaphore, #tpu.memory_space<semaphore_mem>>
      %dma_start3A = arith.constant 0 : i32
      %dma_start3A_9 = tpu.memref_slice %arg6[%arg0, %mul3A_0, %dma_start3A] : memref<2x10240x128xf32, #tpu.memory_space<hbm>> -> memref<1x640x128xf32, #tpu.memory_space<hbm>>
      %dma_start3A_10 = tpu.memref_squeeze %dma_start3A_9 : memref<1x640x128xf32, #tpu.memory_space<hbm>> -> memref<640x128xf32, #tpu.memory_space<hbm>>
      %dma_start3A_11 = arith.constant 0 : i32
      %dma_start3A_12 = tpu.memref_slice %arg13[%mul3A_0, %dma_start3A_11] : memref<10240x128xf32, #tpu.memory_space<vmem_shared>> -> memref<640x128xf32, #tpu.memory_space<vmem_shared>>
      tpu.enqueue_dma source(%dma_start3A_12 : memref<640x128xf32, #tpu.memory_space<vmem_shared>>) target(%dma_start3A_10 : memref<640x128xf32, #tpu.memory_space<hbm>>) target_semaphore(%run_scoped3A : memref<!tpu.dma_semaphore, #tpu.memory_space<semaphore_mem>>)
      %dma_wait3A = arith.constant 0 : i32
      %dma_wait3A_13 = tpu.memref_slice %arg6[%arg0, %mul3A_0, %dma_wait3A] : memref<2x10240x128xf32, #tpu.memory_space<hbm>> -> memref<1x640x128xf32, #tpu.memory_space<hbm>>
      %dma_wait3A_14 = tpu.memref_squeeze %dma_wait3A_13 : memref<1x640x128xf32, #tpu.memory_space<hbm>> -> memref<640x128xf32, #tpu.memory_space<hbm>>
      %dma_wait3A_15 = arith.constant 0 : i32
      %dma_wait3A_16 = tpu.memref_slice %arg13[%mul3A_0, %dma_wait3A_15] : memref<10240x128xf32, #tpu.memory_space<vmem_shared>> -> memref<640x128xf32, #tpu.memory_space<vmem_shared>>
      tpu.wait_dma2 semaphore(%run_scoped3A : memref<!tpu.dma_semaphore, #tpu.memory_space<semaphore_mem>>) src(%dma_wait3A_16 : memref<640x128xf32, #tpu.memory_space<vmem_shared>>) dst(%dma_wait3A_14 : memref<640x128xf32, #tpu.memory_space<hbm>>)
      tpu.yield
    }) : () -> ()
    return
  }
}

#map = affine_map<(d0, d1) -> (0, 0)>
#map1 = affine_map<(d0, d1) -> (0, 0, 0)>
module attributes {stable_mosaic.version = 14 : i64} {
  func.func @k(%arg0: i32, %arg1: i32, %arg2: memref<2560x128xi32, #tpu.memory_space<hbm>>, %arg3: memref<128x128xf32, #tpu.memory_space<hbm>>, %arg4: memref<640x128xf32, #tpu.memory_space<hbm>>, %arg5: memref<2x10240x128xf32, #tpu.memory_space<hbm>>, %arg6: memref<80x128xi32, #tpu.memory_space<vmem>>, %arg7: memref<128x128xf32, #tpu.memory_space<vmem>>, %arg8: memref<10240x128xf32, #tpu.memory_space<vmem_shared>>) attributes {dimension_semantics = [#tpu.dimension_semantics<core_parallel>, #tpu.dimension_semantics<subcore_parallel>], iteration_bounds = array<i64: 2, 16>, scalar_prefetch = 0 : i64, scratch_operands = 3 : i64, tpu.core_type = #tpu.core_type<sc_vector_subcore>, window_params = [{transform_indices = #map}, {transform_indices = #map}, {transform_indices = #map}, {transform_indices = #map1}]} {
    %mul3A = arith.constant 2 : i32
    %mul3A_0 = arith.muli %arg1, %mul3A : i32
    %add3A = arith.addi %mul3A_0, %arg0 : i32
    %mul3A_1 = arith.constant 640 : i32
    %mul3A_2 = arith.muli %arg1, %mul3A_1 : i32
    "tpu.region"() ({
      %run_scoped3A = tpu.sem_alloc : memref<!tpu.dma_semaphore, #tpu.memory_space<semaphore_mem>>
      %dma_start3A = arith.constant 0 : i32
      %dma_start3A_10 = tpu.memref_slice %arg8[%mul3A_2, %dma_start3A] : memref<10240x128xf32, #tpu.memory_space<vmem_shared>> -> memref<640x128xf32, #tpu.memory_space<vmem_shared>>
      tpu.enqueue_dma source(%arg4 : memref<640x128xf32, #tpu.memory_space<hbm>>) target(%dma_start3A_10 : memref<640x128xf32, #tpu.memory_space<vmem_shared>>) target_semaphore(%run_scoped3A : memref<!tpu.dma_semaphore, #tpu.memory_space<semaphore_mem>>)
      %dma_wait3A = arith.constant 0 : i32
      %dma_wait3A_11 = tpu.memref_slice %arg8[%mul3A_2, %dma_wait3A] : memref<10240x128xf32, #tpu.memory_space<vmem_shared>> -> memref<640x128xf32, #tpu.memory_space<vmem_shared>>
      tpu.wait_dma2 semaphore(%run_scoped3A : memref<!tpu.dma_semaphore, #tpu.memory_space<semaphore_mem>>) src(%arg4 : memref<640x128xf32, #tpu.memory_space<hbm>>) dst(%dma_wait3A_11 : memref<640x128xf32, #tpu.memory_space<vmem_shared>>)
      tpu.yield
    }) : () -> ()
    "tpu.region"() ({
      %run_scoped3A = tpu.sem_alloc : memref<!tpu.dma_semaphore, #tpu.memory_space<semaphore_mem>>
      tpu.enqueue_dma source(%arg3 : memref<128x128xf32, #tpu.memory_space<hbm>>) target(%arg7 : memref<128x128xf32, #tpu.memory_space<vmem>>) target_semaphore(%run_scoped3A : memref<!tpu.dma_semaphore, #tpu.memory_space<semaphore_mem>>)
      tpu.wait_dma2 semaphore(%run_scoped3A : memref<!tpu.dma_semaphore, #tpu.memory_space<semaphore_mem>>) src(%arg3 : memref<128x128xf32, #tpu.memory_space<hbm>>) dst(%arg7 : memref<128x128xf32, #tpu.memory_space<vmem>>)
      tpu.yield
    }) : () -> ()
    %mul3A_3 = arith.constant 80 : i32
    %mul3A_4 = arith.muli %add3A, %mul3A_3 : i32
    "tpu.region"() ({
      %run_scoped3A = tpu.sem_alloc : memref<!tpu.dma_semaphore, #tpu.memory_space<semaphore_mem>>
      %dma_start3A = arith.constant 0 : i32
      %dma_start3A_10 = tpu.memref_slice %arg2[%mul3A_4, %dma_start3A] : memref<2560x128xi32, #tpu.memory_space<hbm>> -> memref<80x128xi32, #tpu.memory_space<hbm>>
      %dma_start3A_11 = arith.constant 0 : i32
      %dma_start3A_12 = tpu.memref_slice %arg2[%mul3A_4, %dma_start3A_11] : memref<2560x128xi32, #tpu.memory_space<hbm>> -> memref<80x128xi32, #tpu.memory_space<hbm>>
      tpu.enqueue_dma source(%dma_start3A_12 : memref<80x128xi32, #tpu.memory_space<hbm>>) target(%arg6 : memref<80x128xi32, #tpu.memory_space<vmem>>) target_semaphore(%run_scoped3A : memref<!tpu.dma_semaphore, #tpu.memory_space<semaphore_mem>>)
      %dma_wait3A = arith.constant 0 : i32
      %dma_wait3A_13 = tpu.memref_slice %arg2[%mul3A_4, %dma_wait3A] : memref<2560x128xi32, #tpu.memory_space<hbm>> -> memref<80x128xi32, #tpu.memory_space<hbm>>
      %dma_wait3A_14 = arith.constant 0 : i32
      %dma_wait3A_15 = tpu.memref_slice %arg2[%mul3A_4, %dma_wait3A_14] : memref<2560x128xi32, #tpu.memory_space<hbm>> -> memref<80x128xi32, #tpu.memory_space<hbm>>
      tpu.wait_dma2 semaphore(%run_scoped3A : memref<!tpu.dma_semaphore, #tpu.memory_space<semaphore_mem>>) src(%dma_wait3A_15 : memref<80x128xi32, #tpu.memory_space<hbm>>) dst(%arg6 : memref<80x128xi32, #tpu.memory_space<vmem>>)
      tpu.yield
    }) : () -> ()
    %barrier3A = arith.constant 0 : index
    tpu.barrier barrier_id(%barrier3A)
    %scan3A = arith.constant 0 : i32
    %scan3A_5 = arith.constant 80 : i32
    %scan3A_6 = arith.addi %scan3A, %scan3A_5 : i32
    %scan3A_7 = arith.constant 1 : i32
    scf.for %scan3A_10 = %scan3A to %scan3A_6 step %scan3A_7  : i32 {
      %mul3A_11 = arith.constant 1 : i32
      %mul3A_12 = arith.muli %scan3A_10, %mul3A_11 : i32
      %add3A_13 = arith.constant 0 : i32
      %add3A_14 = arith.addi %add3A_13, %mul3A_12 : i32
      "tpu.region"() ({
        %run_scoped3A = tpu.sem_alloc : memref<!tpu.dma_semaphore, #tpu.memory_space<semaphore_mem>>
        %dma_start3A = arith.constant 0 : i32
        %dma_start3A_15 = tpu.memref_slice %arg6[%add3A_14, %dma_start3A] : memref<80x128xi32, #tpu.memory_space<vmem>> -> memref<1x128xi32, #tpu.memory_space<vmem>>
        %dma_start3A_16 = tpu.memref_squeeze %dma_start3A_15 : memref<1x128xi32, #tpu.memory_space<vmem>> -> memref<128xi32, #tpu.memory_space<vmem>>
        %dma_start3A_17 = arith.constant 0 : i32
        %dma_start3A_18 = arith.constant 0 : i32
        %dma_start3A_19 = tpu.memref_slice %arg8[%dma_start3A_17, %dma_start3A_18] : memref<10240x128xf32, #tpu.memory_space<vmem_shared>> -> memref<10240x128xf32, #tpu.memory_space<vmem_shared>>
        tpu.enqueue_indirect_dma source(%arg7 : memref<128x128xf32, #tpu.memory_space<vmem>>) target(%dma_start3A_19 : memref<10240x128xf32, #tpu.memory_space<vmem_shared>>) offsets(%dma_start3A_16 : memref<128xi32, #tpu.memory_space<vmem>>) semaphore(%run_scoped3A : memref<!tpu.dma_semaphore, #tpu.memory_space<semaphore_mem>>) {add = true}
        %dma_wait3A = arith.constant 0 : i32
        %dma_wait3A_20 = tpu.memref_slice %arg6[%add3A_14, %dma_wait3A] : memref<80x128xi32, #tpu.memory_space<vmem>> -> memref<1x128xi32, #tpu.memory_space<vmem>>
        %dma_wait3A_21 = tpu.memref_squeeze %dma_wait3A_20 : memref<1x128xi32, #tpu.memory_space<vmem>> -> memref<128xi32, #tpu.memory_space<vmem>>
        %dma_wait3A_22 = arith.constant 0 : i32
        %dma_wait3A_23 = arith.constant 0 : i32
        %dma_wait3A_24 = tpu.memref_slice %arg8[%dma_wait3A_22, %dma_wait3A_23] : memref<10240x128xf32, #tpu.memory_space<vmem_shared>> -> memref<10240x128xf32, #tpu.memory_space<vmem_shared>>
        tpu.wait_indirect_dma semaphore(%run_scoped3A : memref<!tpu.dma_semaphore, #tpu.memory_space<semaphore_mem>>) src(%arg7 : memref<128x128xf32, #tpu.memory_space<vmem>>) dst(%dma_wait3A_24 : memref<10240x128xf32, #tpu.memory_space<vmem_shared>>)
        tpu.yield
      }) : () -> ()
    }
    %scan3A_8 = arith.constant 80 : i32
    %barrier3A_9 = arith.constant 0 : index
    tpu.barrier barrier_id(%barrier3A_9)
    "tpu.region"() ({
      %run_scoped3A = tpu.sem_alloc : memref<!tpu.dma_semaphore, #tpu.memory_space<semaphore_mem>>
      %dma_start3A = arith.constant 0 : i32
      %dma_start3A_10 = tpu.memref_slice %arg5[%arg0, %mul3A_2, %dma_start3A] : memref<2x10240x128xf32, #tpu.memory_space<hbm>> -> memref<1x640x128xf32, #tpu.memory_space<hbm>>
      %dma_start3A_11 = tpu.memref_squeeze %dma_start3A_10 : memref<1x640x128xf32, #tpu.memory_space<hbm>> -> memref<640x128xf32, #tpu.memory_space<hbm>>
      %dma_start3A_12 = arith.constant 0 : i32
      %dma_start3A_13 = tpu.memref_slice %arg8[%mul3A_2, %dma_start3A_12] : memref<10240x128xf32, #tpu.memory_space<vmem_shared>> -> memref<640x128xf32, #tpu.memory_space<vmem_shared>>
      tpu.enqueue_dma source(%dma_start3A_13 : memref<640x128xf32, #tpu.memory_space<vmem_shared>>) target(%dma_start3A_11 : memref<640x128xf32, #tpu.memory_space<hbm>>) target_semaphore(%run_scoped3A : memref<!tpu.dma_semaphore, #tpu.memory_space<semaphore_mem>>)
      %dma_wait3A = arith.constant 0 : i32
      %dma_wait3A_14 = tpu.memref_slice %arg5[%arg0, %mul3A_2, %dma_wait3A] : memref<2x10240x128xf32, #tpu.memory_space<hbm>> -> memref<1x640x128xf32, #tpu.memory_space<hbm>>
      %dma_wait3A_15 = tpu.memref_squeeze %dma_wait3A_14 : memref<1x640x128xf32, #tpu.memory_space<hbm>> -> memref<640x128xf32, #tpu.memory_space<hbm>>
      %dma_wait3A_16 = arith.constant 0 : i32
      %dma_wait3A_17 = tpu.memref_slice %arg8[%mul3A_2, %dma_wait3A_16] : memref<10240x128xf32, #tpu.memory_space<vmem_shared>> -> memref<640x128xf32, #tpu.memory_space<vmem_shared>>
      tpu.wait_dma2 semaphore(%run_scoped3A : memref<!tpu.dma_semaphore, #tpu.memory_space<semaphore_mem>>) src(%dma_wait3A_17 : memref<640x128xf32, #tpu.memory_space<vmem_shared>>) dst(%dma_wait3A_15 : memref<640x128xf32, #tpu.memory_space<hbm>>)
      tpu.yield
    }) : () -> ()
    return
  }
}

#map = affine_map<(d0, d1) -> (0, 0)>
#map1 = affine_map<(d0, d1) -> (0, 0, 0)>
module attributes {stable_mosaic.version = 14 : i64} {
  func.func @k(%arg0: i32, %arg1: i32, %arg2: memref<10000x128xf32, #tpu.memory_space<hbm>>, %arg3: memref<2560x128xi32, #tpu.memory_space<hbm>>, %arg4: memref<2560x128xi32, #tpu.memory_space<hbm>>, %arg5: memref<640x128xf32, #tpu.memory_space<hbm>>, %arg6: memref<2x10240x128xf32, #tpu.memory_space<hbm>>, %arg7: memref<32x128xi32, #tpu.memory_space<vmem>>, %arg8: memref<32x128xi32, #tpu.memory_space<vmem>>, %arg9: memref<128x128xf32, #tpu.memory_space<vmem>>, %arg10: memref<128x128xf32, #tpu.memory_space<vmem>>, %arg11: memref<!tpu.dma_semaphore, #tpu.memory_space<semaphore_mem>>, %arg12: memref<!tpu.dma_semaphore, #tpu.memory_space<semaphore_mem>>, %arg13: memref<10240x128xf32, #tpu.memory_space<vmem_shared>>) attributes {dimension_semantics = [#tpu.dimension_semantics<core_parallel>, #tpu.dimension_semantics<subcore_parallel>], iteration_bounds = array<i64: 2, 16>, scalar_prefetch = 0 : i64, scratch_operands = 7 : i64, tpu.core_type = #tpu.core_type<sc_vector_subcore>, window_params = [{transform_indices = #map}, {transform_indices = #map}, {transform_indices = #map}, {transform_indices = #map}, {transform_indices = #map1}]} {
    %mul3A = arith.constant 640 : i32
    %mul3A_0 = arith.muli %arg1, %mul3A : i32
    "tpu.region"() ({
      %run_scoped3A = tpu.sem_alloc : memref<!tpu.dma_semaphore, #tpu.memory_space<semaphore_mem>>
      %dma_start3A = arith.constant 0 : i32
      %dma_start3A_9 = tpu.memref_slice %arg13[%mul3A_0, %dma_start3A] : memref<10240x128xf32, #tpu.memory_space<vmem_shared>> -> memref<640x128xf32, #tpu.memory_space<vmem_shared>>
      tpu.enqueue_dma source(%arg5 : memref<640x128xf32, #tpu.memory_space<hbm>>) target(%dma_start3A_9 : memref<640x128xf32, #tpu.memory_space<vmem_shared>>) target_semaphore(%run_scoped3A : memref<!tpu.dma_semaphore, #tpu.memory_space<semaphore_mem>>)
      %dma_wait3A = arith.constant 0 : i32
      %dma_wait3A_10 = tpu.memref_slice %arg13[%mul3A_0, %dma_wait3A] : memref<10240x128xf32, #tpu.memory_space<vmem_shared>> -> memref<640x128xf32, #tpu.memory_space<vmem_shared>>
      tpu.wait_dma2 semaphore(%run_scoped3A : memref<!tpu.dma_semaphore, #tpu.memory_space<semaphore_mem>>) src(%arg5 : memref<640x128xf32, #tpu.memory_space<hbm>>) dst(%dma_wait3A_10 : memref<640x128xf32, #tpu.memory_space<vmem_shared>>)
      tpu.yield
    }) : () -> ()
    %barrier3A = arith.constant 0 : index
    tpu.barrier barrier_id(%barrier3A)
    %eq3A = arith.constant 0 : i32
    %eq3A_1 = arith.cmpi eq, %arg0, %eq3A : i32
    %convert_element_type3A = arith.extui %eq3A_1 : i1 to i32
    %cond3A = arith.constant 0 : i32
    %cond3A_2 = arith.cmpi ne, %convert_element_type3A, %cond3A : i32
    scf.if %cond3A_2 {
      %mul3A_9 = arith.constant 160 : i32
      %mul3A_10 = arith.muli %arg1, %mul3A_9 : i32
      %add3A = arith.constant 0 : i32
      %add3A_11 = arith.addi %mul3A_10, %add3A : i32
      "tpu.region"() ({
        %run_scoped3A_199 = tpu.sem_alloc : memref<!tpu.dma_semaphore, #tpu.memory_space<semaphore_mem>>
        %dma_start3A_200 = arith.constant 0 : i32
        %dma_start3A_201 = tpu.memref_slice %arg3[%add3A_11, %dma_start3A_200] : memref<2560x128xi32, #tpu.memory_space<hbm>> -> memref<32x128xi32, #tpu.memory_space<hbm>>
        %dma_start3A_202 = arith.constant 0 : i32
        %dma_start3A_203 = tpu.memref_slice %arg3[%add3A_11, %dma_start3A_202] : memref<2560x128xi32, #tpu.memory_space<hbm>> -> memref<32x128xi32, #tpu.memory_space<hbm>>
        tpu.enqueue_dma source(%dma_start3A_203 : memref<32x128xi32, #tpu.memory_space<hbm>>) target(%arg7 : memref<32x128xi32, #tpu.memory_space<vmem>>) target_semaphore(%run_scoped3A_199 : memref<!tpu.dma_semaphore, #tpu.memory_space<semaphore_mem>>)
        %dma_wait3A_204 = arith.constant 0 : i32
        %dma_wait3A_205 = tpu.memref_slice %arg3[%add3A_11, %dma_wait3A_204] : memref<2560x128xi32, #tpu.memory_space<hbm>> -> memref<32x128xi32, #tpu.memory_space<hbm>>
        %dma_wait3A_206 = arith.constant 0 : i32
        %dma_wait3A_207 = tpu.memref_slice %arg3[%add3A_11, %dma_wait3A_206] : memref<2560x128xi32, #tpu.memory_space<hbm>> -> memref<32x128xi32, #tpu.memory_space<hbm>>
        tpu.wait_dma2 semaphore(%run_scoped3A_199 : memref<!tpu.dma_semaphore, #tpu.memory_space<semaphore_mem>>) src(%dma_wait3A_207 : memref<32x128xi32, #tpu.memory_space<hbm>>) dst(%arg7 : memref<32x128xi32, #tpu.memory_space<vmem>>)
        tpu.yield
      }) : () -> ()
      "tpu.region"() ({
        %run_scoped3A_199 = tpu.sem_alloc : memref<!tpu.dma_semaphore, #tpu.memory_space<semaphore_mem>>
        %dma_start3A_200 = arith.constant 0 : i32
        %dma_start3A_201 = tpu.memref_slice %arg4[%add3A_11, %dma_start3A_200] : memref<2560x128xi32, #tpu.memory_space<hbm>> -> memref<32x128xi32, #tpu.memory_space<hbm>>
        %dma_start3A_202 = arith.constant 0 : i32
        %dma_start3A_203 = tpu.memref_slice %arg4[%add3A_11, %dma_start3A_202] : memref<2560x128xi32, #tpu.memory_space<hbm>> -> memref<32x128xi32, #tpu.memory_space<hbm>>
        tpu.enqueue_dma source(%dma_start3A_203 : memref<32x128xi32, #tpu.memory_space<hbm>>) target(%arg8 : memref<32x128xi32, #tpu.memory_space<vmem>>) target_semaphore(%run_scoped3A_199 : memref<!tpu.dma_semaphore, #tpu.memory_space<semaphore_mem>>)
        %dma_wait3A_204 = arith.constant 0 : i32
        %dma_wait3A_205 = tpu.memref_slice %arg4[%add3A_11, %dma_wait3A_204] : memref<2560x128xi32, #tpu.memory_space<hbm>> -> memref<32x128xi32, #tpu.memory_space<hbm>>
        %dma_wait3A_206 = arith.constant 0 : i32
        %dma_wait3A_207 = tpu.memref_slice %arg4[%add3A_11, %dma_wait3A_206] : memref<2560x128xi32, #tpu.memory_space<hbm>> -> memref<32x128xi32, #tpu.memory_space<hbm>>
        tpu.wait_dma2 semaphore(%run_scoped3A_199 : memref<!tpu.dma_semaphore, #tpu.memory_space<semaphore_mem>>) src(%dma_wait3A_207 : memref<32x128xi32, #tpu.memory_space<hbm>>) dst(%arg8 : memref<32x128xi32, #tpu.memory_space<vmem>>)
        tpu.yield
      }) : () -> ()
      %dma_start3A = arith.constant 0 : i32
      %dma_start3A_12 = arith.constant 0 : i32
      %dma_start3A_13 = tpu.memref_slice %arg7[%dma_start3A, %dma_start3A_12] : memref<32x128xi32, #tpu.memory_space<vmem>> -> memref<1x128xi32, #tpu.memory_space<vmem>>
      %dma_start3A_14 = tpu.memref_squeeze %dma_start3A_13 : memref<1x128xi32, #tpu.memory_space<vmem>> -> memref<128xi32, #tpu.memory_space<vmem>>
      %dma_start3A_15 = arith.constant 0 : i32
      %dma_start3A_16 = arith.constant 0 : i32
      %dma_start3A_17 = tpu.memref_slice %arg2[%dma_start3A_15, %dma_start3A_16] : memref<10000x128xf32, #tpu.memory_space<hbm>> -> memref<10000x128xf32, #tpu.memory_space<hbm>>
      tpu.enqueue_indirect_dma source(%dma_start3A_17 : memref<10000x128xf32, #tpu.memory_space<hbm>>) target(%arg9 : memref<128x128xf32, #tpu.memory_space<vmem>>) offsets(%dma_start3A_14 : memref<128xi32, #tpu.memory_space<vmem>>) semaphore(%arg11 : memref<!tpu.dma_semaphore, #tpu.memory_space<semaphore_mem>>)
      %scan3A = arith.constant 0 : i32
      %scan3A_18 = arith.constant 15 : i32
      %scan3A_19 = arith.addi %scan3A, %scan3A_18 : i32
      %scan3A_20 = arith.constant 1 : i32
      scf.for %scan3A_199 = %scan3A to %scan3A_19 step %scan3A_20  : i32 {
        %mul3A_200 = arith.constant 1 : i32
        %mul3A_201 = arith.muli %scan3A_199, %mul3A_200 : i32
        %add3A_202 = arith.constant 0 : i32
        %add3A_203 = arith.addi %add3A_202, %mul3A_201 : i32
        %mul3A_204 = arith.constant 2 : i32
        %mul3A_205 = arith.muli %mul3A_204, %add3A_203 : i32
        %add3A_206 = arith.constant 1 : i32
        %add3A_207 = arith.addi %mul3A_205, %add3A_206 : i32
        %dma_start3A_208 = arith.constant 0 : i32
        %dma_start3A_209 = tpu.memref_slice %arg7[%add3A_207, %dma_start3A_208] : memref<32x128xi32, #tpu.memory_space<vmem>> -> memref<1x128xi32, #tpu.memory_space<vmem>>
        %dma_start3A_210 = tpu.memref_squeeze %dma_start3A_209 : memref<1x128xi32, #tpu.memory_space<vmem>> -> memref<128xi32, #tpu.memory_space<vmem>>
        %dma_start3A_211 = arith.constant 0 : i32
        %dma_start3A_212 = arith.constant 0 : i32
        %dma_start3A_213 = tpu.memref_slice %arg2[%dma_start3A_211, %dma_start3A_212] : memref<10000x128xf32, #tpu.memory_space<hbm>> -> memref<10000x128xf32, #tpu.memory_space<hbm>>
        tpu.enqueue_indirect_dma source(%dma_start3A_213 : memref<10000x128xf32, #tpu.memory_space<hbm>>) target(%arg10 : memref<128x128xf32, #tpu.memory_space<vmem>>) offsets(%dma_start3A_210 : memref<128xi32, #tpu.memory_space<vmem>>) semaphore(%arg12 : memref<!tpu.dma_semaphore, #tpu.memory_space<semaphore_mem>>)
        %dma_wait3A_214 = arith.constant 0 : i32
        %dma_wait3A_215 = tpu.memref_slice %arg7[%mul3A_205, %dma_wait3A_214] : memref<32x128xi32, #tpu.memory_space<vmem>> -> memref<1x128xi32, #tpu.memory_space<vmem>>
        %dma_wait3A_216 = tpu.memref_squeeze %dma_wait3A_215 : memref<1x128xi32, #tpu.memory_space<vmem>> -> memref<128xi32, #tpu.memory_space<vmem>>
        %dma_wait3A_217 = arith.constant 0 : i32
        %dma_wait3A_218 = arith.constant 0 : i32
        %dma_wait3A_219 = tpu.memref_slice %arg2[%dma_wait3A_217, %dma_wait3A_218] : memref<10000x128xf32, #tpu.memory_space<hbm>> -> memref<10000x128xf32, #tpu.memory_space<hbm>>
        tpu.wait_indirect_dma semaphore(%arg11 : memref<!tpu.dma_semaphore, #tpu.memory_space<semaphore_mem>>) src(%dma_wait3A_219 : memref<10000x128xf32, #tpu.memory_space<hbm>>) dst(%arg9 : memref<128x128xf32, #tpu.memory_space<vmem>>)
        "tpu.region"() ({
          %run_scoped3A_236 = tpu.sem_alloc : memref<!tpu.dma_semaphore, #tpu.memory_space<semaphore_mem>>
          %dma_start3A_237 = arith.constant 0 : i32
          %dma_start3A_238 = tpu.memref_slice %arg8[%mul3A_205, %dma_start3A_237] : memref<32x128xi32, #tpu.memory_space<vmem>> -> memref<1x128xi32, #tpu.memory_space<vmem>>
          %dma_start3A_239 = tpu.memref_squeeze %dma_start3A_238 : memref<1x128xi32, #tpu.memory_space<vmem>> -> memref<128xi32, #tpu.memory_space<vmem>>
          %dma_start3A_240 = arith.constant 0 : i32
          %dma_start3A_241 = arith.constant 0 : i32
          %dma_start3A_242 = tpu.memref_slice %arg13[%dma_start3A_240, %dma_start3A_241] : memref<10240x128xf32, #tpu.memory_space<vmem_shared>> -> memref<10240x128xf32, #tpu.memory_space<vmem_shared>>
          tpu.enqueue_indirect_dma source(%arg9 : memref<128x128xf32, #tpu.memory_space<vmem>>) target(%dma_start3A_242 : memref<10240x128xf32, #tpu.memory_space<vmem_shared>>) offsets(%dma_start3A_239 : memref<128xi32, #tpu.memory_space<vmem>>) semaphore(%run_scoped3A_236 : memref<!tpu.dma_semaphore, #tpu.memory_space<semaphore_mem>>) {add = true}
          %dma_wait3A_243 = arith.constant 0 : i32
          %dma_wait3A_244 = tpu.memref_slice %arg8[%mul3A_205, %dma_wait3A_243] : memref<32x128xi32, #tpu.memory_space<vmem>> -> memref<1x128xi32, #tpu.memory_space<vmem>>
          %dma_wait3A_245 = tpu.memref_squeeze %dma_wait3A_244 : memref<1x128xi32, #tpu.memory_space<vmem>> -> memref<128xi32, #tpu.memory_space<vmem>>
          %dma_wait3A_246 = arith.constant 0 : i32
          %dma_wait3A_247 = arith.constant 0 : i32
          %dma_wait3A_248 = tpu.memref_slice %arg13[%dma_wait3A_246, %dma_wait3A_247] : memref<10240x128xf32, #tpu.memory_space<vmem_shared>> -> memref<10240x128xf32, #tpu.memory_space<vmem_shared>>
          tpu.wait_indirect_dma semaphore(%run_scoped3A_236 : memref<!tpu.dma_semaphore, #tpu.memory_space<semaphore_mem>>) src(%arg9 : memref<128x128xf32, #tpu.memory_space<vmem>>) dst(%dma_wait3A_248 : memref<10240x128xf32, #tpu.memory_space<vmem_shared>>)
          tpu.yield
        }) : () -> ()
        %add3A_220 = arith.constant 2 : i32
        %add3A_221 = arith.addi %mul3A_205, %add3A_220 : i32
        %dma_start3A_222 = arith.constant 0 : i32
        %dma_start3A_223 = tpu.memref_slice %arg7[%add3A_221, %dma_start3A_222] : memref<32x128xi32, #tpu.memory_space<vmem>> -> memref<1x128xi32, #tpu.memory_space<vmem>>
        %dma_start3A_224 = tpu.memref_squeeze %dma_start3A_223 : memref<1x128xi32, #tpu.memory_space<vmem>> -> memref<128xi32, #tpu.memory_space<vmem>>
        %dma_start3A_225 = arith.constant 0 : i32
        %dma_start3A_226 = arith.constant 0 : i32
        %dma_start3A_227 = tpu.memref_slice %arg2[%dma_start3A_225, %dma_start3A_226] : memref<10000x128xf32, #tpu.memory_space<hbm>> -> memref<10000x128xf32, #tpu.memory_space<hbm>>
        tpu.enqueue_indirect_dma source(%dma_start3A_227 : memref<10000x128xf32, #tpu.memory_space<hbm>>) target(%arg9 : memref<128x128xf32, #tpu.memory_space<vmem>>) offsets(%dma_start3A_224 : memref<128xi32, #tpu.memory_space<vmem>>) semaphore(%arg11 : memref<!tpu.dma_semaphore, #tpu.memory_space<semaphore_mem>>)
        %add3A_228 = arith.constant 1 : i32
        %add3A_229 = arith.addi %mul3A_205, %add3A_228 : i32
        %dma_wait3A_230 = arith.constant 0 : i32
        %dma_wait3A_231 = tpu.memref_slice %arg7[%add3A_229, %dma_wait3A_230] : memref<32x128xi32, #tpu.memory_space<vmem>> -> memref<1x128xi32, #tpu.memory_space<vmem>>
        %dma_wait3A_232 = tpu.memref_squeeze %dma_wait3A_231 : memref<1x128xi32, #tpu.memory_space<vmem>> -> memref<128xi32, #tpu.memory_space<vmem>>
        %dma_wait3A_233 = arith.constant 0 : i32
        %dma_wait3A_234 = arith.constant 0 : i32
        %dma_wait3A_235 = tpu.memref_slice %arg2[%dma_wait3A_233, %dma_wait3A_234] : memref<10000x128xf32, #tpu.memory_space<hbm>> -> memref<10000x128xf32, #tpu.memory_space<hbm>>
        tpu.wait_indirect_dma semaphore(%arg12 : memref<!tpu.dma_semaphore, #tpu.memory_space<semaphore_mem>>) src(%dma_wait3A_235 : memref<10000x128xf32, #tpu.memory_space<hbm>>) dst(%arg10 : memref<128x128xf32, #tpu.memory_space<vmem>>)
        "tpu.region"() ({
          %run_scoped3A_236 = tpu.sem_alloc : memref<!tpu.dma_semaphore, #tpu.memory_space<semaphore_mem>>
          %dma_start3A_237 = arith.constant 0 : i32
          %dma_start3A_238 = tpu.memref_slice %arg8[%add3A_229, %dma_start3A_237] : memref<32x128xi32, #tpu.memory_space<vmem>> -> memref<1x128xi32, #tpu.memory_space<vmem>>
          %dma_start3A_239 = tpu.memref_squeeze %dma_start3A_238 : memref<1x128xi32, #tpu.memory_space<vmem>> -> memref<128xi32, #tpu.memory_space<vmem>>
          %dma_start3A_240 = arith.constant 0 : i32
          %dma_start3A_241 = arith.constant 0 : i32
          %dma_start3A_242 = tpu.memref_slice %arg13[%dma_start3A_240, %dma_start3A_241] : memref<10240x128xf32, #tpu.memory_space<vmem_shared>> -> memref<10240x128xf32, #tpu.memory_space<vmem_shared>>
          tpu.enqueue_indirect_dma source(%arg10 : memref<128x128xf32, #tpu.memory_space<vmem>>) target(%dma_start3A_242 : memref<10240x128xf32, #tpu.memory_space<vmem_shared>>) offsets(%dma_start3A_239 : memref<128xi32, #tpu.memory_space<vmem>>) semaphore(%run_scoped3A_236 : memref<!tpu.dma_semaphore, #tpu.memory_space<semaphore_mem>>) {add = true}
          %dma_wait3A_243 = arith.constant 0 : i32
          %dma_wait3A_244 = tpu.memref_slice %arg8[%add3A_229, %dma_wait3A_243] : memref<32x128xi32, #tpu.memory_space<vmem>> -> memref<1x128xi32, #tpu.memory_space<vmem>>
          %dma_wait3A_245 = tpu.memref_squeeze %dma_wait3A_244 : memref<1x128xi32, #tpu.memory_space<vmem>> -> memref<128xi32, #tpu.memory_space<vmem>>
          %dma_wait3A_246 = arith.constant 0 : i32
          %dma_wait3A_247 = arith.constant 0 : i32
          %dma_wait3A_248 = tpu.memref_slice %arg13[%dma_wait3A_246, %dma_wait3A_247] : memref<10240x128xf32, #tpu.memory_space<vmem_shared>> -> memref<10240x128xf32, #tpu.memory_space<vmem_shared>>
          tpu.wait_indirect_dma semaphore(%run_scoped3A_236 : memref<!tpu.dma_semaphore, #tpu.memory_space<semaphore_mem>>) src(%arg10 : memref<128x128xf32, #tpu.memory_space<vmem>>) dst(%dma_wait3A_248 : memref<10240x128xf32, #tpu.memory_space<vmem_shared>>)
          tpu.yield
        }) : () -> ()
      }
      %scan3A_21 = arith.constant 15 : i32
      %dma_start3A_22 = arith.constant 31 : i32
      %dma_start3A_23 = arith.constant 0 : i32
      %dma_start3A_24 = tpu.memref_slice %arg7[%dma_start3A_22, %dma_start3A_23] : memref<32x128xi32, #tpu.memory_space<vmem>> -> memref<1x128xi32, #tpu.memory_space<vmem>>
      %dma_start3A_25 = tpu.memref_squeeze %dma_start3A_24 : memref<1x128xi32, #tpu.memory_space<vmem>> -> memref<128xi32, #tpu.memory_space<vmem>>
      %dma_start3A_26 = arith.constant 0 : i32
      %dma_start3A_27 = arith.constant 0 : i32
      %dma_start3A_28 = tpu.memref_slice %arg2[%dma_start3A_26, %dma_start3A_27] : memref<10000x128xf32, #tpu.memory_space<hbm>> -> memref<10000x128xf32, #tpu.memory_space<hbm>>
      tpu.enqueue_indirect_dma source(%dma_start3A_28 : memref<10000x128xf32, #tpu.memory_space<hbm>>) target(%arg10 : memref<128x128xf32, #tpu.memory_space<vmem>>) offsets(%dma_start3A_25 : memref<128xi32, #tpu.memory_space<vmem>>) semaphore(%arg12 : memref<!tpu.dma_semaphore, #tpu.memory_space<semaphore_mem>>)
      %dma_wait3A = arith.constant 30 : i32
      %dma_wait3A_29 = arith.constant 0 : i32
      %dma_wait3A_30 = tpu.memref_slice %arg7[%dma_wait3A, %dma_wait3A_29] : memref<32x128xi32, #tpu.memory_space<vmem>> -> memref<1x128xi32, #tpu.memory_space<vmem>>
      %dma_wait3A_31 = tpu.memref_squeeze %dma_wait3A_30 : memref<1x128xi32, #tpu.memory_space<vmem>> -> memref<128xi32, #tpu.memory_space<vmem>>
      %dma_wait3A_32 = arith.constant 0 : i32
      %dma_wait3A_33 = arith.constant 0 : i32
      %dma_wait3A_34 = tpu.memref_slice %arg2[%dma_wait3A_32, %dma_wait3A_33] : memref<10000x128xf32, #tpu.memory_space<hbm>> -> memref<10000x128xf32, #tpu.memory_space<hbm>>
      tpu.wait_indirect_dma semaphore(%arg11 : memref<!tpu.dma_semaphore, #tpu.memory_space<semaphore_mem>>) src(%dma_wait3A_34 : memref<10000x128xf32, #tpu.memory_space<hbm>>) dst(%arg9 : memref<128x128xf32, #tpu.memory_space<vmem>>)
      %run_scoped3A = arith.constant 30 : i32
      "tpu.region"() ({
        %run_scoped3A_199 = tpu.sem_alloc : memref<!tpu.dma_semaphore, #tpu.memory_space<semaphore_mem>>
        %dma_start3A_200 = arith.constant 0 : i32
        %dma_start3A_201 = tpu.memref_slice %arg8[%run_scoped3A, %dma_start3A_200] : memref<32x128xi32, #tpu.memory_space<vmem>> -> memref<1x128xi32, #tpu.memory_space<vmem>>
        %dma_start3A_202 = tpu.memref_squeeze %dma_start3A_201 : memref<1x128xi32, #tpu.memory_space<vmem>> -> memref<128xi32, #tpu.memory_space<vmem>>
        %dma_start3A_203 = arith.constant 0 : i32
        %dma_start3A_204 = arith.constant 0 : i32
        %dma_start3A_205 = tpu.memref_slice %arg13[%dma_start3A_203, %dma_start3A_204] : memref<10240x128xf32, #tpu.memory_space<vmem_shared>> -> memref<10240x128xf32, #tpu.memory_space<vmem_shared>>
        tpu.enqueue_indirect_dma source(%arg9 : memref<128x128xf32, #tpu.memory_space<vmem>>) target(%dma_start3A_205 : memref<10240x128xf32, #tpu.memory_space<vmem_shared>>) offsets(%dma_start3A_202 : memref<128xi32, #tpu.memory_space<vmem>>) semaphore(%run_scoped3A_199 : memref<!tpu.dma_semaphore, #tpu.memory_space<semaphore_mem>>) {add = true}
        %dma_wait3A_206 = arith.constant 0 : i32
        %dma_wait3A_207 = tpu.memref_slice %arg8[%run_scoped3A, %dma_wait3A_206] : memref<32x128xi32, #tpu.memory_space<vmem>> -> memref<1x128xi32, #tpu.memory_space<vmem>>
        %dma_wait3A_208 = tpu.memref_squeeze %dma_wait3A_207 : memref<1x128xi32, #tpu.memory_space<vmem>> -> memref<128xi32, #tpu.memory_space<vmem>>
        %dma_wait3A_209 = arith.constant 0 : i32
        %dma_wait3A_210 = arith.constant 0 : i32
        %dma_wait3A_211 = tpu.memref_slice %arg13[%dma_wait3A_209, %dma_wait3A_210] : memref<10240x128xf32, #tpu.memory_space<vmem_shared>> -> memref<10240x128xf32, #tpu.memory_space<vmem_shared>>
        tpu.wait_indirect_dma semaphore(%run_scoped3A_199 : memref<!tpu.dma_semaphore, #tpu.memory_space<semaphore_mem>>) src(%arg9 : memref<128x128xf32, #tpu.memory_space<vmem>>) dst(%dma_wait3A_211 : memref<10240x128xf32, #tpu.memory_space<vmem_shared>>)
        tpu.yield
      }) : () -> ()
      %dma_wait3A_35 = arith.constant 31 : i32
      %dma_wait3A_36 = arith.constant 0 : i32
      %dma_wait3A_37 = tpu.memref_slice %arg7[%dma_wait3A_35, %dma_wait3A_36] : memref<32x128xi32, #tpu.memory_space<vmem>> -> memref<1x128xi32, #tpu.memory_space<vmem>>
      %dma_wait3A_38 = tpu.memref_squeeze %dma_wait3A_37 : memref<1x128xi32, #tpu.memory_space<vmem>> -> memref<128xi32, #tpu.memory_space<vmem>>
      %dma_wait3A_39 = arith.constant 0 : i32
      %dma_wait3A_40 = arith.constant 0 : i32
      %dma_wait3A_41 = tpu.memref_slice %arg2[%dma_wait3A_39, %dma_wait3A_40] : memref<10000x128xf32, #tpu.memory_space<hbm>> -> memref<10000x128xf32, #tpu.memory_space<hbm>>
      tpu.wait_indirect_dma semaphore(%arg12 : memref<!tpu.dma_semaphore, #tpu.memory_space<semaphore_mem>>) src(%dma_wait3A_41 : memref<10000x128xf32, #tpu.memory_space<hbm>>) dst(%arg10 : memref<128x128xf32, #tpu.memory_space<vmem>>)
      %run_scoped3A_42 = arith.constant 31 : i32
      "tpu.region"() ({
        %run_scoped3A_199 = tpu.sem_alloc : memref<!tpu.dma_semaphore, #tpu.memory_space<semaphore_mem>>
        %dma_start3A_200 = arith.constant 0 : i32
        %dma_start3A_201 = tpu.memref_slice %arg8[%run_scoped3A_42, %dma_start3A_200] : memref<32x128xi32, #tpu.memory_space<vmem>> -> memref<1x128xi32, #tpu.memory_space<vmem>>
        %dma_start3A_202 = tpu.memref_squeeze %dma_start3A_201 : memref<1x128xi32, #tpu.memory_space<vmem>> -> memref<128xi32, #tpu.memory_space<vmem>>
        %dma_start3A_203 = arith.constant 0 : i32
        %dma_start3A_204 = arith.constant 0 : i32
        %dma_start3A_205 = tpu.memref_slice %arg13[%dma_start3A_203, %dma_start3A_204] : memref<10240x128xf32, #tpu.memory_space<vmem_shared>> -> memref<10240x128xf32, #tpu.memory_space<vmem_shared>>
        tpu.enqueue_indirect_dma source(%arg10 : memref<128x128xf32, #tpu.memory_space<vmem>>) target(%dma_start3A_205 : memref<10240x128xf32, #tpu.memory_space<vmem_shared>>) offsets(%dma_start3A_202 : memref<128xi32, #tpu.memory_space<vmem>>) semaphore(%run_scoped3A_199 : memref<!tpu.dma_semaphore, #tpu.memory_space<semaphore_mem>>) {add = true}
        %dma_wait3A_206 = arith.constant 0 : i32
        %dma_wait3A_207 = tpu.memref_slice %arg8[%run_scoped3A_42, %dma_wait3A_206] : memref<32x128xi32, #tpu.memory_space<vmem>> -> memref<1x128xi32, #tpu.memory_space<vmem>>
        %dma_wait3A_208 = tpu.memref_squeeze %dma_wait3A_207 : memref<1x128xi32, #tpu.memory_space<vmem>> -> memref<128xi32, #tpu.memory_space<vmem>>
        %dma_wait3A_209 = arith.constant 0 : i32
        %dma_wait3A_210 = arith.constant 0 : i32
        %dma_wait3A_211 = tpu.memref_slice %arg13[%dma_wait3A_209, %dma_wait3A_210] : memref<10240x128xf32, #tpu.memory_space<vmem_shared>> -> memref<10240x128xf32, #tpu.memory_space<vmem_shared>>
        tpu.wait_indirect_dma semaphore(%run_scoped3A_199 : memref<!tpu.dma_semaphore, #tpu.memory_space<semaphore_mem>>) src(%arg10 : memref<128x128xf32, #tpu.memory_space<vmem>>) dst(%dma_wait3A_211 : memref<10240x128xf32, #tpu.memory_space<vmem_shared>>)
        tpu.yield
      }) : () -> ()
      %mul3A_43 = arith.constant 160 : i32
      %mul3A_44 = arith.muli %arg1, %mul3A_43 : i32
      %add3A_45 = arith.constant 32 : i32
      %add3A_46 = arith.addi %mul3A_44, %add3A_45 : i32
      "tpu.region"() ({
        %run_scoped3A_199 = tpu.sem_alloc : memref<!tpu.dma_semaphore, #tpu.memory_space<semaphore_mem>>
        %dma_start3A_200 = arith.constant 0 : i32
        %dma_start3A_201 = tpu.memref_slice %arg3[%add3A_46, %dma_start3A_200] : memref<2560x128xi32, #tpu.memory_space<hbm>> -> memref<32x128xi32, #tpu.memory_space<hbm>>
        %dma_start3A_202 = arith.constant 0 : i32
        %dma_start3A_203 = tpu.memref_slice %arg3[%add3A_46, %dma_start3A_202] : memref<2560x128xi32, #tpu.memory_space<hbm>> -> memref<32x128xi32, #tpu.memory_space<hbm>>
        tpu.enqueue_dma source(%dma_start3A_203 : memref<32x128xi32, #tpu.memory_space<hbm>>) target(%arg7 : memref<32x128xi32, #tpu.memory_space<vmem>>) target_semaphore(%run_scoped3A_199 : memref<!tpu.dma_semaphore, #tpu.memory_space<semaphore_mem>>)
        %dma_wait3A_204 = arith.constant 0 : i32
        %dma_wait3A_205 = tpu.memref_slice %arg3[%add3A_46, %dma_wait3A_204] : memref<2560x128xi32, #tpu.memory_space<hbm>> -> memref<32x128xi32, #tpu.memory_space<hbm>>
        %dma_wait3A_206 = arith.constant 0 : i32
        %dma_wait3A_207 = tpu.memref_slice %arg3[%add3A_46, %dma_wait3A_206] : memref<2560x128xi32, #tpu.memory_space<hbm>> -> memref<32x128xi32, #tpu.memory_space<hbm>>
        tpu.wait_dma2 semaphore(%run_scoped3A_199 : memref<!tpu.dma_semaphore, #tpu.memory_space<semaphore_mem>>) src(%dma_wait3A_207 : memref<32x128xi32, #tpu.memory_space<hbm>>) dst(%arg7 : memref<32x128xi32, #tpu.memory_space<vmem>>)
        tpu.yield
      }) : () -> ()
      "tpu.region"() ({
        %run_scoped3A_199 = tpu.sem_alloc : memref<!tpu.dma_semaphore, #tpu.memory_space<semaphore_mem>>
        %dma_start3A_200 = arith.constant 0 : i32
        %dma_start3A_201 = tpu.memref_slice %arg4[%add3A_46, %dma_start3A_200] : memref<2560x128xi32, #tpu.memory_space<hbm>> -> memref<32x128xi32, #tpu.memory_space<hbm>>
        %dma_start3A_202 = arith.constant 0 : i32
        %dma_start3A_203 = tpu.memref_slice %arg4[%add3A_46, %dma_start3A_202] : memref<2560x128xi32, #tpu.memory_space<hbm>> -> memref<32x128xi32, #tpu.memory_space<hbm>>
        tpu.enqueue_dma source(%dma_start3A_203 : memref<32x128xi32, #tpu.memory_space<hbm>>) target(%arg8 : memref<32x128xi32, #tpu.memory_space<vmem>>) target_semaphore(%run_scoped3A_199 : memref<!tpu.dma_semaphore, #tpu.memory_space<semaphore_mem>>)
        %dma_wait3A_204 = arith.constant 0 : i32
        %dma_wait3A_205 = tpu.memref_slice %arg4[%add3A_46, %dma_wait3A_204] : memref<2560x128xi32, #tpu.memory_space<hbm>> -> memref<32x128xi32, #tpu.memory_space<hbm>>
        %dma_wait3A_206 = arith.constant 0 : i32
        %dma_wait3A_207 = tpu.memref_slice %arg4[%add3A_46, %dma_wait3A_206] : memref<2560x128xi32, #tpu.memory_space<hbm>> -> memref<32x128xi32, #tpu.memory_space<hbm>>
        tpu.wait_dma2 semaphore(%run_scoped3A_199 : memref<!tpu.dma_semaphore, #tpu.memory_space<semaphore_mem>>) src(%dma_wait3A_207 : memref<32x128xi32, #tpu.memory_space<hbm>>) dst(%arg8 : memref<32x128xi32, #tpu.memory_space<vmem>>)
        tpu.yield
      }) : () -> ()
      %dma_start3A_47 = arith.constant 0 : i32
      %dma_start3A_48 = arith.constant 0 : i32
      %dma_start3A_49 = tpu.memref_slice %arg7[%dma_start3A_47, %dma_start3A_48] : memref<32x128xi32, #tpu.memory_space<vmem>> -> memref<1x128xi32, #tpu.memory_space<vmem>>
      %dma_start3A_50 = tpu.memref_squeeze %dma_start3A_49 : memref<1x128xi32, #tpu.memory_space<vmem>> -> memref<128xi32, #tpu.memory_space<vmem>>
      %dma_start3A_51 = arith.constant 0 : i32
      %dma_start3A_52 = arith.constant 0 : i32
      %dma_start3A_53 = tpu.memref_slice %arg2[%dma_start3A_51, %dma_start3A_52] : memref<10000x128xf32, #tpu.memory_space<hbm>> -> memref<10000x128xf32, #tpu.memory_space<hbm>>
      tpu.enqueue_indirect_dma source(%dma_start3A_53 : memref<10000x128xf32, #tpu.memory_space<hbm>>) target(%arg9 : memref<128x128xf32, #tpu.memory_space<vmem>>) offsets(%dma_start3A_50 : memref<128xi32, #tpu.memory_space<vmem>>) semaphore(%arg11 : memref<!tpu.dma_semaphore, #tpu.memory_space<semaphore_mem>>)
      %scan3A_54 = arith.constant 0 : i32
      %scan3A_55 = arith.constant 15 : i32
      %scan3A_56 = arith.addi %scan3A_54, %scan3A_55 : i32
      %scan3A_57 = arith.constant 1 : i32
      scf.for %scan3A_199 = %scan3A_54 to %scan3A_56 step %scan3A_57  : i32 {
        %mul3A_200 = arith.constant 1 : i32
        %mul3A_201 = arith.muli %scan3A_199, %mul3A_200 : i32
        %add3A_202 = arith.constant 0 : i32
        %add3A_203 = arith.addi %add3A_202, %mul3A_201 : i32
        %mul3A_204 = arith.constant 2 : i32
        %mul3A_205 = arith.muli %mul3A_204, %add3A_203 : i32
        %add3A_206 = arith.constant 1 : i32
        %add3A_207 = arith.addi %mul3A_205, %add3A_206 : i32
        %dma_start3A_208 = arith.constant 0 : i32
        %dma_start3A_209 = tpu.memref_slice %arg7[%add3A_207, %dma_start3A_208] : memref<32x128xi32, #tpu.memory_space<vmem>> -> memref<1x128xi32, #tpu.memory_space<vmem>>
        %dma_start3A_210 = tpu.memref_squeeze %dma_start3A_209 : memref<1x128xi32, #tpu.memory_space<vmem>> -> memref<128xi32, #tpu.memory_space<vmem>>
        %dma_start3A_211 = arith.constant 0 : i32
        %dma_start3A_212 = arith.constant 0 : i32
        %dma_start3A_213 = tpu.memref_slice %arg2[%dma_start3A_211, %dma_start3A_212] : memref<10000x128xf32, #tpu.memory_space<hbm>> -> memref<10000x128xf32, #tpu.memory_space<hbm>>
        tpu.enqueue_indirect_dma source(%dma_start3A_213 : memref<10000x128xf32, #tpu.memory_space<hbm>>) target(%arg10 : memref<128x128xf32, #tpu.memory_space<vmem>>) offsets(%dma_start3A_210 : memref<128xi32, #tpu.memory_space<vmem>>) semaphore(%arg12 : memref<!tpu.dma_semaphore, #tpu.memory_space<semaphore_mem>>)
        %dma_wait3A_214 = arith.constant 0 : i32
        %dma_wait3A_215 = tpu.memref_slice %arg7[%mul3A_205, %dma_wait3A_214] : memref<32x128xi32, #tpu.memory_space<vmem>> -> memref<1x128xi32, #tpu.memory_space<vmem>>
        %dma_wait3A_216 = tpu.memref_squeeze %dma_wait3A_215 : memref<1x128xi32, #tpu.memory_space<vmem>> -> memref<128xi32, #tpu.memory_space<vmem>>
        %dma_wait3A_217 = arith.constant 0 : i32
        %dma_wait3A_218 = arith.constant 0 : i32
        %dma_wait3A_219 = tpu.memref_slice %arg2[%dma_wait3A_217, %dma_wait3A_218] : memref<10000x128xf32, #tpu.memory_space<hbm>> -> memref<10000x128xf32, #tpu.memory_space<hbm>>
        tpu.wait_indirect_dma semaphore(%arg11 : memref<!tpu.dma_semaphore, #tpu.memory_space<semaphore_mem>>) src(%dma_wait3A_219 : memref<10000x128xf32, #tpu.memory_space<hbm>>) dst(%arg9 : memref<128x128xf32, #tpu.memory_space<vmem>>)
        "tpu.region"() ({
          %run_scoped3A_236 = tpu.sem_alloc : memref<!tpu.dma_semaphore, #tpu.memory_space<semaphore_mem>>
          %dma_start3A_237 = arith.constant 0 : i32
          %dma_start3A_238 = tpu.memref_slice %arg8[%mul3A_205, %dma_start3A_237] : memref<32x128xi32, #tpu.memory_space<vmem>> -> memref<1x128xi32, #tpu.memory_space<vmem>>
          %dma_start3A_239 = tpu.memref_squeeze %dma_start3A_238 : memref<1x128xi32, #tpu.memory_space<vmem>> -> memref<128xi32, #tpu.memory_space<vmem>>
          %dma_start3A_240 = arith.constant 0 : i32
          %dma_start3A_241 = arith.constant 0 : i32
          %dma_start3A_242 = tpu.memref_slice %arg13[%dma_start3A_240, %dma_start3A_241] : memref<10240x128xf32, #tpu.memory_space<vmem_shared>> -> memref<10240x128xf32, #tpu.memory_space<vmem_shared>>
          tpu.enqueue_indirect_dma source(%arg9 : memref<128x128xf32, #tpu.memory_space<vmem>>) target(%dma_start3A_242 : memref<10240x128xf32, #tpu.memory_space<vmem_shared>>) offsets(%dma_start3A_239 : memref<128xi32, #tpu.memory_space<vmem>>) semaphore(%run_scoped3A_236 : memref<!tpu.dma_semaphore, #tpu.memory_space<semaphore_mem>>) {add = true}
          %dma_wait3A_243 = arith.constant 0 : i32
          %dma_wait3A_244 = tpu.memref_slice %arg8[%mul3A_205, %dma_wait3A_243] : memref<32x128xi32, #tpu.memory_space<vmem>> -> memref<1x128xi32, #tpu.memory_space<vmem>>
          %dma_wait3A_245 = tpu.memref_squeeze %dma_wait3A_244 : memref<1x128xi32, #tpu.memory_space<vmem>> -> memref<128xi32, #tpu.memory_space<vmem>>
          %dma_wait3A_246 = arith.constant 0 : i32
          %dma_wait3A_247 = arith.constant 0 : i32
          %dma_wait3A_248 = tpu.memref_slice %arg13[%dma_wait3A_246, %dma_wait3A_247] : memref<10240x128xf32, #tpu.memory_space<vmem_shared>> -> memref<10240x128xf32, #tpu.memory_space<vmem_shared>>
          tpu.wait_indirect_dma semaphore(%run_scoped3A_236 : memref<!tpu.dma_semaphore, #tpu.memory_space<semaphore_mem>>) src(%arg9 : memref<128x128xf32, #tpu.memory_space<vmem>>) dst(%dma_wait3A_248 : memref<10240x128xf32, #tpu.memory_space<vmem_shared>>)
          tpu.yield
        }) : () -> ()
        %add3A_220 = arith.constant 2 : i32
        %add3A_221 = arith.addi %mul3A_205, %add3A_220 : i32
        %dma_start3A_222 = arith.constant 0 : i32
        %dma_start3A_223 = tpu.memref_slice %arg7[%add3A_221, %dma_start3A_222] : memref<32x128xi32, #tpu.memory_space<vmem>> -> memref<1x128xi32, #tpu.memory_space<vmem>>
        %dma_start3A_224 = tpu.memref_squeeze %dma_start3A_223 : memref<1x128xi32, #tpu.memory_space<vmem>> -> memref<128xi32, #tpu.memory_space<vmem>>
        %dma_start3A_225 = arith.constant 0 : i32
        %dma_start3A_226 = arith.constant 0 : i32
        %dma_start3A_227 = tpu.memref_slice %arg2[%dma_start3A_225, %dma_start3A_226] : memref<10000x128xf32, #tpu.memory_space<hbm>> -> memref<10000x128xf32, #tpu.memory_space<hbm>>
        tpu.enqueue_indirect_dma source(%dma_start3A_227 : memref<10000x128xf32, #tpu.memory_space<hbm>>) target(%arg9 : memref<128x128xf32, #tpu.memory_space<vmem>>) offsets(%dma_start3A_224 : memref<128xi32, #tpu.memory_space<vmem>>) semaphore(%arg11 : memref<!tpu.dma_semaphore, #tpu.memory_space<semaphore_mem>>)
        %add3A_228 = arith.constant 1 : i32
        %add3A_229 = arith.addi %mul3A_205, %add3A_228 : i32
        %dma_wait3A_230 = arith.constant 0 : i32
        %dma_wait3A_231 = tpu.memref_slice %arg7[%add3A_229, %dma_wait3A_230] : memref<32x128xi32, #tpu.memory_space<vmem>> -> memref<1x128xi32, #tpu.memory_space<vmem>>
        %dma_wait3A_232 = tpu.memref_squeeze %dma_wait3A_231 : memref<1x128xi32, #tpu.memory_space<vmem>> -> memref<128xi32, #tpu.memory_space<vmem>>
        %dma_wait3A_233 = arith.constant 0 : i32
        %dma_wait3A_234 = arith.constant 0 : i32
        %dma_wait3A_235 = tpu.memref_slice %arg2[%dma_wait3A_233, %dma_wait3A_234] : memref<10000x128xf32, #tpu.memory_space<hbm>> -> memref<10000x128xf32, #tpu.memory_space<hbm>>
        tpu.wait_indirect_dma semaphore(%arg12 : memref<!tpu.dma_semaphore, #tpu.memory_space<semaphore_mem>>) src(%dma_wait3A_235 : memref<10000x128xf32, #tpu.memory_space<hbm>>) dst(%arg10 : memref<128x128xf32, #tpu.memory_space<vmem>>)
        "tpu.region"() ({
          %run_scoped3A_236 = tpu.sem_alloc : memref<!tpu.dma_semaphore, #tpu.memory_space<semaphore_mem>>
          %dma_start3A_237 = arith.constant 0 : i32
          %dma_start3A_238 = tpu.memref_slice %arg8[%add3A_229, %dma_start3A_237] : memref<32x128xi32, #tpu.memory_space<vmem>> -> memref<1x128xi32, #tpu.memory_space<vmem>>
          %dma_start3A_239 = tpu.memref_squeeze %dma_start3A_238 : memref<1x128xi32, #tpu.memory_space<vmem>> -> memref<128xi32, #tpu.memory_space<vmem>>
          %dma_start3A_240 = arith.constant 0 : i32
          %dma_start3A_241 = arith.constant 0 : i32
          %dma_start3A_242 = tpu.memref_slice %arg13[%dma_start3A_240, %dma_start3A_241] : memref<10240x128xf32, #tpu.memory_space<vmem_shared>> -> memref<10240x128xf32, #tpu.memory_space<vmem_shared>>
          tpu.enqueue_indirect_dma source(%arg10 : memref<128x128xf32, #tpu.memory_space<vmem>>) target(%dma_start3A_242 : memref<10240x128xf32, #tpu.memory_space<vmem_shared>>) offsets(%dma_start3A_239 : memref<128xi32, #tpu.memory_space<vmem>>) semaphore(%run_scoped3A_236 : memref<!tpu.dma_semaphore, #tpu.memory_space<semaphore_mem>>) {add = true}
          %dma_wait3A_243 = arith.constant 0 : i32
          %dma_wait3A_244 = tpu.memref_slice %arg8[%add3A_229, %dma_wait3A_243] : memref<32x128xi32, #tpu.memory_space<vmem>> -> memref<1x128xi32, #tpu.memory_space<vmem>>
          %dma_wait3A_245 = tpu.memref_squeeze %dma_wait3A_244 : memref<1x128xi32, #tpu.memory_space<vmem>> -> memref<128xi32, #tpu.memory_space<vmem>>
          %dma_wait3A_246 = arith.constant 0 : i32
          %dma_wait3A_247 = arith.constant 0 : i32
          %dma_wait3A_248 = tpu.memref_slice %arg13[%dma_wait3A_246, %dma_wait3A_247] : memref<10240x128xf32, #tpu.memory_space<vmem_shared>> -> memref<10240x128xf32, #tpu.memory_space<vmem_shared>>
          tpu.wait_indirect_dma semaphore(%run_scoped3A_236 : memref<!tpu.dma_semaphore, #tpu.memory_space<semaphore_mem>>) src(%arg10 : memref<128x128xf32, #tpu.memory_space<vmem>>) dst(%dma_wait3A_248 : memref<10240x128xf32, #tpu.memory_space<vmem_shared>>)
          tpu.yield
        }) : () -> ()
      }
      %scan3A_58 = arith.constant 15 : i32
      %dma_start3A_59 = arith.constant 31 : i32
      %dma_start3A_60 = arith.constant 0 : i32
      %dma_start3A_61 = tpu.memref_slice %arg7[%dma_start3A_59, %dma_start3A_60] : memref<32x128xi32, #tpu.memory_space<vmem>> -> memref<1x128xi32, #tpu.memory_space<vmem>>
      %dma_start3A_62 = tpu.memref_squeeze %dma_start3A_61 : memref<1x128xi32, #tpu.memory_space<vmem>> -> memref<128xi32, #tpu.memory_space<vmem>>
      %dma_start3A_63 = arith.constant 0 : i32
      %dma_start3A_64 = arith.constant 0 : i32
      %dma_start3A_65 = tpu.memref_slice %arg2[%dma_start3A_63, %dma_start3A_64] : memref<10000x128xf32, #tpu.memory_space<hbm>> -> memref<10000x128xf32, #tpu.memory_space<hbm>>
      tpu.enqueue_indirect_dma source(%dma_start3A_65 : memref<10000x128xf32, #tpu.memory_space<hbm>>) target(%arg10 : memref<128x128xf32, #tpu.memory_space<vmem>>) offsets(%dma_start3A_62 : memref<128xi32, #tpu.memory_space<vmem>>) semaphore(%arg12 : memref<!tpu.dma_semaphore, #tpu.memory_space<semaphore_mem>>)
      %dma_wait3A_66 = arith.constant 30 : i32
      %dma_wait3A_67 = arith.constant 0 : i32
      %dma_wait3A_68 = tpu.memref_slice %arg7[%dma_wait3A_66, %dma_wait3A_67] : memref<32x128xi32, #tpu.memory_space<vmem>> -> memref<1x128xi32, #tpu.memory_space<vmem>>
      %dma_wait3A_69 = tpu.memref_squeeze %dma_wait3A_68 : memref<1x128xi32, #tpu.memory_space<vmem>> -> memref<128xi32, #tpu.memory_space<vmem>>
      %dma_wait3A_70 = arith.constant 0 : i32
      %dma_wait3A_71 = arith.constant 0 : i32
      %dma_wait3A_72 = tpu.memref_slice %arg2[%dma_wait3A_70, %dma_wait3A_71] : memref<10000x128xf32, #tpu.memory_space<hbm>> -> memref<10000x128xf32, #tpu.memory_space<hbm>>
      tpu.wait_indirect_dma semaphore(%arg11 : memref<!tpu.dma_semaphore, #tpu.memory_space<semaphore_mem>>) src(%dma_wait3A_72 : memref<10000x128xf32, #tpu.memory_space<hbm>>) dst(%arg9 : memref<128x128xf32, #tpu.memory_space<vmem>>)
      %run_scoped3A_73 = arith.constant 30 : i32
      "tpu.region"() ({
        %run_scoped3A_199 = tpu.sem_alloc : memref<!tpu.dma_semaphore, #tpu.memory_space<semaphore_mem>>
        %dma_start3A_200 = arith.constant 0 : i32
        %dma_start3A_201 = tpu.memref_slice %arg8[%run_scoped3A_73, %dma_start3A_200] : memref<32x128xi32, #tpu.memory_space<vmem>> -> memref<1x128xi32, #tpu.memory_space<vmem>>
        %dma_start3A_202 = tpu.memref_squeeze %dma_start3A_201 : memref<1x128xi32, #tpu.memory_space<vmem>> -> memref<128xi32, #tpu.memory_space<vmem>>
        %dma_start3A_203 = arith.constant 0 : i32
        %dma_start3A_204 = arith.constant 0 : i32
        %dma_start3A_205 = tpu.memref_slice %arg13[%dma_start3A_203, %dma_start3A_204] : memref<10240x128xf32, #tpu.memory_space<vmem_shared>> -> memref<10240x128xf32, #tpu.memory_space<vmem_shared>>
        tpu.enqueue_indirect_dma source(%arg9 : memref<128x128xf32, #tpu.memory_space<vmem>>) target(%dma_start3A_205 : memref<10240x128xf32, #tpu.memory_space<vmem_shared>>) offsets(%dma_start3A_202 : memref<128xi32, #tpu.memory_space<vmem>>) semaphore(%run_scoped3A_199 : memref<!tpu.dma_semaphore, #tpu.memory_space<semaphore_mem>>) {add = true}
        %dma_wait3A_206 = arith.constant 0 : i32
        %dma_wait3A_207 = tpu.memref_slice %arg8[%run_scoped3A_73, %dma_wait3A_206] : memref<32x128xi32, #tpu.memory_space<vmem>> -> memref<1x128xi32, #tpu.memory_space<vmem>>
        %dma_wait3A_208 = tpu.memref_squeeze %dma_wait3A_207 : memref<1x128xi32, #tpu.memory_space<vmem>> -> memref<128xi32, #tpu.memory_space<vmem>>
        %dma_wait3A_209 = arith.constant 0 : i32
        %dma_wait3A_210 = arith.constant 0 : i32
        %dma_wait3A_211 = tpu.memref_slice %arg13[%dma_wait3A_209, %dma_wait3A_210] : memref<10240x128xf32, #tpu.memory_space<vmem_shared>> -> memref<10240x128xf32, #tpu.memory_space<vmem_shared>>
        tpu.wait_indirect_dma semaphore(%run_scoped3A_199 : memref<!tpu.dma_semaphore, #tpu.memory_space<semaphore_mem>>) src(%arg9 : memref<128x128xf32, #tpu.memory_space<vmem>>) dst(%dma_wait3A_211 : memref<10240x128xf32, #tpu.memory_space<vmem_shared>>)
        tpu.yield
      }) : () -> ()
      %dma_wait3A_74 = arith.constant 31 : i32
      %dma_wait3A_75 = arith.constant 0 : i32
      %dma_wait3A_76 = tpu.memref_slice %arg7[%dma_wait3A_74, %dma_wait3A_75] : memref<32x128xi32, #tpu.memory_space<vmem>> -> memref<1x128xi32, #tpu.memory_space<vmem>>
      %dma_wait3A_77 = tpu.memref_squeeze %dma_wait3A_76 : memref<1x128xi32, #tpu.memory_space<vmem>> -> memref<128xi32, #tpu.memory_space<vmem>>
      %dma_wait3A_78 = arith.constant 0 : i32
      %dma_wait3A_79 = arith.constant 0 : i32
      %dma_wait3A_80 = tpu.memref_slice %arg2[%dma_wait3A_78, %dma_wait3A_79] : memref<10000x128xf32, #tpu.memory_space<hbm>> -> memref<10000x128xf32, #tpu.memory_space<hbm>>
      tpu.wait_indirect_dma semaphore(%arg12 : memref<!tpu.dma_semaphore, #tpu.memory_space<semaphore_mem>>) src(%dma_wait3A_80 : memref<10000x128xf32, #tpu.memory_space<hbm>>) dst(%arg10 : memref<128x128xf32, #tpu.memory_space<vmem>>)
      %run_scoped3A_81 = arith.constant 31 : i32
      "tpu.region"() ({
        %run_scoped3A_199 = tpu.sem_alloc : memref<!tpu.dma_semaphore, #tpu.memory_space<semaphore_mem>>
        %dma_start3A_200 = arith.constant 0 : i32
        %dma_start3A_201 = tpu.memref_slice %arg8[%run_scoped3A_81, %dma_start3A_200] : memref<32x128xi32, #tpu.memory_space<vmem>> -> memref<1x128xi32, #tpu.memory_space<vmem>>
        %dma_start3A_202 = tpu.memref_squeeze %dma_start3A_201 : memref<1x128xi32, #tpu.memory_space<vmem>> -> memref<128xi32, #tpu.memory_space<vmem>>
        %dma_start3A_203 = arith.constant 0 : i32
        %dma_start3A_204 = arith.constant 0 : i32
        %dma_start3A_205 = tpu.memref_slice %arg13[%dma_start3A_203, %dma_start3A_204] : memref<10240x128xf32, #tpu.memory_space<vmem_shared>> -> memref<10240x128xf32, #tpu.memory_space<vmem_shared>>
        tpu.enqueue_indirect_dma source(%arg10 : memref<128x128xf32, #tpu.memory_space<vmem>>) target(%dma_start3A_205 : memref<10240x128xf32, #tpu.memory_space<vmem_shared>>) offsets(%dma_start3A_202 : memref<128xi32, #tpu.memory_space<vmem>>) semaphore(%run_scoped3A_199 : memref<!tpu.dma_semaphore, #tpu.memory_space<semaphore_mem>>) {add = true}
        %dma_wait3A_206 = arith.constant 0 : i32
        %dma_wait3A_207 = tpu.memref_slice %arg8[%run_scoped3A_81, %dma_wait3A_206] : memref<32x128xi32, #tpu.memory_space<vmem>> -> memref<1x128xi32, #tpu.memory_space<vmem>>
        %dma_wait3A_208 = tpu.memref_squeeze %dma_wait3A_207 : memref<1x128xi32, #tpu.memory_space<vmem>> -> memref<128xi32, #tpu.memory_space<vmem>>
        %dma_wait3A_209 = arith.constant 0 : i32
        %dma_wait3A_210 = arith.constant 0 : i32
        %dma_wait3A_211 = tpu.memref_slice %arg13[%dma_wait3A_209, %dma_wait3A_210] : memref<10240x128xf32, #tpu.memory_space<vmem_shared>> -> memref<10240x128xf32, #tpu.memory_space<vmem_shared>>
        tpu.wait_indirect_dma semaphore(%run_scoped3A_199 : memref<!tpu.dma_semaphore, #tpu.memory_space<semaphore_mem>>) src(%arg10 : memref<128x128xf32, #tpu.memory_space<vmem>>) dst(%dma_wait3A_211 : memref<10240x128xf32, #tpu.memory_space<vmem_shared>>)
        tpu.yield
      }) : () -> ()
      %mul3A_82 = arith.constant 160 : i32
      %mul3A_83 = arith.muli %arg1, %mul3A_82 : i32
      %add3A_84 = arith.constant 64 : i32
      %add3A_85 = arith.addi %mul3A_83, %add3A_84 : i32
      "tpu.region"() ({
        %run_scoped3A_199 = tpu.sem_alloc : memref<!tpu.dma_semaphore, #tpu.memory_space<semaphore_mem>>
        %dma_start3A_200 = arith.constant 0 : i32
        %dma_start3A_201 = tpu.memref_slice %arg3[%add3A_85, %dma_start3A_200] : memref<2560x128xi32, #tpu.memory_space<hbm>> -> memref<32x128xi32, #tpu.memory_space<hbm>>
        %dma_start3A_202 = arith.constant 0 : i32
        %dma_start3A_203 = tpu.memref_slice %arg3[%add3A_85, %dma_start3A_202] : memref<2560x128xi32, #tpu.memory_space<hbm>> -> memref<32x128xi32, #tpu.memory_space<hbm>>
        tpu.enqueue_dma source(%dma_start3A_203 : memref<32x128xi32, #tpu.memory_space<hbm>>) target(%arg7 : memref<32x128xi32, #tpu.memory_space<vmem>>) target_semaphore(%run_scoped3A_199 : memref<!tpu.dma_semaphore, #tpu.memory_space<semaphore_mem>>)
        %dma_wait3A_204 = arith.constant 0 : i32
        %dma_wait3A_205 = tpu.memref_slice %arg3[%add3A_85, %dma_wait3A_204] : memref<2560x128xi32, #tpu.memory_space<hbm>> -> memref<32x128xi32, #tpu.memory_space<hbm>>
        %dma_wait3A_206 = arith.constant 0 : i32
        %dma_wait3A_207 = tpu.memref_slice %arg3[%add3A_85, %dma_wait3A_206] : memref<2560x128xi32, #tpu.memory_space<hbm>> -> memref<32x128xi32, #tpu.memory_space<hbm>>
        tpu.wait_dma2 semaphore(%run_scoped3A_199 : memref<!tpu.dma_semaphore, #tpu.memory_space<semaphore_mem>>) src(%dma_wait3A_207 : memref<32x128xi32, #tpu.memory_space<hbm>>) dst(%arg7 : memref<32x128xi32, #tpu.memory_space<vmem>>)
        tpu.yield
      }) : () -> ()
      "tpu.region"() ({
        %run_scoped3A_199 = tpu.sem_alloc : memref<!tpu.dma_semaphore, #tpu.memory_space<semaphore_mem>>
        %dma_start3A_200 = arith.constant 0 : i32
        %dma_start3A_201 = tpu.memref_slice %arg4[%add3A_85, %dma_start3A_200] : memref<2560x128xi32, #tpu.memory_space<hbm>> -> memref<32x128xi32, #tpu.memory_space<hbm>>
        %dma_start3A_202 = arith.constant 0 : i32
        %dma_start3A_203 = tpu.memref_slice %arg4[%add3A_85, %dma_start3A_202] : memref<2560x128xi32, #tpu.memory_space<hbm>> -> memref<32x128xi32, #tpu.memory_space<hbm>>
        tpu.enqueue_dma source(%dma_start3A_203 : memref<32x128xi32, #tpu.memory_space<hbm>>) target(%arg8 : memref<32x128xi32, #tpu.memory_space<vmem>>) target_semaphore(%run_scoped3A_199 : memref<!tpu.dma_semaphore, #tpu.memory_space<semaphore_mem>>)
        %dma_wait3A_204 = arith.constant 0 : i32
        %dma_wait3A_205 = tpu.memref_slice %arg4[%add3A_85, %dma_wait3A_204] : memref<2560x128xi32, #tpu.memory_space<hbm>> -> memref<32x128xi32, #tpu.memory_space<hbm>>
        %dma_wait3A_206 = arith.constant 0 : i32
        %dma_wait3A_207 = tpu.memref_slice %arg4[%add3A_85, %dma_wait3A_206] : memref<2560x128xi32, #tpu.memory_space<hbm>> -> memref<32x128xi32, #tpu.memory_space<hbm>>
        tpu.wait_dma2 semaphore(%run_scoped3A_199 : memref<!tpu.dma_semaphore, #tpu.memory_space<semaphore_mem>>) src(%dma_wait3A_207 : memref<32x128xi32, #tpu.memory_space<hbm>>) dst(%arg8 : memref<32x128xi32, #tpu.memory_space<vmem>>)
        tpu.yield
      }) : () -> ()
      %dma_start3A_86 = arith.constant 0 : i32
      %dma_start3A_87 = arith.constant 0 : i32
      %dma_start3A_88 = tpu.memref_slice %arg7[%dma_start3A_86, %dma_start3A_87] : memref<32x128xi32, #tpu.memory_space<vmem>> -> memref<1x128xi32, #tpu.memory_space<vmem>>
      %dma_start3A_89 = tpu.memref_squeeze %dma_start3A_88 : memref<1x128xi32, #tpu.memory_space<vmem>> -> memref<128xi32, #tpu.memory_space<vmem>>
      %dma_start3A_90 = arith.constant 0 : i32
      %dma_start3A_91 = arith.constant 0 : i32
      %dma_start3A_92 = tpu.memref_slice %arg2[%dma_start3A_90, %dma_start3A_91] : memref<10000x128xf32, #tpu.memory_space<hbm>> -> memref<10000x128xf32, #tpu.memory_space<hbm>>
      tpu.enqueue_indirect_dma source(%dma_start3A_92 : memref<10000x128xf32, #tpu.memory_space<hbm>>) target(%arg9 : memref<128x128xf32, #tpu.memory_space<vmem>>) offsets(%dma_start3A_89 : memref<128xi32, #tpu.memory_space<vmem>>) semaphore(%arg11 : memref<!tpu.dma_semaphore, #tpu.memory_space<semaphore_mem>>)
      %scan3A_93 = arith.constant 0 : i32
      %scan3A_94 = arith.constant 15 : i32
      %scan3A_95 = arith.addi %scan3A_93, %scan3A_94 : i32
      %scan3A_96 = arith.constant 1 : i32
      scf.for %scan3A_199 = %scan3A_93 to %scan3A_95 step %scan3A_96  : i32 {
        %mul3A_200 = arith.constant 1 : i32
        %mul3A_201 = arith.muli %scan3A_199, %mul3A_200 : i32
        %add3A_202 = arith.constant 0 : i32
        %add3A_203 = arith.addi %add3A_202, %mul3A_201 : i32
        %mul3A_204 = arith.constant 2 : i32
        %mul3A_205 = arith.muli %mul3A_204, %add3A_203 : i32
        %add3A_206 = arith.constant 1 : i32
        %add3A_207 = arith.addi %mul3A_205, %add3A_206 : i32
        %dma_start3A_208 = arith.constant 0 : i32
        %dma_start3A_209 = tpu.memref_slice %arg7[%add3A_207, %dma_start3A_208] : memref<32x128xi32, #tpu.memory_space<vmem>> -> memref<1x128xi32, #tpu.memory_space<vmem>>
        %dma_start3A_210 = tpu.memref_squeeze %dma_start3A_209 : memref<1x128xi32, #tpu.memory_space<vmem>> -> memref<128xi32, #tpu.memory_space<vmem>>
        %dma_start3A_211 = arith.constant 0 : i32
        %dma_start3A_212 = arith.constant 0 : i32
        %dma_start3A_213 = tpu.memref_slice %arg2[%dma_start3A_211, %dma_start3A_212] : memref<10000x128xf32, #tpu.memory_space<hbm>> -> memref<10000x128xf32, #tpu.memory_space<hbm>>
        tpu.enqueue_indirect_dma source(%dma_start3A_213 : memref<10000x128xf32, #tpu.memory_space<hbm>>) target(%arg10 : memref<128x128xf32, #tpu.memory_space<vmem>>) offsets(%dma_start3A_210 : memref<128xi32, #tpu.memory_space<vmem>>) semaphore(%arg12 : memref<!tpu.dma_semaphore, #tpu.memory_space<semaphore_mem>>)
        %dma_wait3A_214 = arith.constant 0 : i32
        %dma_wait3A_215 = tpu.memref_slice %arg7[%mul3A_205, %dma_wait3A_214] : memref<32x128xi32, #tpu.memory_space<vmem>> -> memref<1x128xi32, #tpu.memory_space<vmem>>
        %dma_wait3A_216 = tpu.memref_squeeze %dma_wait3A_215 : memref<1x128xi32, #tpu.memory_space<vmem>> -> memref<128xi32, #tpu.memory_space<vmem>>
        %dma_wait3A_217 = arith.constant 0 : i32
        %dma_wait3A_218 = arith.constant 0 : i32
        %dma_wait3A_219 = tpu.memref_slice %arg2[%dma_wait3A_217, %dma_wait3A_218] : memref<10000x128xf32, #tpu.memory_space<hbm>> -> memref<10000x128xf32, #tpu.memory_space<hbm>>
        tpu.wait_indirect_dma semaphore(%arg11 : memref<!tpu.dma_semaphore, #tpu.memory_space<semaphore_mem>>) src(%dma_wait3A_219 : memref<10000x128xf32, #tpu.memory_space<hbm>>) dst(%arg9 : memref<128x128xf32, #tpu.memory_space<vmem>>)
        "tpu.region"() ({
          %run_scoped3A_236 = tpu.sem_alloc : memref<!tpu.dma_semaphore, #tpu.memory_space<semaphore_mem>>
          %dma_start3A_237 = arith.constant 0 : i32
          %dma_start3A_238 = tpu.memref_slice %arg8[%mul3A_205, %dma_start3A_237] : memref<32x128xi32, #tpu.memory_space<vmem>> -> memref<1x128xi32, #tpu.memory_space<vmem>>
          %dma_start3A_239 = tpu.memref_squeeze %dma_start3A_238 : memref<1x128xi32, #tpu.memory_space<vmem>> -> memref<128xi32, #tpu.memory_space<vmem>>
          %dma_start3A_240 = arith.constant 0 : i32
          %dma_start3A_241 = arith.constant 0 : i32
          %dma_start3A_242 = tpu.memref_slice %arg13[%dma_start3A_240, %dma_start3A_241] : memref<10240x128xf32, #tpu.memory_space<vmem_shared>> -> memref<10240x128xf32, #tpu.memory_space<vmem_shared>>
          tpu.enqueue_indirect_dma source(%arg9 : memref<128x128xf32, #tpu.memory_space<vmem>>) target(%dma_start3A_242 : memref<10240x128xf32, #tpu.memory_space<vmem_shared>>) offsets(%dma_start3A_239 : memref<128xi32, #tpu.memory_space<vmem>>) semaphore(%run_scoped3A_236 : memref<!tpu.dma_semaphore, #tpu.memory_space<semaphore_mem>>) {add = true}
          %dma_wait3A_243 = arith.constant 0 : i32
          %dma_wait3A_244 = tpu.memref_slice %arg8[%mul3A_205, %dma_wait3A_243] : memref<32x128xi32, #tpu.memory_space<vmem>> -> memref<1x128xi32, #tpu.memory_space<vmem>>
          %dma_wait3A_245 = tpu.memref_squeeze %dma_wait3A_244 : memref<1x128xi32, #tpu.memory_space<vmem>> -> memref<128xi32, #tpu.memory_space<vmem>>
          %dma_wait3A_246 = arith.constant 0 : i32
          %dma_wait3A_247 = arith.constant 0 : i32
          %dma_wait3A_248 = tpu.memref_slice %arg13[%dma_wait3A_246, %dma_wait3A_247] : memref<10240x128xf32, #tpu.memory_space<vmem_shared>> -> memref<10240x128xf32, #tpu.memory_space<vmem_shared>>
          tpu.wait_indirect_dma semaphore(%run_scoped3A_236 : memref<!tpu.dma_semaphore, #tpu.memory_space<semaphore_mem>>) src(%arg9 : memref<128x128xf32, #tpu.memory_space<vmem>>) dst(%dma_wait3A_248 : memref<10240x128xf32, #tpu.memory_space<vmem_shared>>)
          tpu.yield
        }) : () -> ()
        %add3A_220 = arith.constant 2 : i32
        %add3A_221 = arith.addi %mul3A_205, %add3A_220 : i32
        %dma_start3A_222 = arith.constant 0 : i32
        %dma_start3A_223 = tpu.memref_slice %arg7[%add3A_221, %dma_start3A_222] : memref<32x128xi32, #tpu.memory_space<vmem>> -> memref<1x128xi32, #tpu.memory_space<vmem>>
        %dma_start3A_224 = tpu.memref_squeeze %dma_start3A_223 : memref<1x128xi32, #tpu.memory_space<vmem>> -> memref<128xi32, #tpu.memory_space<vmem>>
        %dma_start3A_225 = arith.constant 0 : i32
        %dma_start3A_226 = arith.constant 0 : i32
        %dma_start3A_227 = tpu.memref_slice %arg2[%dma_start3A_225, %dma_start3A_226] : memref<10000x128xf32, #tpu.memory_space<hbm>> -> memref<10000x128xf32, #tpu.memory_space<hbm>>
        tpu.enqueue_indirect_dma source(%dma_start3A_227 : memref<10000x128xf32, #tpu.memory_space<hbm>>) target(%arg9 : memref<128x128xf32, #tpu.memory_space<vmem>>) offsets(%dma_start3A_224 : memref<128xi32, #tpu.memory_space<vmem>>) semaphore(%arg11 : memref<!tpu.dma_semaphore, #tpu.memory_space<semaphore_mem>>)
        %add3A_228 = arith.constant 1 : i32
        %add3A_229 = arith.addi %mul3A_205, %add3A_228 : i32
        %dma_wait3A_230 = arith.constant 0 : i32
        %dma_wait3A_231 = tpu.memref_slice %arg7[%add3A_229, %dma_wait3A_230] : memref<32x128xi32, #tpu.memory_space<vmem>> -> memref<1x128xi32, #tpu.memory_space<vmem>>
        %dma_wait3A_232 = tpu.memref_squeeze %dma_wait3A_231 : memref<1x128xi32, #tpu.memory_space<vmem>> -> memref<128xi32, #tpu.memory_space<vmem>>
        %dma_wait3A_233 = arith.constant 0 : i32
        %dma_wait3A_234 = arith.constant 0 : i32
        %dma_wait3A_235 = tpu.memref_slice %arg2[%dma_wait3A_233, %dma_wait3A_234] : memref<10000x128xf32, #tpu.memory_space<hbm>> -> memref<10000x128xf32, #tpu.memory_space<hbm>>
        tpu.wait_indirect_dma semaphore(%arg12 : memref<!tpu.dma_semaphore, #tpu.memory_space<semaphore_mem>>) src(%dma_wait3A_235 : memref<10000x128xf32, #tpu.memory_space<hbm>>) dst(%arg10 : memref<128x128xf32, #tpu.memory_space<vmem>>)
        "tpu.region"() ({
          %run_scoped3A_236 = tpu.sem_alloc : memref<!tpu.dma_semaphore, #tpu.memory_space<semaphore_mem>>
          %dma_start3A_237 = arith.constant 0 : i32
          %dma_start3A_238 = tpu.memref_slice %arg8[%add3A_229, %dma_start3A_237] : memref<32x128xi32, #tpu.memory_space<vmem>> -> memref<1x128xi32, #tpu.memory_space<vmem>>
          %dma_start3A_239 = tpu.memref_squeeze %dma_start3A_238 : memref<1x128xi32, #tpu.memory_space<vmem>> -> memref<128xi32, #tpu.memory_space<vmem>>
          %dma_start3A_240 = arith.constant 0 : i32
          %dma_start3A_241 = arith.constant 0 : i32
          %dma_start3A_242 = tpu.memref_slice %arg13[%dma_start3A_240, %dma_start3A_241] : memref<10240x128xf32, #tpu.memory_space<vmem_shared>> -> memref<10240x128xf32, #tpu.memory_space<vmem_shared>>
          tpu.enqueue_indirect_dma source(%arg10 : memref<128x128xf32, #tpu.memory_space<vmem>>) target(%dma_start3A_242 : memref<10240x128xf32, #tpu.memory_space<vmem_shared>>) offsets(%dma_start3A_239 : memref<128xi32, #tpu.memory_space<vmem>>) semaphore(%run_scoped3A_236 : memref<!tpu.dma_semaphore, #tpu.memory_space<semaphore_mem>>) {add = true}
          %dma_wait3A_243 = arith.constant 0 : i32
          %dma_wait3A_244 = tpu.memref_slice %arg8[%add3A_229, %dma_wait3A_243] : memref<32x128xi32, #tpu.memory_space<vmem>> -> memref<1x128xi32, #tpu.memory_space<vmem>>
          %dma_wait3A_245 = tpu.memref_squeeze %dma_wait3A_244 : memref<1x128xi32, #tpu.memory_space<vmem>> -> memref<128xi32, #tpu.memory_space<vmem>>
          %dma_wait3A_246 = arith.constant 0 : i32
          %dma_wait3A_247 = arith.constant 0 : i32
          %dma_wait3A_248 = tpu.memref_slice %arg13[%dma_wait3A_246, %dma_wait3A_247] : memref<10240x128xf32, #tpu.memory_space<vmem_shared>> -> memref<10240x128xf32, #tpu.memory_space<vmem_shared>>
          tpu.wait_indirect_dma semaphore(%run_scoped3A_236 : memref<!tpu.dma_semaphore, #tpu.memory_space<semaphore_mem>>) src(%arg10 : memref<128x128xf32, #tpu.memory_space<vmem>>) dst(%dma_wait3A_248 : memref<10240x128xf32, #tpu.memory_space<vmem_shared>>)
          tpu.yield
        }) : () -> ()
      }
      %scan3A_97 = arith.constant 15 : i32
      %dma_start3A_98 = arith.constant 31 : i32
      %dma_start3A_99 = arith.constant 0 : i32
      %dma_start3A_100 = tpu.memref_slice %arg7[%dma_start3A_98, %dma_start3A_99] : memref<32x128xi32, #tpu.memory_space<vmem>> -> memref<1x128xi32, #tpu.memory_space<vmem>>
      %dma_start3A_101 = tpu.memref_squeeze %dma_start3A_100 : memref<1x128xi32, #tpu.memory_space<vmem>> -> memref<128xi32, #tpu.memory_space<vmem>>
      %dma_start3A_102 = arith.constant 0 : i32
      %dma_start3A_103 = arith.constant 0 : i32
      %dma_start3A_104 = tpu.memref_slice %arg2[%dma_start3A_102, %dma_start3A_103] : memref<10000x128xf32, #tpu.memory_space<hbm>> -> memref<10000x128xf32, #tpu.memory_space<hbm>>
      tpu.enqueue_indirect_dma source(%dma_start3A_104 : memref<10000x128xf32, #tpu.memory_space<hbm>>) target(%arg10 : memref<128x128xf32, #tpu.memory_space<vmem>>) offsets(%dma_start3A_101 : memref<128xi32, #tpu.memory_space<vmem>>) semaphore(%arg12 : memref<!tpu.dma_semaphore, #tpu.memory_space<semaphore_mem>>)
      %dma_wait3A_105 = arith.constant 30 : i32
      %dma_wait3A_106 = arith.constant 0 : i32
      %dma_wait3A_107 = tpu.memref_slice %arg7[%dma_wait3A_105, %dma_wait3A_106] : memref<32x128xi32, #tpu.memory_space<vmem>> -> memref<1x128xi32, #tpu.memory_space<vmem>>
      %dma_wait3A_108 = tpu.memref_squeeze %dma_wait3A_107 : memref<1x128xi32, #tpu.memory_space<vmem>> -> memref<128xi32, #tpu.memory_space<vmem>>
      %dma_wait3A_109 = arith.constant 0 : i32
      %dma_wait3A_110 = arith.constant 0 : i32
      %dma_wait3A_111 = tpu.memref_slice %arg2[%dma_wait3A_109, %dma_wait3A_110] : memref<10000x128xf32, #tpu.memory_space<hbm>> -> memref<10000x128xf32, #tpu.memory_space<hbm>>
      tpu.wait_indirect_dma semaphore(%arg11 : memref<!tpu.dma_semaphore, #tpu.memory_space<semaphore_mem>>) src(%dma_wait3A_111 : memref<10000x128xf32, #tpu.memory_space<hbm>>) dst(%arg9 : memref<128x128xf32, #tpu.memory_space<vmem>>)
      %run_scoped3A_112 = arith.constant 30 : i32
      "tpu.region"() ({
        %run_scoped3A_199 = tpu.sem_alloc : memref<!tpu.dma_semaphore, #tpu.memory_space<semaphore_mem>>
        %dma_start3A_200 = arith.constant 0 : i32
        %dma_start3A_201 = tpu.memref_slice %arg8[%run_scoped3A_112, %dma_start3A_200] : memref<32x128xi32, #tpu.memory_space<vmem>> -> memref<1x128xi32, #tpu.memory_space<vmem>>
        %dma_start3A_202 = tpu.memref_squeeze %dma_start3A_201 : memref<1x128xi32, #tpu.memory_space<vmem>> -> memref<128xi32, #tpu.memory_space<vmem>>
        %dma_start3A_203 = arith.constant 0 : i32
        %dma_start3A_204 = arith.constant 0 : i32
        %dma_start3A_205 = tpu.memref_slice %arg13[%dma_start3A_203, %dma_start3A_204] : memref<10240x128xf32, #tpu.memory_space<vmem_shared>> -> memref<10240x128xf32, #tpu.memory_space<vmem_shared>>
        tpu.enqueue_indirect_dma source(%arg9 : memref<128x128xf32, #tpu.memory_space<vmem>>) target(%dma_start3A_205 : memref<10240x128xf32, #tpu.memory_space<vmem_shared>>) offsets(%dma_start3A_202 : memref<128xi32, #tpu.memory_space<vmem>>) semaphore(%run_scoped3A_199 : memref<!tpu.dma_semaphore, #tpu.memory_space<semaphore_mem>>) {add = true}
        %dma_wait3A_206 = arith.constant 0 : i32
        %dma_wait3A_207 = tpu.memref_slice %arg8[%run_scoped3A_112, %dma_wait3A_206] : memref<32x128xi32, #tpu.memory_space<vmem>> -> memref<1x128xi32, #tpu.memory_space<vmem>>
        %dma_wait3A_208 = tpu.memref_squeeze %dma_wait3A_207 : memref<1x128xi32, #tpu.memory_space<vmem>> -> memref<128xi32, #tpu.memory_space<vmem>>
        %dma_wait3A_209 = arith.constant 0 : i32
        %dma_wait3A_210 = arith.constant 0 : i32
        %dma_wait3A_211 = tpu.memref_slice %arg13[%dma_wait3A_209, %dma_wait3A_210] : memref<10240x128xf32, #tpu.memory_space<vmem_shared>> -> memref<10240x128xf32, #tpu.memory_space<vmem_shared>>
        tpu.wait_indirect_dma semaphore(%run_scoped3A_199 : memref<!tpu.dma_semaphore, #tpu.memory_space<semaphore_mem>>) src(%arg9 : memref<128x128xf32, #tpu.memory_space<vmem>>) dst(%dma_wait3A_211 : memref<10240x128xf32, #tpu.memory_space<vmem_shared>>)
        tpu.yield
      }) : () -> ()
      %dma_wait3A_113 = arith.constant 31 : i32
      %dma_wait3A_114 = arith.constant 0 : i32
      %dma_wait3A_115 = tpu.memref_slice %arg7[%dma_wait3A_113, %dma_wait3A_114] : memref<32x128xi32, #tpu.memory_space<vmem>> -> memref<1x128xi32, #tpu.memory_space<vmem>>
      %dma_wait3A_116 = tpu.memref_squeeze %dma_wait3A_115 : memref<1x128xi32, #tpu.memory_space<vmem>> -> memref<128xi32, #tpu.memory_space<vmem>>
      %dma_wait3A_117 = arith.constant 0 : i32
      %dma_wait3A_118 = arith.constant 0 : i32
      %dma_wait3A_119 = tpu.memref_slice %arg2[%dma_wait3A_117, %dma_wait3A_118] : memref<10000x128xf32, #tpu.memory_space<hbm>> -> memref<10000x128xf32, #tpu.memory_space<hbm>>
      tpu.wait_indirect_dma semaphore(%arg12 : memref<!tpu.dma_semaphore, #tpu.memory_space<semaphore_mem>>) src(%dma_wait3A_119 : memref<10000x128xf32, #tpu.memory_space<hbm>>) dst(%arg10 : memref<128x128xf32, #tpu.memory_space<vmem>>)
      %run_scoped3A_120 = arith.constant 31 : i32
      "tpu.region"() ({
        %run_scoped3A_199 = tpu.sem_alloc : memref<!tpu.dma_semaphore, #tpu.memory_space<semaphore_mem>>
        %dma_start3A_200 = arith.constant 0 : i32
        %dma_start3A_201 = tpu.memref_slice %arg8[%run_scoped3A_120, %dma_start3A_200] : memref<32x128xi32, #tpu.memory_space<vmem>> -> memref<1x128xi32, #tpu.memory_space<vmem>>
        %dma_start3A_202 = tpu.memref_squeeze %dma_start3A_201 : memref<1x128xi32, #tpu.memory_space<vmem>> -> memref<128xi32, #tpu.memory_space<vmem>>
        %dma_start3A_203 = arith.constant 0 : i32
        %dma_start3A_204 = arith.constant 0 : i32
        %dma_start3A_205 = tpu.memref_slice %arg13[%dma_start3A_203, %dma_start3A_204] : memref<10240x128xf32, #tpu.memory_space<vmem_shared>> -> memref<10240x128xf32, #tpu.memory_space<vmem_shared>>
        tpu.enqueue_indirect_dma source(%arg10 : memref<128x128xf32, #tpu.memory_space<vmem>>) target(%dma_start3A_205 : memref<10240x128xf32, #tpu.memory_space<vmem_shared>>) offsets(%dma_start3A_202 : memref<128xi32, #tpu.memory_space<vmem>>) semaphore(%run_scoped3A_199 : memref<!tpu.dma_semaphore, #tpu.memory_space<semaphore_mem>>) {add = true}
        %dma_wait3A_206 = arith.constant 0 : i32
        %dma_wait3A_207 = tpu.memref_slice %arg8[%run_scoped3A_120, %dma_wait3A_206] : memref<32x128xi32, #tpu.memory_space<vmem>> -> memref<1x128xi32, #tpu.memory_space<vmem>>
        %dma_wait3A_208 = tpu.memref_squeeze %dma_wait3A_207 : memref<1x128xi32, #tpu.memory_space<vmem>> -> memref<128xi32, #tpu.memory_space<vmem>>
        %dma_wait3A_209 = arith.constant 0 : i32
        %dma_wait3A_210 = arith.constant 0 : i32
        %dma_wait3A_211 = tpu.memref_slice %arg13[%dma_wait3A_209, %dma_wait3A_210] : memref<10240x128xf32, #tpu.memory_space<vmem_shared>> -> memref<10240x128xf32, #tpu.memory_space<vmem_shared>>
        tpu.wait_indirect_dma semaphore(%run_scoped3A_199 : memref<!tpu.dma_semaphore, #tpu.memory_space<semaphore_mem>>) src(%arg10 : memref<128x128xf32, #tpu.memory_space<vmem>>) dst(%dma_wait3A_211 : memref<10240x128xf32, #tpu.memory_space<vmem_shared>>)
        tpu.yield
      }) : () -> ()
      %mul3A_121 = arith.constant 160 : i32
      %mul3A_122 = arith.muli %arg1, %mul3A_121 : i32
      %add3A_123 = arith.constant 96 : i32
      %add3A_124 = arith.addi %mul3A_122, %add3A_123 : i32
      "tpu.region"() ({
        %run_scoped3A_199 = tpu.sem_alloc : memref<!tpu.dma_semaphore, #tpu.memory_space<semaphore_mem>>
        %dma_start3A_200 = arith.constant 0 : i32
        %dma_start3A_201 = tpu.memref_slice %arg3[%add3A_124, %dma_start3A_200] : memref<2560x128xi32, #tpu.memory_space<hbm>> -> memref<32x128xi32, #tpu.memory_space<hbm>>
        %dma_start3A_202 = arith.constant 0 : i32
        %dma_start3A_203 = tpu.memref_slice %arg3[%add3A_124, %dma_start3A_202] : memref<2560x128xi32, #tpu.memory_space<hbm>> -> memref<32x128xi32, #tpu.memory_space<hbm>>
        tpu.enqueue_dma source(%dma_start3A_203 : memref<32x128xi32, #tpu.memory_space<hbm>>) target(%arg7 : memref<32x128xi32, #tpu.memory_space<vmem>>) target_semaphore(%run_scoped3A_199 : memref<!tpu.dma_semaphore, #tpu.memory_space<semaphore_mem>>)
        %dma_wait3A_204 = arith.constant 0 : i32
        %dma_wait3A_205 = tpu.memref_slice %arg3[%add3A_124, %dma_wait3A_204] : memref<2560x128xi32, #tpu.memory_space<hbm>> -> memref<32x128xi32, #tpu.memory_space<hbm>>
        %dma_wait3A_206 = arith.constant 0 : i32
        %dma_wait3A_207 = tpu.memref_slice %arg3[%add3A_124, %dma_wait3A_206] : memref<2560x128xi32, #tpu.memory_space<hbm>> -> memref<32x128xi32, #tpu.memory_space<hbm>>
        tpu.wait_dma2 semaphore(%run_scoped3A_199 : memref<!tpu.dma_semaphore, #tpu.memory_space<semaphore_mem>>) src(%dma_wait3A_207 : memref<32x128xi32, #tpu.memory_space<hbm>>) dst(%arg7 : memref<32x128xi32, #tpu.memory_space<vmem>>)
        tpu.yield
      }) : () -> ()
      "tpu.region"() ({
        %run_scoped3A_199 = tpu.sem_alloc : memref<!tpu.dma_semaphore, #tpu.memory_space<semaphore_mem>>
        %dma_start3A_200 = arith.constant 0 : i32
        %dma_start3A_201 = tpu.memref_slice %arg4[%add3A_124, %dma_start3A_200] : memref<2560x128xi32, #tpu.memory_space<hbm>> -> memref<32x128xi32, #tpu.memory_space<hbm>>
        %dma_start3A_202 = arith.constant 0 : i32
        %dma_start3A_203 = tpu.memref_slice %arg4[%add3A_124, %dma_start3A_202] : memref<2560x128xi32, #tpu.memory_space<hbm>> -> memref<32x128xi32, #tpu.memory_space<hbm>>
        tpu.enqueue_dma source(%dma_start3A_203 : memref<32x128xi32, #tpu.memory_space<hbm>>) target(%arg8 : memref<32x128xi32, #tpu.memory_space<vmem>>) target_semaphore(%run_scoped3A_199 : memref<!tpu.dma_semaphore, #tpu.memory_space<semaphore_mem>>)
        %dma_wait3A_204 = arith.constant 0 : i32
        %dma_wait3A_205 = tpu.memref_slice %arg4[%add3A_124, %dma_wait3A_204] : memref<2560x128xi32, #tpu.memory_space<hbm>> -> memref<32x128xi32, #tpu.memory_space<hbm>>
        %dma_wait3A_206 = arith.constant 0 : i32
        %dma_wait3A_207 = tpu.memref_slice %arg4[%add3A_124, %dma_wait3A_206] : memref<2560x128xi32, #tpu.memory_space<hbm>> -> memref<32x128xi32, #tpu.memory_space<hbm>>
        tpu.wait_dma2 semaphore(%run_scoped3A_199 : memref<!tpu.dma_semaphore, #tpu.memory_space<semaphore_mem>>) src(%dma_wait3A_207 : memref<32x128xi32, #tpu.memory_space<hbm>>) dst(%arg8 : memref<32x128xi32, #tpu.memory_space<vmem>>)
        tpu.yield
      }) : () -> ()
      %dma_start3A_125 = arith.constant 0 : i32
      %dma_start3A_126 = arith.constant 0 : i32
      %dma_start3A_127 = tpu.memref_slice %arg7[%dma_start3A_125, %dma_start3A_126] : memref<32x128xi32, #tpu.memory_space<vmem>> -> memref<1x128xi32, #tpu.memory_space<vmem>>
      %dma_start3A_128 = tpu.memref_squeeze %dma_start3A_127 : memref<1x128xi32, #tpu.memory_space<vmem>> -> memref<128xi32, #tpu.memory_space<vmem>>
      %dma_start3A_129 = arith.constant 0 : i32
      %dma_start3A_130 = arith.constant 0 : i32
      %dma_start3A_131 = tpu.memref_slice %arg2[%dma_start3A_129, %dma_start3A_130] : memref<10000x128xf32, #tpu.memory_space<hbm>> -> memref<10000x128xf32, #tpu.memory_space<hbm>>
      tpu.enqueue_indirect_dma source(%dma_start3A_131 : memref<10000x128xf32, #tpu.memory_space<hbm>>) target(%arg9 : memref<128x128xf32, #tpu.memory_space<vmem>>) offsets(%dma_start3A_128 : memref<128xi32, #tpu.memory_space<vmem>>) semaphore(%arg11 : memref<!tpu.dma_semaphore, #tpu.memory_space<semaphore_mem>>)
      %scan3A_132 = arith.constant 0 : i32
      %scan3A_133 = arith.constant 15 : i32
      %scan3A_134 = arith.addi %scan3A_132, %scan3A_133 : i32
      %scan3A_135 = arith.constant 1 : i32
      scf.for %scan3A_199 = %scan3A_132 to %scan3A_134 step %scan3A_135  : i32 {
        %mul3A_200 = arith.constant 1 : i32
        %mul3A_201 = arith.muli %scan3A_199, %mul3A_200 : i32
        %add3A_202 = arith.constant 0 : i32
        %add3A_203 = arith.addi %add3A_202, %mul3A_201 : i32
        %mul3A_204 = arith.constant 2 : i32
        %mul3A_205 = arith.muli %mul3A_204, %add3A_203 : i32
        %add3A_206 = arith.constant 1 : i32
        %add3A_207 = arith.addi %mul3A_205, %add3A_206 : i32
        %dma_start3A_208 = arith.constant 0 : i32
        %dma_start3A_209 = tpu.memref_slice %arg7[%add3A_207, %dma_start3A_208] : memref<32x128xi32, #tpu.memory_space<vmem>> -> memref<1x128xi32, #tpu.memory_space<vmem>>
        %dma_start3A_210 = tpu.memref_squeeze %dma_start3A_209 : memref<1x128xi32, #tpu.memory_space<vmem>> -> memref<128xi32, #tpu.memory_space<vmem>>
        %dma_start3A_211 = arith.constant 0 : i32
        %dma_start3A_212 = arith.constant 0 : i32
        %dma_start3A_213 = tpu.memref_slice %arg2[%dma_start3A_211, %dma_start3A_212] : memref<10000x128xf32, #tpu.memory_space<hbm>> -> memref<10000x128xf32, #tpu.memory_space<hbm>>
        tpu.enqueue_indirect_dma source(%dma_start3A_213 : memref<10000x128xf32, #tpu.memory_space<hbm>>) target(%arg10 : memref<128x128xf32, #tpu.memory_space<vmem>>) offsets(%dma_start3A_210 : memref<128xi32, #tpu.memory_space<vmem>>) semaphore(%arg12 : memref<!tpu.dma_semaphore, #tpu.memory_space<semaphore_mem>>)
        %dma_wait3A_214 = arith.constant 0 : i32
        %dma_wait3A_215 = tpu.memref_slice %arg7[%mul3A_205, %dma_wait3A_214] : memref<32x128xi32, #tpu.memory_space<vmem>> -> memref<1x128xi32, #tpu.memory_space<vmem>>
        %dma_wait3A_216 = tpu.memref_squeeze %dma_wait3A_215 : memref<1x128xi32, #tpu.memory_space<vmem>> -> memref<128xi32, #tpu.memory_space<vmem>>
        %dma_wait3A_217 = arith.constant 0 : i32
        %dma_wait3A_218 = arith.constant 0 : i32
        %dma_wait3A_219 = tpu.memref_slice %arg2[%dma_wait3A_217, %dma_wait3A_218] : memref<10000x128xf32, #tpu.memory_space<hbm>> -> memref<10000x128xf32, #tpu.memory_space<hbm>>
        tpu.wait_indirect_dma semaphore(%arg11 : memref<!tpu.dma_semaphore, #tpu.memory_space<semaphore_mem>>) src(%dma_wait3A_219 : memref<10000x128xf32, #tpu.memory_space<hbm>>) dst(%arg9 : memref<128x128xf32, #tpu.memory_space<vmem>>)
        "tpu.region"() ({
          %run_scoped3A_236 = tpu.sem_alloc : memref<!tpu.dma_semaphore, #tpu.memory_space<semaphore_mem>>
          %dma_start3A_237 = arith.constant 0 : i32
          %dma_start3A_238 = tpu.memref_slice %arg8[%mul3A_205, %dma_start3A_237] : memref<32x128xi32, #tpu.memory_space<vmem>> -> memref<1x128xi32, #tpu.memory_space<vmem>>
          %dma_start3A_239 = tpu.memref_squeeze %dma_start3A_238 : memref<1x128xi32, #tpu.memory_space<vmem>> -> memref<128xi32, #tpu.memory_space<vmem>>
          %dma_start3A_240 = arith.constant 0 : i32
          %dma_start3A_241 = arith.constant 0 : i32
          %dma_start3A_242 = tpu.memref_slice %arg13[%dma_start3A_240, %dma_start3A_241] : memref<10240x128xf32, #tpu.memory_space<vmem_shared>> -> memref<10240x128xf32, #tpu.memory_space<vmem_shared>>
          tpu.enqueue_indirect_dma source(%arg9 : memref<128x128xf32, #tpu.memory_space<vmem>>) target(%dma_start3A_242 : memref<10240x128xf32, #tpu.memory_space<vmem_shared>>) offsets(%dma_start3A_239 : memref<128xi32, #tpu.memory_space<vmem>>) semaphore(%run_scoped3A_236 : memref<!tpu.dma_semaphore, #tpu.memory_space<semaphore_mem>>) {add = true}
          %dma_wait3A_243 = arith.constant 0 : i32
          %dma_wait3A_244 = tpu.memref_slice %arg8[%mul3A_205, %dma_wait3A_243] : memref<32x128xi32, #tpu.memory_space<vmem>> -> memref<1x128xi32, #tpu.memory_space<vmem>>
          %dma_wait3A_245 = tpu.memref_squeeze %dma_wait3A_244 : memref<1x128xi32, #tpu.memory_space<vmem>> -> memref<128xi32, #tpu.memory_space<vmem>>
          %dma_wait3A_246 = arith.constant 0 : i32
          %dma_wait3A_247 = arith.constant 0 : i32
          %dma_wait3A_248 = tpu.memref_slice %arg13[%dma_wait3A_246, %dma_wait3A_247] : memref<10240x128xf32, #tpu.memory_space<vmem_shared>> -> memref<10240x128xf32, #tpu.memory_space<vmem_shared>>
          tpu.wait_indirect_dma semaphore(%run_scoped3A_236 : memref<!tpu.dma_semaphore, #tpu.memory_space<semaphore_mem>>) src(%arg9 : memref<128x128xf32, #tpu.memory_space<vmem>>) dst(%dma_wait3A_248 : memref<10240x128xf32, #tpu.memory_space<vmem_shared>>)
          tpu.yield
        }) : () -> ()
        %add3A_220 = arith.constant 2 : i32
        %add3A_221 = arith.addi %mul3A_205, %add3A_220 : i32
        %dma_start3A_222 = arith.constant 0 : i32
        %dma_start3A_223 = tpu.memref_slice %arg7[%add3A_221, %dma_start3A_222] : memref<32x128xi32, #tpu.memory_space<vmem>> -> memref<1x128xi32, #tpu.memory_space<vmem>>
        %dma_start3A_224 = tpu.memref_squeeze %dma_start3A_223 : memref<1x128xi32, #tpu.memory_space<vmem>> -> memref<128xi32, #tpu.memory_space<vmem>>
        %dma_start3A_225 = arith.constant 0 : i32
        %dma_start3A_226 = arith.constant 0 : i32
        %dma_start3A_227 = tpu.memref_slice %arg2[%dma_start3A_225, %dma_start3A_226] : memref<10000x128xf32, #tpu.memory_space<hbm>> -> memref<10000x128xf32, #tpu.memory_space<hbm>>
        tpu.enqueue_indirect_dma source(%dma_start3A_227 : memref<10000x128xf32, #tpu.memory_space<hbm>>) target(%arg9 : memref<128x128xf32, #tpu.memory_space<vmem>>) offsets(%dma_start3A_224 : memref<128xi32, #tpu.memory_space<vmem>>) semaphore(%arg11 : memref<!tpu.dma_semaphore, #tpu.memory_space<semaphore_mem>>)
        %add3A_228 = arith.constant 1 : i32
        %add3A_229 = arith.addi %mul3A_205, %add3A_228 : i32
        %dma_wait3A_230 = arith.constant 0 : i32
        %dma_wait3A_231 = tpu.memref_slice %arg7[%add3A_229, %dma_wait3A_230] : memref<32x128xi32, #tpu.memory_space<vmem>> -> memref<1x128xi32, #tpu.memory_space<vmem>>
        %dma_wait3A_232 = tpu.memref_squeeze %dma_wait3A_231 : memref<1x128xi32, #tpu.memory_space<vmem>> -> memref<128xi32, #tpu.memory_space<vmem>>
        %dma_wait3A_233 = arith.constant 0 : i32
        %dma_wait3A_234 = arith.constant 0 : i32
        %dma_wait3A_235 = tpu.memref_slice %arg2[%dma_wait3A_233, %dma_wait3A_234] : memref<10000x128xf32, #tpu.memory_space<hbm>> -> memref<10000x128xf32, #tpu.memory_space<hbm>>
        tpu.wait_indirect_dma semaphore(%arg12 : memref<!tpu.dma_semaphore, #tpu.memory_space<semaphore_mem>>) src(%dma_wait3A_235 : memref<10000x128xf32, #tpu.memory_space<hbm>>) dst(%arg10 : memref<128x128xf32, #tpu.memory_space<vmem>>)
        "tpu.region"() ({
          %run_scoped3A_236 = tpu.sem_alloc : memref<!tpu.dma_semaphore, #tpu.memory_space<semaphore_mem>>
          %dma_start3A_237 = arith.constant 0 : i32
          %dma_start3A_238 = tpu.memref_slice %arg8[%add3A_229, %dma_start3A_237] : memref<32x128xi32, #tpu.memory_space<vmem>> -> memref<1x128xi32, #tpu.memory_space<vmem>>
          %dma_start3A_239 = tpu.memref_squeeze %dma_start3A_238 : memref<1x128xi32, #tpu.memory_space<vmem>> -> memref<128xi32, #tpu.memory_space<vmem>>
          %dma_start3A_240 = arith.constant 0 : i32
          %dma_start3A_241 = arith.constant 0 : i32
          %dma_start3A_242 = tpu.memref_slice %arg13[%dma_start3A_240, %dma_start3A_241] : memref<10240x128xf32, #tpu.memory_space<vmem_shared>> -> memref<10240x128xf32, #tpu.memory_space<vmem_shared>>
          tpu.enqueue_indirect_dma source(%arg10 : memref<128x128xf32, #tpu.memory_space<vmem>>) target(%dma_start3A_242 : memref<10240x128xf32, #tpu.memory_space<vmem_shared>>) offsets(%dma_start3A_239 : memref<128xi32, #tpu.memory_space<vmem>>) semaphore(%run_scoped3A_236 : memref<!tpu.dma_semaphore, #tpu.memory_space<semaphore_mem>>) {add = true}
          %dma_wait3A_243 = arith.constant 0 : i32
          %dma_wait3A_244 = tpu.memref_slice %arg8[%add3A_229, %dma_wait3A_243] : memref<32x128xi32, #tpu.memory_space<vmem>> -> memref<1x128xi32, #tpu.memory_space<vmem>>
          %dma_wait3A_245 = tpu.memref_squeeze %dma_wait3A_244 : memref<1x128xi32, #tpu.memory_space<vmem>> -> memref<128xi32, #tpu.memory_space<vmem>>
          %dma_wait3A_246 = arith.constant 0 : i32
          %dma_wait3A_247 = arith.constant 0 : i32
          %dma_wait3A_248 = tpu.memref_slice %arg13[%dma_wait3A_246, %dma_wait3A_247] : memref<10240x128xf32, #tpu.memory_space<vmem_shared>> -> memref<10240x128xf32, #tpu.memory_space<vmem_shared>>
          tpu.wait_indirect_dma semaphore(%run_scoped3A_236 : memref<!tpu.dma_semaphore, #tpu.memory_space<semaphore_mem>>) src(%arg10 : memref<128x128xf32, #tpu.memory_space<vmem>>) dst(%dma_wait3A_248 : memref<10240x128xf32, #tpu.memory_space<vmem_shared>>)
          tpu.yield
        }) : () -> ()
      }
      %scan3A_136 = arith.constant 15 : i32
      %dma_start3A_137 = arith.constant 31 : i32
      %dma_start3A_138 = arith.constant 0 : i32
      %dma_start3A_139 = tpu.memref_slice %arg7[%dma_start3A_137, %dma_start3A_138] : memref<32x128xi32, #tpu.memory_space<vmem>> -> memref<1x128xi32, #tpu.memory_space<vmem>>
      %dma_start3A_140 = tpu.memref_squeeze %dma_start3A_139 : memref<1x128xi32, #tpu.memory_space<vmem>> -> memref<128xi32, #tpu.memory_space<vmem>>
      %dma_start3A_141 = arith.constant 0 : i32
      %dma_start3A_142 = arith.constant 0 : i32
      %dma_start3A_143 = tpu.memref_slice %arg2[%dma_start3A_141, %dma_start3A_142] : memref<10000x128xf32, #tpu.memory_space<hbm>> -> memref<10000x128xf32, #tpu.memory_space<hbm>>
      tpu.enqueue_indirect_dma source(%dma_start3A_143 : memref<10000x128xf32, #tpu.memory_space<hbm>>) target(%arg10 : memref<128x128xf32, #tpu.memory_space<vmem>>) offsets(%dma_start3A_140 : memref<128xi32, #tpu.memory_space<vmem>>) semaphore(%arg12 : memref<!tpu.dma_semaphore, #tpu.memory_space<semaphore_mem>>)
      %dma_wait3A_144 = arith.constant 30 : i32
      %dma_wait3A_145 = arith.constant 0 : i32
      %dma_wait3A_146 = tpu.memref_slice %arg7[%dma_wait3A_144, %dma_wait3A_145] : memref<32x128xi32, #tpu.memory_space<vmem>> -> memref<1x128xi32, #tpu.memory_space<vmem>>
      %dma_wait3A_147 = tpu.memref_squeeze %dma_wait3A_146 : memref<1x128xi32, #tpu.memory_space<vmem>> -> memref<128xi32, #tpu.memory_space<vmem>>
      %dma_wait3A_148 = arith.constant 0 : i32
      %dma_wait3A_149 = arith.constant 0 : i32
      %dma_wait3A_150 = tpu.memref_slice %arg2[%dma_wait3A_148, %dma_wait3A_149] : memref<10000x128xf32, #tpu.memory_space<hbm>> -> memref<10000x128xf32, #tpu.memory_space<hbm>>
      tpu.wait_indirect_dma semaphore(%arg11 : memref<!tpu.dma_semaphore, #tpu.memory_space<semaphore_mem>>) src(%dma_wait3A_150 : memref<10000x128xf32, #tpu.memory_space<hbm>>) dst(%arg9 : memref<128x128xf32, #tpu.memory_space<vmem>>)
      %run_scoped3A_151 = arith.constant 30 : i32
      "tpu.region"() ({
        %run_scoped3A_199 = tpu.sem_alloc : memref<!tpu.dma_semaphore, #tpu.memory_space<semaphore_mem>>
        %dma_start3A_200 = arith.constant 0 : i32
        %dma_start3A_201 = tpu.memref_slice %arg8[%run_scoped3A_151, %dma_start3A_200] : memref<32x128xi32, #tpu.memory_space<vmem>> -> memref<1x128xi32, #tpu.memory_space<vmem>>
        %dma_start3A_202 = tpu.memref_squeeze %dma_start3A_201 : memref<1x128xi32, #tpu.memory_space<vmem>> -> memref<128xi32, #tpu.memory_space<vmem>>
        %dma_start3A_203 = arith.constant 0 : i32
        %dma_start3A_204 = arith.constant 0 : i32
        %dma_start3A_205 = tpu.memref_slice %arg13[%dma_start3A_203, %dma_start3A_204] : memref<10240x128xf32, #tpu.memory_space<vmem_shared>> -> memref<10240x128xf32, #tpu.memory_space<vmem_shared>>
        tpu.enqueue_indirect_dma source(%arg9 : memref<128x128xf32, #tpu.memory_space<vmem>>) target(%dma_start3A_205 : memref<10240x128xf32, #tpu.memory_space<vmem_shared>>) offsets(%dma_start3A_202 : memref<128xi32, #tpu.memory_space<vmem>>) semaphore(%run_scoped3A_199 : memref<!tpu.dma_semaphore, #tpu.memory_space<semaphore_mem>>) {add = true}
        %dma_wait3A_206 = arith.constant 0 : i32
        %dma_wait3A_207 = tpu.memref_slice %arg8[%run_scoped3A_151, %dma_wait3A_206] : memref<32x128xi32, #tpu.memory_space<vmem>> -> memref<1x128xi32, #tpu.memory_space<vmem>>
        %dma_wait3A_208 = tpu.memref_squeeze %dma_wait3A_207 : memref<1x128xi32, #tpu.memory_space<vmem>> -> memref<128xi32, #tpu.memory_space<vmem>>
        %dma_wait3A_209 = arith.constant 0 : i32
        %dma_wait3A_210 = arith.constant 0 : i32
        %dma_wait3A_211 = tpu.memref_slice %arg13[%dma_wait3A_209, %dma_wait3A_210] : memref<10240x128xf32, #tpu.memory_space<vmem_shared>> -> memref<10240x128xf32, #tpu.memory_space<vmem_shared>>
        tpu.wait_indirect_dma semaphore(%run_scoped3A_199 : memref<!tpu.dma_semaphore, #tpu.memory_space<semaphore_mem>>) src(%arg9 : memref<128x128xf32, #tpu.memory_space<vmem>>) dst(%dma_wait3A_211 : memref<10240x128xf32, #tpu.memory_space<vmem_shared>>)
        tpu.yield
      }) : () -> ()
      %dma_wait3A_152 = arith.constant 31 : i32
      %dma_wait3A_153 = arith.constant 0 : i32
      %dma_wait3A_154 = tpu.memref_slice %arg7[%dma_wait3A_152, %dma_wait3A_153] : memref<32x128xi32, #tpu.memory_space<vmem>> -> memref<1x128xi32, #tpu.memory_space<vmem>>
      %dma_wait3A_155 = tpu.memref_squeeze %dma_wait3A_154 : memref<1x128xi32, #tpu.memory_space<vmem>> -> memref<128xi32, #tpu.memory_space<vmem>>
      %dma_wait3A_156 = arith.constant 0 : i32
      %dma_wait3A_157 = arith.constant 0 : i32
      %dma_wait3A_158 = tpu.memref_slice %arg2[%dma_wait3A_156, %dma_wait3A_157] : memref<10000x128xf32, #tpu.memory_space<hbm>> -> memref<10000x128xf32, #tpu.memory_space<hbm>>
      tpu.wait_indirect_dma semaphore(%arg12 : memref<!tpu.dma_semaphore, #tpu.memory_space<semaphore_mem>>) src(%dma_wait3A_158 : memref<10000x128xf32, #tpu.memory_space<hbm>>) dst(%arg10 : memref<128x128xf32, #tpu.memory_space<vmem>>)
      %run_scoped3A_159 = arith.constant 31 : i32
      "tpu.region"() ({
        %run_scoped3A_199 = tpu.sem_alloc : memref<!tpu.dma_semaphore, #tpu.memory_space<semaphore_mem>>
        %dma_start3A_200 = arith.constant 0 : i32
        %dma_start3A_201 = tpu.memref_slice %arg8[%run_scoped3A_159, %dma_start3A_200] : memref<32x128xi32, #tpu.memory_space<vmem>> -> memref<1x128xi32, #tpu.memory_space<vmem>>
        %dma_start3A_202 = tpu.memref_squeeze %dma_start3A_201 : memref<1x128xi32, #tpu.memory_space<vmem>> -> memref<128xi32, #tpu.memory_space<vmem>>
        %dma_start3A_203 = arith.constant 0 : i32
        %dma_start3A_204 = arith.constant 0 : i32
        %dma_start3A_205 = tpu.memref_slice %arg13[%dma_start3A_203, %dma_start3A_204] : memref<10240x128xf32, #tpu.memory_space<vmem_shared>> -> memref<10240x128xf32, #tpu.memory_space<vmem_shared>>
        tpu.enqueue_indirect_dma source(%arg10 : memref<128x128xf32, #tpu.memory_space<vmem>>) target(%dma_start3A_205 : memref<10240x128xf32, #tpu.memory_space<vmem_shared>>) offsets(%dma_start3A_202 : memref<128xi32, #tpu.memory_space<vmem>>) semaphore(%run_scoped3A_199 : memref<!tpu.dma_semaphore, #tpu.memory_space<semaphore_mem>>) {add = true}
        %dma_wait3A_206 = arith.constant 0 : i32
        %dma_wait3A_207 = tpu.memref_slice %arg8[%run_scoped3A_159, %dma_wait3A_206] : memref<32x128xi32, #tpu.memory_space<vmem>> -> memref<1x128xi32, #tpu.memory_space<vmem>>
        %dma_wait3A_208 = tpu.memref_squeeze %dma_wait3A_207 : memref<1x128xi32, #tpu.memory_space<vmem>> -> memref<128xi32, #tpu.memory_space<vmem>>
        %dma_wait3A_209 = arith.constant 0 : i32
        %dma_wait3A_210 = arith.constant 0 : i32
        %dma_wait3A_211 = tpu.memref_slice %arg13[%dma_wait3A_209, %dma_wait3A_210] : memref<10240x128xf32, #tpu.memory_space<vmem_shared>> -> memref<10240x128xf32, #tpu.memory_space<vmem_shared>>
        tpu.wait_indirect_dma semaphore(%run_scoped3A_199 : memref<!tpu.dma_semaphore, #tpu.memory_space<semaphore_mem>>) src(%arg10 : memref<128x128xf32, #tpu.memory_space<vmem>>) dst(%dma_wait3A_211 : memref<10240x128xf32, #tpu.memory_space<vmem_shared>>)
        tpu.yield
      }) : () -> ()
      %mul3A_160 = arith.constant 160 : i32
      %mul3A_161 = arith.muli %arg1, %mul3A_160 : i32
      %add3A_162 = arith.constant 128 : i32
      %add3A_163 = arith.addi %mul3A_161, %add3A_162 : i32
      "tpu.region"() ({
        %run_scoped3A_199 = tpu.sem_alloc : memref<!tpu.dma_semaphore, #tpu.memory_space<semaphore_mem>>
        %dma_start3A_200 = arith.constant 0 : i32
        %dma_start3A_201 = tpu.memref_slice %arg3[%add3A_163, %dma_start3A_200] : memref<2560x128xi32, #tpu.memory_space<hbm>> -> memref<32x128xi32, #tpu.memory_space<hbm>>
        %dma_start3A_202 = arith.constant 0 : i32
        %dma_start3A_203 = tpu.memref_slice %arg3[%add3A_163, %dma_start3A_202] : memref<2560x128xi32, #tpu.memory_space<hbm>> -> memref<32x128xi32, #tpu.memory_space<hbm>>
        tpu.enqueue_dma source(%dma_start3A_203 : memref<32x128xi32, #tpu.memory_space<hbm>>) target(%arg7 : memref<32x128xi32, #tpu.memory_space<vmem>>) target_semaphore(%run_scoped3A_199 : memref<!tpu.dma_semaphore, #tpu.memory_space<semaphore_mem>>)
        %dma_wait3A_204 = arith.constant 0 : i32
        %dma_wait3A_205 = tpu.memref_slice %arg3[%add3A_163, %dma_wait3A_204] : memref<2560x128xi32, #tpu.memory_space<hbm>> -> memref<32x128xi32, #tpu.memory_space<hbm>>
        %dma_wait3A_206 = arith.constant 0 : i32
        %dma_wait3A_207 = tpu.memref_slice %arg3[%add3A_163, %dma_wait3A_206] : memref<2560x128xi32, #tpu.memory_space<hbm>> -> memref<32x128xi32, #tpu.memory_space<hbm>>
        tpu.wait_dma2 semaphore(%run_scoped3A_199 : memref<!tpu.dma_semaphore, #tpu.memory_space<semaphore_mem>>) src(%dma_wait3A_207 : memref<32x128xi32, #tpu.memory_space<hbm>>) dst(%arg7 : memref<32x128xi32, #tpu.memory_space<vmem>>)
        tpu.yield
      }) : () -> ()
      "tpu.region"() ({
        %run_scoped3A_199 = tpu.sem_alloc : memref<!tpu.dma_semaphore, #tpu.memory_space<semaphore_mem>>
        %dma_start3A_200 = arith.constant 0 : i32
        %dma_start3A_201 = tpu.memref_slice %arg4[%add3A_163, %dma_start3A_200] : memref<2560x128xi32, #tpu.memory_space<hbm>> -> memref<32x128xi32, #tpu.memory_space<hbm>>
        %dma_start3A_202 = arith.constant 0 : i32
        %dma_start3A_203 = tpu.memref_slice %arg4[%add3A_163, %dma_start3A_202] : memref<2560x128xi32, #tpu.memory_space<hbm>> -> memref<32x128xi32, #tpu.memory_space<hbm>>
        tpu.enqueue_dma source(%dma_start3A_203 : memref<32x128xi32, #tpu.memory_space<hbm>>) target(%arg8 : memref<32x128xi32, #tpu.memory_space<vmem>>) target_semaphore(%run_scoped3A_199 : memref<!tpu.dma_semaphore, #tpu.memory_space<semaphore_mem>>)
        %dma_wait3A_204 = arith.constant 0 : i32
        %dma_wait3A_205 = tpu.memref_slice %arg4[%add3A_163, %dma_wait3A_204] : memref<2560x128xi32, #tpu.memory_space<hbm>> -> memref<32x128xi32, #tpu.memory_space<hbm>>
        %dma_wait3A_206 = arith.constant 0 : i32
        %dma_wait3A_207 = tpu.memref_slice %arg4[%add3A_163, %dma_wait3A_206] : memref<2560x128xi32, #tpu.memory_space<hbm>> -> memref<32x128xi32, #tpu.memory_space<hbm>>
        tpu.wait_dma2 semaphore(%run_scoped3A_199 : memref<!tpu.dma_semaphore, #tpu.memory_space<semaphore_mem>>) src(%dma_wait3A_207 : memref<32x128xi32, #tpu.memory_space<hbm>>) dst(%arg8 : memref<32x128xi32, #tpu.memory_space<vmem>>)
        tpu.yield
      }) : () -> ()
      %dma_start3A_164 = arith.constant 0 : i32
      %dma_start3A_165 = arith.constant 0 : i32
      %dma_start3A_166 = tpu.memref_slice %arg7[%dma_start3A_164, %dma_start3A_165] : memref<32x128xi32, #tpu.memory_space<vmem>> -> memref<1x128xi32, #tpu.memory_space<vmem>>
      %dma_start3A_167 = tpu.memref_squeeze %dma_start3A_166 : memref<1x128xi32, #tpu.memory_space<vmem>> -> memref<128xi32, #tpu.memory_space<vmem>>
      %dma_start3A_168 = arith.constant 0 : i32
      %dma_start3A_169 = arith.constant 0 : i32
      %dma_start3A_170 = tpu.memref_slice %arg2[%dma_start3A_168, %dma_start3A_169] : memref<10000x128xf32, #tpu.memory_space<hbm>> -> memref<10000x128xf32, #tpu.memory_space<hbm>>
      tpu.enqueue_indirect_dma source(%dma_start3A_170 : memref<10000x128xf32, #tpu.memory_space<hbm>>) target(%arg9 : memref<128x128xf32, #tpu.memory_space<vmem>>) offsets(%dma_start3A_167 : memref<128xi32, #tpu.memory_space<vmem>>) semaphore(%arg11 : memref<!tpu.dma_semaphore, #tpu.memory_space<semaphore_mem>>)
      %scan3A_171 = arith.constant 0 : i32
      %scan3A_172 = arith.constant 15 : i32
      %scan3A_173 = arith.addi %scan3A_171, %scan3A_172 : i32
      %scan3A_174 = arith.constant 1 : i32
      scf.for %scan3A_199 = %scan3A_171 to %scan3A_173 step %scan3A_174  : i32 {
        %mul3A_200 = arith.constant 1 : i32
        %mul3A_201 = arith.muli %scan3A_199, %mul3A_200 : i32
        %add3A_202 = arith.constant 0 : i32
        %add3A_203 = arith.addi %add3A_202, %mul3A_201 : i32
        %mul3A_204 = arith.constant 2 : i32
        %mul3A_205 = arith.muli %mul3A_204, %add3A_203 : i32
        %add3A_206 = arith.constant 1 : i32
        %add3A_207 = arith.addi %mul3A_205, %add3A_206 : i32
        %dma_start3A_208 = arith.constant 0 : i32
        %dma_start3A_209 = tpu.memref_slice %arg7[%add3A_207, %dma_start3A_208] : memref<32x128xi32, #tpu.memory_space<vmem>> -> memref<1x128xi32, #tpu.memory_space<vmem>>
        %dma_start3A_210 = tpu.memref_squeeze %dma_start3A_209 : memref<1x128xi32, #tpu.memory_space<vmem>> -> memref<128xi32, #tpu.memory_space<vmem>>
        %dma_start3A_211 = arith.constant 0 : i32
        %dma_start3A_212 = arith.constant 0 : i32
        %dma_start3A_213 = tpu.memref_slice %arg2[%dma_start3A_211, %dma_start3A_212] : memref<10000x128xf32, #tpu.memory_space<hbm>> -> memref<10000x128xf32, #tpu.memory_space<hbm>>
        tpu.enqueue_indirect_dma source(%dma_start3A_213 : memref<10000x128xf32, #tpu.memory_space<hbm>>) target(%arg10 : memref<128x128xf32, #tpu.memory_space<vmem>>) offsets(%dma_start3A_210 : memref<128xi32, #tpu.memory_space<vmem>>) semaphore(%arg12 : memref<!tpu.dma_semaphore, #tpu.memory_space<semaphore_mem>>)
        %dma_wait3A_214 = arith.constant 0 : i32
        %dma_wait3A_215 = tpu.memref_slice %arg7[%mul3A_205, %dma_wait3A_214] : memref<32x128xi32, #tpu.memory_space<vmem>> -> memref<1x128xi32, #tpu.memory_space<vmem>>
        %dma_wait3A_216 = tpu.memref_squeeze %dma_wait3A_215 : memref<1x128xi32, #tpu.memory_space<vmem>> -> memref<128xi32, #tpu.memory_space<vmem>>
        %dma_wait3A_217 = arith.constant 0 : i32
        %dma_wait3A_218 = arith.constant 0 : i32
        %dma_wait3A_219 = tpu.memref_slice %arg2[%dma_wait3A_217, %dma_wait3A_218] : memref<10000x128xf32, #tpu.memory_space<hbm>> -> memref<10000x128xf32, #tpu.memory_space<hbm>>
        tpu.wait_indirect_dma semaphore(%arg11 : memref<!tpu.dma_semaphore, #tpu.memory_space<semaphore_mem>>) src(%dma_wait3A_219 : memref<10000x128xf32, #tpu.memory_space<hbm>>) dst(%arg9 : memref<128x128xf32, #tpu.memory_space<vmem>>)
        "tpu.region"() ({
          %run_scoped3A_236 = tpu.sem_alloc : memref<!tpu.dma_semaphore, #tpu.memory_space<semaphore_mem>>
          %dma_start3A_237 = arith.constant 0 : i32
          %dma_start3A_238 = tpu.memref_slice %arg8[%mul3A_205, %dma_start3A_237] : memref<32x128xi32, #tpu.memory_space<vmem>> -> memref<1x128xi32, #tpu.memory_space<vmem>>
          %dma_start3A_239 = tpu.memref_squeeze %dma_start3A_238 : memref<1x128xi32, #tpu.memory_space<vmem>> -> memref<128xi32, #tpu.memory_space<vmem>>
          %dma_start3A_240 = arith.constant 0 : i32
          %dma_start3A_241 = arith.constant 0 : i32
          %dma_start3A_242 = tpu.memref_slice %arg13[%dma_start3A_240, %dma_start3A_241] : memref<10240x128xf32, #tpu.memory_space<vmem_shared>> -> memref<10240x128xf32, #tpu.memory_space<vmem_shared>>
          tpu.enqueue_indirect_dma source(%arg9 : memref<128x128xf32, #tpu.memory_space<vmem>>) target(%dma_start3A_242 : memref<10240x128xf32, #tpu.memory_space<vmem_shared>>) offsets(%dma_start3A_239 : memref<128xi32, #tpu.memory_space<vmem>>) semaphore(%run_scoped3A_236 : memref<!tpu.dma_semaphore, #tpu.memory_space<semaphore_mem>>) {add = true}
          %dma_wait3A_243 = arith.constant 0 : i32
          %dma_wait3A_244 = tpu.memref_slice %arg8[%mul3A_205, %dma_wait3A_243] : memref<32x128xi32, #tpu.memory_space<vmem>> -> memref<1x128xi32, #tpu.memory_space<vmem>>
          %dma_wait3A_245 = tpu.memref_squeeze %dma_wait3A_244 : memref<1x128xi32, #tpu.memory_space<vmem>> -> memref<128xi32, #tpu.memory_space<vmem>>
          %dma_wait3A_246 = arith.constant 0 : i32
          %dma_wait3A_247 = arith.constant 0 : i32
          %dma_wait3A_248 = tpu.memref_slice %arg13[%dma_wait3A_246, %dma_wait3A_247] : memref<10240x128xf32, #tpu.memory_space<vmem_shared>> -> memref<10240x128xf32, #tpu.memory_space<vmem_shared>>
          tpu.wait_indirect_dma semaphore(%run_scoped3A_236 : memref<!tpu.dma_semaphore, #tpu.memory_space<semaphore_mem>>) src(%arg9 : memref<128x128xf32, #tpu.memory_space<vmem>>) dst(%dma_wait3A_248 : memref<10240x128xf32, #tpu.memory_space<vmem_shared>>)
          tpu.yield
        }) : () -> ()
        %add3A_220 = arith.constant 2 : i32
        %add3A_221 = arith.addi %mul3A_205, %add3A_220 : i32
        %dma_start3A_222 = arith.constant 0 : i32
        %dma_start3A_223 = tpu.memref_slice %arg7[%add3A_221, %dma_start3A_222] : memref<32x128xi32, #tpu.memory_space<vmem>> -> memref<1x128xi32, #tpu.memory_space<vmem>>
        %dma_start3A_224 = tpu.memref_squeeze %dma_start3A_223 : memref<1x128xi32, #tpu.memory_space<vmem>> -> memref<128xi32, #tpu.memory_space<vmem>>
        %dma_start3A_225 = arith.constant 0 : i32
        %dma_start3A_226 = arith.constant 0 : i32
        %dma_start3A_227 = tpu.memref_slice %arg2[%dma_start3A_225, %dma_start3A_226] : memref<10000x128xf32, #tpu.memory_space<hbm>> -> memref<10000x128xf32, #tpu.memory_space<hbm>>
        tpu.enqueue_indirect_dma source(%dma_start3A_227 : memref<10000x128xf32, #tpu.memory_space<hbm>>) target(%arg9 : memref<128x128xf32, #tpu.memory_space<vmem>>) offsets(%dma_start3A_224 : memref<128xi32, #tpu.memory_space<vmem>>) semaphore(%arg11 : memref<!tpu.dma_semaphore, #tpu.memory_space<semaphore_mem>>)
        %add3A_228 = arith.constant 1 : i32
        %add3A_229 = arith.addi %mul3A_205, %add3A_228 : i32
        %dma_wait3A_230 = arith.constant 0 : i32
        %dma_wait3A_231 = tpu.memref_slice %arg7[%add3A_229, %dma_wait3A_230] : memref<32x128xi32, #tpu.memory_space<vmem>> -> memref<1x128xi32, #tpu.memory_space<vmem>>
        %dma_wait3A_232 = tpu.memref_squeeze %dma_wait3A_231 : memref<1x128xi32, #tpu.memory_space<vmem>> -> memref<128xi32, #tpu.memory_space<vmem>>
        %dma_wait3A_233 = arith.constant 0 : i32
        %dma_wait3A_234 = arith.constant 0 : i32
        %dma_wait3A_235 = tpu.memref_slice %arg2[%dma_wait3A_233, %dma_wait3A_234] : memref<10000x128xf32, #tpu.memory_space<hbm>> -> memref<10000x128xf32, #tpu.memory_space<hbm>>
        tpu.wait_indirect_dma semaphore(%arg12 : memref<!tpu.dma_semaphore, #tpu.memory_space<semaphore_mem>>) src(%dma_wait3A_235 : memref<10000x128xf32, #tpu.memory_space<hbm>>) dst(%arg10 : memref<128x128xf32, #tpu.memory_space<vmem>>)
        "tpu.region"() ({
          %run_scoped3A_236 = tpu.sem_alloc : memref<!tpu.dma_semaphore, #tpu.memory_space<semaphore_mem>>
          %dma_start3A_237 = arith.constant 0 : i32
          %dma_start3A_238 = tpu.memref_slice %arg8[%add3A_229, %dma_start3A_237] : memref<32x128xi32, #tpu.memory_space<vmem>> -> memref<1x128xi32, #tpu.memory_space<vmem>>
          %dma_start3A_239 = tpu.memref_squeeze %dma_start3A_238 : memref<1x128xi32, #tpu.memory_space<vmem>> -> memref<128xi32, #tpu.memory_space<vmem>>
          %dma_start3A_240 = arith.constant 0 : i32
          %dma_start3A_241 = arith.constant 0 : i32
          %dma_start3A_242 = tpu.memref_slice %arg13[%dma_start3A_240, %dma_start3A_241] : memref<10240x128xf32, #tpu.memory_space<vmem_shared>> -> memref<10240x128xf32, #tpu.memory_space<vmem_shared>>
          tpu.enqueue_indirect_dma source(%arg10 : memref<128x128xf32, #tpu.memory_space<vmem>>) target(%dma_start3A_242 : memref<10240x128xf32, #tpu.memory_space<vmem_shared>>) offsets(%dma_start3A_239 : memref<128xi32, #tpu.memory_space<vmem>>) semaphore(%run_scoped3A_236 : memref<!tpu.dma_semaphore, #tpu.memory_space<semaphore_mem>>) {add = true}
          %dma_wait3A_243 = arith.constant 0 : i32
          %dma_wait3A_244 = tpu.memref_slice %arg8[%add3A_229, %dma_wait3A_243] : memref<32x128xi32, #tpu.memory_space<vmem>> -> memref<1x128xi32, #tpu.memory_space<vmem>>
          %dma_wait3A_245 = tpu.memref_squeeze %dma_wait3A_244 : memref<1x128xi32, #tpu.memory_space<vmem>> -> memref<128xi32, #tpu.memory_space<vmem>>
          %dma_wait3A_246 = arith.constant 0 : i32
          %dma_wait3A_247 = arith.constant 0 : i32
          %dma_wait3A_248 = tpu.memref_slice %arg13[%dma_wait3A_246, %dma_wait3A_247] : memref<10240x128xf32, #tpu.memory_space<vmem_shared>> -> memref<10240x128xf32, #tpu.memory_space<vmem_shared>>
          tpu.wait_indirect_dma semaphore(%run_scoped3A_236 : memref<!tpu.dma_semaphore, #tpu.memory_space<semaphore_mem>>) src(%arg10 : memref<128x128xf32, #tpu.memory_space<vmem>>) dst(%dma_wait3A_248 : memref<10240x128xf32, #tpu.memory_space<vmem_shared>>)
          tpu.yield
        }) : () -> ()
      }
      %scan3A_175 = arith.constant 15 : i32
      %dma_start3A_176 = arith.constant 31 : i32
      %dma_start3A_177 = arith.constant 0 : i32
      %dma_start3A_178 = tpu.memref_slice %arg7[%dma_start3A_176, %dma_start3A_177] : memref<32x128xi32, #tpu.memory_space<vmem>> -> memref<1x128xi32, #tpu.memory_space<vmem>>
      %dma_start3A_179 = tpu.memref_squeeze %dma_start3A_178 : memref<1x128xi32, #tpu.memory_space<vmem>> -> memref<128xi32, #tpu.memory_space<vmem>>
      %dma_start3A_180 = arith.constant 0 : i32
      %dma_start3A_181 = arith.constant 0 : i32
      %dma_start3A_182 = tpu.memref_slice %arg2[%dma_start3A_180, %dma_start3A_181] : memref<10000x128xf32, #tpu.memory_space<hbm>> -> memref<10000x128xf32, #tpu.memory_space<hbm>>
      tpu.enqueue_indirect_dma source(%dma_start3A_182 : memref<10000x128xf32, #tpu.memory_space<hbm>>) target(%arg10 : memref<128x128xf32, #tpu.memory_space<vmem>>) offsets(%dma_start3A_179 : memref<128xi32, #tpu.memory_space<vmem>>) semaphore(%arg12 : memref<!tpu.dma_semaphore, #tpu.memory_space<semaphore_mem>>)
      %dma_wait3A_183 = arith.constant 30 : i32
      %dma_wait3A_184 = arith.constant 0 : i32
      %dma_wait3A_185 = tpu.memref_slice %arg7[%dma_wait3A_183, %dma_wait3A_184] : memref<32x128xi32, #tpu.memory_space<vmem>> -> memref<1x128xi32, #tpu.memory_space<vmem>>
      %dma_wait3A_186 = tpu.memref_squeeze %dma_wait3A_185 : memref<1x128xi32, #tpu.memory_space<vmem>> -> memref<128xi32, #tpu.memory_space<vmem>>
      %dma_wait3A_187 = arith.constant 0 : i32
      %dma_wait3A_188 = arith.constant 0 : i32
      %dma_wait3A_189 = tpu.memref_slice %arg2[%dma_wait3A_187, %dma_wait3A_188] : memref<10000x128xf32, #tpu.memory_space<hbm>> -> memref<10000x128xf32, #tpu.memory_space<hbm>>
      tpu.wait_indirect_dma semaphore(%arg11 : memref<!tpu.dma_semaphore, #tpu.memory_space<semaphore_mem>>) src(%dma_wait3A_189 : memref<10000x128xf32, #tpu.memory_space<hbm>>) dst(%arg9 : memref<128x128xf32, #tpu.memory_space<vmem>>)
      %run_scoped3A_190 = arith.constant 30 : i32
      "tpu.region"() ({
        %run_scoped3A_199 = tpu.sem_alloc : memref<!tpu.dma_semaphore, #tpu.memory_space<semaphore_mem>>
        %dma_start3A_200 = arith.constant 0 : i32
        %dma_start3A_201 = tpu.memref_slice %arg8[%run_scoped3A_190, %dma_start3A_200] : memref<32x128xi32, #tpu.memory_space<vmem>> -> memref<1x128xi32, #tpu.memory_space<vmem>>
        %dma_start3A_202 = tpu.memref_squeeze %dma_start3A_201 : memref<1x128xi32, #tpu.memory_space<vmem>> -> memref<128xi32, #tpu.memory_space<vmem>>
        %dma_start3A_203 = arith.constant 0 : i32
        %dma_start3A_204 = arith.constant 0 : i32
        %dma_start3A_205 = tpu.memref_slice %arg13[%dma_start3A_203, %dma_start3A_204] : memref<10240x128xf32, #tpu.memory_space<vmem_shared>> -> memref<10240x128xf32, #tpu.memory_space<vmem_shared>>
        tpu.enqueue_indirect_dma source(%arg9 : memref<128x128xf32, #tpu.memory_space<vmem>>) target(%dma_start3A_205 : memref<10240x128xf32, #tpu.memory_space<vmem_shared>>) offsets(%dma_start3A_202 : memref<128xi32, #tpu.memory_space<vmem>>) semaphore(%run_scoped3A_199 : memref<!tpu.dma_semaphore, #tpu.memory_space<semaphore_mem>>) {add = true}
        %dma_wait3A_206 = arith.constant 0 : i32
        %dma_wait3A_207 = tpu.memref_slice %arg8[%run_scoped3A_190, %dma_wait3A_206] : memref<32x128xi32, #tpu.memory_space<vmem>> -> memref<1x128xi32, #tpu.memory_space<vmem>>
        %dma_wait3A_208 = tpu.memref_squeeze %dma_wait3A_207 : memref<1x128xi32, #tpu.memory_space<vmem>> -> memref<128xi32, #tpu.memory_space<vmem>>
        %dma_wait3A_209 = arith.constant 0 : i32
        %dma_wait3A_210 = arith.constant 0 : i32
        %dma_wait3A_211 = tpu.memref_slice %arg13[%dma_wait3A_209, %dma_wait3A_210] : memref<10240x128xf32, #tpu.memory_space<vmem_shared>> -> memref<10240x128xf32, #tpu.memory_space<vmem_shared>>
        tpu.wait_indirect_dma semaphore(%run_scoped3A_199 : memref<!tpu.dma_semaphore, #tpu.memory_space<semaphore_mem>>) src(%arg9 : memref<128x128xf32, #tpu.memory_space<vmem>>) dst(%dma_wait3A_211 : memref<10240x128xf32, #tpu.memory_space<vmem_shared>>)
        tpu.yield
      }) : () -> ()
      %dma_wait3A_191 = arith.constant 31 : i32
      %dma_wait3A_192 = arith.constant 0 : i32
      %dma_wait3A_193 = tpu.memref_slice %arg7[%dma_wait3A_191, %dma_wait3A_192] : memref<32x128xi32, #tpu.memory_space<vmem>> -> memref<1x128xi32, #tpu.memory_space<vmem>>
      %dma_wait3A_194 = tpu.memref_squeeze %dma_wait3A_193 : memref<1x128xi32, #tpu.memory_space<vmem>> -> memref<128xi32, #tpu.memory_space<vmem>>
      %dma_wait3A_195 = arith.constant 0 : i32
      %dma_wait3A_196 = arith.constant 0 : i32
      %dma_wait3A_197 = tpu.memref_slice %arg2[%dma_wait3A_195, %dma_wait3A_196] : memref<10000x128xf32, #tpu.memory_space<hbm>> -> memref<10000x128xf32, #tpu.memory_space<hbm>>
      tpu.wait_indirect_dma semaphore(%arg12 : memref<!tpu.dma_semaphore, #tpu.memory_space<semaphore_mem>>) src(%dma_wait3A_197 : memref<10000x128xf32, #tpu.memory_space<hbm>>) dst(%arg10 : memref<128x128xf32, #tpu.memory_space<vmem>>)
      %run_scoped3A_198 = arith.constant 31 : i32
      "tpu.region"() ({
        %run_scoped3A_199 = tpu.sem_alloc : memref<!tpu.dma_semaphore, #tpu.memory_space<semaphore_mem>>
        %dma_start3A_200 = arith.constant 0 : i32
        %dma_start3A_201 = tpu.memref_slice %arg8[%run_scoped3A_198, %dma_start3A_200] : memref<32x128xi32, #tpu.memory_space<vmem>> -> memref<1x128xi32, #tpu.memory_space<vmem>>
        %dma_start3A_202 = tpu.memref_squeeze %dma_start3A_201 : memref<1x128xi32, #tpu.memory_space<vmem>> -> memref<128xi32, #tpu.memory_space<vmem>>
        %dma_start3A_203 = arith.constant 0 : i32
        %dma_start3A_204 = arith.constant 0 : i32
        %dma_start3A_205 = tpu.memref_slice %arg13[%dma_start3A_203, %dma_start3A_204] : memref<10240x128xf32, #tpu.memory_space<vmem_shared>> -> memref<10240x128xf32, #tpu.memory_space<vmem_shared>>
        tpu.enqueue_indirect_dma source(%arg10 : memref<128x128xf32, #tpu.memory_space<vmem>>) target(%dma_start3A_205 : memref<10240x128xf32, #tpu.memory_space<vmem_shared>>) offsets(%dma_start3A_202 : memref<128xi32, #tpu.memory_space<vmem>>) semaphore(%run_scoped3A_199 : memref<!tpu.dma_semaphore, #tpu.memory_space<semaphore_mem>>) {add = true}
        %dma_wait3A_206 = arith.constant 0 : i32
        %dma_wait3A_207 = tpu.memref_slice %arg8[%run_scoped3A_198, %dma_wait3A_206] : memref<32x128xi32, #tpu.memory_space<vmem>> -> memref<1x128xi32, #tpu.memory_space<vmem>>
        %dma_wait3A_208 = tpu.memref_squeeze %dma_wait3A_207 : memref<1x128xi32, #tpu.memory_space<vmem>> -> memref<128xi32, #tpu.memory_space<vmem>>
        %dma_wait3A_209 = arith.constant 0 : i32
        %dma_wait3A_210 = arith.constant 0 : i32
        %dma_wait3A_211 = tpu.memref_slice %arg13[%dma_wait3A_209, %dma_wait3A_210] : memref<10240x128xf32, #tpu.memory_space<vmem_shared>> -> memref<10240x128xf32, #tpu.memory_space<vmem_shared>>
        tpu.wait_indirect_dma semaphore(%run_scoped3A_199 : memref<!tpu.dma_semaphore, #tpu.memory_space<semaphore_mem>>) src(%arg10 : memref<128x128xf32, #tpu.memory_space<vmem>>) dst(%dma_wait3A_211 : memref<10240x128xf32, #tpu.memory_space<vmem_shared>>)
        tpu.yield
      }) : () -> ()
    } else {
    }
    %eq3A_3 = arith.constant 1 : i32
    %eq3A_4 = arith.cmpi eq, %arg0, %eq3A_3 : i32
    %convert_element_type3A_5 = arith.extui %eq3A_4 : i1 to i32
    %cond3A_6 = arith.constant 0 : i32
    %cond3A_7 = arith.cmpi ne, %convert_element_type3A_5, %cond3A_6 : i32
    scf.if %cond3A_7 {
    } else {
    }
    %barrier3A_8 = arith.constant 0 : index
    tpu.barrier barrier_id(%barrier3A_8)
    "tpu.region"() ({
      %run_scoped3A = tpu.sem_alloc : memref<!tpu.dma_semaphore, #tpu.memory_space<semaphore_mem>>
      %dma_start3A = arith.constant 0 : i32
      %dma_start3A_9 = tpu.memref_slice %arg6[%arg0, %mul3A_0, %dma_start3A] : memref<2x10240x128xf32, #tpu.memory_space<hbm>> -> memref<1x640x128xf32, #tpu.memory_space<hbm>>
      %dma_start3A_10 = tpu.memref_squeeze %dma_start3A_9 : memref<1x640x128xf32, #tpu.memory_space<hbm>> -> memref<640x128xf32, #tpu.memory_space<hbm>>
      %dma_start3A_11 = arith.constant 0 : i32
      %dma_start3A_12 = tpu.memref_slice %arg13[%mul3A_0, %dma_start3A_11] : memref<10240x128xf32, #tpu.memory_space<vmem_shared>> -> memref<640x128xf32, #tpu.memory_space<vmem_shared>>
      tpu.enqueue_dma source(%dma_start3A_12 : memref<640x128xf32, #tpu.memory_space<vmem_shared>>) target(%dma_start3A_10 : memref<640x128xf32, #tpu.memory_space<hbm>>) target_semaphore(%run_scoped3A : memref<!tpu.dma_semaphore, #tpu.memory_space<semaphore_mem>>)
      %dma_wait3A = arith.constant 0 : i32
      %dma_wait3A_13 = tpu.memref_slice %arg6[%arg0, %mul3A_0, %dma_wait3A] : memref<2x10240x128xf32, #tpu.memory_space<hbm>> -> memref<1x640x128xf32, #tpu.memory_space<hbm>>
      %dma_wait3A_14 = tpu.memref_squeeze %dma_wait3A_13 : memref<1x640x128xf32, #tpu.memory_space<hbm>> -> memref<640x128xf32, #tpu.memory_space<hbm>>
      %dma_wait3A_15 = arith.constant 0 : i32
      %dma_wait3A_16 = tpu.memref_slice %arg13[%mul3A_0, %dma_wait3A_15] : memref<10240x128xf32, #tpu.memory_space<vmem_shared>> -> memref<640x128xf32, #tpu.memory_space<vmem_shared>>
      tpu.wait_dma2 semaphore(%run_scoped3A : memref<!tpu.dma_semaphore, #tpu.memory_space<semaphore_mem>>) src(%dma_wait3A_16 : memref<640x128xf32, #tpu.memory_space<vmem_shared>>) dst(%dma_wait3A_14 : memref<640x128xf32, #tpu.memory_space<hbm>>)
      tpu.yield
    }) : () -> ()
    return
  }
}

module attributes {stable_mosaic.version = 14 : i64} {
  func.func @_tc_layer_body(%arg0: i32, %arg1: memref<1000x128xf32, #tpu.memory_space<vmem>>, %arg2: memref<2x1000x128xf32, #tpu.memory_space<vmem>>, %arg3: memref<1000x2xf32, #tpu.memory_space<vmem>>, %arg4: memref<128x128xf32, #tpu.memory_space<vmem>>, %arg5: memref<128x128xf32, #tpu.memory_space<vmem>>, %arg6: memref<1x128xf32, #tpu.memory_space<vmem>>, %arg7: memref<1000x128xf32, #tpu.memory_space<vmem>>) attributes {dimension_semantics = [#tpu.dimension_semantics<arbitrary>], iteration_bounds = array<i64: 10>, scalar_prefetch = 0 : i64, scratch_operands = 0 : i64, tpu.core_type = #tpu.core_type<tc>, window_params = [{transform_indices = @transform_0, window_bounds = array<i64: 1000, 128>}, {transform_indices = @transform_1, window_bounds = array<i64: 2, 1000, 128>}, {transform_indices = @transform_2, window_bounds = array<i64: 1000, 2>}, {pipeline_mode = #tpu.pipeline_mode<synchronous>, transform_indices = @transform_3, window_bounds = array<i64: 128, 128>}, {pipeline_mode = #tpu.pipeline_mode<synchronous>, transform_indices = @transform_4, window_bounds = array<i64: 128, 128>}, {pipeline_mode = #tpu.pipeline_mode<synchronous>, transform_indices = @transform_5, window_bounds = array<i64: 1, 128>}, {transform_indices = @transform_6, window_bounds = array<i64: 1000, 128>}]} {
    %get3A = arith.constant 0 : index
    %get3A_0 = arith.constant 0 : index
    %get3A_1 = vector.load %arg3[%get3A, %get3A_0] : memref<1000x2xf32, #tpu.memory_space<vmem>>, vector<1000x1xf32>
    %get3A_2 = vector.shape_cast %get3A_1 : vector<1000x1xf32> to vector<1000xf32>
    %get3A_3 = arith.constant 0 : index
    %get3A_4 = arith.constant 1 : index
    %get3A_5 = vector.load %arg3[%get3A_3, %get3A_4] : memref<1000x2xf32, #tpu.memory_space<vmem>>, vector<1000x1xf32>
    %get3A_6 = vector.shape_cast %get3A_5 : vector<1000x1xf32> to vector<1000xf32>
    %add3A = arith.addf %get3A_2, %get3A_6 : vector<1000xf32>
    %max3A = arith.constant 1.000000e+00 : f32
    %max3A_7 = vector.broadcast %max3A : f32 to vector<1000xf32>
    %max3A_8 = arith.maximumf %add3A, %max3A_7 : vector<1000xf32>
    %div3A = arith.constant 1.000000e+00 : f32
    %div3A_9 = vector.broadcast %div3A : f32 to vector<1000xf32>
    %div3A_10 = arith.divf %div3A_9, %max3A_8 : vector<1000xf32>
    %get3A_11 = arith.constant 0 : index
    %get3A_12 = arith.constant 0 : index
    %get3A_13 = arith.constant 0 : index
    %get3A_14 = vector.load %arg2[%get3A_11, %get3A_12, %get3A_13] : memref<2x1000x128xf32, #tpu.memory_space<vmem>>, vector<1x1000x128xf32>
    %get3A_15 = vector.shape_cast %get3A_14 : vector<1x1000x128xf32> to vector<1000x128xf32>
    %get3A_16 = arith.constant 1 : index
    %get3A_17 = arith.constant 0 : index
    %get3A_18 = arith.constant 0 : index
    %get3A_19 = vector.load %arg2[%get3A_16, %get3A_17, %get3A_18] : memref<2x1000x128xf32, #tpu.memory_space<vmem>>, vector<1x1000x128xf32>
    %get3A_20 = vector.shape_cast %get3A_19 : vector<1x1000x128xf32> to vector<1000x128xf32>
    %add3A_21 = arith.addf %get3A_15, %get3A_20 : vector<1000x128xf32>
    %broadcast_in_dim3A = vector.shape_cast %div3A_10 : vector<1000xf32> to vector<1000x1xf32>
    %mul3A = vector.broadcast %broadcast_in_dim3A : vector<1000x1xf32> to vector<1000x128xf32>
    %mul3A_22 = arith.mulf %add3A_21, %mul3A : vector<1000x128xf32>
    %get3A_23 = arith.constant 0 : index
    %get3A_24 = arith.constant 0 : index
    %get3A_25 = vector.load %arg1[%get3A_23, %get3A_24] : memref<1000x128xf32, #tpu.memory_space<vmem>>, vector<1000x128xf32>
    %get3A_26 = arith.constant 0 : index
    %get3A_27 = arith.constant 0 : index
    %get3A_28 = vector.load %arg4[%get3A_26, %get3A_27] : memref<128x128xf32, #tpu.memory_space<vmem>>, vector<128x128xf32>
    %dot_general3A = arith.constant dense<0.000000e+00> : vector<1000x128xf32>
    %dot_general3A_29 = tpu.matmul %get3A_25, %get3A_28, %dot_general3A {dimension_numbers = #tpu.dot_dimension_numbers<[1], [1], [0], [0], [0, 0, 1, 0], [], []>, transpose_lhs_hint = false} : vector<1000x128xf32>, vector<128x128xf32>, vector<1000x128xf32> -> vector<1000x128xf32>
    %get3A_30 = arith.constant 0 : index
    %get3A_31 = arith.constant 0 : index
    %get3A_32 = vector.load %arg5[%get3A_30, %get3A_31] : memref<128x128xf32, #tpu.memory_space<vmem>>, vector<128x128xf32>
    %dot_general3A_33 = arith.constant dense<0.000000e+00> : vector<1000x128xf32>
    %dot_general3A_34 = tpu.matmul %mul3A_22, %get3A_32, %dot_general3A_33 {dimension_numbers = #tpu.dot_dimension_numbers<[1], [1], [0], [0], [0, 0, 1, 0], [], []>, transpose_lhs_hint = false} : vector<1000x128xf32>, vector<128x128xf32>, vector<1000x128xf32> -> vector<1000x128xf32>
    %add3A_35 = arith.addf %dot_general3A_29, %dot_general3A_34 : vector<1000x128xf32>
    %get3A_36 = arith.constant 0 : index
    %get3A_37 = arith.constant 0 : index
    %get3A_38 = vector.load %arg6[%get3A_36, %get3A_37] : memref<1x128xf32, #tpu.memory_space<vmem>>, vector<1x128xf32>
    %add3A_39 = vector.broadcast %get3A_38 : vector<1x128xf32> to vector<1000x128xf32>
    %add3A_40 = arith.addf %add3A_35, %add3A_39 : vector<1000x128xf32>
    %max3A_41 = arith.constant 0.000000e+00 : f32
    %max3A_42 = vector.broadcast %max3A_41 : f32 to vector<1000x128xf32>
    %max3A_43 = arith.maximumf %add3A_40, %max3A_42 : vector<1000x128xf32>
    %swap3A = arith.constant 0 : index
    %swap3A_44 = arith.constant 0 : index
    %swap3A_45 = vector.load %arg7[%swap3A, %swap3A_44] : memref<1000x128xf32, #tpu.memory_space<vmem>>, vector<1000x128xf32>
    tpu.vector_store %arg7[%swap3A, %swap3A_44], %max3A_43 {strides = array<i32>} : memref<1000x128xf32, #tpu.memory_space<vmem>>, vector<1000x128xf32>,
    return
  }
  func.func @transform_0(%arg0: i32) -> (i32, i32) {
    %c0_i32 = arith.constant 0 : i32
    %c0_i32_0 = arith.constant 0 : i32
    return %arg0, %c0_i32 : i32, i32
  }
  func.func @transform_1(%arg0: i32) -> (i32, i32, i32) {
    %c0_i32 = arith.constant 0 : i32
    %c0_i32_0 = arith.constant 0 : i32
    %c0_i32_1 = arith.constant 0 : i32
    return %c0_i32, %arg0, %c0_i32_0 : i32, i32, i32
  }
  func.func @transform_2(%arg0: i32) -> (i32, i32) {
    %c0_i32 = arith.constant 0 : i32
    %c0_i32_0 = arith.constant 0 : i32
    return %arg0, %c0_i32 : i32, i32
  }
  func.func @transform_3(%arg0: i32) -> (i32, i32) {
    %c0_i32 = arith.constant 0 : i32
    %c0_i32_0 = arith.constant 0 : i32
    %c0_i32_1 = arith.constant 0 : i32
    return %c0_i32, %c0_i32_0 : i32, i32
  }
  func.func @transform_4(%arg0: i32) -> (i32, i32) {
    %c0_i32 = arith.constant 0 : i32
    %c0_i32_0 = arith.constant 0 : i32
    %c0_i32_1 = arith.constant 0 : i32
    return %c0_i32, %c0_i32_0 : i32, i32
  }
  func.func @transform_5(%arg0: i32) -> (i32, i32) {
    %c0_i32 = arith.constant 0 : i32
    %c0_i32_0 = arith.constant 0 : i32
    %c0_i32_1 = arith.constant 0 : i32
    return %c0_i32, %c0_i32_0 : i32, i32
  }
  func.func @transform_6(%arg0: i32) -> (i32, i32) {
    %c0_i32 = arith.constant 0 : i32
    %c0_i32_0 = arith.constant 0 : i32
    return %arg0, %c0_i32 : i32, i32
  }
}

module attributes {stable_mosaic.version = 14 : i64} {
  func.func @_tc_layer_body(%arg0: i32, %arg1: memref<1000x128xf32, #tpu.memory_space<vmem>>, %arg2: memref<2x1000x128xf32, #tpu.memory_space<vmem>>, %arg3: memref<1000x2xf32, #tpu.memory_space<vmem>>, %arg4: memref<128x128xf32, #tpu.memory_space<vmem>>, %arg5: memref<128x128xf32, #tpu.memory_space<vmem>>, %arg6: memref<1x128xf32, #tpu.memory_space<vmem>>, %arg7: memref<1000x128xf32, #tpu.memory_space<vmem>>) attributes {dimension_semantics = [#tpu.dimension_semantics<arbitrary>], iteration_bounds = array<i64: 10>, scalar_prefetch = 0 : i64, scratch_operands = 0 : i64, tpu.core_type = #tpu.core_type<tc>, window_params = [{transform_indices = @transform_0, window_bounds = array<i64: 1000, 128>}, {transform_indices = @transform_1, window_bounds = array<i64: 2, 1000, 128>}, {transform_indices = @transform_2, window_bounds = array<i64: 1000, 2>}, {pipeline_mode = #tpu.pipeline_mode<synchronous>, transform_indices = @transform_3, window_bounds = array<i64: 128, 128>}, {pipeline_mode = #tpu.pipeline_mode<synchronous>, transform_indices = @transform_4, window_bounds = array<i64: 128, 128>}, {pipeline_mode = #tpu.pipeline_mode<synchronous>, transform_indices = @transform_5, window_bounds = array<i64: 1, 128>}, {transform_indices = @transform_6, window_bounds = array<i64: 1000, 128>}]} {
    %get3A = arith.constant 0 : index
    %get3A_0 = arith.constant 0 : index
    %get3A_1 = vector.load %arg3[%get3A, %get3A_0] : memref<1000x2xf32, #tpu.memory_space<vmem>>, vector<1000x1xf32>
    %get3A_2 = vector.shape_cast %get3A_1 : vector<1000x1xf32> to vector<1000xf32>
    %get3A_3 = arith.constant 0 : index
    %get3A_4 = arith.constant 1 : index
    %get3A_5 = vector.load %arg3[%get3A_3, %get3A_4] : memref<1000x2xf32, #tpu.memory_space<vmem>>, vector<1000x1xf32>
    %get3A_6 = vector.shape_cast %get3A_5 : vector<1000x1xf32> to vector<1000xf32>
    %add3A = arith.addf %get3A_2, %get3A_6 : vector<1000xf32>
    %max3A = arith.constant 1.000000e+00 : f32
    %max3A_7 = vector.broadcast %max3A : f32 to vector<1000xf32>
    %max3A_8 = arith.maximumf %add3A, %max3A_7 : vector<1000xf32>
    %div3A = arith.constant 1.000000e+00 : f32
    %div3A_9 = vector.broadcast %div3A : f32 to vector<1000xf32>
    %div3A_10 = arith.divf %div3A_9, %max3A_8 : vector<1000xf32>
    %get3A_11 = arith.constant 0 : index
    %get3A_12 = arith.constant 0 : index
    %get3A_13 = arith.constant 0 : index
    %get3A_14 = vector.load %arg2[%get3A_11, %get3A_12, %get3A_13] : memref<2x1000x128xf32, #tpu.memory_space<vmem>>, vector<1x1000x128xf32>
    %get3A_15 = vector.shape_cast %get3A_14 : vector<1x1000x128xf32> to vector<1000x128xf32>
    %get3A_16 = arith.constant 1 : index
    %get3A_17 = arith.constant 0 : index
    %get3A_18 = arith.constant 0 : index
    %get3A_19 = vector.load %arg2[%get3A_16, %get3A_17, %get3A_18] : memref<2x1000x128xf32, #tpu.memory_space<vmem>>, vector<1x1000x128xf32>
    %get3A_20 = vector.shape_cast %get3A_19 : vector<1x1000x128xf32> to vector<1000x128xf32>
    %add3A_21 = arith.addf %get3A_15, %get3A_20 : vector<1000x128xf32>
    %broadcast_in_dim3A = vector.shape_cast %div3A_10 : vector<1000xf32> to vector<1000x1xf32>
    %mul3A = vector.broadcast %broadcast_in_dim3A : vector<1000x1xf32> to vector<1000x128xf32>
    %mul3A_22 = arith.mulf %add3A_21, %mul3A : vector<1000x128xf32>
    %get3A_23 = arith.constant 0 : index
    %get3A_24 = arith.constant 0 : index
    %get3A_25 = vector.load %arg1[%get3A_23, %get3A_24] : memref<1000x128xf32, #tpu.memory_space<vmem>>, vector<1000x128xf32>
    %get3A_26 = arith.constant 0 : index
    %get3A_27 = arith.constant 0 : index
    %get3A_28 = vector.load %arg4[%get3A_26, %get3A_27] : memref<128x128xf32, #tpu.memory_space<vmem>>, vector<128x128xf32>
    %dot_general3A = arith.constant dense<0.000000e+00> : vector<1000x128xf32>
    %dot_general3A_29 = tpu.matmul %get3A_25, %get3A_28, %dot_general3A {dimension_numbers = #tpu.dot_dimension_numbers<[1], [1], [0], [0], [0, 0, 1, 0], [], []>, transpose_lhs_hint = false} : vector<1000x128xf32>, vector<128x128xf32>, vector<1000x128xf32> -> vector<1000x128xf32>
    %get3A_30 = arith.constant 0 : index
    %get3A_31 = arith.constant 0 : index
    %get3A_32 = vector.load %arg5[%get3A_30, %get3A_31] : memref<128x128xf32, #tpu.memory_space<vmem>>, vector<128x128xf32>
    %dot_general3A_33 = arith.constant dense<0.000000e+00> : vector<1000x128xf32>
    %dot_general3A_34 = tpu.matmul %mul3A_22, %get3A_32, %dot_general3A_33 {dimension_numbers = #tpu.dot_dimension_numbers<[1], [1], [0], [0], [0, 0, 1, 0], [], []>, transpose_lhs_hint = false} : vector<1000x128xf32>, vector<128x128xf32>, vector<1000x128xf32> -> vector<1000x128xf32>
    %add3A_35 = arith.addf %dot_general3A_29, %dot_general3A_34 : vector<1000x128xf32>
    %get3A_36 = arith.constant 0 : index
    %get3A_37 = arith.constant 0 : index
    %get3A_38 = vector.load %arg6[%get3A_36, %get3A_37] : memref<1x128xf32, #tpu.memory_space<vmem>>, vector<1x128xf32>
    %add3A_39 = vector.broadcast %get3A_38 : vector<1x128xf32> to vector<1000x128xf32>
    %add3A_40 = arith.addf %add3A_35, %add3A_39 : vector<1000x128xf32>
    %swap3A = arith.constant 0 : index
    %swap3A_41 = arith.constant 0 : index
    %swap3A_42 = vector.load %arg7[%swap3A, %swap3A_41] : memref<1000x128xf32, #tpu.memory_space<vmem>>, vector<1000x128xf32>
    tpu.vector_store %arg7[%swap3A, %swap3A_41], %add3A_40 {strides = array<i32>} : memref<1000x128xf32, #tpu.memory_space<vmem>>, vector<1000x128xf32>,
    return
  }
  func.func @transform_0(%arg0: i32) -> (i32, i32) {
    %c0_i32 = arith.constant 0 : i32
    %c0_i32_0 = arith.constant 0 : i32
    return %arg0, %c0_i32 : i32, i32
  }
  func.func @transform_1(%arg0: i32) -> (i32, i32, i32) {
    %c0_i32 = arith.constant 0 : i32
    %c0_i32_0 = arith.constant 0 : i32
    %c0_i32_1 = arith.constant 0 : i32
    return %c0_i32, %arg0, %c0_i32_0 : i32, i32, i32
  }
  func.func @transform_2(%arg0: i32) -> (i32, i32) {
    %c0_i32 = arith.constant 0 : i32
    %c0_i32_0 = arith.constant 0 : i32
    return %arg0, %c0_i32 : i32, i32
  }
  func.func @transform_3(%arg0: i32) -> (i32, i32) {
    %c0_i32 = arith.constant 0 : i32
    %c0_i32_0 = arith.constant 0 : i32
    %c0_i32_1 = arith.constant 0 : i32
    return %c0_i32, %c0_i32_0 : i32, i32
  }
  func.func @transform_4(%arg0: i32) -> (i32, i32) {
    %c0_i32 = arith.constant 0 : i32
    %c0_i32_0 = arith.constant 0 : i32
    %c0_i32_1 = arith.constant 0 : i32
    return %c0_i32, %c0_i32_0 : i32, i32
  }
  func.func @transform_5(%arg0: i32) -> (i32, i32) {
    %c0_i32 = arith.constant 0 : i32
    %c0_i32_0 = arith.constant 0 : i32
    %c0_i32_1 = arith.constant 0 : i32
    return %c0_i32, %c0_i32_0 : i32, i32
  }
  func.func @transform_6(%arg0: i32) -> (i32, i32) {
    %c0_i32 = arith.constant 0 : i32
    %c0_i32_0 = arith.constant 0 : i32
    return %arg0, %c0_i32 : i32, i32
  }
}

</mosaic_0001>

<sc_bundles>
// kernel: kernel.10.cloned.1.call-start
scs
__scs_entry_jumppad:
0x0: {  	(pc) =	sbr.rel $0x88, $3  }
0x1: {  	(tag) =	ssettag $0x0;
	lr =	simm.s32 $0x1  }
0x2: {  	[smem:$0x3F99] =	sst lr;
	_ =	strace $0xD0000000  }
0x3: {  	_ = 	snop  }
0x4: {  	_ = 	snop  }
0x5: {  	_ = 	snop  }
0x6: {  	_ = 	snop  }
0x7: {  	_ = 	snop  }
__scs_overlays_trampoline_lowered:
0x8: {  	[smem:$0x3FA8] =	sst s0  }
0x9: {  	[smem:$0x3FA9] =	sst s1  }
0xa: {  	[smem:$0x3FAA] =	sst s2  }
0xb: {  	[smem:$0x3FAB] =	sst s3  }
0xc: {  	[smem:$0x3FAC] =	sst s4  }
0xd: {  	[smem:$0x3FAD] =	sst s5  }
0xe: {  	[smem:$0x3FAE] =	sst s6  }
0xf: {  	[smem:$0x3FAF] =	sst s7  }
0x10: {  	[smem:$0x3FB0] =	sst s8  }
0x11: {  	[smem:$0x3FB1] =	sst s9;
	s0 =	simm.s32 @!p0 $0x0  }
0x12: {  	s1 =	sld [smem:$0x3F97];
	s0 =	simm.s32 @p0 $0x1  }
0x13: {  	[smem:$0x3FB2] =	sst s0;
	s0 =	simm.s32 @!p1 $0x0  }
0x14: {  	s2 =	sld [smem:$0x3F96];
	s0 =	simm.s32 @p1 $0x1  }
0x15: {  	[smem:$0x3FB3] =	sst s0;
	s0 =	simm.s32 @!p2 $0x0  }
0x16: {  	s3 =	sld [smem:$0x3FDB];
	s0 =	simm.s32 @p2 $0x1  }
0x17: {  	s4 =	simm.s32 $0x1BF5;
	[smem:$0x3FB5] =	sst s0  }
0x18: {  	s0 =	sld [smem:$0x3F98];
	_ =	swait.ge [sflag:s4], $0x0  }
0x19: {  	s7 =	sld [smem:$0x3F99]  }
0x1a: {  	s8 =	sadd.s32 $0xFFFFE003, lr  }
0x1b: {  	s9 =	sadd.s32 $0xFFFFFEF7, lr;
	s5 =	simm.s32 $0xFFFFFFFF;
	p2 =	slt.u32 s8, $0xFFFFF086  }
0x1c: {  	p1 =	slt.u32 s9, $0xF7A;
	s5 =	simm.s32 @!p2 $0x0  }
0x1d: {  	s5 =	simm.s32 @p1 $0x1;
	p0 =	seq.s32 s7, s2  }
0x1e: {  	s7 =	smul.u32 @!p0 $0xF7A, s2;
	p2 =	seq.s32 @!p0 s5, $0x0  }
0x1f: {  	s9 =	smul.u32 $0xF7A, s1;
	s8 =	simm.s32 @!p0 $0x1BF5;
	p2 =	por !p2, p0  }
0x20: {  	[sflag:s8] =	ssyncset.s32 @!p0 $0xFFFFF086;
	s6 =	sadd.s32 @!p0 s3, s7;
	s7 =	simm.s32 @!p0 $0x108  }
0x21: {  	s3 =	sadd.s32 s3, s9;
	s6 =	sadd.s32 @!p0 $0x88, s6;
	s7 =	simm.s32 @p2 $0x1082  }
0x22: {  	[simem:s7], [sflag:s8] =	dma.local @!p0 [hbm:s6], $0xF7A  }
0x23: {  	s9 =	sor.u32 $0xD0000000, s2;
	s6 =	simm.s32 $0x108;
	_ =	swait.ge @!p0 [sflag:s8], $0x0  }
0x24: {  	s3 =	sadd.s32 $0x88, s3;
	s6 =	simm.s32 @!p1 $0x1082;
	[sflag:s4] =	ssyncset.s32 $0xFFFFF086  }
0x25: {  	[simem:s6], [sflag:s4] =	dma.local [hbm:s3], $0xF7A  }
0x26: {  	[smem:$0x3F99] =	sst s1;
	(tag) =	ssettag s2;
	_ =	strace s9  }
0x27: {  	s1 =	sld [smem:$0x3FA9]  }
0x28: {  	s2 =	sld [smem:$0x3FAA]  }
0x29: {  	s4 =	sld [smem:$0x3FAC]  }
0x2a: {  	p0 =	seq.s32 s5, $0x0;
	s5 =	sld [smem:$0x3FAD]  }
0x2b: {  	s6 =	sld [smem:$0x3FAE]  }
0x2c: {  	s7 =	sld [smem:$0x3FAF]  }
0x2d: {  	s3 =	simm.s32 $0x108;
	s8 =	sld [smem:$0x3FB0]  }
0x2e: {  	s3 =	simm.s32 @!p0 $0x1082;
	s9 =	sld [smem:$0x3FB1]  }
0x2f: {  	lr =	sadd.s32 s0, s3;
	s0 =	sld [smem:$0x3FA8]  }
0x30: {  	s3 =	sld [smem:$0x3FAB]  }
0x31: {  	[smem:$0x3FB4] =	sst s10  }
0x32: {  	s10 =	sld [smem:$0x3FB2];
	_ =	sdelay $0x3  }
0x33: {  	p0 =	seq.s32 s10, $0x1;
	s10 =	sld [smem:$0x3FB4];
	_ =	sdelay $0x3  }
0x34: {  	[smem:$0x3FB4] =	sst s10  }
0x35: {  	s10 =	sld [smem:$0x3FB3];
	_ =	sdelay $0x3  }
0x36: {  	p1 =	seq.s32 s10, $0x1;
	s10 =	sld [smem:$0x3FB4];
	_ =	sdelay $0x3  }
0x37: {  	[smem:$0x3FB4] =	sst s10  }
0x38: {  	s10 =	sld [smem:$0x3FB5]  }
0x39: {  	_ = 	snop;
	(pc) =	sbr.ind lr, $3  }
0x3a: {  	_ = 	snop  }
0x3b: {  	_ = 	snop  }
0x3c: {  	p2 =	seq.s32 s10, $0x1;
	s10 =	sld [smem:$0x3FB4]  }
0x3d: {  	_ =	shalt  }
0x3e: {  	_ =	shalt  }
0x3f: {  	_ =	shalt  }
0x40: {  	_ =	shalt  }
0x41: {  	_ =	shalt  }
0x42: {  	_ =	shalt  }
0x43: {  	_ =	shalt  }
0x44: {  	_ =	shalt  }
0x45: {  	_ =	shalt  }
0x46: {  	_ =	shalt  }
0x47: {  	_ =	shalt  }
0x48: {  	_ =	shalt  }
0x49: {  	_ =	shalt  }
0x4a: {  	_ =	shalt  }
0x4b: {  	_ =	shalt  }
0x4c: {  	_ =	shalt  }
0x4d: {  	_ =	shalt  }
0x4e: {  	_ =	shalt  }
0x4f: {  	_ =	shalt  }
0x50: {  	_ =	shalt  }
0x51: {  	_ =	shalt  }
0x52: {  	_ =	shalt  }
0x53: {  	_ =	shalt  }
0x54: {  	_ =	shalt  }
0x55: {  	_ =	shalt  }
0x56: {  	_ =	shalt  }
0x57: {  	_ =	shalt  }
0x58: {  	_ =	shalt  }
0x59: {  	_ =	shalt  }
0x5a: {  	_ =	shalt  }
0x5b: {  	_ =	shalt  }
0x5c: {  	_ =	shalt  }
0x5d: {  	_ =	shalt  }
0x5e: {  	_ =	shalt  }
0x5f: {  	_ =	shalt  }
0x60: {  	_ =	shalt  }
0x61: {  	_ =	shalt  }
0x62: {  	_ =	shalt  }
0x63: {  	_ =	shalt  }
0x64: {  	_ =	shalt  }
0x65: {  	_ =	shalt  }
0x66: {  	_ =	shalt  }
0x67: {  	_ =	shalt  }
0x68: {  	_ =	shalt  }
0x69: {  	_ =	shalt  }
0x6a: {  	_ =	shalt  }
0x6b: {  	_ =	shalt  }
0x6c: {  	_ =	shalt  }
0x6d: {  	_ =	shalt  }
0x6e: {  	_ =	shalt  }
0x6f: {  	_ =	shalt  }
0x70: {  	_ =	shalt  }
0x71: {  	_ =	shalt  }
0x72: {  	_ =	shalt  }
0x73: {  	_ =	shalt  }
0x74: {  	_ =	shalt  }
0x75: {  	_ =	shalt  }
0x76: {  	_ =	shalt  }
0x77: {  	_ =	shalt  }
0x78: {  	_ =	shalt  }
0x79: {  	_ =	shalt  }
0x7a: {  	_ =	shalt  }
0x7b: {  	_ =	shalt  }
0x7c: {  	_ =	shalt  }
0x7d: {  	_ =	shalt  }
0x7e: {  	_ =	shalt  }
0x7f: {  	_ =	shalt  }
0x80: {  	_ =	shalt  }
0x81: {  	_ =	shalt  }
0x82: {  	_ =	shalt  }
0x83: {  	_ =	shalt  }
0x84: {  	_ =	shalt  }
0x85: {  	_ =	shalt  }
0x86: {  	_ =	shalt  }
0x87: {  	_ =	shalt  }
.Lfunc_end0:
.L_simem_size_0:
called_computation.1_lowered:
.L_overlay_start_0:
0x88: {  	s2 =	sld [smem:$0x3FD9]  }
0x89: {  	s3 =	sld [smem:$0x3FFE];
	_ =	sdelay $0x1  }
0x8a: {  	s1 =	srdreg.scid  }
0x8b: {  	s0 =	sand.u32 $0x1, s1  }
0x8c: {  	s17 =	sshll.u32 s0, $0xA;
	s2 =	sadd.s32 s3, s2  }
0x8d: {  	s2 =	sadd.s32 s2, s17  }
0x8e: {  	[smem:$0x3FC0] =	sst s2  }
0x8f: {  	_ = 	snop  }
0x90: {  	s18 =	sld [smem:$0x3FC9];
	(tm) =	ssettm $0x1  }
0x91: {  	s19 =	sld [smem:$0x3FFB];
	_ =	sdelay $0x3  }
0x92: {  	_ =	strace s19  }
0x93: {  	s2 =	sld [smem:$0x3FFC];
	_ =	sdelay $0x3  }
0x94: {  	_ =	strace s2  }
0x95: {  	s2 =	sld [smem:$0x3FFD];
	_ =	sdelay $0x3  }
0x96: {  	_ =	strace s2  }
0x97: {  	_ =	strace $0x8FFFFFFF  }
0x98: {  	s20 =	sld [smem:$0x3FDB];
	_ =	sdelay $0x1  }
0x99: {  	s4 =	simm.s32 $_scs_section_size  }
0x9a: {  	s5 =	simm.s32 $_size__tile_overlayer_lowered;
	s6 =	simm.s32 $_tile_overlayer_lowered  }
0x9b: {  	s7 =	simm.s32 $0x1BFF;
	s21 =	sshll.u32 s6, $0x1;
	s4 =	sadd.s32 s4, s20  }
0x9c: {  	s22 =	simm.s32 $0x0;
	s5 =	sshll.u32 s5, $0x1;
	s6 =	sadd.s32 s21, s4  }
0x9d: {  	[timem:s22], [sflag:s7] =	dma.local [hbm:s6], s5  }
0x9e: {  	_ =	swait.ge [sflag:s7], s5  }
0x9f: {  	s5 =	ssub.s32 $0x0, s5;
	[sflag:s7] =	ssyncset.done $0x0  }
0xa0: {  	[sflag:s7] =	ssyncadd.s32 s5;
	_ =	sdelay $0x1  }
0xa1: {  	s23 =	simm.s32 $0x1B8B  }
0xa2: {  	_ =	swait.ge [sflag:s23], $0x1  }
0xa3: {  	[sflag:s23] =	ssyncset.done $0x0  }
0xa4: {  	[sflag:s23] =	ssyncadd.s32 $0xFFFFFFFF  }
0xa5: {  	s5 =	sld [smem:$0x0]  }
0xa6: {  	s6 =	sand.u32 $0xFFFFFFFE, s1  }
0xa7: {  	p0 =	sne.s32 s1, s6  }
0xa8: {  	s6 =	sshll.u32 @p0 s6, $0xE  }
0xa9: {  	s6 =	sadd.s32 @p0 $0x11B8D, s6;
	s7 =	sshll.u32 @p0 s5, $0x11  }
0xaa: {  	s6 =	sor.u32 @p0 s7, s6  }
0xab: {  	[sflag:s6] =	ssyncadd.remote.s32 @p0 $0x1;
	_ =	sdelay $0x1  }
0xac: {  	s6 =	simm.s32 @p0 $0x1B8D  }
0xad: {  	_ =	swait.eq @p0 [sflag:s6], $0x1  }
0xae: {  	[sflag:s6] =	ssyncadd.s32 @p0 $0xFFFFFFFF  }
0xaf: {  	s7 =	sshll.u32 @!p0 s1, $0xE  }
0xb0: {  	s7 =	sor.u32 @!p0 $0x4000, s7;
	s6 =	simm.s32 @!p0 $0x1B8D  }
0xb1: {  	s5 =	sshll.u32 @!p0 s5, $0x11;
	s7 =	sadd.s32 @!p0 $0x11B8D, s7;
	_ =	swait.eq @!p0 [sflag:s6], $0x1  }
0xb2: {  	s5 =	sor.u32 @!p0 s5, s7;
	[sflag:s6] =	ssyncadd.s32 @!p0 $0xFFFFFFFF  }
0xb3: {  	s25 =	simm.s32 $0x1B8E;
	s24 =	sld [smem:$0x3FFE];
	[sflag:s5] =	ssyncadd.remote.s32 @!p0 $0x1  }
0xb4: {  	s26 =	simm.s32 $execute0_lowered;
	[smem:$0x3FD2] =	sst s25  }
0xb5: {  	s6 =	sshll.u32 s26, $0x1;
	_ =	strace $0x80000049;
	[dreg:$0x1] =	wrdreg $0xFFFFFFFF  }
0xb6: {  	s28 =	simm.s32 $_size_execute0_lowered;
	s4 =	sadd.s32 s4, s6;
	[dreg:$0x0] =	wrdreg $0x0  }
0xb7: {  	s6 =	sshll.u32 s28, $0x1;
	[dreg:$0x2] =	wrdreg s4  }
0xb8: {  	[dreg:$0x3] =	wrdreg s6  }
0xb9: {  	[dreg:$0x4] =	wrdreg $0xC0  }
0xba: {  	_ =	task [dreg:s22], $0x5FFFF  }
0xbb: {  	[dreg:$0x1] =	wrdreg $0xFFFFFFFF  }
0xbc: {  	[dreg:$0x0] =	wrdreg $0x60  }
0xbd: {  	[dreg:$0x2] =	wrdreg s18  }
0xbe: {  	[dreg:$0x3] =	wrdreg s24  }
0xbf: {  	[dreg:$0x4] =	wrdreg $0xA0000  }
0xc0: {  	[dreg:$0x5] =	wrdreg $0xA  }
0xc1: {  	_ =	task.clear_ibuf [dreg:s22], $0x6FFFF;
	_ =	strace $0x90000049  }
0xc2: {  	s29 =	simm.s32 $0xA;
	_ =	strace $0x8000004B  }
0xc3: {  	_ =	swait.ge [sflag:s29], $0x1  }
0xc4: {  	[sflag:s29] =	ssyncadd.s32 $0xFFFFFFFF  }
0xc5: {  	_ =	strace $0x9000004B  }
0xc6: {  	_ =	sfence  }
0xc7: {  	s30 =	sld [smem:$0x0];
	_ =	sdelay $0x2  }
0xc8: {  	s31 =	sshll.u32 s1, $0xD;
	s1 =	sshrl.u32 s1, $0x2  }
0xc9: {  	s4 =	sand.u32 $0x4000, s31;
	s1 =	sadd.s32 s1, s30  }
0xca: {  	s0 =	sor.u32 s4, s0;
	s1 =	sshll.u32 s1, $0x11  }
0xcb: {  	s0 =	sor.u32 s1, s0  }
0xcc: {  	s0 =	sadd.s32 $0x8F2B, s0  }
0xcd: {  	[sflag:s0] =	ssyncadd.remote.s32 $0x1  }
0xce: {  	_ =	sfence.sel $0xFFFF  }
0xcf: {  	[dreg:$0x0] =	wrdreg $0xFFFFFFFF;
	(pc) =	sbr.abs _section_cstart, $3  }
0xd0: {  	[dreg:$0x1] =	wrdreg $0xFFFFFFFF  }
0xd1: {  	_ =	task.clear_ibuf [dreg:s22], $0x2FFFF;
	_ =	strace $0x9FFFFFFF  }
0xd2: {  	(tm) =	ssettm $0x7FFFFFFF  }
0xd3: {  	_ =	shalt  }
tec
execute0_lowered:
.L_overlay_start_1:
0x0: {  	(tag) =	ssettag $0x1  }
0x1: {  	s1 =	rddreg [dreg:$0x0]  }
0x2: {  	s0 =	rddreg [dreg:$0x1]  }
0x3: {  	s2 =	rddreg [dreg:$0x2]  }
0x4: {  	s3 =	srdreg.scid;
	s10 =	stileid.u32  }
0x5: {  	s4 =	simm.s32 $0x0;
	s28 =	simm.s32 $0xF80;
	s7 =	smul.u32 $0x14000, s10  }
0x6: {  	s29 =	simm.s32 $0x1F00;
	s30 =	simm.s32 $0x1F80;
	s9 =	smul.u32 $0x50000, s10  }
0x7: {  	s3 =	sand.u32 $0x1, s3;
	[smem:$0x7FF] =	sst s4;
	s21 =	smul.u32 $0x5000, s10  }
0x8: {  	s16 =	sadd.s32 $0xC000, s0;
	s17 =	sadd.s32 $0x2000, s0;
	s24 =	smul.u32 $0xA00, s10  }
0x9: {  	s5 =	sadd.s32 $0x16000, s0;
	s23 =	sshll.u32 s10, $0x6;
	s6 =	smul.u32 $0x140000, s3  }
0xa: {  	_ =	strace $0x8000004A;
	s20 =	ssub.s32 $0x2, s3;
	p0 =	sne.s32 s3, $0x0  }
0xb: {  	s8 =	sshrl.u32 s20, $0x1;
	s22 =	sshrl.u32 s9, $0x2;
	s18 =	sshrl.u32 s21, $0x3  }
0xc: {  	s25 =	sadd.s32 s16, s24;
	s26 =	sadd.s32 s17, s24;
	s21 =	simm.s32 $0x1000  }
0xd: {  	s24 =	simm.s32 $0x6000;
	s6 =	sadd.s32 s7, s6;
	[dreg:$0x4] =	wrdreg s25  }
0xe: {  	s19 =	ssub.s32 s20, s8;
	s7 =	sor.u32 $0x1C03, s23;
	[dreg:$0x5] =	wrdreg s26  }
0xf: {  	s11 =	sadd.s32 $0x200, s18;
	s13 =	sadd.s32 $0x400, s18;
	s15 =	sadd.s32 $0x600, s18  }
0x10: {  	s18 =	sadd.s32 $0x800, s18;
	s20 =	simm.s32 $0x3;
	s23 =	simm.s32 $0x2000  }
0x11: {  	s25 =	simm.s32 $0x1;
	s26 =	simm.s32 $0x2;
	s6 =	sshrl.u32 s6, $0x3  }
.Ltmp0:
0x12: {  	s31 =	sadd.s32 s16, s11;
	s11 =	sadd.s32 s17, s11;
	(pc) =	sbr.rel .LBB2_1-.Ltmp0, $4  }
0x13: {  	s12 =	sadd.s32 s16, s13;
	s13 =	sadd.s32 s17, s13;
	s14 =	sadd.s32 s16, s15  }
0x14: {  	s15 =	sadd.s32 s17, s15;
	s16 =	sadd.s32 s16, s18;
	s17 =	sadd.s32 s17, s18  }
0x15: {  	s19 =	smax.u32 s19, $0x1;
	s0 =	sadd.s32 s6, s0;
	s6 =	sadd.s32 s22, s2  }
0x16: {  	[dreg:$0x6] =	wrdreg s31;
	s22 =	simm.s32 $0x80;
	s18 =	sadd.s32 $0x68800, s0  }
.LBB2_12:
0x17: {  	s3 =	sadd.s32 $0x80, s0;
	[sflag:s20] =	ssyncadd.s32 $0xFFFFC000  }
0x18: {  	[tilespmem:s24], [sflag:$0x2] =	stream.indirect.gather [hbm4b:s1+s22], $0x80, s3, s22, $0xb8;
	[tilespmem:$0x1E000] =	vst v63  }
0x19: {  	_ =	swait.ge [sflag:s25], $0x4000  }
0x1a: {  	[sflag:s25] =	ssyncset.done $0x0  }
0x1b: {  	s8 =	sadd.s32 $0x1000, s0;
	[sflag:s25] =	ssyncadd.s32 $0xFFFFC000  }
0x1c: {  	[spmem:s2] =	stream.indirect.scatter.add.f32 [tilespmem:s23], [sflag:$0x3], $0x80, s8, s22, $0xb8;
	[tilespmem:$0x1E000] =	vst v63  }
0x1d: {  	_ =	swait.ge [sflag:s20], $0x4000  }
0x1e: {  	[sflag:s20] =	ssyncset.done $0x0  }
0x1f: {  	s9 =	sadd.s32 $0x100, s0;
	[sflag:s20] =	ssyncadd.s32 $0xFFFFC000  }
0x20: {  	[tilespmem:s23], [sflag:$0x1] =	stream.indirect.gather [hbm4b:s1+s22], $0x80, s9, s22, $0xb8;
	[tilespmem:$0x1E000] =	vst v63  }
0x21: {  	_ =	swait.ge [sflag:s26], $0x4000  }
0x22: {  	[sflag:s26] =	ssyncset.done $0x0  }
0x23: {  	s10 =	sadd.s32 $0x1080, s0;
	[sflag:s26] =	ssyncadd.s32 $0xFFFFC000  }
0x24: {  	[spmem:s2] =	stream.indirect.scatter.add.f32 [tilespmem:s24], [sflag:$0x3], $0x80, s10, s22, $0xb8;
	[tilespmem:$0x1E000] =	vst v63  }
0x25: {  	_ =	swait.ge [sflag:s20], $0x4000  }
0x26: {  	[sflag:s20] =	ssyncset.done $0x0  }
0x27: {  	[sflag:s20] =	ssyncadd.s32 $0xFFFFC000  }
0x28: {  	[tilespmem:s24], [sflag:$0x2] =	stream.indirect.gather [hbm4b:s1+s22], $0x80, s28, s22, $0xb8;
	[tilespmem:$0x1E000] =	vst v63  }
0x29: {  	_ =	swait.ge [sflag:s25], $0x4000  }
0x2a: {  	[sflag:s25] =	ssyncset.done $0x0  }
0x2b: {  	[sflag:s25] =	ssyncadd.s32 $0xFFFFC000  }
0x2c: {  	[spmem:s2] =	stream.indirect.scatter.add.f32 [tilespmem:s23], [sflag:$0x3], $0x80, s29, s22, $0xb8;
	[tilespmem:$0x1E000] =	vst v63  }
0x2d: {  	_ =	swait.ge [sflag:s20], $0x4000  }
0x2e: {  	[sflag:s20] =	ssyncset.done $0x0  }
0x2f: {  	[sflag:s20] =	ssyncadd.s32 $0xFFFFC000  }
0x30: {  	_ =	swait.ge [sflag:s26], $0x4000  }
0x31: {  	[sflag:s26] =	ssyncset.done $0x0  }
0x32: {  	[sflag:s26] =	ssyncadd.s32 $0xFFFFC000  }
0x33: {  	[spmem:s2] =	stream.indirect.scatter.add.f32 [tilespmem:s24], [sflag:$0x3], $0x80, s30, s22, $0xb8;
	[tilespmem:$0x1E000] =	vst v63  }
0x34: {  	_ =	swait.ge [sflag:s20], $0x4000  }
0x35: {  	[sflag:s20] =	ssyncset.done $0x0  }
0x36: {  	[sflag:s20] =	ssyncadd.s32 $0xFFFFC000  }
.LBB2_13:
0x37: {  	s4 =	sadd.s32 $0x1, s4  }
0x38: {  	p1 =	sne.s32 s4, s19  }
.Ltmp1:
0x39: {  	[bflag:$0x0] =	sbarrier.arrive $0xFFFF;
	(pc) =	sbr.rel @!p1 .LBB2_14-.Ltmp1, $4  }
0x3a: {  	[hbm:s18], [sflag:s7] =	dma.local [spmem:s31], $0x2800  }
0x3b: {  	_ =	swait.ge [sflag:s20], $0x2800  }
0x3c: {  	[sflag:s20] =	ssyncset.done $0x0  }
0x3d: {  	[sflag:s20] =	ssyncadd.s32 $0xFFFFD800  }
.LBB2_1:
0x3e: {  	s31 =	sshrl.u32 s6, $0x3  }
0x3f: {  	[spmem:s31], [sflag:s7] =	dma.local [hbm:s5], $0x2800  }
.Ltmp2:
0x40: {  	_ =	swait.ge [sflag:s20], $0x2800;
	(pc) =	sbr.rel @p0 .LBB2_13-.Ltmp2, $3  }
0x41: {  	[sflag:s20] =	ssyncset.done $0x0  }
0x42: {  	[sflag:s20] =	ssyncadd.s32 $0xFFFFD800  }
0x43: {  	[bflag:$0x0] =	sbarrier.arrive $0xFFFF;
	_ =	sdelay $0x1  }
0x44: {  	s0 =	simm.s32 $0x0;
	s3 =	rddreg [dreg:$0x4]  }
0x45: {  	[tilespmem:s0], [sflag:$0x3] =	stream.linear.gather [hbm4b:s3+s0], $0x1000, $0x38;
	[tilespmem:$0x1E000] =	vst v63  }
0x46: {  	_ =	swait.ge [sflag:s20], $0x1000  }
0x47: {  	[sflag:s20] =	ssyncset.done $0x0  }
0x48: {  	s10 =	rddreg [dreg:$0x5];
	[sflag:s20] =	ssyncadd.s32 $0xFFFFF000  }
0x49: {  	[tilespmem:s21], [sflag:$0x3] =	stream.linear.gather [hbm4b:s10+s0], $0x1000, $0x38;
	[tilespmem:$0x1E000] =	vst v63  }
0x4a: {  	_ =	swait.ge [sflag:s20], $0x1000  }
0x4b: {  	[sflag:s20] =	ssyncset.done $0x0  }
0x4c: {  	[sflag:s20] =	ssyncadd.s32 $0xFFFFF000  }
0x4d: {  	[tilespmem:s23], [sflag:$0x1] =	stream.indirect.gather [hbm4b:s1+s22], $0x80, s0, s22, $0xb8;
	[tilespmem:$0x1E000] =	vst v63  }
0x4e: {  	s3 =	simm.s32 $0x80  }
0x4f: {  	[tilespmem:s24], [sflag:$0x2] =	stream.indirect.gather [hbm4b:s1+s22], $0x80, s3, s22, $0xb8;
	[tilespmem:$0x1E000] =	vst v63  }
0x50: {  	_ =	swait.ge [sflag:s25], $0x4000  }
0x51: {  	[sflag:s25] =	ssyncset.done $0x0  }
0x52: {  	s8 =	simm.s32 $0x1000;
	[sflag:s25] =	ssyncadd.s32 $0xFFFFC000  }
0x53: {  	[spmem:s2] =	stream.indirect.scatter.add.f32 [tilespmem:s23], [sflag:$0x3], $0x80, s8, s22, $0xb8;
	[tilespmem:$0x1E000] =	vst v63  }
0x54: {  	_ =	swait.ge [sflag:s20], $0x4000  }
0x55: {  	[sflag:s20] =	ssyncset.done $0x0  }
0x56: {  	s9 =	simm.s32 $0x100;
	[sflag:s20] =	ssyncadd.s32 $0xFFFFC000  }
0x57: {  	[tilespmem:s23], [sflag:$0x1] =	stream.indirect.gather [hbm4b:s1+s22], $0x80, s9, s22, $0xb8;
	[tilespmem:$0x1E000] =	vst v63  }
0x58: {  	_ =	swait.ge [sflag:s26], $0x4000  }
0x59: {  	[sflag:s26] =	ssyncset.done $0x0  }
0x5a: {  	s10 =	simm.s32 $0x1080;
	[sflag:s26] =	ssyncadd.s32 $0xFFFFC000  }
0x5b: {  	[spmem:s2] =	stream.indirect.scatter.add.f32 [tilespmem:s24], [sflag:$0x3], $0x80, s10, s22, $0xb8;
	[tilespmem:$0x1E000] =	vst v63  }
0x5c: {  	_ =	swait.ge [sflag:s20], $0x4000  }
0x5d: {  	s0 =	simm.s32 $0x100;
	s3 =	simm.s32 $0x800;
	[sflag:s20] =	ssyncset.done $0x0  }
.LBB2_3:
0x5e: {  	s8 =	sadd.s32 $0x80, s0  }
0x5f: {  	[sflag:s20] =	ssyncadd.s32 $0xFFFFC000;
	s9 =	smov.u32 s3;
	s10 =	sadd.s32 $0x400, s3  }
0x60: {  	[tilespmem:s24], [sflag:$0x2] =	stream.indirect.gather [hbm4b:s1+s22], $0x80, s8, s22, $0xb8;
	[tilespmem:$0x1E000] =	vst v63  }
0x61: {  	p1 =	sne.s32 s3, $0x3800;
	_ =	swait.ge [sflag:s25], $0x4000  }
0x62: {  	[sflag:s25] =	ssyncset.done $0x0  }
0x63: {  	s3 =	sadd.s32 $0x1000, s0;
	[sflag:s25] =	ssyncadd.s32 $0xFFFFC000  }
0x64: {  	[spmem:s2] =	stream.indirect.scatter.add.f32 [tilespmem:s23], [sflag:$0x3], $0x80, s3, s22, $0xb8;
	[tilespmem:$0x1E000] =	vst v63  }
0x65: {  	_ =	swait.ge [sflag:s20], $0x4000  }
0x66: {  	[sflag:s20] =	ssyncset.done $0x0  }
0x67: {  	s3 =	sadd.s32 $0x100, s0;
	[sflag:s20] =	ssyncadd.s32 $0xFFFFC000  }
0x68: {  	[tilespmem:s23], [sflag:$0x1] =	stream.indirect.gather [hbm4b:s1+s22], $0x80, s3, s22, $0xb8;
	[tilespmem:$0x1E000] =	vst v63  }
0x69: {  	_ =	swait.ge [sflag:s26], $0x4000  }
.Ltmp3:
0x6a: {  	[sflag:s26] =	ssyncset.done $0x0;
	(pc) =	sbr.rel @p1 .LBB2_3-.Ltmp3, $4  }
0x6b: {  	s0 =	sadd.s32 $0x1080, s0;
	[sflag:s26] =	ssyncadd.s32 $0xFFFFC000  }
0x6c: {  	[spmem:s2] =	stream.indirect.scatter.add.f32 [tilespmem:s24], [sflag:$0x3], $0x80, s0, s22, $0xb8;
	[tilespmem:$0x1E000] =	vst v63  }
0x6d: {  	_ =	swait.ge [sflag:s20], $0x4000  }
0x6e: {  	s3 =	smov.u32 s10;
	s0 =	sshra.s32 s9, $0x2;
	[sflag:s20] =	ssyncset.done $0x0  }
0x6f: {  	s3 =	sadd.s32 $0x80, s0;
	[sflag:s20] =	ssyncadd.s32 $0xFFFFC000  }
0x70: {  	[tilespmem:s24], [sflag:$0x2] =	stream.indirect.gather [hbm4b:s1+s22], $0x80, s3, s22, $0xb8;
	[tilespmem:$0x1E000] =	vst v63  }
0x71: {  	_ =	swait.ge [sflag:s25], $0x4000  }
0x72: {  	[sflag:s25] =	ssyncset.done $0x0  }
0x73: {  	s9 =	sadd.s32 $0x1000, s0;
	[sflag:s25] =	ssyncadd.s32 $0xFFFFC000  }
0x74: {  	[spmem:s2] =	stream.indirect.scatter.add.f32 [tilespmem:s23], [sflag:$0x3], $0x80, s9, s22, $0xb8;
	[tilespmem:$0x1E000] =	vst v63  }
0x75: {  	_ =	swait.ge [sflag:s20], $0x4000  }
0x76: {  	[sflag:s20] =	ssyncset.done $0x0  }
0x77: {  	s10 =	sadd.s32 $0x100, s0;
	[sflag:s20] =	ssyncadd.s32 $0xFFFFC000  }
0x78: {  	[tilespmem:s23], [sflag:$0x1] =	stream.indirect.gather [hbm4b:s1+s22], $0x80, s10, s22, $0xb8;
	[tilespmem:$0x1E000] =	vst v63  }
0x79: {  	_ =	swait.ge [sflag:s26], $0x4000  }
0x7a: {  	[sflag:s26] =	ssyncset.done $0x0  }
0x7b: {  	s8 =	sadd.s32 $0x1080, s0;
	[sflag:s26] =	ssyncadd.s32 $0xFFFFC000  }
0x7c: {  	[spmem:s2] =	stream.indirect.scatter.add.f32 [tilespmem:s24], [sflag:$0x3], $0x80, s8, s22, $0xb8;
	[tilespmem:$0x1E000] =	vst v63  }
0x7d: {  	_ =	swait.ge [sflag:s20], $0x4000  }
0x7e: {  	[sflag:s20] =	ssyncset.done $0x0  }
0x7f: {  	[sflag:s20] =	ssyncadd.s32 $0xFFFFC000  }
0x80: {  	[tilespmem:s24], [sflag:$0x2] =	stream.indirect.gather [hbm4b:s1+s22], $0x80, s28, s22, $0xb8;
	[tilespmem:$0x1E000] =	vst v63  }
0x81: {  	_ =	swait.ge [sflag:s25], $0x4000  }
0x82: {  	[sflag:s25] =	ssyncset.done $0x0  }
0x83: {  	[sflag:s25] =	ssyncadd.s32 $0xFFFFC000  }
0x84: {  	[spmem:s2] =	stream.indirect.scatter.add.f32 [tilespmem:s23], [sflag:$0x3], $0x80, s29, s22, $0xb8;
	[tilespmem:$0x1E000] =	vst v63  }
0x85: {  	_ =	swait.ge [sflag:s20], $0x4000  }
0x86: {  	[sflag:s20] =	ssyncset.done $0x0  }
0x87: {  	[sflag:s20] =	ssyncadd.s32 $0xFFFFC000  }
0x88: {  	_ =	swait.ge [sflag:s26], $0x4000  }
0x89: {  	[sflag:s26] =	ssyncset.done $0x0  }
0x8a: {  	[sflag:s26] =	ssyncadd.s32 $0xFFFFC000  }
0x8b: {  	[spmem:s2] =	stream.indirect.scatter.add.f32 [tilespmem:s24], [sflag:$0x3], $0x80, s30, s22, $0xb8;
	[tilespmem:$0x1E000] =	vst v63  }
0x8c: {  	_ =	swait.ge [sflag:s20], $0x4000  }
0x8d: {  	[sflag:s20] =	ssyncset.done $0x0  }
0x8e: {  	s9 =	simm.s32 $0x0;
	s10 =	rddreg [dreg:$0x6];
	[sflag:s20] =	ssyncadd.s32 $0xFFFFC000  }
0x8f: {  	[tilespmem:s9], [sflag:$0x3] =	stream.linear.gather [hbm4b:s10+s9], $0x1000, $0x38;
	[tilespmem:$0x1E000] =	vst v63  }
0x90: {  	_ =	swait.ge [sflag:s20], $0x1000  }
0x91: {  	[sflag:s20] =	ssyncset.done $0x0  }
0x92: {  	[sflag:s20] =	ssyncadd.s32 $0xFFFFF000  }
0x93: {  	[tilespmem:s21], [sflag:$0x3] =	stream.linear.gather [hbm4b:s11+s9], $0x1000, $0x38;
	[tilespmem:$0x1E000] =	vst v63  }
0x94: {  	_ =	swait.ge [sflag:s20], $0x1000  }
0x95: {  	[sflag:s20] =	ssyncset.done $0x0  }
0x96: {  	[sflag:s20] =	ssyncadd.s32 $0xFFFFF000  }
0x97: {  	[tilespmem:s23], [sflag:$0x1] =	stream.indirect.gather [hbm4b:s1+s22], $0x80, s9, s22, $0xb8;
	[tilespmem:$0x1E000] =	vst v63  }
0x98: {  	s3 =	simm.s32 $0x80  }
0x99: {  	[tilespmem:s24], [sflag:$0x2] =	stream.indirect.gather [hbm4b:s1+s22], $0x80, s3, s22, $0xb8;
	[tilespmem:$0x1E000] =	vst v63  }
0x9a: {  	_ =	swait.ge [sflag:s25], $0x4000  }
0x9b: {  	[sflag:s25] =	ssyncset.done $0x0  }
0x9c: {  	s8 =	simm.s32 $0x1000;
	[sflag:s25] =	ssyncadd.s32 $0xFFFFC000  }
0x9d: {  	[spmem:s2] =	stream.indirect.scatter.add.f32 [tilespmem:s23], [sflag:$0x3], $0x80, s8, s22, $0xb8;
	[tilespmem:$0x1E000] =	vst v63  }
0x9e: {  	_ =	swait.ge [sflag:s20], $0x4000  }
0x9f: {  	[sflag:s20] =	ssyncset.done $0x0  }
0xa0: {  	s9 =	simm.s32 $0x100;
	[sflag:s20] =	ssyncadd.s32 $0xFFFFC000  }
0xa1: {  	[tilespmem:s23], [sflag:$0x1] =	stream.indirect.gather [hbm4b:s1+s22], $0x80, s9, s22, $0xb8;
	[tilespmem:$0x1E000] =	vst v63  }
0xa2: {  	_ =	swait.ge [sflag:s26], $0x4000  }
0xa3: {  	[sflag:s26] =	ssyncset.done $0x0  }
0xa4: {  	s10 =	simm.s32 $0x1080;
	[sflag:s26] =	ssyncadd.s32 $0xFFFFC000  }
0xa5: {  	[spmem:s2] =	stream.indirect.scatter.add.f32 [tilespmem:s24], [sflag:$0x3], $0x80, s10, s22, $0xb8;
	[tilespmem:$0x1E000] =	vst v63  }
0xa6: {  	_ =	swait.ge [sflag:s20], $0x4000  }
0xa7: {  	s0 =	simm.s32 $0x100;
	s3 =	simm.s32 $0x800;
	[sflag:s20] =	ssyncset.done $0x0  }
.LBB2_5:
0xa8: {  	s8 =	sadd.s32 $0x80, s0  }
0xa9: {  	[sflag:s20] =	ssyncadd.s32 $0xFFFFC000;
	s9 =	smov.u32 s3;
	s10 =	sadd.s32 $0x400, s3  }
0xaa: {  	[tilespmem:s24], [sflag:$0x2] =	stream.indirect.gather [hbm4b:s1+s22], $0x80, s8, s22, $0xb8;
	[tilespmem:$0x1E000] =	vst v63  }
0xab: {  	p1 =	sne.s32 s3, $0x3800;
	_ =	swait.ge [sflag:s25], $0x4000  }
0xac: {  	[sflag:s25] =	ssyncset.done $0x0  }
0xad: {  	s3 =	sadd.s32 $0x1000, s0;
	[sflag:s25] =	ssyncadd.s32 $0xFFFFC000  }
0xae: {  	[spmem:s2] =	stream.indirect.scatter.add.f32 [tilespmem:s23], [sflag:$0x3], $0x80, s3, s22, $0xb8;
	[tilespmem:$0x1E000] =	vst v63  }
0xaf: {  	_ =	swait.ge [sflag:s20], $0x4000  }
0xb0: {  	[sflag:s20] =	ssyncset.done $0x0  }
0xb1: {  	s3 =	sadd.s32 $0x100, s0;
	[sflag:s20] =	ssyncadd.s32 $0xFFFFC000  }
0xb2: {  	[tilespmem:s23], [sflag:$0x1] =	stream.indirect.gather [hbm4b:s1+s22], $0x80, s3, s22, $0xb8;
	[tilespmem:$0x1E000] =	vst v63  }
0xb3: {  	_ =	swait.ge [sflag:s26], $0x4000  }
.Ltmp4:
0xb4: {  	[sflag:s26] =	ssyncset.done $0x0;
	(pc) =	sbr.rel @p1 .LBB2_5-.Ltmp4, $4  }
0xb5: {  	s0 =	sadd.s32 $0x1080, s0;
	[sflag:s26] =	ssyncadd.s32 $0xFFFFC000  }
0xb6: {  	[spmem:s2] =	stream.indirect.scatter.add.f32 [tilespmem:s24], [sflag:$0x3], $0x80, s0, s22, $0xb8;
	[tilespmem:$0x1E000] =	vst v63  }
0xb7: {  	_ =	swait.ge [sflag:s20], $0x4000  }
0xb8: {  	s3 =	smov.u32 s10;
	s0 =	sshra.s32 s9, $0x2;
	[sflag:s20] =	ssyncset.done $0x0  }
0xb9: {  	s3 =	sadd.s32 $0x80, s0;
	[sflag:s20] =	ssyncadd.s32 $0xFFFFC000  }
0xba: {  	[tilespmem:s24], [sflag:$0x2] =	stream.indirect.gather [hbm4b:s1+s22], $0x80, s3, s22, $0xb8;
	[tilespmem:$0x1E000] =	vst v63  }
0xbb: {  	_ =	swait.ge [sflag:s25], $0x4000  }
0xbc: {  	[sflag:s25] =	ssyncset.done $0x0  }
0xbd: {  	s10 =	sadd.s32 $0x1000, s0;
	[sflag:s25] =	ssyncadd.s32 $0xFFFFC000  }
0xbe: {  	[spmem:s2] =	stream.indirect.scatter.add.f32 [tilespmem:s23], [sflag:$0x3], $0x80, s10, s22, $0xb8;
	[tilespmem:$0x1E000] =	vst v63  }
0xbf: {  	_ =	swait.ge [sflag:s20], $0x4000  }
0xc0: {  	[sflag:s20] =	ssyncset.done $0x0  }
0xc1: {  	s8 =	sadd.s32 $0x100, s0;
	[sflag:s20] =	ssyncadd.s32 $0xFFFFC000  }
0xc2: {  	[tilespmem:s23], [sflag:$0x1] =	stream.indirect.gather [hbm4b:s1+s22], $0x80, s8, s22, $0xb8;
	[tilespmem:$0x1E000] =	vst v63  }
0xc3: {  	_ =	swait.ge [sflag:s26], $0x4000  }
0xc4: {  	[sflag:s26] =	ssyncset.done $0x0  }
0xc5: {  	s9 =	sadd.s32 $0x1080, s0;
	[sflag:s26] =	ssyncadd.s32 $0xFFFFC000  }
0xc6: {  	[spmem:s2] =	stream.indirect.scatter.add.f32 [tilespmem:s24], [sflag:$0x3], $0x80, s9, s22, $0xb8;
	[tilespmem:$0x1E000] =	vst v63  }
0xc7: {  	_ =	swait.ge [sflag:s20], $0x4000  }
0xc8: {  	[sflag:s20] =	ssyncset.done $0x0  }
0xc9: {  	[sflag:s20] =	ssyncadd.s32 $0xFFFFC000  }
0xca: {  	[tilespmem:s24], [sflag:$0x2] =	stream.indirect.gather [hbm4b:s1+s22], $0x80, s28, s22, $0xb8;
	[tilespmem:$0x1E000] =	vst v63  }
0xcb: {  	_ =	swait.ge [sflag:s25], $0x4000  }
0xcc: {  	[sflag:s25] =	ssyncset.done $0x0  }
0xcd: {  	[sflag:s25] =	ssyncadd.s32 $0xFFFFC000  }
0xce: {  	[spmem:s2] =	stream.indirect.scatter.add.f32 [tilespmem:s23], [sflag:$0x3], $0x80, s29, s22, $0xb8;
	[tilespmem:$0x1E000] =	vst v63  }
0xcf: {  	_ =	swait.ge [sflag:s20], $0x4000  }
0xd0: {  	[sflag:s20] =	ssyncset.done $0x0  }
0xd1: {  	[sflag:s20] =	ssyncadd.s32 $0xFFFFC000  }
0xd2: {  	_ =	swait.ge [sflag:s26], $0x4000  }
0xd3: {  	[sflag:s26] =	ssyncset.done $0x0  }
0xd4: {  	[sflag:s26] =	ssyncadd.s32 $0xFFFFC000  }
0xd5: {  	[spmem:s2] =	stream.indirect.scatter.add.f32 [tilespmem:s24], [sflag:$0x3], $0x80, s30, s22, $0xb8;
	[tilespmem:$0x1E000] =	vst v63  }
0xd6: {  	_ =	swait.ge [sflag:s20], $0x4000  }
0xd7: {  	[sflag:s20] =	ssyncset.done $0x0  }
0xd8: {  	s10 =	simm.s32 $0x0;
	[sflag:s20] =	ssyncadd.s32 $0xFFFFC000  }
0xd9: {  	[tilespmem:s10], [sflag:$0x3] =	stream.linear.gather [hbm4b:s12+s10], $0x1000, $0x38;
	[tilespmem:$0x1E000] =	vst v63  }
0xda: {  	_ =	swait.ge [sflag:s20], $0x1000  }
0xdb: {  	[sflag:s20] =	ssyncset.done $0x0  }
0xdc: {  	[sflag:s20] =	ssyncadd.s32 $0xFFFFF000  }
0xdd: {  	[tilespmem:s21], [sflag:$0x3] =	stream.linear.gather [hbm4b:s13+s10], $0x1000, $0x38;
	[tilespmem:$0x1E000] =	vst v63  }
0xde: {  	_ =	swait.ge [sflag:s20], $0x1000  }
0xdf: {  	[sflag:s20] =	ssyncset.done $0x0  }
0xe0: {  	[sflag:s20] =	ssyncadd.s32 $0xFFFFF000  }
0xe1: {  	[tilespmem:s23], [sflag:$0x1] =	stream.indirect.gather [hbm4b:s1+s22], $0x80, s10, s22, $0xb8;
	[tilespmem:$0x1E000] =	vst v63  }
0xe2: {  	s3 =	simm.s32 $0x80  }
0xe3: {  	[tilespmem:s24], [sflag:$0x2] =	stream.indirect.gather [hbm4b:s1+s22], $0x80, s3, s22, $0xb8;
	[tilespmem:$0x1E000] =	vst v63  }
0xe4: {  	_ =	swait.ge [sflag:s25], $0x4000  }
0xe5: {  	[sflag:s25] =	ssyncset.done $0x0  }
0xe6: {  	s8 =	simm.s32 $0x1000;
	[sflag:s25] =	ssyncadd.s32 $0xFFFFC000  }
0xe7: {  	[spmem:s2] =	stream.indirect.scatter.add.f32 [tilespmem:s23], [sflag:$0x3], $0x80, s8, s22, $0xb8;
	[tilespmem:$0x1E000] =	vst v63  }
0xe8: {  	_ =	swait.ge [sflag:s20], $0x4000  }
0xe9: {  	[sflag:s20] =	ssyncset.done $0x0  }
0xea: {  	s9 =	simm.s32 $0x100;
	[sflag:s20] =	ssyncadd.s32 $0xFFFFC000  }
0xeb: {  	[tilespmem:s23], [sflag:$0x1] =	stream.indirect.gather [hbm4b:s1+s22], $0x80, s9, s22, $0xb8;
	[tilespmem:$0x1E000] =	vst v63  }
0xec: {  	_ =	swait.ge [sflag:s26], $0x4000  }
0xed: {  	[sflag:s26] =	ssyncset.done $0x0  }
0xee: {  	s10 =	simm.s32 $0x1080;
	[sflag:s26] =	ssyncadd.s32 $0xFFFFC000  }
0xef: {  	[spmem:s2] =	stream.indirect.scatter.add.f32 [tilespmem:s24], [sflag:$0x3], $0x80, s10, s22, $0xb8;
	[tilespmem:$0x1E000] =	vst v63  }
0xf0: {  	_ =	swait.ge [sflag:s20], $0x4000  }
0xf1: {  	s0 =	simm.s32 $0x100;
	s3 =	simm.s32 $0x800;
	[sflag:s20] =	ssyncset.done $0x0  }
.LBB2_7:
0xf2: {  	s8 =	sadd.s32 $0x80, s0  }
0xf3: {  	[sflag:s20] =	ssyncadd.s32 $0xFFFFC000;
	s9 =	smov.u32 s3;
	s10 =	sadd.s32 $0x400, s3  }
0xf4: {  	[tilespmem:s24], [sflag:$0x2] =	stream.indirect.gather [hbm4b:s1+s22], $0x80, s8, s22, $0xb8;
	[tilespmem:$0x1E000] =	vst v63  }
0xf5: {  	p1 =	sne.s32 s3, $0x3800;
	_ =	swait.ge [sflag:s25], $0x4000  }
0xf6: {  	[sflag:s25] =	ssyncset.done $0x0  }
0xf7: {  	s3 =	sadd.s32 $0x1000, s0;
	[sflag:s25] =	ssyncadd.s32 $0xFFFFC000  }
0xf8: {  	[spmem:s2] =	stream.indirect.scatter.add.f32 [tilespmem:s23], [sflag:$0x3], $0x80, s3, s22, $0xb8;
	[tilespmem:$0x1E000] =	vst v63  }
0xf9: {  	_ =	swait.ge [sflag:s20], $0x4000  }
0xfa: {  	[sflag:s20] =	ssyncset.done $0x0  }
0xfb: {  	s3 =	sadd.s32 $0x100, s0;
	[sflag:s20] =	ssyncadd.s32 $0xFFFFC000  }
0xfc: {  	[tilespmem:s23], [sflag:$0x1] =	stream.indirect.gather [hbm4b:s1+s22], $0x80, s3, s22, $0xb8;
	[tilespmem:$0x1E000] =	vst v63  }
0xfd: {  	_ =	swait.ge [sflag:s26], $0x4000  }
.Ltmp5:
0xfe: {  	[sflag:s26] =	ssyncset.done $0x0;
	(pc) =	sbr.rel @p1 .LBB2_7-.Ltmp5, $4  }
0xff: {  	s0 =	sadd.s32 $0x1080, s0;
	[sflag:s26] =	ssyncadd.s32 $0xFFFFC000  }
0x100: {  	[spmem:s2] =	stream.indirect.scatter.add.f32 [tilespmem:s24], [sflag:$0x3], $0x80, s0, s22, $0xb8;
	[tilespmem:$0x1E000] =	vst v63  }
0x101: {  	_ =	swait.ge [sflag:s20], $0x4000  }
0x102: {  	s3 =	smov.u32 s10;
	s0 =	sshra.s32 s9, $0x2;
	[sflag:s20] =	ssyncset.done $0x0  }
0x103: {  	s3 =	sadd.s32 $0x80, s0;
	[sflag:s20] =	ssyncadd.s32 $0xFFFFC000  }
0x104: {  	[tilespmem:s24], [sflag:$0x2] =	stream.indirect.gather [hbm4b:s1+s22], $0x80, s3, s22, $0xb8;
	[tilespmem:$0x1E000] =	vst v63  }
0x105: {  	_ =	swait.ge [sflag:s25], $0x4000  }
0x106: {  	[sflag:s25] =	ssyncset.done $0x0  }
0x107: {  	s10 =	sadd.s32 $0x1000, s0;
	[sflag:s25] =	ssyncadd.s32 $0xFFFFC000  }
0x108: {  	[spmem:s2] =	stream.indirect.scatter.add.f32 [tilespmem:s23], [sflag:$0x3], $0x80, s10, s22, $0xb8;
	[tilespmem:$0x1E000] =	vst v63  }
0x109: {  	_ =	swait.ge [sflag:s20], $0x4000  }
0x10a: {  	[sflag:s20] =	ssyncset.done $0x0  }
0x10b: {  	s8 =	sadd.s32 $0x100, s0;
	[sflag:s20] =	ssyncadd.s32 $0xFFFFC000  }
0x10c: {  	[tilespmem:s23], [sflag:$0x1] =	stream.indirect.gather [hbm4b:s1+s22], $0x80, s8, s22, $0xb8;
	[tilespmem:$0x1E000] =	vst v63  }
0x10d: {  	_ =	swait.ge [sflag:s26], $0x4000  }
0x10e: {  	[sflag:s26] =	ssyncset.done $0x0  }
0x10f: {  	s9 =	sadd.s32 $0x1080, s0;
	[sflag:s26] =	ssyncadd.s32 $0xFFFFC000  }
0x110: {  	[spmem:s2] =	stream.indirect.scatter.add.f32 [tilespmem:s24], [sflag:$0x3], $0x80, s9, s22, $0xb8;
	[tilespmem:$0x1E000] =	vst v63  }
0x111: {  	_ =	swait.ge [sflag:s20], $0x4000  }
0x112: {  	[sflag:s20] =	ssyncset.done $0x0  }
0x113: {  	[sflag:s20] =	ssyncadd.s32 $0xFFFFC000  }
0x114: {  	[tilespmem:s24], [sflag:$0x2] =	stream.indirect.gather [hbm4b:s1+s22], $0x80, s28, s22, $0xb8;
	[tilespmem:$0x1E000] =	vst v63  }
0x115: {  	_ =	swait.ge [sflag:s25], $0x4000  }
0x116: {  	[sflag:s25] =	ssyncset.done $0x0  }
0x117: {  	[sflag:s25] =	ssyncadd.s32 $0xFFFFC000  }
0x118: {  	[spmem:s2] =	stream.indirect.scatter.add.f32 [tilespmem:s23], [sflag:$0x3], $0x80, s29, s22, $0xb8;
	[tilespmem:$0x1E000] =	vst v63  }
0x119: {  	_ =	swait.ge [sflag:s20], $0x4000  }
0x11a: {  	[sflag:s20] =	ssyncset.done $0x0  }
0x11b: {  	[sflag:s20] =	ssyncadd.s32 $0xFFFFC000  }
0x11c: {  	_ =	swait.ge [sflag:s26], $0x4000  }
0x11d: {  	[sflag:s26] =	ssyncset.done $0x0  }
0x11e: {  	[sflag:s26] =	ssyncadd.s32 $0xFFFFC000  }
0x11f: {  	[spmem:s2] =	stream.indirect.scatter.add.f32 [tilespmem:s24], [sflag:$0x3], $0x80, s30, s22, $0xb8;
	[tilespmem:$0x1E000] =	vst v63  }
0x120: {  	_ =	swait.ge [sflag:s20], $0x4000  }
0x121: {  	[sflag:s20] =	ssyncset.done $0x0  }
0x122: {  	s10 =	simm.s32 $0x0;
	[sflag:s20] =	ssyncadd.s32 $0xFFFFC000  }
0x123: {  	[tilespmem:s10], [sflag:$0x3] =	stream.linear.gather [hbm4b:s14+s10], $0x1000, $0x38;
	[tilespmem:$0x1E000] =	vst v63  }
0x124: {  	_ =	swait.ge [sflag:s20], $0x1000  }
0x125: {  	[sflag:s20] =	ssyncset.done $0x0  }
0x126: {  	[sflag:s20] =	ssyncadd.s32 $0xFFFFF000  }
0x127: {  	[tilespmem:s21], [sflag:$0x3] =	stream.linear.gather [hbm4b:s15+s10], $0x1000, $0x38;
	[tilespmem:$0x1E000] =	vst v63  }
0x128: {  	_ =	swait.ge [sflag:s20], $0x1000  }
0x129: {  	[sflag:s20] =	ssyncset.done $0x0  }
0x12a: {  	[sflag:s20] =	ssyncadd.s32 $0xFFFFF000  }
0x12b: {  	[tilespmem:s23], [sflag:$0x1] =	stream.indirect.gather [hbm4b:s1+s22], $0x80, s10, s22, $0xb8;
	[tilespmem:$0x1E000] =	vst v63  }
0x12c: {  	s3 =	simm.s32 $0x80  }
0x12d: {  	[tilespmem:s24], [sflag:$0x2] =	stream.indirect.gather [hbm4b:s1+s22], $0x80, s3, s22, $0xb8;
	[tilespmem:$0x1E000] =	vst v63  }
0x12e: {  	_ =	swait.ge [sflag:s25], $0x4000  }
0x12f: {  	[sflag:s25] =	ssyncset.done $0x0  }
0x130: {  	s8 =	simm.s32 $0x1000;
	[sflag:s25] =	ssyncadd.s32 $0xFFFFC000  }
0x131: {  	[spmem:s2] =	stream.indirect.scatter.add.f32 [tilespmem:s23], [sflag:$0x3], $0x80, s8, s22, $0xb8;
	[tilespmem:$0x1E000] =	vst v63  }
0x132: {  	_ =	swait.ge [sflag:s20], $0x4000  }
0x133: {  	[sflag:s20] =	ssyncset.done $0x0  }
0x134: {  	s9 =	simm.s32 $0x100;
	[sflag:s20] =	ssyncadd.s32 $0xFFFFC000  }
0x135: {  	[tilespmem:s23], [sflag:$0x1] =	stream.indirect.gather [hbm4b:s1+s22], $0x80, s9, s22, $0xb8;
	[tilespmem:$0x1E000] =	vst v63  }
0x136: {  	_ =	swait.ge [sflag:s26], $0x4000  }
0x137: {  	[sflag:s26] =	ssyncset.done $0x0  }
0x138: {  	s10 =	simm.s32 $0x1080;
	[sflag:s26] =	ssyncadd.s32 $0xFFFFC000  }
0x139: {  	[spmem:s2] =	stream.indirect.scatter.add.f32 [tilespmem:s24], [sflag:$0x3], $0x80, s10, s22, $0xb8;
	[tilespmem:$0x1E000] =	vst v63  }
0x13a: {  	_ =	swait.ge [sflag:s20], $0x4000  }
0x13b: {  	s0 =	simm.s32 $0x100;
	s3 =	simm.s32 $0x800;
	[sflag:s20] =	ssyncset.done $0x0  }
.LBB2_9:
0x13c: {  	s8 =	sadd.s32 $0x80, s0  }
0x13d: {  	[sflag:s20] =	ssyncadd.s32 $0xFFFFC000;
	s9 =	smov.u32 s3;
	s10 =	sadd.s32 $0x400, s3  }
0x13e: {  	[tilespmem:s24], [sflag:$0x2] =	stream.indirect.gather [hbm4b:s1+s22], $0x80, s8, s22, $0xb8;
	[tilespmem:$0x1E000] =	vst v63  }
0x13f: {  	p1 =	sne.s32 s3, $0x3800;
	_ =	swait.ge [sflag:s25], $0x4000  }
0x140: {  	[sflag:s25] =	ssyncset.done $0x0  }
0x141: {  	s3 =	sadd.s32 $0x1000, s0;
	[sflag:s25] =	ssyncadd.s32 $0xFFFFC000  }
0x142: {  	[spmem:s2] =	stream.indirect.scatter.add.f32 [tilespmem:s23], [sflag:$0x3], $0x80, s3, s22, $0xb8;
	[tilespmem:$0x1E000] =	vst v63  }
0x143: {  	_ =	swait.ge [sflag:s20], $0x4000  }
0x144: {  	[sflag:s20] =	ssyncset.done $0x0  }
0x145: {  	s3 =	sadd.s32 $0x100, s0;
	[sflag:s20] =	ssyncadd.s32 $0xFFFFC000  }
0x146: {  	[tilespmem:s23], [sflag:$0x1] =	stream.indirect.gather [hbm4b:s1+s22], $0x80, s3, s22, $0xb8;
	[tilespmem:$0x1E000] =	vst v63  }
0x147: {  	_ =	swait.ge [sflag:s26], $0x4000  }
.Ltmp6:
0x148: {  	[sflag:s26] =	ssyncset.done $0x0;
	(pc) =	sbr.rel @p1 .LBB2_9-.Ltmp6, $4  }
0x149: {  	s0 =	sadd.s32 $0x1080, s0;
	[sflag:s26] =	ssyncadd.s32 $0xFFFFC000  }
0x14a: {  	[spmem:s2] =	stream.indirect.scatter.add.f32 [tilespmem:s24], [sflag:$0x3], $0x80, s0, s22, $0xb8;
	[tilespmem:$0x1E000] =	vst v63  }
0x14b: {  	_ =	swait.ge [sflag:s20], $0x4000  }
0x14c: {  	s3 =	smov.u32 s10;
	s0 =	sshra.s32 s9, $0x2;
	[sflag:s20] =	ssyncset.done $0x0  }
0x14d: {  	s3 =	sadd.s32 $0x80, s0;
	[sflag:s20] =	ssyncadd.s32 $0xFFFFC000  }
0x14e: {  	[tilespmem:s24], [sflag:$0x2] =	stream.indirect.gather [hbm4b:s1+s22], $0x80, s3, s22, $0xb8;
	[tilespmem:$0x1E000] =	vst v63  }
0x14f: {  	_ =	swait.ge [sflag:s25], $0x4000  }
0x150: {  	[sflag:s25] =	ssyncset.done $0x0  }
0x151: {  	s10 =	sadd.s32 $0x1000, s0;
	[sflag:s25] =	ssyncadd.s32 $0xFFFFC000  }
0x152: {  	[spmem:s2] =	stream.indirect.scatter.add.f32 [tilespmem:s23], [sflag:$0x3], $0x80, s10, s22, $0xb8;
	[tilespmem:$0x1E000] =	vst v63  }
0x153: {  	_ =	swait.ge [sflag:s20], $0x4000  }
0x154: {  	[sflag:s20] =	ssyncset.done $0x0  }
0x155: {  	s8 =	sadd.s32 $0x100, s0;
	[sflag:s20] =	ssyncadd.s32 $0xFFFFC000  }
0x156: {  	[tilespmem:s23], [sflag:$0x1] =	stream.indirect.gather [hbm4b:s1+s22], $0x80, s8, s22, $0xb8;
	[tilespmem:$0x1E000] =	vst v63  }
0x157: {  	_ =	swait.ge [sflag:s26], $0x4000  }
0x158: {  	[sflag:s26] =	ssyncset.done $0x0  }
0x159: {  	s9 =	sadd.s32 $0x1080, s0;
	[sflag:s26] =	ssyncadd.s32 $0xFFFFC000  }
0x15a: {  	[spmem:s2] =	stream.indirect.scatter.add.f32 [tilespmem:s24], [sflag:$0x3], $0x80, s9, s22, $0xb8;
	[tilespmem:$0x1E000] =	vst v63  }
0x15b: {  	_ =	swait.ge [sflag:s20], $0x4000  }
0x15c: {  	[sflag:s20] =	ssyncset.done $0x0  }
0x15d: {  	[sflag:s20] =	ssyncadd.s32 $0xFFFFC000  }
0x15e: {  	[tilespmem:s24], [sflag:$0x2] =	stream.indirect.gather [hbm4b:s1+s22], $0x80, s28, s22, $0xb8;
	[tilespmem:$0x1E000] =	vst v63  }
0x15f: {  	_ =	swait.ge [sflag:s25], $0x4000  }
0x160: {  	[sflag:s25] =	ssyncset.done $0x0  }
0x161: {  	[sflag:s25] =	ssyncadd.s32 $0xFFFFC000  }
0x162: {  	[spmem:s2] =	stream.indirect.scatter.add.f32 [tilespmem:s23], [sflag:$0x3], $0x80, s29, s22, $0xb8;
	[tilespmem:$0x1E000] =	vst v63  }
0x163: {  	_ =	swait.ge [sflag:s20], $0x4000  }
0x164: {  	[sflag:s20] =	ssyncset.done $0x0  }
0x165: {  	[sflag:s20] =	ssyncadd.s32 $0xFFFFC000  }
0x166: {  	_ =	swait.ge [sflag:s26], $0x4000  }
0x167: {  	[sflag:s26] =	ssyncset.done $0x0  }
0x168: {  	[sflag:s26] =	ssyncadd.s32 $0xFFFFC000  }
0x169: {  	[spmem:s2] =	stream.indirect.scatter.add.f32 [tilespmem:s24], [sflag:$0x3], $0x80, s30, s22, $0xb8;
	[tilespmem:$0x1E000] =	vst v63  }
0x16a: {  	_ =	swait.ge [sflag:s20], $0x4000  }
0x16b: {  	[sflag:s20] =	ssyncset.done $0x0  }
0x16c: {  	s10 =	simm.s32 $0x0;
	[sflag:s20] =	ssyncadd.s32 $0xFFFFC000  }
0x16d: {  	[tilespmem:s10], [sflag:$0x3] =	stream.linear.gather [hbm4b:s16+s10], $0x1000, $0x38;
	[tilespmem:$0x1E000] =	vst v63  }
0x16e: {  	_ =	swait.ge [sflag:s20], $0x1000  }
0x16f: {  	[sflag:s20] =	ssyncset.done $0x0  }
0x170: {  	[sflag:s20] =	ssyncadd.s32 $0xFFFFF000  }
0x171: {  	[tilespmem:s21], [sflag:$0x3] =	stream.linear.gather [hbm4b:s17+s10], $0x1000, $0x38;
	[tilespmem:$0x1E000] =	vst v63  }
0x172: {  	_ =	swait.ge [sflag:s20], $0x1000  }
0x173: {  	[sflag:s20] =	ssyncset.done $0x0  }
0x174: {  	[sflag:s20] =	ssyncadd.s32 $0xFFFFF000  }
0x175: {  	[tilespmem:s23], [sflag:$0x1] =	stream.indirect.gather [hbm4b:s1+s22], $0x80, s10, s22, $0xb8;
	[tilespmem:$0x1E000] =	vst v63  }
0x176: {  	s3 =	simm.s32 $0x80  }
0x177: {  	[tilespmem:s24], [sflag:$0x2] =	stream.indirect.gather [hbm4b:s1+s22], $0x80, s3, s22, $0xb8;
	[tilespmem:$0x1E000] =	vst v63  }
0x178: {  	_ =	swait.ge [sflag:s25], $0x4000  }
0x179: {  	[sflag:s25] =	ssyncset.done $0x0  }
0x17a: {  	s8 =	simm.s32 $0x1000;
	[sflag:s25] =	ssyncadd.s32 $0xFFFFC000  }
0x17b: {  	[spmem:s2] =	stream.indirect.scatter.add.f32 [tilespmem:s23], [sflag:$0x3], $0x80, s8, s22, $0xb8;
	[tilespmem:$0x1E000] =	vst v63  }
0x17c: {  	_ =	swait.ge [sflag:s20], $0x4000  }
0x17d: {  	[sflag:s20] =	ssyncset.done $0x0  }
0x17e: {  	s9 =	simm.s32 $0x100;
	[sflag:s20] =	ssyncadd.s32 $0xFFFFC000  }
0x17f: {  	[tilespmem:s23], [sflag:$0x1] =	stream.indirect.gather [hbm4b:s1+s22], $0x80, s9, s22, $0xb8;
	[tilespmem:$0x1E000] =	vst v63  }
0x180: {  	_ =	swait.ge [sflag:s26], $0x4000  }
0x181: {  	[sflag:s26] =	ssyncset.done $0x0  }
0x182: {  	s10 =	simm.s32 $0x1080;
	[sflag:s26] =	ssyncadd.s32 $0xFFFFC000  }
0x183: {  	[spmem:s2] =	stream.indirect.scatter.add.f32 [tilespmem:s24], [sflag:$0x3], $0x80, s10, s22, $0xb8;
	[tilespmem:$0x1E000] =	vst v63  }
0x184: {  	_ =	swait.ge [sflag:s20], $0x4000  }
0x185: {  	s0 =	simm.s32 $0x100;
	s3 =	simm.s32 $0x800;
	[sflag:s20] =	ssyncset.done $0x0  }
.LBB2_11:
0x186: {  	s8 =	sadd.s32 $0x80, s0  }
0x187: {  	[sflag:s20] =	ssyncadd.s32 $0xFFFFC000;
	s9 =	smov.u32 s3;
	s10 =	sadd.s32 $0x400, s3  }
0x188: {  	[tilespmem:s24], [sflag:$0x2] =	stream.indirect.gather [hbm4b:s1+s22], $0x80, s8, s22, $0xb8;
	[tilespmem:$0x1E000] =	vst v63  }
0x189: {  	p1 =	sne.s32 s3, $0x3800;
	_ =	swait.ge [sflag:s25], $0x4000  }
0x18a: {  	[sflag:s25] =	ssyncset.done $0x0  }
0x18b: {  	s3 =	sadd.s32 $0x1000, s0;
	[sflag:s25] =	ssyncadd.s32 $0xFFFFC000  }
0x18c: {  	[spmem:s2] =	stream.indirect.scatter.add.f32 [tilespmem:s23], [sflag:$0x3], $0x80, s3, s22, $0xb8;
	[tilespmem:$0x1E000] =	vst v63  }
0x18d: {  	_ =	swait.ge [sflag:s20], $0x4000  }
0x18e: {  	[sflag:s20] =	ssyncset.done $0x0  }
0x18f: {  	s3 =	sadd.s32 $0x100, s0;
	[sflag:s20] =	ssyncadd.s32 $0xFFFFC000  }
0x190: {  	[tilespmem:s23], [sflag:$0x1] =	stream.indirect.gather [hbm4b:s1+s22], $0x80, s3, s22, $0xb8;
	[tilespmem:$0x1E000] =	vst v63  }
0x191: {  	_ =	swait.ge [sflag:s26], $0x4000  }
.Ltmp7:
0x192: {  	[sflag:s26] =	ssyncset.done $0x0;
	(pc) =	sbr.rel @p1 .LBB2_11-.Ltmp7, $4  }
0x193: {  	s0 =	sadd.s32 $0x1080, s0;
	[sflag:s26] =	ssyncadd.s32 $0xFFFFC000  }
0x194: {  	[spmem:s2] =	stream.indirect.scatter.add.f32 [tilespmem:s24], [sflag:$0x3], $0x80, s0, s22, $0xb8;
	[tilespmem:$0x1E000] =	vst v63  }
0x195: {  	_ =	swait.ge [sflag:s20], $0x4000  }
0x196: {  	s3 =	smov.u32 s10;
	s0 =	sshra.s32 s9, $0x2;
	[sflag:s20] =	ssyncset.done $0x0  }
.Ltmp8:
0x197: {  	_ = 	snop;
	(pc) =	sbr.rel .LBB2_12-.Ltmp8, $1  }
0x198: {  	_ =	sdelay $0x3  }
.LBB2_14:
0x199: {  	_ =	sfence.sel $0x180000  }
0x19a: {  	[bflag:$0x0] =	sbarrier.arrive $0xFFFF  }
0x19b: {  	_ =	strace $0x9000004A  }
0x19c: {  	s0 =	stileid.u32;
	[bflag:$0x2] =	sbarrier.arrive $0xFFFF  }
0x19d: {  	p0 =	sne.s32 s0, $0x0;
	s0 =	rddreg [dreg:$0x3]  }
0x19e: {  	s0 =	sadd.s32 @!p0 $0x100000, s0  }
0x19f: {  	[sflag:s0] =	ssyncadd.tile.s32 @!p0 $0x1;
	_ =	shalt  }
.Lfunc_end2:
_tile_overlayer_lowered:
.L_overlay_start_2:
0x1a0: {  	(tag) =	ssettag $0x2  }
0x1a1: {  	s0 =	rddreg [dreg:$0x0];
	s2 =	stileid.u32  }
0x1a2: {  	s1 =	rddreg [dreg:$0x1];
	p0 =	sne.s32 s2, $0x0  }
0x1a3: {  	s3 =	rddreg [dreg:$0x2];
	[bflag:$0x3] =	sbarrier.arrive $0xFFFF;
	s2 =	simm.s32 @!p0 $0x1C03  }
0x1a4: {  	[timem:s3], [sflag:s2] =	dma.local @!p0 [hbm:s0], s1  }
0x1a5: {  	s0 =	simm.s32 @!p0 $0x3  }
0x1a6: {  	_ =	swait.ge @!p0 [sflag:s0], s1  }
0x1a7: {  	s1 =	ssub.s32 @!p0 $0x0, s1;
	[sflag:s0] =	ssyncset.done @!p0 $0x0  }
0x1a8: {  	[sflag:s0] =	ssyncadd.s32 @!p0 s1  }
0x1a9: {  	[bflag:$0x3] =	sbarrier.arrive $0xFFFF  }
0x1aa: {  	_ =	shalt  }

// kernel: kernel.13.cloned.1.call-start
scs
__scs_entry_jumppad:
0x0: {  	(pc) =	sbr.rel $0x88, $3  }
0x1: {  	(tag) =	ssettag $0x0;
	lr =	simm.s32 $0x1  }
0x2: {  	[smem:$0x3F99] =	sst lr;
	_ =	strace $0xD0000000  }
0x3: {  	_ = 	snop  }
0x4: {  	_ = 	snop  }
0x5: {  	_ = 	snop  }
0x6: {  	_ = 	snop  }
0x7: {  	_ = 	snop  }
__scs_overlays_trampoline_lowered:
0x8: {  	[smem:$0x3FA8] =	sst s0  }
0x9: {  	[smem:$0x3FA9] =	sst s1  }
0xa: {  	[smem:$0x3FAA] =	sst s2  }
0xb: {  	[smem:$0x3FAB] =	sst s3  }
0xc: {  	[smem:$0x3FAC] =	sst s4  }
0xd: {  	[smem:$0x3FAD] =	sst s5  }
0xe: {  	[smem:$0x3FAE] =	sst s6  }
0xf: {  	[smem:$0x3FAF] =	sst s7  }
0x10: {  	[smem:$0x3FB0] =	sst s8  }
0x11: {  	[smem:$0x3FB1] =	sst s9;
	s0 =	simm.s32 @!p0 $0x0  }
0x12: {  	s1 =	sld [smem:$0x3F97];
	s0 =	simm.s32 @p0 $0x1  }
0x13: {  	[smem:$0x3FB2] =	sst s0;
	s0 =	simm.s32 @!p1 $0x0  }
0x14: {  	s2 =	sld [smem:$0x3F96];
	s0 =	simm.s32 @p1 $0x1  }
0x15: {  	[smem:$0x3FB3] =	sst s0;
	s0 =	simm.s32 @!p2 $0x0  }
0x16: {  	s3 =	sld [smem:$0x3FDB];
	s0 =	simm.s32 @p2 $0x1  }
0x17: {  	s4 =	simm.s32 $0x1BF5;
	[smem:$0x3FB5] =	sst s0  }
0x18: {  	s0 =	sld [smem:$0x3F98];
	_ =	swait.ge [sflag:s4], $0x0  }
0x19: {  	s7 =	sld [smem:$0x3F99]  }
0x1a: {  	s8 =	sadd.s32 $0xFFFFE003, lr  }
0x1b: {  	s9 =	sadd.s32 $0xFFFFFEF7, lr;
	s5 =	simm.s32 $0xFFFFFFFF;
	p2 =	slt.u32 s8, $0xFFFFF086  }
0x1c: {  	p1 =	slt.u32 s9, $0xF7A;
	s5 =	simm.s32 @!p2 $0x0  }
0x1d: {  	s5 =	simm.s32 @p1 $0x1;
	p0 =	seq.s32 s7, s2  }
0x1e: {  	s7 =	smul.u32 @!p0 $0xF7A, s2;
	p2 =	seq.s32 @!p0 s5, $0x0  }
0x1f: {  	s9 =	smul.u32 $0xF7A, s1;
	s8 =	simm.s32 @!p0 $0x1BF5;
	p2 =	por !p2, p0  }
0x20: {  	[sflag:s8] =	ssyncset.s32 @!p0 $0xFFFFF086;
	s6 =	sadd.s32 @!p0 s3, s7;
	s7 =	simm.s32 @!p0 $0x108  }
0x21: {  	s3 =	sadd.s32 s3, s9;
	s6 =	sadd.s32 @!p0 $0x88, s6;
	s7 =	simm.s32 @p2 $0x1082  }
0x22: {  	[simem:s7], [sflag:s8] =	dma.local @!p0 [hbm:s6], $0xF7A  }
0x23: {  	s9 =	sor.u32 $0xD0000000, s2;
	s6 =	simm.s32 $0x108;
	_ =	swait.ge @!p0 [sflag:s8], $0x0  }
0x24: {  	s3 =	sadd.s32 $0x88, s3;
	s6 =	simm.s32 @!p1 $0x1082;
	[sflag:s4] =	ssyncset.s32 $0xFFFFF086  }
0x25: {  	[simem:s6], [sflag:s4] =	dma.local [hbm:s3], $0xF7A  }
0x26: {  	[smem:$0x3F99] =	sst s1;
	(tag) =	ssettag s2;
	_ =	strace s9  }
0x27: {  	s1 =	sld [smem:$0x3FA9]  }
0x28: {  	s2 =	sld [smem:$0x3FAA]  }
0x29: {  	s4 =	sld [smem:$0x3FAC]  }
0x2a: {  	p0 =	seq.s32 s5, $0x0;
	s5 =	sld [smem:$0x3FAD]  }
0x2b: {  	s6 =	sld [smem:$0x3FAE]  }
0x2c: {  	s7 =	sld [smem:$0x3FAF]  }
0x2d: {  	s3 =	simm.s32 $0x108;
	s8 =	sld [smem:$0x3FB0]  }
0x2e: {  	s3 =	simm.s32 @!p0 $0x1082;
	s9 =	sld [smem:$0x3FB1]  }
0x2f: {  	lr =	sadd.s32 s0, s3;
	s0 =	sld [smem:$0x3FA8]  }
0x30: {  	s3 =	sld [smem:$0x3FAB]  }
0x31: {  	[smem:$0x3FB4] =	sst s10  }
0x32: {  	s10 =	sld [smem:$0x3FB2];
	_ =	sdelay $0x3  }
0x33: {  	p0 =	seq.s32 s10, $0x1;
	s10 =	sld [smem:$0x3FB4];
	_ =	sdelay $0x3  }
0x34: {  	[smem:$0x3FB4] =	sst s10  }
0x35: {  	s10 =	sld [smem:$0x3FB3];
	_ =	sdelay $0x3  }
0x36: {  	p1 =	seq.s32 s10, $0x1;
	s10 =	sld [smem:$0x3FB4];
	_ =	sdelay $0x3  }
0x37: {  	[smem:$0x3FB4] =	sst s10  }
0x38: {  	s10 =	sld [smem:$0x3FB5]  }
0x39: {  	_ = 	snop;
	(pc) =	sbr.ind lr, $3  }
0x3a: {  	_ = 	snop  }
0x3b: {  	_ = 	snop  }
0x3c: {  	p2 =	seq.s32 s10, $0x1;
	s10 =	sld [smem:$0x3FB4]  }
0x3d: {  	_ =	shalt  }
0x3e: {  	_ =	shalt  }
0x3f: {  	_ =	shalt  }
0x40: {  	_ =	shalt  }
0x41: {  	_ =	shalt  }
0x42: {  	_ =	shalt  }
0x43: {  	_ =	shalt  }
0x44: {  	_ =	shalt  }
0x45: {  	_ =	shalt  }
0x46: {  	_ =	shalt  }
0x47: {  	_ =	shalt  }
0x48: {  	_ =	shalt  }
0x49: {  	_ =	shalt  }
0x4a: {  	_ =	shalt  }
0x4b: {  	_ =	shalt  }
0x4c: {  	_ =	shalt  }
0x4d: {  	_ =	shalt  }
0x4e: {  	_ =	shalt  }
0x4f: {  	_ =	shalt  }
0x50: {  	_ =	shalt  }
0x51: {  	_ =	shalt  }
0x52: {  	_ =	shalt  }
0x53: {  	_ =	shalt  }
0x54: {  	_ =	shalt  }
0x55: {  	_ =	shalt  }
0x56: {  	_ =	shalt  }
0x57: {  	_ =	shalt  }
0x58: {  	_ =	shalt  }
0x59: {  	_ =	shalt  }
0x5a: {  	_ =	shalt  }
0x5b: {  	_ =	shalt  }
0x5c: {  	_ =	shalt  }
0x5d: {  	_ =	shalt  }
0x5e: {  	_ =	shalt  }
0x5f: {  	_ =	shalt  }
0x60: {  	_ =	shalt  }
0x61: {  	_ =	shalt  }
0x62: {  	_ =	shalt  }
0x63: {  	_ =	shalt  }
0x64: {  	_ =	shalt  }
0x65: {  	_ =	shalt  }
0x66: {  	_ =	shalt  }
0x67: {  	_ =	shalt  }
0x68: {  	_ =	shalt  }
0x69: {  	_ =	shalt  }
0x6a: {  	_ =	shalt  }
0x6b: {  	_ =	shalt  }
0x6c: {  	_ =	shalt  }
0x6d: {  	_ =	shalt  }
0x6e: {  	_ =	shalt  }
0x6f: {  	_ =	shalt  }
0x70: {  	_ =	shalt  }
0x71: {  	_ =	shalt  }
0x72: {  	_ =	shalt  }
0x73: {  	_ =	shalt  }
0x74: {  	_ =	shalt  }
0x75: {  	_ =	shalt  }
0x76: {  	_ =	shalt  }
0x77: {  	_ =	shalt  }
0x78: {  	_ =	shalt  }
0x79: {  	_ =	shalt  }
0x7a: {  	_ =	shalt  }
0x7b: {  	_ =	shalt  }
0x7c: {  	_ =	shalt  }
0x7d: {  	_ =	shalt  }
0x7e: {  	_ =	shalt  }
0x7f: {  	_ =	shalt  }
0x80: {  	_ =	shalt  }
0x81: {  	_ =	shalt  }
0x82: {  	_ =	shalt  }
0x83: {  	_ =	shalt  }
0x84: {  	_ =	shalt  }
0x85: {  	_ =	shalt  }
0x86: {  	_ =	shalt  }
0x87: {  	_ =	shalt  }
.Lfunc_end0:
.L_simem_size_0:
called_computation.2_lowered:
.L_overlay_start_0:
0x88: {  	s2 =	sld [smem:$0x3FD9]  }
0x89: {  	s3 =	sld [smem:$0x3FFE];
	_ =	sdelay $0x1  }
0x8a: {  	s1 =	srdreg.scid  }
0x8b: {  	s0 =	sand.u32 $0x1, s1  }
0x8c: {  	s17 =	sshll.u32 s0, $0xA;
	s2 =	sadd.s32 s3, s2  }
0x8d: {  	s2 =	sadd.s32 s2, s17  }
0x8e: {  	[smem:$0x3FC0] =	sst s2  }
0x8f: {  	_ = 	snop  }
0x90: {  	s2 =	sld [smem:$0x3FD0];
	(tm) =	ssettm $0x1  }
0x91: {  	s18 =	sld [smem:$0x3FFB];
	_ =	sdelay $0x3  }
0x92: {  	_ =	strace s18  }
0x93: {  	s3 =	sld [smem:$0x3FFC];
	_ =	sdelay $0x3  }
0x94: {  	_ =	strace s3  }
0x95: {  	s3 =	sld [smem:$0x3FFD];
	_ =	sdelay $0x3  }
0x96: {  	_ =	strace s3  }
0x97: {  	_ =	strace $0x8FFFFFFF  }
0x98: {  	s19 =	sld [smem:$0x3FDB];
	_ =	sdelay $0x1  }
0x99: {  	s4 =	simm.s32 $_scs_section_size  }
0x9a: {  	s5 =	simm.s32 $_size__tile_overlayer_lowered;
	s6 =	simm.s32 $_tile_overlayer_lowered  }
0x9b: {  	s22 =	simm.s32 $0x1BFF;
	s21 =	sshll.u32 s6, $0x1;
	s3 =	sadd.s32 s4, s19  }
0x9c: {  	s7 =	simm.s32 $0x0;
	s20 =	sshll.u32 s5, $0x1;
	s5 =	sadd.s32 s21, s3  }
0x9d: {  	[timem:s7], [sflag:s22] =	dma.local [hbm:s5], s20  }
0x9e: {  	_ =	swait.ge [sflag:s22], s20  }
0x9f: {  	s4 =	ssub.s32 $0x0, s20;
	[sflag:s22] =	ssyncset.done $0x0  }
0xa0: {  	[sflag:s22] =	ssyncadd.s32 s4;
	_ =	sdelay $0x1  }
0xa1: {  	s23 =	simm.s32 $0x1B8B  }
0xa2: {  	_ =	swait.ge [sflag:s23], $0x1  }
0xa3: {  	[sflag:s23] =	ssyncset.done $0x0  }
0xa4: {  	s25 =	simm.s32 $0x1B8E;
	s24 =	sld [smem:$0x3FFE];
	[sflag:s23] =	ssyncadd.s32 $0xFFFFFFFF  }
0xa5: {  	s26 =	simm.s32 $execute0_lowered;
	[smem:$0x3FD2] =	sst s25  }
0xa6: {  	s5 =	sshll.u32 s26, $0x1;
	_ =	strace $0x8000004C;
	[dreg:$0x1] =	wrdreg $0xFFFFFFFF  }
0xa7: {  	s28 =	simm.s32 $_size_execute0_lowered;
	s3 =	sadd.s32 s3, s5;
	[dreg:$0x0] =	wrdreg $0x0  }
0xa8: {  	s5 =	sshll.u32 s28, $0x1;
	[dreg:$0x2] =	wrdreg s3  }
0xa9: {  	[dreg:$0x3] =	wrdreg s5  }
0xaa: {  	[dreg:$0x4] =	wrdreg $0xC0  }
0xab: {  	_ =	task [dreg:s7], $0x5FFFF  }
0xac: {  	[dreg:$0x1] =	wrdreg $0xFFFFFFFF  }
0xad: {  	[dreg:$0x0] =	wrdreg $0x60  }
0xae: {  	[dreg:$0x2] =	wrdreg s2  }
0xaf: {  	[dreg:$0x3] =	wrdreg s24  }
0xb0: {  	[dreg:$0x4] =	wrdreg $0xA0000  }
0xb1: {  	[dreg:$0x5] =	wrdreg $0x9  }
0xb2: {  	_ =	task.clear_ibuf [dreg:s7], $0x6FFFF;
	_ =	strace $0x9000004C  }
0xb3: {  	s29 =	simm.s32 $0x9;
	_ =	strace $0x8000004E  }
0xb4: {  	_ =	swait.ge [sflag:s29], $0x1  }
0xb5: {  	[sflag:s29] =	ssyncadd.s32 $0xFFFFFFFF  }
0xb6: {  	_ =	strace $0x9000004E  }
0xb7: {  	_ =	sfence  }
0xb8: {  	s30 =	sld [smem:$0x0];
	_ =	sdelay $0x2  }
0xb9: {  	s31 =	sshll.u32 s1, $0xD;
	s1 =	sshrl.u32 s1, $0x2  }
0xba: {  	s3 =	sand.u32 $0x4000, s31;
	s1 =	sadd.s32 s1, s30  }
0xbb: {  	s0 =	sor.u32 s3, s0;
	s1 =	sshll.u32 s1, $0x11  }
0xbc: {  	s0 =	sor.u32 s1, s0  }
0xbd: {  	s0 =	sadd.s32 $0x8F2B, s0  }
0xbe: {  	[sflag:s0] =	ssyncadd.remote.s32 $0x1  }
0xbf: {  	_ =	sfence.sel $0xFFFF  }
0xc0: {  	[dreg:$0x0] =	wrdreg $0xFFFFFFFF;
	(pc) =	sbr.abs _section_cstart, $3  }
0xc1: {  	[dreg:$0x1] =	wrdreg $0xFFFFFFFF  }
0xc2: {  	_ =	task.clear_ibuf [dreg:s7], $0x2FFFF;
	_ =	strace $0x9FFFFFFF  }
0xc3: {  	(tm) =	ssettm $0x7FFFFFFF  }
tec
execute0_lowered:
.L_overlay_start_1:
0x0: {  	(tag) =	ssettag $0x1  }
0x1: {  	s1 =	rddreg [dreg:$0x0]  }
0x2: {  	s0 =	rddreg [dreg:$0x1]  }
0x3: {  	s2 =	rddreg [dreg:$0x2]  }
0x4: {  	s3 =	srdreg.scid;
	s10 =	stileid.u32  }
0x5: {  	s4 =	simm.s32 $0x0;
	s28 =	simm.s32 $0xF80;
	s7 =	smul.u32 $0x14000, s10  }
0x6: {  	s29 =	simm.s32 $0x1F00;
	s30 =	simm.s32 $0x1F80;
	s9 =	smul.u32 $0x50000, s10  }
0x7: {  	s3 =	sand.u32 $0x1, s3;
	[smem:$0x7FF] =	sst s4;
	s21 =	smul.u32 $0x5000, s10  }
0x8: {  	s16 =	sadd.s32 $0xC000, s0;
	s17 =	sadd.s32 $0x2000, s0;
	s24 =	smul.u32 $0xA00, s10  }
0x9: {  	s5 =	sadd.s32 $0x16000, s0;
	s23 =	sshll.u32 s10, $0x6;
	s6 =	smul.u32 $0x140000, s3  }
0xa: {  	_ =	strace $0x8000004D;
	s20 =	ssub.s32 $0x2, s3;
	p0 =	sne.s32 s3, $0x0  }
0xb: {  	s8 =	sshrl.u32 s20, $0x1;
	s22 =	sshrl.u32 s9, $0x2;
	s18 =	sshrl.u32 s21, $0x3  }
0xc: {  	s25 =	sadd.s32 s16, s24;
	s26 =	sadd.s32 s17, s24;
	s21 =	simm.s32 $0x1000  }
0xd: {  	s24 =	simm.s32 $0x6000;
	s6 =	sadd.s32 s7, s6;
	[dreg:$0x4] =	wrdreg s25  }
0xe: {  	s19 =	ssub.s32 s20, s8;
	s7 =	sor.u32 $0x1C03, s23;
	[dreg:$0x5] =	wrdreg s26  }
0xf: {  	s11 =	sadd.s32 $0x200, s18;
	s13 =	sadd.s32 $0x400, s18;
	s15 =	sadd.s32 $0x600, s18  }
0x10: {  	s18 =	sadd.s32 $0x800, s18;
	s20 =	simm.s32 $0x3;
	s23 =	simm.s32 $0x2000  }
0x11: {  	s25 =	simm.s32 $0x1;
	s26 =	simm.s32 $0x2;
	s6 =	sshrl.u32 s6, $0x3  }
.Ltmp0:
0x12: {  	s31 =	sadd.s32 s16, s11;
	s11 =	sadd.s32 s17, s11;
	(pc) =	sbr.rel .LBB2_1-.Ltmp0, $4  }
0x13: {  	s12 =	sadd.s32 s16, s13;
	s13 =	sadd.s32 s17, s13;
	s14 =	sadd.s32 s16, s15  }
0x14: {  	s15 =	sadd.s32 s17, s15;
	s16 =	sadd.s32 s16, s18;
	s17 =	sadd.s32 s17, s18  }
0x15: {  	s19 =	smax.u32 s19, $0x1;
	s0 =	sadd.s32 s6, s0;
	s6 =	sadd.s32 s22, s2  }
0x16: {  	[dreg:$0x6] =	wrdreg s31;
	s22 =	simm.s32 $0x80;
	s18 =	sadd.s32 $0x18800, s0  }
.LBB2_12:
0x17: {  	s3 =	sadd.s32 $0x80, s0;
	[sflag:s20] =	ssyncadd.s32 $0xFFFFC000  }
0x18: {  	[tilespmem:s24], [sflag:$0x2] =	stream.indirect.gather [hbm4b:s1+s22], $0x80, s3, s22, $0xb8;
	[tilespmem:$0x1E000] =	vst v63  }
0x19: {  	_ =	swait.ge [sflag:s25], $0x4000  }
0x1a: {  	[sflag:s25] =	ssyncset.done $0x0  }
0x1b: {  	s8 =	sadd.s32 $0x1000, s0;
	[sflag:s25] =	ssyncadd.s32 $0xFFFFC000  }
0x1c: {  	[spmem:s2] =	stream.indirect.scatter.add.f32 [tilespmem:s23], [sflag:$0x3], $0x80, s8, s22, $0xb8;
	[tilespmem:$0x1E000] =	vst v63  }
0x1d: {  	_ =	swait.ge [sflag:s20], $0x4000  }
0x1e: {  	[sflag:s20] =	ssyncset.done $0x0  }
0x1f: {  	s9 =	sadd.s32 $0x100, s0;
	[sflag:s20] =	ssyncadd.s32 $0xFFFFC000  }
0x20: {  	[tilespmem:s23], [sflag:$0x1] =	stream.indirect.gather [hbm4b:s1+s22], $0x80, s9, s22, $0xb8;
	[tilespmem:$0x1E000] =	vst v63  }
0x21: {  	_ =	swait.ge [sflag:s26], $0x4000  }
0x22: {  	[sflag:s26] =	ssyncset.done $0x0  }
0x23: {  	s10 =	sadd.s32 $0x1080, s0;
	[sflag:s26] =	ssyncadd.s32 $0xFFFFC000  }
0x24: {  	[spmem:s2] =	stream.indirect.scatter.add.f32 [tilespmem:s24], [sflag:$0x3], $0x80, s10, s22, $0xb8;
	[tilespmem:$0x1E000] =	vst v63  }
0x25: {  	_ =	swait.ge [sflag:s20], $0x4000  }
0x26: {  	[sflag:s20] =	ssyncset.done $0x0  }
0x27: {  	[sflag:s20] =	ssyncadd.s32 $0xFFFFC000  }
0x28: {  	[tilespmem:s24], [sflag:$0x2] =	stream.indirect.gather [hbm4b:s1+s22], $0x80, s28, s22, $0xb8;
	[tilespmem:$0x1E000] =	vst v63  }
0x29: {  	_ =	swait.ge [sflag:s25], $0x4000  }
0x2a: {  	[sflag:s25] =	ssyncset.done $0x0  }
0x2b: {  	[sflag:s25] =	ssyncadd.s32 $0xFFFFC000  }
0x2c: {  	[spmem:s2] =	stream.indirect.scatter.add.f32 [tilespmem:s23], [sflag:$0x3], $0x80, s29, s22, $0xb8;
	[tilespmem:$0x1E000] =	vst v63  }
0x2d: {  	_ =	swait.ge [sflag:s20], $0x4000  }
0x2e: {  	[sflag:s20] =	ssyncset.done $0x0  }
0x2f: {  	[sflag:s20] =	ssyncadd.s32 $0xFFFFC000  }
0x30: {  	_ =	swait.ge [sflag:s26], $0x4000  }
0x31: {  	[sflag:s26] =	ssyncset.done $0x0  }
0x32: {  	[sflag:s26] =	ssyncadd.s32 $0xFFFFC000  }
0x33: {  	[spmem:s2] =	stream.indirect.scatter.add.f32 [tilespmem:s24], [sflag:$0x3], $0x80, s30, s22, $0xb8;
	[tilespmem:$0x1E000] =	vst v63  }
0x34: {  	_ =	swait.ge [sflag:s20], $0x4000  }
0x35: {  	[sflag:s20] =	ssyncset.done $0x0  }
0x36: {  	[sflag:s20] =	ssyncadd.s32 $0xFFFFC000  }
.LBB2_13:
0x37: {  	s4 =	sadd.s32 $0x1, s4  }
0x38: {  	p1 =	sne.s32 s4, s19  }
.Ltmp1:
0x39: {  	[bflag:$0x0] =	sbarrier.arrive $0xFFFF;
	(pc) =	sbr.rel @!p1 .LBB2_14-.Ltmp1, $4  }
0x3a: {  	[hbm:s18], [sflag:s7] =	dma.local [spmem:s31], $0x2800  }
0x3b: {  	_ =	swait.ge [sflag:s20], $0x2800  }
0x3c: {  	[sflag:s20] =	ssyncset.done $0x0  }
0x3d: {  	[sflag:s20] =	ssyncadd.s32 $0xFFFFD800  }
.LBB2_1:
0x3e: {  	s31 =	sshrl.u32 s6, $0x3  }
0x3f: {  	[spmem:s31], [sflag:s7] =	dma.local [hbm:s5], $0x2800  }
.Ltmp2:
0x40: {  	_ =	swait.ge [sflag:s20], $0x2800;
	(pc) =	sbr.rel @p0 .LBB2_13-.Ltmp2, $3  }
0x41: {  	[sflag:s20] =	ssyncset.done $0x0  }
0x42: {  	[sflag:s20] =	ssyncadd.s32 $0xFFFFD800  }
0x43: {  	[bflag:$0x0] =	sbarrier.arrive $0xFFFF;
	_ =	sdelay $0x1  }
0x44: {  	s0 =	simm.s32 $0x0;
	s3 =	rddreg [dreg:$0x4]  }
0x45: {  	[tilespmem:s0], [sflag:$0x3] =	stream.linear.gather [hbm4b:s3+s0], $0x1000, $0x38;
	[tilespmem:$0x1E000] =	vst v63  }
0x46: {  	_ =	swait.ge [sflag:s20], $0x1000  }
0x47: {  	[sflag:s20] =	ssyncset.done $0x0  }
0x48: {  	s10 =	rddreg [dreg:$0x5];
	[sflag:s20] =	ssyncadd.s32 $0xFFFFF000  }
0x49: {  	[tilespmem:s21], [sflag:$0x3] =	stream.linear.gather [hbm4b:s10+s0], $0x1000, $0x38;
	[tilespmem:$0x1E000] =	vst v63  }
0x4a: {  	_ =	swait.ge [sflag:s20], $0x1000  }
0x4b: {  	[sflag:s20] =	ssyncset.done $0x0  }
0x4c: {  	[sflag:s20] =	ssyncadd.s32 $0xFFFFF000  }
0x4d: {  	[tilespmem:s23], [sflag:$0x1] =	stream.indirect.gather [hbm4b:s1+s22], $0x80, s0, s22, $0xb8;
	[tilespmem:$0x1E000] =	vst v63  }
0x4e: {  	s3 =	simm.s32 $0x80  }
0x4f: {  	[tilespmem:s24], [sflag:$0x2] =	stream.indirect.gather [hbm4b:s1+s22], $0x80, s3, s22, $0xb8;
	[tilespmem:$0x1E000] =	vst v63  }
0x50: {  	_ =	swait.ge [sflag:s25], $0x4000  }
0x51: {  	[sflag:s25] =	ssyncset.done $0x0  }
0x52: {  	s8 =	simm.s32 $0x1000;
	[sflag:s25] =	ssyncadd.s32 $0xFFFFC000  }
0x53: {  	[spmem:s2] =	stream.indirect.scatter.add.f32 [tilespmem:s23], [sflag:$0x3], $0x80, s8, s22, $0xb8;
	[tilespmem:$0x1E000] =	vst v63  }
0x54: {  	_ =	swait.ge [sflag:s20], $0x4000  }
0x55: {  	[sflag:s20] =	ssyncset.done $0x0  }
0x56: {  	s9 =	simm.s32 $0x100;
	[sflag:s20] =	ssyncadd.s32 $0xFFFFC000  }
0x57: {  	[tilespmem:s23], [sflag:$0x1] =	stream.indirect.gather [hbm4b:s1+s22], $0x80, s9, s22, $0xb8;
	[tilespmem:$0x1E000] =	vst v63  }
0x58: {  	_ =	swait.ge [sflag:s26], $0x4000  }
0x59: {  	[sflag:s26] =	ssyncset.done $0x0  }
0x5a: {  	s10 =	simm.s32 $0x1080;
	[sflag:s26] =	ssyncadd.s32 $0xFFFFC000  }
0x5b: {  	[spmem:s2] =	stream.indirect.scatter.add.f32 [tilespmem:s24], [sflag:$0x3], $0x80, s10, s22, $0xb8;
	[tilespmem:$0x1E000] =	vst v63  }
0x5c: {  	_ =	swait.ge [sflag:s20], $0x4000  }
0x5d: {  	s0 =	simm.s32 $0x100;
	s3 =	simm.s32 $0x800;
	[sflag:s20] =	ssyncset.done $0x0  }
.LBB2_3:
0x5e: {  	s8 =	sadd.s32 $0x80, s0  }
0x5f: {  	[sflag:s20] =	ssyncadd.s32 $0xFFFFC000;
	s9 =	smov.u32 s3;
	s10 =	sadd.s32 $0x400, s3  }
0x60: {  	[tilespmem:s24], [sflag:$0x2] =	stream.indirect.gather [hbm4b:s1+s22], $0x80, s8, s22, $0xb8;
	[tilespmem:$0x1E000] =	vst v63  }
0x61: {  	p1 =	sne.s32 s3, $0x3800;
	_ =	swait.ge [sflag:s25], $0x4000  }
0x62: {  	[sflag:s25] =	ssyncset.done $0x0  }
0x63: {  	s3 =	sadd.s32 $0x1000, s0;
	[sflag:s25] =	ssyncadd.s32 $0xFFFFC000  }
0x64: {  	[spmem:s2] =	stream.indirect.scatter.add.f32 [tilespmem:s23], [sflag:$0x3], $0x80, s3, s22, $0xb8;
	[tilespmem:$0x1E000] =	vst v63  }
0x65: {  	_ =	swait.ge [sflag:s20], $0x4000  }
0x66: {  	[sflag:s20] =	ssyncset.done $0x0  }
0x67: {  	s3 =	sadd.s32 $0x100, s0;
	[sflag:s20] =	ssyncadd.s32 $0xFFFFC000  }
0x68: {  	[tilespmem:s23], [sflag:$0x1] =	stream.indirect.gather [hbm4b:s1+s22], $0x80, s3, s22, $0xb8;
	[tilespmem:$0x1E000] =	vst v63  }
0x69: {  	_ =	swait.ge [sflag:s26], $0x4000  }
.Ltmp3:
0x6a: {  	[sflag:s26] =	ssyncset.done $0x0;
	(pc) =	sbr.rel @p1 .LBB2_3-.Ltmp3, $4  }
0x6b: {  	s0 =	sadd.s32 $0x1080, s0;
	[sflag:s26] =	ssyncadd.s32 $0xFFFFC000  }
0x6c: {  	[spmem:s2] =	stream.indirect.scatter.add.f32 [tilespmem:s24], [sflag:$0x3], $0x80, s0, s22, $0xb8;
	[tilespmem:$0x1E000] =	vst v63  }
0x6d: {  	_ =	swait.ge [sflag:s20], $0x4000  }
0x6e: {  	s3 =	smov.u32 s10;
	s0 =	sshra.s32 s9, $0x2;
	[sflag:s20] =	ssyncset.done $0x0  }
0x6f: {  	s3 =	sadd.s32 $0x80, s0;
	[sflag:s20] =	ssyncadd.s32 $0xFFFFC000  }
0x70: {  	[tilespmem:s24], [sflag:$0x2] =	stream.indirect.gather [hbm4b:s1+s22], $0x80, s3, s22, $0xb8;
	[tilespmem:$0x1E000] =	vst v63  }
0x71: {  	_ =	swait.ge [sflag:s25], $0x4000  }
0x72: {  	[sflag:s25] =	ssyncset.done $0x0  }
0x73: {  	s9 =	sadd.s32 $0x1000, s0;
	[sflag:s25] =	ssyncadd.s32 $0xFFFFC000  }
0x74: {  	[spmem:s2] =	stream.indirect.scatter.add.f32 [tilespmem:s23], [sflag:$0x3], $0x80, s9, s22, $0xb8;
	[tilespmem:$0x1E000] =	vst v63  }
0x75: {  	_ =	swait.ge [sflag:s20], $0x4000  }
0x76: {  	[sflag:s20] =	ssyncset.done $0x0  }
0x77: {  	s10 =	sadd.s32 $0x100, s0;
	[sflag:s20] =	ssyncadd.s32 $0xFFFFC000  }
0x78: {  	[tilespmem:s23], [sflag:$0x1] =	stream.indirect.gather [hbm4b:s1+s22], $0x80, s10, s22, $0xb8;
	[tilespmem:$0x1E000] =	vst v63  }
0x79: {  	_ =	swait.ge [sflag:s26], $0x4000  }
0x7a: {  	[sflag:s26] =	ssyncset.done $0x0  }
0x7b: {  	s8 =	sadd.s32 $0x1080, s0;
	[sflag:s26] =	ssyncadd.s32 $0xFFFFC000  }
0x7c: {  	[spmem:s2] =	stream.indirect.scatter.add.f32 [tilespmem:s24], [sflag:$0x3], $0x80, s8, s22, $0xb8;
	[tilespmem:$0x1E000] =	vst v63  }
0x7d: {  	_ =	swait.ge [sflag:s20], $0x4000  }
0x7e: {  	[sflag:s20] =	ssyncset.done $0x0  }
0x7f: {  	[sflag:s20] =	ssyncadd.s32 $0xFFFFC000  }
0x80: {  	[tilespmem:s24], [sflag:$0x2] =	stream.indirect.gather [hbm4b:s1+s22], $0x80, s28, s22, $0xb8;
	[tilespmem:$0x1E000] =	vst v63  }
0x81: {  	_ =	swait.ge [sflag:s25], $0x4000  }
0x82: {  	[sflag:s25] =	ssyncset.done $0x0  }
0x83: {  	[sflag:s25] =	ssyncadd.s32 $0xFFFFC000  }
0x84: {  	[spmem:s2] =	stream.indirect.scatter.add.f32 [tilespmem:s23], [sflag:$0x3], $0x80, s29, s22, $0xb8;
	[tilespmem:$0x1E000] =	vst v63  }
0x85: {  	_ =	swait.ge [sflag:s20], $0x4000  }
0x86: {  	[sflag:s20] =	ssyncset.done $0x0  }
0x87: {  	[sflag:s20] =	ssyncadd.s32 $0xFFFFC000  }
0x88: {  	_ =	swait.ge [sflag:s26], $0x4000  }
0x89: {  	[sflag:s26] =	ssyncset.done $0x0  }
0x8a: {  	[sflag:s26] =	ssyncadd.s32 $0xFFFFC000  }
0x8b: {  	[spmem:s2] =	stream.indirect.scatter.add.f32 [tilespmem:s24], [sflag:$0x3], $0x80, s30, s22, $0xb8;
	[tilespmem:$0x1E000] =	vst v63  }
0x8c: {  	_ =	swait.ge [sflag:s20], $0x4000  }
0x8d: {  	[sflag:s20] =	ssyncset.done $0x0  }
0x8e: {  	s9 =	simm.s32 $0x0;
	s10 =	rddreg [dreg:$0x6];
	[sflag:s20] =	ssyncadd.s32 $0xFFFFC000  }
0x8f: {  	[tilespmem:s9], [sflag:$0x3] =	stream.linear.gather [hbm4b:s10+s9], $0x1000, $0x38;
	[tilespmem:$0x1E000] =	vst v63  }
0x90: {  	_ =	swait.ge [sflag:s20], $0x1000  }
0x91: {  	[sflag:s20] =	ssyncset.done $0x0  }
0x92: {  	[sflag:s20] =	ssyncadd.s32 $0xFFFFF000  }
0x93: {  	[tilespmem:s21], [sflag:$0x3] =	stream.linear.gather [hbm4b:s11+s9], $0x1000, $0x38;
	[tilespmem:$0x1E000] =	vst v63  }
0x94: {  	_ =	swait.ge [sflag:s20], $0x1000  }
0x95: {  	[sflag:s20] =	ssyncset.done $0x0  }
0x96: {  	[sflag:s20] =	ssyncadd.s32 $0xFFFFF000  }
0x97: {  	[tilespmem:s23], [sflag:$0x1] =	stream.indirect.gather [hbm4b:s1+s22], $0x80, s9, s22, $0xb8;
	[tilespmem:$0x1E000] =	vst v63  }
0x98: {  	s3 =	simm.s32 $0x80  }
0x99: {  	[tilespmem:s24], [sflag:$0x2] =	stream.indirect.gather [hbm4b:s1+s22], $0x80, s3, s22, $0xb8;
	[tilespmem:$0x1E000] =	vst v63  }
0x9a: {  	_ =	swait.ge [sflag:s25], $0x4000  }
0x9b: {  	[sflag:s25] =	ssyncset.done $0x0  }
0x9c: {  	s8 =	simm.s32 $0x1000;
	[sflag:s25] =	ssyncadd.s32 $0xFFFFC000  }
0x9d: {  	[spmem:s2] =	stream.indirect.scatter.add.f32 [tilespmem:s23], [sflag:$0x3], $0x80, s8, s22, $0xb8;
	[tilespmem:$0x1E000] =	vst v63  }
0x9e: {  	_ =	swait.ge [sflag:s20], $0x4000  }
0x9f: {  	[sflag:s20] =	ssyncset.done $0x0  }
0xa0: {  	s9 =	simm.s32 $0x100;
	[sflag:s20] =	ssyncadd.s32 $0xFFFFC000  }
0xa1: {  	[tilespmem:s23], [sflag:$0x1] =	stream.indirect.gather [hbm4b:s1+s22], $0x80, s9, s22, $0xb8;
	[tilespmem:$0x1E000] =	vst v63  }
0xa2: {  	_ =	swait.ge [sflag:s26], $0x4000  }
0xa3: {  	[sflag:s26] =	ssyncset.done $0x0  }
0xa4: {  	s10 =	simm.s32 $0x1080;
	[sflag:s26] =	ssyncadd.s32 $0xFFFFC000  }
0xa5: {  	[spmem:s2] =	stream.indirect.scatter.add.f32 [tilespmem:s24], [sflag:$0x3], $0x80, s10, s22, $0xb8;
	[tilespmem:$0x1E000] =	vst v63  }
0xa6: {  	_ =	swait.ge [sflag:s20], $0x4000  }
0xa7: {  	s0 =	simm.s32 $0x100;
	s3 =	simm.s32 $0x800;
	[sflag:s20] =	ssyncset.done $0x0  }
.LBB2_5:
0xa8: {  	s8 =	sadd.s32 $0x80, s0  }
0xa9: {  	[sflag:s20] =	ssyncadd.s32 $0xFFFFC000;
	s9 =	smov.u32 s3;
	s10 =	sadd.s32 $0x400, s3  }
0xaa: {  	[tilespmem:s24], [sflag:$0x2] =	stream.indirect.gather [hbm4b:s1+s22], $0x80, s8, s22, $0xb8;
	[tilespmem:$0x1E000] =	vst v63  }
0xab: {  	p1 =	sne.s32 s3, $0x3800;
	_ =	swait.ge [sflag:s25], $0x4000  }
0xac: {  	[sflag:s25] =	ssyncset.done $0x0  }
0xad: {  	s3 =	sadd.s32 $0x1000, s0;
	[sflag:s25] =	ssyncadd.s32 $0xFFFFC000  }
0xae: {  	[spmem:s2] =	stream.indirect.scatter.add.f32 [tilespmem:s23], [sflag:$0x3], $0x80, s3, s22, $0xb8;
	[tilespmem:$0x1E000] =	vst v63  }
0xaf: {  	_ =	swait.ge [sflag:s20], $0x4000  }
0xb0: {  	[sflag:s20] =	ssyncset.done $0x0  }
0xb1: {  	s3 =	sadd.s32 $0x100, s0;
	[sflag:s20] =	ssyncadd.s32 $0xFFFFC000  }
0xb2: {  	[tilespmem:s23], [sflag:$0x1] =	stream.indirect.gather [hbm4b:s1+s22], $0x80, s3, s22, $0xb8;
	[tilespmem:$0x1E000] =	vst v63  }
0xb3: {  	_ =	swait.ge [sflag:s26], $0x4000  }
.Ltmp4:
0xb4: {  	[sflag:s26] =	ssyncset.done $0x0;
	(pc) =	sbr.rel @p1 .LBB2_5-.Ltmp4, $4  }
0xb5: {  	s0 =	sadd.s32 $0x1080, s0;
	[sflag:s26] =	ssyncadd.s32 $0xFFFFC000  }
0xb6: {  	[spmem:s2] =	stream.indirect.scatter.add.f32 [tilespmem:s24], [sflag:$0x3], $0x80, s0, s22, $0xb8;
	[tilespmem:$0x1E000] =	vst v63  }
0xb7: {  	_ =	swait.ge [sflag:s20], $0x4000  }
0xb8: {  	s3 =	smov.u32 s10;
	s0 =	sshra.s32 s9, $0x2;
	[sflag:s20] =	ssyncset.done $0x0  }
0xb9: {  	s3 =	sadd.s32 $0x80, s0;
	[sflag:s20] =	ssyncadd.s32 $0xFFFFC000  }
0xba: {  	[tilespmem:s24], [sflag:$0x2] =	stream.indirect.gather [hbm4b:s1+s22], $0x80, s3, s22, $0xb8;
	[tilespmem:$0x1E000] =	vst v63  }
0xbb: {  	_ =	swait.ge [sflag:s25], $0x4000  }
0xbc: {  	[sflag:s25] =	ssyncset.done $0x0  }
0xbd: {  	s10 =	sadd.s32 $0x1000, s0;
	[sflag:s25] =	ssyncadd.s32 $0xFFFFC000  }
0xbe: {  	[spmem:s2] =	stream.indirect.scatter.add.f32 [tilespmem:s23], [sflag:$0x3], $0x80, s10, s22, $0xb8;
	[tilespmem:$0x1E000] =	vst v63  }
0xbf: {  	_ =	swait.ge [sflag:s20], $0x4000  }
0xc0: {  	[sflag:s20] =	ssyncset.done $0x0  }
0xc1: {  	s8 =	sadd.s32 $0x100, s0;
	[sflag:s20] =	ssyncadd.s32 $0xFFFFC000  }
0xc2: {  	[tilespmem:s23], [sflag:$0x1] =	stream.indirect.gather [hbm4b:s1+s22], $0x80, s8, s22, $0xb8;
	[tilespmem:$0x1E000] =	vst v63  }
0xc3: {  	_ =	swait.ge [sflag:s26], $0x4000  }
0xc4: {  	[sflag:s26] =	ssyncset.done $0x0  }
0xc5: {  	s9 =	sadd.s32 $0x1080, s0;
	[sflag:s26] =	ssyncadd.s32 $0xFFFFC000  }
0xc6: {  	[spmem:s2] =	stream.indirect.scatter.add.f32 [tilespmem:s24], [sflag:$0x3], $0x80, s9, s22, $0xb8;
	[tilespmem:$0x1E000] =	vst v63  }
0xc7: {  	_ =	swait.ge [sflag:s20], $0x4000  }
0xc8: {  	[sflag:s20] =	ssyncset.done $0x0  }
0xc9: {  	[sflag:s20] =	ssyncadd.s32 $0xFFFFC000  }
0xca: {  	[tilespmem:s24], [sflag:$0x2] =	stream.indirect.gather [hbm4b:s1+s22], $0x80, s28, s22, $0xb8;
	[tilespmem:$0x1E000] =	vst v63  }
0xcb: {  	_ =	swait.ge [sflag:s25], $0x4000  }
0xcc: {  	[sflag:s25] =	ssyncset.done $0x0  }
0xcd: {  	[sflag:s25] =	ssyncadd.s32 $0xFFFFC000  }
0xce: {  	[spmem:s2] =	stream.indirect.scatter.add.f32 [tilespmem:s23], [sflag:$0x3], $0x80, s29, s22, $0xb8;
	[tilespmem:$0x1E000] =	vst v63  }
0xcf: {  	_ =	swait.ge [sflag:s20], $0x4000  }
0xd0: {  	[sflag:s20] =	ssyncset.done $0x0  }
0xd1: {  	[sflag:s20] =	ssyncadd.s32 $0xFFFFC000  }
0xd2: {  	_ =	swait.ge [sflag:s26], $0x4000  }
0xd3: {  	[sflag:s26] =	ssyncset.done $0x0  }
0xd4: {  	[sflag:s26] =	ssyncadd.s32 $0xFFFFC000  }
0xd5: {  	[spmem:s2] =	stream.indirect.scatter.add.f32 [tilespmem:s24], [sflag:$0x3], $0x80, s30, s22, $0xb8;
	[tilespmem:$0x1E000] =	vst v63  }
0xd6: {  	_ =	swait.ge [sflag:s20], $0x4000  }
0xd7: {  	[sflag:s20] =	ssyncset.done $0x0  }
0xd8: {  	s10 =	simm.s32 $0x0;
	[sflag:s20] =	ssyncadd.s32 $0xFFFFC000  }
0xd9: {  	[tilespmem:s10], [sflag:$0x3] =	stream.linear.gather [hbm4b:s12+s10], $0x1000, $0x38;
	[tilespmem:$0x1E000] =	vst v63  }
0xda: {  	_ =	swait.ge [sflag:s20], $0x1000  }
0xdb: {  	[sflag:s20] =	ssyncset.done $0x0  }
0xdc: {  	[sflag:s20] =	ssyncadd.s32 $0xFFFFF000  }
0xdd: {  	[tilespmem:s21], [sflag:$0x3] =	stream.linear.gather [hbm4b:s13+s10], $0x1000, $0x38;
	[tilespmem:$0x1E000] =	vst v63  }
0xde: {  	_ =	swait.ge [sflag:s20], $0x1000  }
0xdf: {  	[sflag:s20] =	ssyncset.done $0x0  }
0xe0: {  	[sflag:s20] =	ssyncadd.s32 $0xFFFFF000  }
0xe1: {  	[tilespmem:s23], [sflag:$0x1] =	stream.indirect.gather [hbm4b:s1+s22], $0x80, s10, s22, $0xb8;
	[tilespmem:$0x1E000] =	vst v63  }
0xe2: {  	s3 =	simm.s32 $0x80  }
0xe3: {  	[tilespmem:s24], [sflag:$0x2] =	stream.indirect.gather [hbm4b:s1+s22], $0x80, s3, s22, $0xb8;
	[tilespmem:$0x1E000] =	vst v63  }
0xe4: {  	_ =	swait.ge [sflag:s25], $0x4000  }
0xe5: {  	[sflag:s25] =	ssyncset.done $0x0  }
0xe6: {  	s8 =	simm.s32 $0x1000;
	[sflag:s25] =	ssyncadd.s32 $0xFFFFC000  }
0xe7: {  	[spmem:s2] =	stream.indirect.scatter.add.f32 [tilespmem:s23], [sflag:$0x3], $0x80, s8, s22, $0xb8;
	[tilespmem:$0x1E000] =	vst v63  }
0xe8: {  	_ =	swait.ge [sflag:s20], $0x4000  }
0xe9: {  	[sflag:s20] =	ssyncset.done $0x0  }
0xea: {  	s9 =	simm.s32 $0x100;
	[sflag:s20] =	ssyncadd.s32 $0xFFFFC000  }
0xeb: {  	[tilespmem:s23], [sflag:$0x1] =	stream.indirect.gather [hbm4b:s1+s22], $0x80, s9, s22, $0xb8;
	[tilespmem:$0x1E000] =	vst v63  }
0xec: {  	_ =	swait.ge [sflag:s26], $0x4000  }
0xed: {  	[sflag:s26] =	ssyncset.done $0x0  }
0xee: {  	s10 =	simm.s32 $0x1080;
	[sflag:s26] =	ssyncadd.s32 $0xFFFFC000  }
0xef: {  	[spmem:s2] =	stream.indirect.scatter.add.f32 [tilespmem:s24], [sflag:$0x3], $0x80, s10, s22, $0xb8;
	[tilespmem:$0x1E000] =	vst v63  }
0xf0: {  	_ =	swait.ge [sflag:s20], $0x4000  }
0xf1: {  	s0 =	simm.s32 $0x100;
	s3 =	simm.s32 $0x800;
	[sflag:s20] =	ssyncset.done $0x0  }
.LBB2_7:
0xf2: {  	s8 =	sadd.s32 $0x80, s0  }
0xf3: {  	[sflag:s20] =	ssyncadd.s32 $0xFFFFC000;
	s9 =	smov.u32 s3;
	s10 =	sadd.s32 $0x400, s3  }
0xf4: {  	[tilespmem:s24], [sflag:$0x2] =	stream.indirect.gather [hbm4b:s1+s22], $0x80, s8, s22, $0xb8;
	[tilespmem:$0x1E000] =	vst v63  }
0xf5: {  	p1 =	sne.s32 s3, $0x3800;
	_ =	swait.ge [sflag:s25], $0x4000  }
0xf6: {  	[sflag:s25] =	ssyncset.done $0x0  }
0xf7: {  	s3 =	sadd.s32 $0x1000, s0;
	[sflag:s25] =	ssyncadd.s32 $0xFFFFC000  }
0xf8: {  	[spmem:s2] =	stream.indirect.scatter.add.f32 [tilespmem:s23], [sflag:$0x3], $0x80, s3, s22, $0xb8;
	[tilespmem:$0x1E000] =	vst v63  }
0xf9: {  	_ =	swait.ge [sflag:s20], $0x4000  }
0xfa: {  	[sflag:s20] =	ssyncset.done $0x0  }
0xfb: {  	s3 =	sadd.s32 $0x100, s0;
	[sflag:s20] =	ssyncadd.s32 $0xFFFFC000  }
0xfc: {  	[tilespmem:s23], [sflag:$0x1] =	stream.indirect.gather [hbm4b:s1+s22], $0x80, s3, s22, $0xb8;
	[tilespmem:$0x1E000] =	vst v63  }
0xfd: {  	_ =	swait.ge [sflag:s26], $0x4000  }
.Ltmp5:
0xfe: {  	[sflag:s26] =	ssyncset.done $0x0;
	(pc) =	sbr.rel @p1 .LBB2_7-.Ltmp5, $4  }
0xff: {  	s0 =	sadd.s32 $0x1080, s0;
	[sflag:s26] =	ssyncadd.s32 $0xFFFFC000  }
0x100: {  	[spmem:s2] =	stream.indirect.scatter.add.f32 [tilespmem:s24], [sflag:$0x3], $0x80, s0, s22, $0xb8;
	[tilespmem:$0x1E000] =	vst v63  }
0x101: {  	_ =	swait.ge [sflag:s20], $0x4000  }
0x102: {  	s3 =	smov.u32 s10;
	s0 =	sshra.s32 s9, $0x2;
	[sflag:s20] =	ssyncset.done $0x0  }
0x103: {  	s3 =	sadd.s32 $0x80, s0;
	[sflag:s20] =	ssyncadd.s32 $0xFFFFC000  }
0x104: {  	[tilespmem:s24], [sflag:$0x2] =	stream.indirect.gather [hbm4b:s1+s22], $0x80, s3, s22, $0xb8;
	[tilespmem:$0x1E000] =	vst v63  }
0x105: {  	_ =	swait.ge [sflag:s25], $0x4000  }
0x106: {  	[sflag:s25] =	ssyncset.done $0x0  }
0x107: {  	s10 =	sadd.s32 $0x1000, s0;
	[sflag:s25] =	ssyncadd.s32 $0xFFFFC000  }
0x108: {  	[spmem:s2] =	stream.indirect.scatter.add.f32 [tilespmem:s23], [sflag:$0x3], $0x80, s10, s22, $0xb8;
	[tilespmem:$0x1E000] =	vst v63  }
0x109: {  	_ =	swait.ge [sflag:s20], $0x4000  }
0x10a: {  	[sflag:s20] =	ssyncset.done $0x0  }
0x10b: {  	s8 =	sadd.s32 $0x100, s0;
	[sflag:s20] =	ssyncadd.s32 $0xFFFFC000  }
0x10c: {  	[tilespmem:s23], [sflag:$0x1] =	stream.indirect.gather [hbm4b:s1+s22], $0x80, s8, s22, $0xb8;
	[tilespmem:$0x1E000] =	vst v63  }
0x10d: {  	_ =	swait.ge [sflag:s26], $0x4000  }
0x10e: {  	[sflag:s26] =	ssyncset.done $0x0  }
0x10f: {  	s9 =	sadd.s32 $0x1080, s0;
	[sflag:s26] =	ssyncadd.s32 $0xFFFFC000  }
0x110: {  	[spmem:s2] =	stream.indirect.scatter.add.f32 [tilespmem:s24], [sflag:$0x3], $0x80, s9, s22, $0xb8;
	[tilespmem:$0x1E000] =	vst v63  }
0x111: {  	_ =	swait.ge [sflag:s20], $0x4000  }
0x112: {  	[sflag:s20] =	ssyncset.done $0x0  }
0x113: {  	[sflag:s20] =	ssyncadd.s32 $0xFFFFC000  }
0x114: {  	[tilespmem:s24], [sflag:$0x2] =	stream.indirect.gather [hbm4b:s1+s22], $0x80, s28, s22, $0xb8;
	[tilespmem:$0x1E000] =	vst v63  }
0x115: {  	_ =	swait.ge [sflag:s25], $0x4000  }
0x116: {  	[sflag:s25] =	ssyncset.done $0x0  }
0x117: {  	[sflag:s25] =	ssyncadd.s32 $0xFFFFC000  }
0x118: {  	[spmem:s2] =	stream.indirect.scatter.add.f32 [tilespmem:s23], [sflag:$0x3], $0x80, s29, s22, $0xb8;
	[tilespmem:$0x1E000] =	vst v63  }
0x119: {  	_ =	swait.ge [sflag:s20], $0x4000  }
0x11a: {  	[sflag:s20] =	ssyncset.done $0x0  }
0x11b: {  	[sflag:s20] =	ssyncadd.s32 $0xFFFFC000  }
0x11c: {  	_ =	swait.ge [sflag:s26], $0x4000  }
0x11d: {  	[sflag:s26] =	ssyncset.done $0x0  }
0x11e: {  	[sflag:s26] =	ssyncadd.s32 $0xFFFFC000  }
0x11f: {  	[spmem:s2] =	stream.indirect.scatter.add.f32 [tilespmem:s24], [sflag:$0x3], $0x80, s30, s22, $0xb8;
	[tilespmem:$0x1E000] =	vst v63  }
0x120: {  	_ =	swait.ge [sflag:s20], $0x4000  }
0x121: {  	[sflag:s20] =	ssyncset.done $0x0  }
0x122: {  	s10 =	simm.s32 $0x0;
	[sflag:s20] =	ssyncadd.s32 $0xFFFFC000  }
0x123: {  	[tilespmem:s10], [sflag:$0x3] =	stream.linear.gather [hbm4b:s14+s10], $0x1000, $0x38;
	[tilespmem:$0x1E000] =	vst v63  }
0x124: {  	_ =	swait.ge [sflag:s20], $0x1000  }
0x125: {  	[sflag:s20] =	ssyncset.done $0x0  }
0x126: {  	[sflag:s20] =	ssyncadd.s32 $0xFFFFF000  }
0x127: {  	[tilespmem:s21], [sflag:$0x3] =	stream.linear.gather [hbm4b:s15+s10], $0x1000, $0x38;
	[tilespmem:$0x1E000] =	vst v63  }
0x128: {  	_ =	swait.ge [sflag:s20], $0x1000  }
0x129: {  	[sflag:s20] =	ssyncset.done $0x0  }
0x12a: {  	[sflag:s20] =	ssyncadd.s32 $0xFFFFF000  }
0x12b: {  	[tilespmem:s23], [sflag:$0x1] =	stream.indirect.gather [hbm4b:s1+s22], $0x80, s10, s22, $0xb8;
	[tilespmem:$0x1E000] =	vst v63  }
0x12c: {  	s3 =	simm.s32 $0x80  }
0x12d: {  	[tilespmem:s24], [sflag:$0x2] =	stream.indirect.gather [hbm4b:s1+s22], $0x80, s3, s22, $0xb8;
	[tilespmem:$0x1E000] =	vst v63  }
0x12e: {  	_ =	swait.ge [sflag:s25], $0x4000  }
0x12f: {  	[sflag:s25] =	ssyncset.done $0x0  }
0x130: {  	s8 =	simm.s32 $0x1000;
	[sflag:s25] =	ssyncadd.s32 $0xFFFFC000  }
0x131: {  	[spmem:s2] =	stream.indirect.scatter.add.f32 [tilespmem:s23], [sflag:$0x3], $0x80, s8, s22, $0xb8;
	[tilespmem:$0x1E000] =	vst v63  }
0x132: {  	_ =	swait.ge [sflag:s20], $0x4000  }
0x133: {  	[sflag:s20] =	ssyncset.done $0x0  }
0x134: {  	s9 =	simm.s32 $0x100;
	[sflag:s20] =	ssyncadd.s32 $0xFFFFC000  }
0x135: {  	[tilespmem:s23], [sflag:$0x1] =	stream.indirect.gather [hbm4b:s1+s22], $0x80, s9, s22, $0xb8;
	[tilespmem:$0x1E000] =	vst v63  }
0x136: {  	_ =	swait.ge [sflag:s26], $0x4000  }
0x137: {  	[sflag:s26] =	ssyncset.done $0x0  }
0x138: {  	s10 =	simm.s32 $0x1080;
	[sflag:s26] =	ssyncadd.s32 $0xFFFFC000  }
0x139: {  	[spmem:s2] =	stream.indirect.scatter.add.f32 [tilespmem:s24], [sflag:$0x3], $0x80, s10, s22, $0xb8;
	[tilespmem:$0x1E000] =	vst v63  }
0x13a: {  	_ =	swait.ge [sflag:s20], $0x4000  }
0x13b: {  	s0 =	simm.s32 $0x100;
	s3 =	simm.s32 $0x800;
	[sflag:s20] =	ssyncset.done $0x0  }
.LBB2_9:
0x13c: {  	s8 =	sadd.s32 $0x80, s0  }
0x13d: {  	[sflag:s20] =	ssyncadd.s32 $0xFFFFC000;
	s9 =	smov.u32 s3;
	s10 =	sadd.s32 $0x400, s3  }
0x13e: {  	[tilespmem:s24], [sflag:$0x2] =	stream.indirect.gather [hbm4b:s1+s22], $0x80, s8, s22, $0xb8;
	[tilespmem:$0x1E000] =	vst v63  }
0x13f: {  	p1 =	sne.s32 s3, $0x3800;
	_ =	swait.ge [sflag:s25], $0x4000  }
0x140: {  	[sflag:s25] =	ssyncset.done $0x0  }
0x141: {  	s3 =	sadd.s32 $0x1000, s0;
	[sflag:s25] =	ssyncadd.s32 $0xFFFFC000  }
0x142: {  	[spmem:s2] =	stream.indirect.scatter.add.f32 [tilespmem:s23], [sflag:$0x3], $0x80, s3, s22, $0xb8;
	[tilespmem:$0x1E000] =	vst v63  }
0x143: {  	_ =	swait.ge [sflag:s20], $0x4000  }
0x144: {  	[sflag:s20] =	ssyncset.done $0x0  }
0x145: {  	s3 =	sadd.s32 $0x100, s0;
	[sflag:s20] =	ssyncadd.s32 $0xFFFFC000  }
0x146: {  	[tilespmem:s23], [sflag:$0x1] =	stream.indirect.gather [hbm4b:s1+s22], $0x80, s3, s22, $0xb8;
	[tilespmem:$0x1E000] =	vst v63  }
0x147: {  	_ =	swait.ge [sflag:s26], $0x4000  }
.Ltmp6:
0x148: {  	[sflag:s26] =	ssyncset.done $0x0;
	(pc) =	sbr.rel @p1 .LBB2_9-.Ltmp6, $4  }
0x149: {  	s0 =	sadd.s32 $0x1080, s0;
	[sflag:s26] =	ssyncadd.s32 $0xFFFFC000  }
0x14a: {  	[spmem:s2] =	stream.indirect.scatter.add.f32 [tilespmem:s24], [sflag:$0x3], $0x80, s0, s22, $0xb8;
	[tilespmem:$0x1E000] =	vst v63  }
0x14b: {  	_ =	swait.ge [sflag:s20], $0x4000  }
0x14c: {  	s3 =	smov.u32 s10;
	s0 =	sshra.s32 s9, $0x2;
	[sflag:s20] =	ssyncset.done $0x0  }
0x14d: {  	s3 =	sadd.s32 $0x80, s0;
	[sflag:s20] =	ssyncadd.s32 $0xFFFFC000  }
0x14e: {  	[tilespmem:s24], [sflag:$0x2] =	stream.indirect.gather [hbm4b:s1+s22], $0x80, s3, s22, $0xb8;
	[tilespmem:$0x1E000] =	vst v63  }
0x14f: {  	_ =	swait.ge [sflag:s25], $0x4000  }
0x150: {  	[sflag:s25] =	ssyncset.done $0x0  }
0x151: {  	s10 =	sadd.s32 $0x1000, s0;
	[sflag:s25] =	ssyncadd.s32 $0xFFFFC000  }
0x152: {  	[spmem:s2] =	stream.indirect.scatter.add.f32 [tilespmem:s23], [sflag:$0x3], $0x80, s10, s22, $0xb8;
	[tilespmem:$0x1E000] =	vst v63  }
0x153: {  	_ =	swait.ge [sflag:s20], $0x4000  }
0x154: {  	[sflag:s20] =	ssyncset.done $0x0  }
0x155: {  	s8 =	sadd.s32 $0x100, s0;
	[sflag:s20] =	ssyncadd.s32 $0xFFFFC000  }
0x156: {  	[tilespmem:s23], [sflag:$0x1] =	stream.indirect.gather [hbm4b:s1+s22], $0x80, s8, s22, $0xb8;
	[tilespmem:$0x1E000] =	vst v63  }
0x157: {  	_ =	swait.ge [sflag:s26], $0x4000  }
0x158: {  	[sflag:s26] =	ssyncset.done $0x0  }
0x159: {  	s9 =	sadd.s32 $0x1080, s0;
	[sflag:s26] =	ssyncadd.s32 $0xFFFFC000  }
0x15a: {  	[spmem:s2] =	stream.indirect.scatter.add.f32 [tilespmem:s24], [sflag:$0x3], $0x80, s9, s22, $0xb8;
	[tilespmem:$0x1E000] =	vst v63  }
0x15b: {  	_ =	swait.ge [sflag:s20], $0x4000  }
0x15c: {  	[sflag:s20] =	ssyncset.done $0x0  }
0x15d: {  	[sflag:s20] =	ssyncadd.s32 $0xFFFFC000  }
0x15e: {  	[tilespmem:s24], [sflag:$0x2] =	stream.indirect.gather [hbm4b:s1+s22], $0x80, s28, s22, $0xb8;
	[tilespmem:$0x1E000] =	vst v63  }
0x15f: {  	_ =	swait.ge [sflag:s25], $0x4000  }
0x160: {  	[sflag:s25] =	ssyncset.done $0x0  }
0x161: {  	[sflag:s25] =	ssyncadd.s32 $0xFFFFC000  }
0x162: {  	[spmem:s2] =	stream.indirect.scatter.add.f32 [tilespmem:s23], [sflag:$0x3], $0x80, s29, s22, $0xb8;
	[tilespmem:$0x1E000] =	vst v63  }
0x163: {  	_ =	swait.ge [sflag:s20], $0x4000  }
0x164: {  	[sflag:s20] =	ssyncset.done $0x0  }
0x165: {  	[sflag:s20] =	ssyncadd.s32 $0xFFFFC000  }
0x166: {  	_ =	swait.ge [sflag:s26], $0x4000  }
0x167: {  	[sflag:s26] =	ssyncset.done $0x0  }
0x168: {  	[sflag:s26] =	ssyncadd.s32 $0xFFFFC000  }
0x169: {  	[spmem:s2] =	stream.indirect.scatter.add.f32 [tilespmem:s24], [sflag:$0x3], $0x80, s30, s22, $0xb8;
	[tilespmem:$0x1E000] =	vst v63  }
0x16a: {  	_ =	swait.ge [sflag:s20], $0x4000  }
0x16b: {  	[sflag:s20] =	ssyncset.done $0x0  }
0x16c: {  	s10 =	simm.s32 $0x0;
	[sflag:s20] =	ssyncadd.s32 $0xFFFFC000  }
0x16d: {  	[tilespmem:s10], [sflag:$0x3] =	stream.linear.gather [hbm4b:s16+s10], $0x1000, $0x38;
	[tilespmem:$0x1E000] =	vst v63  }
0x16e: {  	_ =	swait.ge [sflag:s20], $0x1000  }
0x16f: {  	[sflag:s20] =	ssyncset.done $0x0  }
0x170: {  	[sflag:s20] =	ssyncadd.s32 $0xFFFFF000  }
0x171: {  	[tilespmem:s21], [sflag:$0x3] =	stream.linear.gather [hbm4b:s17+s10], $0x1000, $0x38;
	[tilespmem:$0x1E000] =	vst v63  }
0x172: {  	_ =	swait.ge [sflag:s20], $0x1000  }
0x173: {  	[sflag:s20] =	ssyncset.done $0x0  }
0x174: {  	[sflag:s20] =	ssyncadd.s32 $0xFFFFF000  }
0x175: {  	[tilespmem:s23], [sflag:$0x1] =	stream.indirect.gather [hbm4b:s1+s22], $0x80, s10, s22, $0xb8;
	[tilespmem:$0x1E000] =	vst v63  }
0x176: {  	s3 =	simm.s32 $0x80  }
0x177: {  	[tilespmem:s24], [sflag:$0x2] =	stream.indirect.gather [hbm4b:s1+s22], $0x80, s3, s22, $0xb8;
	[tilespmem:$0x1E000] =	vst v63  }
0x178: {  	_ =	swait.ge [sflag:s25], $0x4000  }
0x179: {  	[sflag:s25] =	ssyncset.done $0x0  }
0x17a: {  	s8 =	simm.s32 $0x1000;
	[sflag:s25] =	ssyncadd.s32 $0xFFFFC000  }
0x17b: {  	[spmem:s2] =	stream.indirect.scatter.add.f32 [tilespmem:s23], [sflag:$0x3], $0x80, s8, s22, $0xb8;
	[tilespmem:$0x1E000] =	vst v63  }
0x17c: {  	_ =	swait.ge [sflag:s20], $0x4000  }
0x17d: {  	[sflag:s20] =	ssyncset.done $0x0  }
0x17e: {  	s9 =	simm.s32 $0x100;
	[sflag:s20] =	ssyncadd.s32 $0xFFFFC000  }
0x17f: {  	[tilespmem:s23], [sflag:$0x1] =	stream.indirect.gather [hbm4b:s1+s22], $0x80, s9, s22, $0xb8;
	[tilespmem:$0x1E000] =	vst v63  }
0x180: {  	_ =	swait.ge [sflag:s26], $0x4000  }
0x181: {  	[sflag:s26] =	ssyncset.done $0x0  }
0x182: {  	s10 =	simm.s32 $0x1080;
	[sflag:s26] =	ssyncadd.s32 $0xFFFFC000  }
0x183: {  	[spmem:s2] =	stream.indirect.scatter.add.f32 [tilespmem:s24], [sflag:$0x3], $0x80, s10, s22, $0xb8;
	[tilespmem:$0x1E000] =	vst v63  }
0x184: {  	_ =	swait.ge [sflag:s20], $0x4000  }
0x185: {  	s0 =	simm.s32 $0x100;
	s3 =	simm.s32 $0x800;
	[sflag:s20] =	ssyncset.done $0x0  }
.LBB2_11:
0x186: {  	s8 =	sadd.s32 $0x80, s0  }
0x187: {  	[sflag:s20] =	ssyncadd.s32 $0xFFFFC000;
	s9 =	smov.u32 s3;
	s10 =	sadd.s32 $0x400, s3  }
0x188: {  	[tilespmem:s24], [sflag:$0x2] =	stream.indirect.gather [hbm4b:s1+s22], $0x80, s8, s22, $0xb8;
	[tilespmem:$0x1E000] =	vst v63  }
0x189: {  	p1 =	sne.s32 s3, $0x3800;
	_ =	swait.ge [sflag:s25], $0x4000  }
0x18a: {  	[sflag:s25] =	ssyncset.done $0x0  }
0x18b: {  	s3 =	sadd.s32 $0x1000, s0;
	[sflag:s25] =	ssyncadd.s32 $0xFFFFC000  }
0x18c: {  	[spmem:s2] =	stream.indirect.scatter.add.f32 [tilespmem:s23], [sflag:$0x3], $0x80, s3, s22, $0xb8;
	[tilespmem:$0x1E000] =	vst v63  }
0x18d: {  	_ =	swait.ge [sflag:s20], $0x4000  }
0x18e: {  	[sflag:s20] =	ssyncset.done $0x0  }
0x18f: {  	s3 =	sadd.s32 $0x100, s0;
	[sflag:s20] =	ssyncadd.s32 $0xFFFFC000  }
0x190: {  	[tilespmem:s23], [sflag:$0x1] =	stream.indirect.gather [hbm4b:s1+s22], $0x80, s3, s22, $0xb8;
	[tilespmem:$0x1E000] =	vst v63  }
0x191: {  	_ =	swait.ge [sflag:s26], $0x4000  }
.Ltmp7:
0x192: {  	[sflag:s26] =	ssyncset.done $0x0;
	(pc) =	sbr.rel @p1 .LBB2_11-.Ltmp7, $4  }
0x193: {  	s0 =	sadd.s32 $0x1080, s0;
	[sflag:s26] =	ssyncadd.s32 $0xFFFFC000  }
0x194: {  	[spmem:s2] =	stream.indirect.scatter.add.f32 [tilespmem:s24], [sflag:$0x3], $0x80, s0, s22, $0xb8;
	[tilespmem:$0x1E000] =	vst v63  }
0x195: {  	_ =	swait.ge [sflag:s20], $0x4000  }
0x196: {  	s3 =	smov.u32 s10;
	s0 =	sshra.s32 s9, $0x2;
	[sflag:s20] =	ssyncset.done $0x0  }
.Ltmp8:
0x197: {  	_ = 	snop;
	(pc) =	sbr.rel .LBB2_12-.Ltmp8, $1  }
0x198: {  	_ =	sdelay $0x3  }
.LBB2_14:
0x199: {  	_ =	sfence.sel $0x180000  }
0x19a: {  	[bflag:$0x0] =	sbarrier.arrive $0xFFFF  }
0x19b: {  	_ =	strace $0x9000004D  }
0x19c: {  	s0 =	stileid.u32;
	[bflag:$0x2] =	sbarrier.arrive $0xFFFF  }
0x19d: {  	p0 =	sne.s32 s0, $0x0;
	s0 =	rddreg [dreg:$0x3]  }
0x19e: {  	s0 =	sadd.s32 @!p0 $0x100000, s0  }
0x19f: {  	[sflag:s0] =	ssyncadd.tile.s32 @!p0 $0x1;
	_ =	shalt  }
.Lfunc_end2:
_tile_overlayer_lowered:
.L_overlay_start_2:
0x1a0: {  	(tag) =	ssettag $0x2  }
0x1a1: {  	s0 =	rddreg [dreg:$0x0];
	s2 =	stileid.u32  }
0x1a2: {  	s1 =	rddreg [dreg:$0x1];
	p0 =	sne.s32 s2, $0x0  }
0x1a3: {  	s3 =	rddreg [dreg:$0x2];
	[bflag:$0x3] =	sbarrier.arrive $0xFFFF;
	s2 =	simm.s32 @!p0 $0x1C03  }
0x1a4: {  	[timem:s3], [sflag:s2] =	dma.local @!p0 [hbm:s0], s1  }
0x1a5: {  	s0 =	simm.s32 @!p0 $0x3  }
0x1a6: {  	_ =	swait.ge @!p0 [sflag:s0], s1  }
0x1a7: {  	s1 =	ssub.s32 @!p0 $0x0, s1;
	[sflag:s0] =	ssyncset.done @!p0 $0x0  }
0x1a8: {  	[sflag:s0] =	ssyncadd.s32 @!p0 s1  }
0x1a9: {  	[bflag:$0x3] =	sbarrier.arrive $0xFFFF  }
0x1aa: {  	_ =	shalt  }

// kernel: kernel.7.cloned.1.call-start
scs
__scs_entry_jumppad:
0x0: {  	(pc) =	sbr.rel $0x88, $3  }
0x1: {  	(tag) =	ssettag $0x0;
	lr =	simm.s32 $0x1  }
0x2: {  	[smem:$0x3F99] =	sst lr;
	_ =	strace $0xD0000000  }
0x3: {  	_ = 	snop  }
0x4: {  	_ = 	snop  }
0x5: {  	_ = 	snop  }
0x6: {  	_ = 	snop  }
0x7: {  	_ = 	snop  }
__scs_overlays_trampoline_lowered:
0x8: {  	[smem:$0x3FA8] =	sst s0  }
0x9: {  	[smem:$0x3FA9] =	sst s1  }
0xa: {  	[smem:$0x3FAA] =	sst s2  }
0xb: {  	[smem:$0x3FAB] =	sst s3  }
0xc: {  	[smem:$0x3FAC] =	sst s4  }
0xd: {  	[smem:$0x3FAD] =	sst s5  }
0xe: {  	[smem:$0x3FAE] =	sst s6  }
0xf: {  	[smem:$0x3FAF] =	sst s7  }
0x10: {  	[smem:$0x3FB0] =	sst s8  }
0x11: {  	[smem:$0x3FB1] =	sst s9;
	s0 =	simm.s32 @!p0 $0x0  }
0x12: {  	s1 =	sld [smem:$0x3F97];
	s0 =	simm.s32 @p0 $0x1  }
0x13: {  	[smem:$0x3FB2] =	sst s0;
	s0 =	simm.s32 @!p1 $0x0  }
0x14: {  	s2 =	sld [smem:$0x3F96];
	s0 =	simm.s32 @p1 $0x1  }
0x15: {  	[smem:$0x3FB3] =	sst s0;
	s0 =	simm.s32 @!p2 $0x0  }
0x16: {  	s3 =	sld [smem:$0x3FDB];
	s0 =	simm.s32 @p2 $0x1  }
0x17: {  	s4 =	simm.s32 $0x1BF5;
	[smem:$0x3FB5] =	sst s0  }
0x18: {  	s0 =	sld [smem:$0x3F98];
	_ =	swait.ge [sflag:s4], $0x0  }
0x19: {  	s7 =	sld [smem:$0x3F99]  }
0x1a: {  	s8 =	sadd.s32 $0xFFFFE003, lr  }
0x1b: {  	s9 =	sadd.s32 $0xFFFFFEF7, lr;
	s5 =	simm.s32 $0xFFFFFFFF;
	p2 =	slt.u32 s8, $0xFFFFF086  }
0x1c: {  	p1 =	slt.u32 s9, $0xF7A;
	s5 =	simm.s32 @!p2 $0x0  }
0x1d: {  	s5 =	simm.s32 @p1 $0x1;
	p0 =	seq.s32 s7, s2  }
0x1e: {  	s7 =	smul.u32 @!p0 $0xF7A, s2;
	p2 =	seq.s32 @!p0 s5, $0x0  }
0x1f: {  	s9 =	smul.u32 $0xF7A, s1;
	s8 =	simm.s32 @!p0 $0x1BF5;
	p2 =	por !p2, p0  }
0x20: {  	[sflag:s8] =	ssyncset.s32 @!p0 $0xFFFFF086;
	s6 =	sadd.s32 @!p0 s3, s7;
	s7 =	simm.s32 @!p0 $0x108  }
0x21: {  	s3 =	sadd.s32 s3, s9;
	s6 =	sadd.s32 @!p0 $0x88, s6;
	s7 =	simm.s32 @p2 $0x1082  }
0x22: {  	[simem:s7], [sflag:s8] =	dma.local @!p0 [hbm:s6], $0xF7A  }
0x23: {  	s9 =	sor.u32 $0xD0000000, s2;
	s6 =	simm.s32 $0x108;
	_ =	swait.ge @!p0 [sflag:s8], $0x0  }
0x24: {  	s3 =	sadd.s32 $0x88, s3;
	s6 =	simm.s32 @!p1 $0x1082;
	[sflag:s4] =	ssyncset.s32 $0xFFFFF086  }
0x25: {  	[simem:s6], [sflag:s4] =	dma.local [hbm:s3], $0xF7A  }
0x26: {  	[smem:$0x3F99] =	sst s1;
	(tag) =	ssettag s2;
	_ =	strace s9  }
0x27: {  	s1 =	sld [smem:$0x3FA9]  }
0x28: {  	s2 =	sld [smem:$0x3FAA]  }
0x29: {  	s4 =	sld [smem:$0x3FAC]  }
0x2a: {  	p0 =	seq.s32 s5, $0x0;
	s5 =	sld [smem:$0x3FAD]  }
0x2b: {  	s6 =	sld [smem:$0x3FAE]  }
0x2c: {  	s7 =	sld [smem:$0x3FAF]  }
0x2d: {  	s3 =	simm.s32 $0x108;
	s8 =	sld [smem:$0x3FB0]  }
0x2e: {  	s3 =	simm.s32 @!p0 $0x1082;
	s9 =	sld [smem:$0x3FB1]  }
0x2f: {  	lr =	sadd.s32 s0, s3;
	s0 =	sld [smem:$0x3FA8]  }
0x30: {  	s3 =	sld [smem:$0x3FAB]  }
0x31: {  	[smem:$0x3FB4] =	sst s10  }
0x32: {  	s10 =	sld [smem:$0x3FB2];
	_ =	sdelay $0x3  }
0x33: {  	p0 =	seq.s32 s10, $0x1;
	s10 =	sld [smem:$0x3FB4];
	_ =	sdelay $0x3  }
0x34: {  	[smem:$0x3FB4] =	sst s10  }
0x35: {  	s10 =	sld [smem:$0x3FB3];
	_ =	sdelay $0x3  }
0x36: {  	p1 =	seq.s32 s10, $0x1;
	s10 =	sld [smem:$0x3FB4];
	_ =	sdelay $0x3  }
0x37: {  	[smem:$0x3FB4] =	sst s10  }
0x38: {  	s10 =	sld [smem:$0x3FB5]  }
0x39: {  	_ = 	snop;
	(pc) =	sbr.ind lr, $3  }
0x3a: {  	_ = 	snop  }
0x3b: {  	_ = 	snop  }
0x3c: {  	p2 =	seq.s32 s10, $0x1;
	s10 =	sld [smem:$0x3FB4]  }
0x3d: {  	_ =	shalt  }
0x3e: {  	_ =	shalt  }
0x3f: {  	_ =	shalt  }
0x40: {  	_ =	shalt  }
0x41: {  	_ =	shalt  }
0x42: {  	_ =	shalt  }
0x43: {  	_ =	shalt  }
0x44: {  	_ =	shalt  }
0x45: {  	_ =	shalt  }
0x46: {  	_ =	shalt  }
0x47: {  	_ =	shalt  }
0x48: {  	_ =	shalt  }
0x49: {  	_ =	shalt  }
0x4a: {  	_ =	shalt  }
0x4b: {  	_ =	shalt  }
0x4c: {  	_ =	shalt  }
0x4d: {  	_ =	shalt  }
0x4e: {  	_ =	shalt  }
0x4f: {  	_ =	shalt  }
0x50: {  	_ =	shalt  }
0x51: {  	_ =	shalt  }
0x52: {  	_ =	shalt  }
0x53: {  	_ =	shalt  }
0x54: {  	_ =	shalt  }
0x55: {  	_ =	shalt  }
0x56: {  	_ =	shalt  }
0x57: {  	_ =	shalt  }
0x58: {  	_ =	shalt  }
0x59: {  	_ =	shalt  }
0x5a: {  	_ =	shalt  }
0x5b: {  	_ =	shalt  }
0x5c: {  	_ =	shalt  }
0x5d: {  	_ =	shalt  }
0x5e: {  	_ =	shalt  }
0x5f: {  	_ =	shalt  }
0x60: {  	_ =	shalt  }
0x61: {  	_ =	shalt  }
0x62: {  	_ =	shalt  }
0x63: {  	_ =	shalt  }
0x64: {  	_ =	shalt  }
0x65: {  	_ =	shalt  }
0x66: {  	_ =	shalt  }
0x67: {  	_ =	shalt  }
0x68: {  	_ =	shalt  }
0x69: {  	_ =	shalt  }
0x6a: {  	_ =	shalt  }
0x6b: {  	_ =	shalt  }
0x6c: {  	_ =	shalt  }
0x6d: {  	_ =	shalt  }
0x6e: {  	_ =	shalt  }
0x6f: {  	_ =	shalt  }
0x70: {  	_ =	shalt  }
0x71: {  	_ =	shalt  }
0x72: {  	_ =	shalt  }
0x73: {  	_ =	shalt  }
0x74: {  	_ =	shalt  }
0x75: {  	_ =	shalt  }
0x76: {  	_ =	shalt  }
0x77: {  	_ =	shalt  }
0x78: {  	_ =	shalt  }
0x79: {  	_ =	shalt  }
0x7a: {  	_ =	shalt  }
0x7b: {  	_ =	shalt  }
0x7c: {  	_ =	shalt  }
0x7d: {  	_ =	shalt  }
0x7e: {  	_ =	shalt  }
0x7f: {  	_ =	shalt  }
0x80: {  	_ =	shalt  }
0x81: {  	_ =	shalt  }
0x82: {  	_ =	shalt  }
0x83: {  	_ =	shalt  }
0x84: {  	_ =	shalt  }
0x85: {  	_ =	shalt  }
0x86: {  	_ =	shalt  }
0x87: {  	_ =	shalt  }
.Lfunc_end0:
.L_simem_size_0:
called_computation_lowered:
.L_overlay_start_0:
0x88: {  	s2 =	sld [smem:$0x3FD9]  }
0x89: {  	s3 =	sld [smem:$0x3FFE];
	_ =	sdelay $0x1  }
0x8a: {  	s1 =	srdreg.scid  }
0x8b: {  	s0 =	sand.u32 $0x1, s1  }
0x8c: {  	s17 =	sshll.u32 s0, $0xA;
	s2 =	sadd.s32 s3, s2  }
0x8d: {  	s2 =	sadd.s32 s2, s17  }
0x8e: {  	[smem:$0x3FC0] =	sst s2  }
0x8f: {  	_ = 	snop  }
0x90: {  	s2 =	sld [smem:$0x3FD0];
	(tm) =	ssettm $0x1  }
0x91: {  	s18 =	sld [smem:$0x3FFB];
	_ =	sdelay $0x3  }
0x92: {  	_ =	strace s18  }
0x93: {  	s3 =	sld [smem:$0x3FFC];
	_ =	sdelay $0x3  }
0x94: {  	_ =	strace s3  }
0x95: {  	s3 =	sld [smem:$0x3FFD];
	_ =	sdelay $0x3  }
0x96: {  	_ =	strace s3  }
0x97: {  	_ =	strace $0x8FFFFFFF  }
0x98: {  	s19 =	sld [smem:$0x3FDB];
	_ =	sdelay $0x1  }
0x99: {  	s4 =	simm.s32 $_scs_section_size  }
0x9a: {  	s5 =	simm.s32 $_size__tile_overlayer_lowered;
	s6 =	simm.s32 $_tile_overlayer_lowered  }
0x9b: {  	s22 =	simm.s32 $0x1BFF;
	s21 =	sshll.u32 s6, $0x1;
	s3 =	sadd.s32 s4, s19  }
0x9c: {  	s7 =	simm.s32 $0x0;
	s20 =	sshll.u32 s5, $0x1;
	s5 =	sadd.s32 s21, s3  }
0x9d: {  	[timem:s7], [sflag:s22] =	dma.local [hbm:s5], s20  }
0x9e: {  	_ =	swait.ge [sflag:s22], s20  }
0x9f: {  	s4 =	ssub.s32 $0x0, s20;
	[sflag:s22] =	ssyncset.done $0x0  }
0xa0: {  	[sflag:s22] =	ssyncadd.s32 s4;
	_ =	sdelay $0x1  }
0xa1: {  	s23 =	simm.s32 $0x1B8B  }
0xa2: {  	_ =	swait.ge [sflag:s23], $0x1  }
0xa3: {  	[sflag:s23] =	ssyncset.done $0x0  }
0xa4: {  	s25 =	simm.s32 $0x1B8E;
	s24 =	sld [smem:$0x3FFE];
	[sflag:s23] =	ssyncadd.s32 $0xFFFFFFFF  }
0xa5: {  	s26 =	simm.s32 $execute0_lowered;
	[smem:$0x3FD2] =	sst s25  }
0xa6: {  	s5 =	sshll.u32 s26, $0x1;
	_ =	strace $0x80000046;
	[dreg:$0x1] =	wrdreg $0xFFFFFFFF  }
0xa7: {  	s28 =	simm.s32 $_size_execute0_lowered;
	s3 =	sadd.s32 s3, s5;
	[dreg:$0x0] =	wrdreg $0x0  }
0xa8: {  	s5 =	sshll.u32 s28, $0x1;
	[dreg:$0x2] =	wrdreg s3  }
0xa9: {  	[dreg:$0x3] =	wrdreg s5  }
0xaa: {  	[dreg:$0x4] =	wrdreg $0xC0  }
0xab: {  	_ =	task [dreg:s7], $0x5FFFF  }
0xac: {  	[dreg:$0x1] =	wrdreg $0xFFFFFFFF  }
0xad: {  	[dreg:$0x0] =	wrdreg $0x60  }
0xae: {  	[dreg:$0x2] =	wrdreg s24  }
0xaf: {  	[dreg:$0x3] =	wrdreg s2  }
0xb0: {  	[dreg:$0x4] =	wrdreg $0x68000  }
0xb1: {  	[dreg:$0x5] =	wrdreg $0x9  }
0xb2: {  	_ =	task.clear_ibuf [dreg:s7], $0x6FFFF;
	_ =	strace $0x90000046  }
0xb3: {  	s29 =	simm.s32 $0x9;
	_ =	strace $0x80000048  }
0xb4: {  	_ =	swait.ge [sflag:s29], $0x1  }
0xb5: {  	[sflag:s29] =	ssyncadd.s32 $0xFFFFFFFF  }
0xb6: {  	_ =	strace $0x90000048  }
0xb7: {  	_ =	sfence  }
0xb8: {  	s30 =	sld [smem:$0x0];
	_ =	sdelay $0x2  }
0xb9: {  	s31 =	sshll.u32 s1, $0xD;
	s1 =	sshrl.u32 s1, $0x2  }
0xba: {  	s3 =	sand.u32 $0x4000, s31;
	s1 =	sadd.s32 s1, s30  }
0xbb: {  	s0 =	sor.u32 s3, s0;
	s1 =	sshll.u32 s1, $0x11  }
0xbc: {  	s0 =	sor.u32 s1, s0  }
0xbd: {  	s0 =	sadd.s32 $0x8F2B, s0  }
0xbe: {  	[sflag:s0] =	ssyncadd.remote.s32 $0x1  }
0xbf: {  	_ =	sfence.sel $0xFFFF  }
0xc0: {  	[dreg:$0x0] =	wrdreg $0xFFFFFFFF;
	(pc) =	sbr.abs _section_cstart, $3  }
0xc1: {  	[dreg:$0x1] =	wrdreg $0xFFFFFFFF  }
0xc2: {  	_ =	task.clear_ibuf [dreg:s7], $0x2FFFF;
	_ =	strace $0x9FFFFFFF  }
0xc3: {  	(tm) =	ssettm $0x7FFFFFFF  }
tec
execute0_lowered:
.L_overlay_start_1:
0x0: {  	(tag) =	ssettag $0x1  }
0x1: {  	s6 =	rddreg [dreg:$0x0]  }
0x2: {  	s1 =	srdreg.scid;
	s2 =	rddreg [dreg:$0x1]  }
0x3: {  	s0 =	stileid.u32;
	s3 =	rddreg [dreg:$0x2];
	s4 =	simm.s32 $0x0  }
0x4: {  	s13 =	simm.s32 $0x80;
	s14 =	simm.s32 $0x0;
	s9 =	smul.u32 $0x14000, s0  }
0x5: {  	s7 =	sand.u32 $0x1, s1;
	s28 =	sshll.u32 s0, $0x1;
	s29 =	smul.u32 $0x50000, s0  }
0x6: {  	[smem:$0x7FF] =	sst s4;
	s1 =	sor.u32 s7, s28;
	s8 =	smul.u32 $0x140000, s7  }
0x7: {  	s31 =	sshll.u32 s0, $0x6;
	s7 =	ssub.s32 $0x2, s7;
	s5 =	smul.u32 $0x500, s1  }
0x8: {  	s1 =	rddreg [dreg:$0x3];
	_ =	strace $0x80000047;
	s30 =	sshrl.u32 s7, $0x1  }
0x9: {  	s8 =	sadd.s32 s9, s8;
	s9 =	sshrl.u32 s29, $0x2;
	s11 =	ssub.s32 s7, s30  }
0xa: {  	s10 =	sadd.s32 s5, s6;
	s5 =	sadd.s32 $0x16000, s6;
	s8 =	sshrl.u32 s8, $0x3  }
0xb: {  	s12 =	sadd.s32 s9, s3;
	s9 =	smax.u32 s11, $0x1;
	s11 =	simm.s32 $0x1  }
0xc: {  	s8 =	sadd.s32 s8, s6;
	s6 =	sor.u32 $0x1C01, s31;
	s7 =	sadd.s32 $0x2000, s10  }
0xd: {  	s10 =	sshrl.u32 s12, $0x3;
	s12 =	simm.s32 $0x2800;
	s8 =	sadd.s32 $0x18800, s8  }
.LBB2_1:
0xe: {  	[spmem:s10], [sflag:s6] =	dma.local [hbm:s5], $0x2800  }
0xf: {  	_ =	swait.ge [sflag:s11], $0x2800  }
0x10: {  	[sflag:s11] =	ssyncset.done $0x0  }
0x11: {  	[sflag:s11] =	ssyncadd.s32 $0xFFFFD800  }
0x12: {  	[tilespmem:s12], [sflag:$0x1] =	stream.linear.gather [hbm4b:s2+s4], $0x4000, $0x38;
	[tilespmem:$0x1A800] =	vst v63  }
0x13: {  	_ =	swait.ge [sflag:s11], $0x4000  }
0x14: {  	[sflag:s11] =	ssyncset.done $0x0  }
0x15: {  	[sflag:s11] =	ssyncadd.s32 $0xFFFFC000  }
0x16: {  	[tilespmem:s4], [sflag:$0x1] =	stream.linear.gather [hbm4b:s7+s4], $0x2800, $0x38;
	[tilespmem:$0x1A800] =	vst v63  }
0x17: {  	_ =	swait.ge [sflag:s11], $0x2800  }
0x18: {  	[sflag:s11] =	ssyncset.done $0x0  }
0x19: {  	[sflag:s11] =	ssyncadd.s32 $0xFFFFD800  }
0x1a: {  	s15 =	simm.s32 $0x0;
	[bflag:$0x0] =	sbarrier.arrive $0xFFFF  }
0x1b: {  	[spmem:s3] =	stream.indirect.scatter.add.f32 [tilespmem:s12], [sflag:$0x1], $0x80, s15, s13, $0xb8;
	[tilespmem:$0x1A800] =	vst v63  }
0x1c: {  	_ =	swait.ge [sflag:s11], $0x4000  }
0x1d: {  	s15 =	simm.s32 $0x200;
	[sflag:s11] =	ssyncset.done $0x0  }
.LBB2_2:
0x1e: {  	s16 =	sshra.s32 s15, $0x2;
	[sflag:s11] =	ssyncadd.s32 $0xFFFFC000;
	p0 =	sne.s32 s15, $0x9E00  }
0x1f: {  	[spmem:s3] =	stream.indirect.scatter.add.f32 [tilespmem:s12], [sflag:$0x1], $0x80, s16, s13, $0xb8;
	[tilespmem:$0x1A800] =	vst v63  }
.Ltmp0:
0x20: {  	_ = 	snop;
	(pc) =	sbr.rel @p0 .LBB2_2-.Ltmp0, $4  }
0x21: {  	_ = 	snop  }
0x22: {  	s15 =	sadd.s32 $0x200, s15  }
0x23: {  	_ =	swait.ge [sflag:s11], $0x4000  }
0x24: {  	[sflag:s11] =	ssyncset.done $0x0  }
0x25: {  	s14 =	sadd.s32 $0x1, s14  }
0x26: {  	[sflag:s11] =	ssyncadd.s32 $0xFFFFC000;
	p0 =	sne.s32 s14, s9  }
.Ltmp1:
0x27: {  	[bflag:$0x0] =	sbarrier.arrive $0xFFFF;
	(pc) =	sbr.rel @p0 .LBB2_1-.Ltmp1, $4  }
0x28: {  	[hbm:s8], [sflag:s6] =	dma.local [spmem:s10], $0x2800  }
0x29: {  	_ =	swait.ge [sflag:s11], $0x2800  }
0x2a: {  	[sflag:s11] =	ssyncset.done $0x0  }
0x2b: {  	[sflag:s11] =	ssyncadd.s32 $0xFFFFD800  }
0x2c: {  	_ =	sfence.sel $0x180000  }
0x2d: {  	[bflag:$0x0] =	sbarrier.arrive $0xFFFF  }
0x2e: {  	p0 =	sne.s32 s0, $0x0;
	_ =	strace $0x90000047  }
0x2f: {  	s0 =	sadd.s32 @!p0 $0x100000, s1;
	[bflag:$0x2] =	sbarrier.arrive $0xFFFF  }
0x30: {  	[sflag:s0] =	ssyncadd.tile.s32 @!p0 $0x1;
	_ =	shalt  }
.Lfunc_end2:
_tile_overlayer_lowered:
.L_overlay_start_2:
0x31: {  	(tag) =	ssettag $0x2  }
0x32: {  	s0 =	rddreg [dreg:$0x0];
	s2 =	stileid.u32  }
0x33: {  	s1 =	rddreg [dreg:$0x1];
	p0 =	sne.s32 s2, $0x0  }
0x34: {  	s3 =	rddreg [dreg:$0x2];
	[bflag:$0x3] =	sbarrier.arrive $0xFFFF;
	s2 =	simm.s32 @!p0 $0x1C01  }
0x35: {  	[timem:s3], [sflag:s2] =	dma.local @!p0 [hbm:s0], s1  }
0x36: {  	s0 =	simm.s32 @!p0 $0x1  }
0x37: {  	_ =	swait.ge @!p0 [sflag:s0], s1  }
0x38: {  	s1 =	ssub.s32 @!p0 $0x0, s1;
	[sflag:s0] =	ssyncset.done @!p0 $0x0  }
0x39: {  	[sflag:s0] =	ssyncadd.s32 @!p0 s1  }
0x3a: {  	[bflag:$0x3] =	sbarrier.arrive $0xFFFF  }
0x3b: {  	_ =	shalt  }

</sc_bundles>
